<compile_context>
chip_gen: v7x
topology: tpu7x:2x2x1
jax: 0.10.2.dev20260603
libtpu: 0.0.44.dev20260713+nightly
codegen_flags: <defaults>
</compile_context>

<pallas_src>
import functools
import math

import jax
import jax.numpy as jnp
from jax import lax
from jax.experimental import pallas as pl
from jax.experimental.pallas import tpu as pltpu
from jax.experimental.pallas import tpu_sc as plsc

N = 10000
E = 160000
D = 256
NH = 2
DH = D // NH
BN_EPS = 1e-5

NSUB = 16
NCORE = 2
K = 64
EPW = 10240
NCHUNK = EPW // K
LANES = 16
DEG_PAD = 10240
NPASS = 2
RNG = 5056
ACC_ROWS = 5064
SINK = RNG
YPAD = NPASS * RNG
NBUF = 3
GA = 2
ROWB = 1000
GRID = N // ROWB

_BN_SCALE = float(1.0 / math.sqrt(1.0 + BN_EPS))


def _deg_body(dst_hbm, deg_out, idx_v, ones_v, zeros_v, deg_sh, sem):
    c = lax.axis_index("c")
    s = lax.axis_index("s")
    rows = DEG_PAD // NSUB
    for i in range(K // LANES):
        ones_v[pl.ds(LANES * i, LANES)] = jnp.ones((LANES,), jnp.float32)
    for i in range(rows // LANES):
        zeros_v[pl.ds(LANES * i, LANES)] = jnp.zeros((LANES,), jnp.float32)
    pltpu.sync_copy(zeros_v, deg_sh.at[pl.ds(s * rows, rows)])
    pltpu.sync_copy(dst_hbm.at[s], idx_v)
    plsc.subcore_barrier()
    half = NCHUNK // NCORE

    def fire(jj, carry):
        j = jj * NCORE + c
        pltpu.async_copy(ones_v, deg_sh.at[idx_v.at[j]], sem, add=True)
        return carry

    lax.fori_loop(0, half, fire, 0)

    def drain(jj, carry):
        pltpu.make_async_copy(ones_v, deg_sh.at[idx_v.at[0]], sem).wait()
        return carry

    lax.fori_loop(0, half, drain, 0)
    plsc.subcore_barrier()
    pltpu.sync_copy(
        deg_sh.at[pl.ds(s * rows, rows)], deg_out.at[c, pl.ds(s * rows, rows)]
    )


@functools.cache
def _make_deg_kernel():
    mesh = plsc.VectorSubcoreMesh(
        core_axis_name="c", subcore_axis_name="s",
        num_cores=NCORE, num_subcores=NSUB)
    return pl.kernel(
        _deg_body,
        out_type=jax.ShapeDtypeStruct((NCORE, DEG_PAD), jnp.float32),
        mesh=mesh,
        scratch_types=[
            pltpu.VMEM((NCHUNK, K), jnp.int32),
            pltpu.VMEM((K,), jnp.float32),
            pltpu.VMEM((DEG_PAD // NSUB,), jnp.float32),
            pltpu.VMEM_SHARED((DEG_PAD,), jnp.float32),
            pltpu.SemaphoreType.DMA,
        ],
    )


def _msg_body(src_hbm, dst_hbm, y_hbm, acc_out, src_v, dst_v, buf_v,
              acc_sh, gsem, ssem):
    h = lax.axis_index("c")
    s = lax.axis_index("s")
    pltpu.sync_copy(src_hbm.at[s], src_v)
    table = y_hbm.at[h]

    for p in range(NPASS):
        base = p * RNG
        pltpu.sync_copy(dst_hbm.at[s], dst_v)

        def remap(j, carry):
            for g in range(K // LANES):
                v = dst_v[j, pl.ds(LANES * g, LANES)]
                t = v - base
                ok = (t >= 0) & (t < RNG)
                dst_v[j, pl.ds(LANES * g, LANES)] = jnp.where(ok, t, SINK)
            return carry

        lax.fori_loop(0, NCHUNK, remap, 0)

        @pl.when(s < NSUB - 1)
        def _():
            pltpu.sync_copy(y_hbm.at[h, pl.ds(base + s * 320, 320)],
                            acc_sh.at[pl.ds(s * 320, 320)])

        @pl.when(s == NSUB - 1)
        def _():
            tail = RNG - 320 * (NSUB - 1)
            pltpu.sync_copy(y_hbm.at[h, pl.ds(base + (NSUB - 1) * 320, tail)],
                            acc_sh.at[pl.ds((NSUB - 1) * 320, tail)])

        plsc.subcore_barrier()

        for k in range(GA):
            pltpu.async_copy(table.at[src_v.at[k]], buf_v.at[k], gsem.at[k])

        def body(j, carry):
            slot = lax.rem(j, NBUF)
            pltpu.make_async_copy(table.at[src_v.at[0]], buf_v.at[0],
                                  gsem.at[slot]).wait()
            pltpu.async_copy(buf_v.at[slot], acc_sh.at[dst_v.at[j]],
                             ssem.at[slot], add=True)
            nj = j + GA

            @pl.when(nj < NCHUNK)
            def _():
                nslot = lax.rem(nj, NBUF)

                @pl.when(nj >= NBUF)
                def _():
                    pltpu.make_async_copy(
                        buf_v.at[0], acc_sh.at[dst_v.at[0]], ssem.at[nslot]
                    ).wait()

                pltpu.async_copy(table.at[src_v.at[nj]], buf_v.at[nslot],
                                 gsem.at[nslot])

            return carry

        lax.fori_loop(0, NCHUNK, body, 0)
        for k in range(NCHUNK - NBUF, NCHUNK):
            pltpu.make_async_copy(buf_v.at[0], acc_sh.at[dst_v.at[0]],
                                  ssem.at[k % NBUF]).wait()
        plsc.subcore_barrier()

        @pl.when(s < NSUB - 1)
        def _():
            pltpu.sync_copy(acc_sh.at[pl.ds(s * 320, 320)],
                            acc_out.at[h, pl.ds(base + s * 320, 320)])

        @pl.when(s == NSUB - 1)
        def _():
            tail = RNG - 320 * (NSUB - 1)
            pltpu.sync_copy(acc_sh.at[pl.ds((NSUB - 1) * 320, tail)],
                            acc_out.at[h, pl.ds(base + (NSUB - 1) * 320, tail)])

        plsc.subcore_barrier()


@functools.cache
def _make_msg_kernel():
    mesh = plsc.VectorSubcoreMesh(
        core_axis_name="c", subcore_axis_name="s",
        num_cores=NCORE, num_subcores=NSUB)
    return pl.kernel(
        _msg_body,
        out_type=jax.ShapeDtypeStruct((NH, YPAD, DH), jnp.float32),
        mesh=mesh,
        scratch_types=[
            pltpu.VMEM((NCHUNK, K), jnp.int32),
            pltpu.VMEM((NCHUNK, K), jnp.int32),
            pltpu.VMEM((NBUF, K, DH), jnp.float32),
            pltpu.VMEM_SHARED((ACC_ROWS, DH), jnp.float32),
            pltpu.SemaphoreType.DMA((NBUF,)),
            pltpu.SemaphoreType.DMA((NBUF,)),
        ],
    )


def _s1_body(z_ref, mask_ref, dec_ref, deg_ref, w_ref, y_ref, x0_ref, dinv_ref):
    zb = z_ref[...]
    m = mask_ref[...] == 0
    zdec = jnp.where(m, dec_ref[...], zb)
    deg = deg_ref[0] + deg_ref[1] + 1.0
    dinv = lax.rsqrt(deg)
    xw = jnp.dot(zdec, w_ref[...], preferred_element_type=jnp.float32,
                 precision=lax.Precision.HIGHEST)
    y = xw * dinv
    for q in range(NH):
        y_ref[q] = y[:, q * DH:(q + 1) * DH]
        x0_ref[q] = zdec[:, q * DH:(q + 1) * DH]
    dinv_ref[...] = dinv


def _mid_body(acc_ref, x_ref, dinv_ref, b_ref, g_ref, be_ref, a_ref, w_ref,
              y_ref, xn_ref):
    dinv = dinv_ref[...]
    a = a_ref[0]
    xns = []
    for q in range(NH):
        hh = acc_ref[q] * dinv + b_ref[q]
        hh = hh * (g_ref[q] * _BN_SCALE) + be_ref[q]
        hh = jnp.where(hh >= 0, hh, a * hh)
        xn = hh + x_ref[q]
        xn_ref[q] = xn
        xns.append(xn)
    x_full = jnp.concatenate(xns, axis=1)
    xw = jnp.dot(x_full, w_ref[...], preferred_element_type=jnp.float32,
                 precision=lax.Precision.HIGHEST)
    y = xw * dinv
    for q in range(NH):
        y_ref[q] = y[:, q * DH:(q + 1) * DH]


def _fin_body(acc_ref, x_ref, dinv_ref, b_ref, g_ref, be_ref, a_ref, w_ref,
              bp_ref, out_ref):
    dinv = dinv_ref[...]
    a = a_ref[0]
    cols = []
    for q in range(NH):
        hh = acc_ref[q] * dinv + b_ref[q]
        hh = hh * (g_ref[q] * _BN_SCALE) + be_ref[q]
        hh = jnp.where(hh >= 0, hh, a * hh)
        cols.append(hh + x_ref[q])
    x_full = jnp.concatenate(cols, axis=1)
    o = jnp.dot(x_full, w_ref[...], preferred_element_type=jnp.float32,
                precision=lax.Precision.HIGHEST)
    o = o + bp_ref[...]
    out_ref[...] = 1.0 / (1.0 + jnp.exp(-o))


def _hrow_spec():
    return pl.BlockSpec((NH, ROWB, DH), lambda i: (0, i, 0))


_S1 = pl.pallas_call(
    _s1_body,
    grid=(GRID,),
    in_specs=[
        pl.BlockSpec((ROWB, D), lambda i: (i, 0)),
        pl.BlockSpec((ROWB, 1), lambda i: (i, 0)),
        pl.BlockSpec((1, D), lambda i: (0, 0)),
        pl.BlockSpec((2, ROWB, 1), lambda i: (0, i, 0)),
        pl.BlockSpec((D, D), lambda i: (0, 0)),
    ],
    out_specs=[
        _hrow_spec(),
        _hrow_spec(),
        pl.BlockSpec((ROWB, 1), lambda i: (i, 0)),
    ],
    out_shape=[
        jax.ShapeDtypeStruct((NH, YPAD, DH), jnp.float32),
        jax.ShapeDtypeStruct((NH, N, DH), jnp.float32),
        jax.ShapeDtypeStruct((N, 1), jnp.float32),
    ],
)

_MID = pl.pallas_call(
    _mid_body,
    grid=(GRID,),
    in_specs=[
        _hrow_spec(),
        _hrow_spec(),
        pl.BlockSpec((ROWB, 1), lambda i: (i, 0)),
        pl.BlockSpec((NH, 1, DH), lambda i: (0, 0, 0)),
        pl.BlockSpec((NH, 1, DH), lambda i: (0, 0, 0)),
        pl.BlockSpec((NH, 1, DH), lambda i: (0, 0, 0)),
        pl.BlockSpec(memory_space=pltpu.SMEM),
        pl.BlockSpec((D, D), lambda i: (0, 0)),
    ],
    out_specs=[
        _hrow_spec(),
        _hrow_spec(),
    ],
    out_shape=[
        jax.ShapeDtypeStruct((NH, YPAD, DH), jnp.float32),
        jax.ShapeDtypeStruct((NH, N, DH), jnp.float32),
    ],
)

_FIN = pl.pallas_call(
    _fin_body,
    grid=(GRID,),
    in_specs=[
        _hrow_spec(),
        _hrow_spec(),
        pl.BlockSpec((ROWB, 1), lambda i: (i, 0)),
        pl.BlockSpec((NH, 1, DH), lambda i: (0, 0, 0)),
        pl.BlockSpec((NH, 1, DH), lambda i: (0, 0, 0)),
        pl.BlockSpec((NH, 1, DH), lambda i: (0, 0, 0)),
        pl.BlockSpec(memory_space=pltpu.SMEM),
        pl.BlockSpec((D, D), lambda i: (0, 0)),
        pl.BlockSpec((1, D), lambda i: (0, 0)),
    ],
    out_specs=pl.BlockSpec((ROWB, D), lambda i: (i, 0)),
    out_shape=jax.ShapeDtypeStruct((N, D), jnp.float32),
)


def kernel(z, edge_index, mask_vector, dec_token,
           W1, b1, g1, be1, a1, W2, b2, g2, be2, a2, Wp, bp):
    pad = EPW - E // NSUB
    src3 = jnp.concatenate(
        [edge_index[0].reshape(NSUB, E // NSUB),
         jnp.zeros((NSUB, pad), jnp.int32)], axis=1).reshape(NSUB, NCHUNK, K)
    dst3 = jnp.concatenate(
        [edge_index[1].reshape(NSUB, E // NSUB),
         jnp.full((NSUB, pad), N, jnp.int32)], axis=1).reshape(NSUB, NCHUNK, K)

    deg2 = _make_deg_kernel()(dst3)
    deg3 = deg2.reshape(NCORE, DEG_PAD, 1)

    mask2 = mask_vector.reshape(N, 1)
    y1, x0, dinv = _S1(z, mask2, dec_token, deg3, W1)

    acc1 = _make_msg_kernel()(src3, dst3, y1)

    b1s = b1.reshape(NH, 1, DH)
    g1s = g1.reshape(NH, 1, DH)
    be1s = be1.reshape(NH, 1, DH)
    y2, x1 = _MID(acc1, x0, dinv, b1s, g1s, be1s, a1, W2)

    acc2 = _make_msg_kernel()(src3, dst3, y2)

    b2s = b2.reshape(NH, 1, DH)
    g2s = g2.reshape(NH, 1, DH)
    be2s = be2.reshape(NH, 1, DH)
    bps = bp.reshape(1, D)
    return _FIN(acc2, x1, dinv, b2s, g2s, be2s, a2, Wp, bps)

# --- scband reference (transcript-rebuilt; emitter-appended) ---
"""Pipeline reference for scband-residual-gnndecoder-46978352284509 (READ-ONLY COPY).

The authoritative reference and input builder live on the scoring server;
editing this copy changes nothing except your own understanding.
"""

import jax, jax.numpy as jnp
import numpy as np

N = 10000
E = 160000
D = 256
BN_EPS = 1e-5


def setup_inputs(seed: int = 0) -> dict:
    key = jax.random.key(seed)
    ks = jax.random.split(key, 16)
    s = 1.0 / np.sqrt(D)
    z = jax.random.normal(ks[0], (N, D), dtype=jnp.float32)
    edge_index = jax.random.randint(ks[1], (2, E), 0, N, dtype=jnp.int32)
    mask_vector = jax.random.randint(ks[2], (N,), 0, 2, dtype=jnp.int32)
    dec_token = jnp.zeros((1, D), dtype=jnp.float32)
    W1 = jax.random.normal(ks[3], (D, D), dtype=jnp.float32) * s
    b1 = jnp.zeros((D,), dtype=jnp.float32)
    g1 = jnp.ones((D,), dtype=jnp.float32)
    be1 = jnp.zeros((D,), dtype=jnp.float32)
    a1 = jnp.full((1,), 0.25, dtype=jnp.float32)
    W2 = jax.random.normal(ks[4], (D, D), dtype=jnp.float32) * s
    b2 = jnp.zeros((D,), dtype=jnp.float32)
    g2 = jnp.ones((D,), dtype=jnp.float32)
    be2 = jnp.zeros((D,), dtype=jnp.float32)
    a2 = jnp.full((1,), 0.25, dtype=jnp.float32)
    Wp = jax.random.normal(ks[5], (D, D), dtype=jnp.float32) * s
    bp = jnp.zeros((D,), dtype=jnp.float32)
    return {"z": z, "edge_index": edge_index, "mask_vector": mask_vector,
            "dec_token": dec_token,
            "W1": W1, "b1": b1, "g1": g1, "be1": be1, "a1": a1,
            "W2": W2, "b2": b2, "g2": g2, "be2": be2, "a2": a2,
            "Wp": Wp, "bp": bp}


def _gcn_conv(x, edge_index, W, b):
    n = x.shape[0]
    loop = jnp.arange(n, dtype=edge_index.dtype)
    src = jnp.concatenate([edge_index[0], loop])
    dst = jnp.concatenate([edge_index[1], loop])
    deg = jnp.zeros((n,), dtype=x.dtype).at[dst].add(1.0)
    dinv = jax.lax.rsqrt(jnp.maximum(deg, 1.0))
    norm = dinv[src] * dinv[dst]
    xw = x @ W
    msg = xw[src] * norm[:, None]
    out = jnp.zeros_like(xw).at[dst].add(msg)
    return out + b


def _batchnorm_eval(x, gamma, beta):
    # eval-mode BatchNorm1d with running_mean=0, running_var=1
    return (x / jnp.sqrt(1.0 + BN_EPS)) * gamma + beta


def _prelu(x, a):
    return jnp.where(x >= 0, x, a * x)


def reference(z, edge_index, mask_vector, dec_token,
              W1, b1, g1, be1, a1,
              W2, b2, g2, be2, a2,
              Wp, bp):
    mask = (mask_vector == 0)
    z_dec = jnp.where(mask[:, None], dec_token, z)
    out = z_dec
    # layer 1 (residual, in_dim == out_dim -> identity skip)
    h = _gcn_conv(out, edge_index, W1, b1)
    h = _batchnorm_eval(h, g1, be1)
    h = _prelu(h, a1)
    out = h + out
    # layer 2
    h = _gcn_conv(out, edge_index, W2, b2)
    h = _batchnorm_eval(h, g2, be2)
    h = _prelu(h, a2)
    out = h + out
    out = out @ Wp + bp
    return jax.nn.sigmoid(out)

if __name__ == "__main__":
    import jax
    _d = setup_inputs()
    print(jax.jit(kernel)(*tuple(_d.values())))

</pallas_src>

<mosaic_0001>
#map = affine_map<(d0, d1) -> (0, 0, 0)>
#map1 = affine_map<(d0, d1) -> (0, 0)>
module attributes {stable_mosaic.version = 14 : i64} {
  func.func @_deg_body(%arg0: i32, %arg1: i32, %arg2: memref<16x160x64xi32, #tpu.memory_space<hbm>>, %arg3: memref<2x10240xf32, #tpu.memory_space<hbm>>, %arg4: memref<160x64xi32, #tpu.memory_space<vmem>>, %arg5: memref<64xf32, #tpu.memory_space<vmem>>, %arg6: memref<640xf32, #tpu.memory_space<vmem>>, %arg7: memref<10240xf32, #tpu.memory_space<vmem_shared>>, %arg8: memref<!tpu.dma_semaphore, #tpu.memory_space<semaphore_mem>>) attributes {dimension_semantics = [#tpu.dimension_semantics<core_parallel>, #tpu.dimension_semantics<subcore_parallel>], iteration_bounds = array<i64: 2, 16>, scalar_prefetch = 0 : i64, scratch_operands = 5 : i64, tpu.core_type = #tpu.core_type<sc_vector_subcore>, window_params = [{transform_indices = #map}, {transform_indices = #map1}]} {
    %broadcast_in_dim3A = arith.constant 1.000000e+00 : f32
    %broadcast_in_dim3A_0 = vector.broadcast %broadcast_in_dim3A : f32 to vector<16xf32>
    %swap3A = arith.constant 0 : index
    %swap3A_1 = tpu.vector_load %arg5[%swap3A] {strides = array<i32>} : memref<64xf32, #tpu.memory_space<vmem>>, vector<16xf32>,
    %swap3A_2 = vector.shape_cast %swap3A_1 : vector<16xf32> to vector<16xf32>
    %swap3A_3 = vector.shape_cast %broadcast_in_dim3A_0 : vector<16xf32> to vector<16xf32>
    tpu.vector_store %arg5[%swap3A], %swap3A_3 {strides = array<i32>} : memref<64xf32, #tpu.memory_space<vmem>>, vector<16xf32>,
    %broadcast_in_dim3A_4 = arith.constant 1.000000e+00 : f32
    %broadcast_in_dim3A_5 = vector.broadcast %broadcast_in_dim3A_4 : f32 to vector<16xf32>
    %swap3A_6 = arith.constant 16 : index
    %swap3A_7 = tpu.vector_load %arg5[%swap3A_6] {strides = array<i32>} : memref<64xf32, #tpu.memory_space<vmem>>, vector<16xf32>,
    %swap3A_8 = vector.shape_cast %swap3A_7 : vector<16xf32> to vector<16xf32>
    %swap3A_9 = vector.shape_cast %broadcast_in_dim3A_5 : vector<16xf32> to vector<16xf32>
    tpu.vector_store %arg5[%swap3A_6], %swap3A_9 {strides = array<i32>} : memref<64xf32, #tpu.memory_space<vmem>>, vector<16xf32>,
    %broadcast_in_dim3A_10 = arith.constant 1.000000e+00 : f32
    %broadcast_in_dim3A_11 = vector.broadcast %broadcast_in_dim3A_10 : f32 to vector<16xf32>
    %swap3A_12 = arith.constant 32 : index
    %swap3A_13 = tpu.vector_load %arg5[%swap3A_12] {strides = array<i32>} : memref<64xf32, #tpu.memory_space<vmem>>, vector<16xf32>,
    %swap3A_14 = vector.shape_cast %swap3A_13 : vector<16xf32> to vector<16xf32>
    %swap3A_15 = vector.shape_cast %broadcast_in_dim3A_11 : vector<16xf32> to vector<16xf32>
    tpu.vector_store %arg5[%swap3A_12], %swap3A_15 {strides = array<i32>} : memref<64xf32, #tpu.memory_space<vmem>>, vector<16xf32>,
    %broadcast_in_dim3A_16 = arith.constant 1.000000e+00 : f32
    %broadcast_in_dim3A_17 = vector.broadcast %broadcast_in_dim3A_16 : f32 to vector<16xf32>
    %swap3A_18 = arith.constant 48 : index
    %swap3A_19 = tpu.vector_load %arg5[%swap3A_18] {strides = array<i32>} : memref<64xf32, #tpu.memory_space<vmem>>, vector<16xf32>,
    %swap3A_20 = vector.shape_cast %swap3A_19 : vector<16xf32> to vector<16xf32>
    %swap3A_21 = vector.shape_cast %broadcast_in_dim3A_17 : vector<16xf32> to vector<16xf32>
    tpu.vector_store %arg5[%swap3A_18], %swap3A_21 {strides = array<i32>} : memref<64xf32, #tpu.memory_space<vmem>>, vector<16xf32>,
    %broadcast_in_dim3A_22 = arith.constant 0.000000e+00 : f32
    %broadcast_in_dim3A_23 = vector.broadcast %broadcast_in_dim3A_22 : f32 to vector<16xf32>
    %swap3A_24 = arith.constant 0 : index
    %swap3A_25 = tpu.vector_load %arg6[%swap3A_24] {strides = array<i32>} : memref<640xf32, #tpu.memory_space<vmem>>, vector<16xf32>,
    %swap3A_26 = vector.shape_cast %swap3A_25 : vector<16xf32> to vector<16xf32>
    %swap3A_27 = vector.shape_cast %broadcast_in_dim3A_23 : vector<16xf32> to vector<16xf32>
    tpu.vector_store %arg6[%swap3A_24], %swap3A_27 {strides = array<i32>} : memref<640xf32, #tpu.memory_space<vmem>>, vector<16xf32>,
    %broadcast_in_dim3A_28 = arith.constant 0.000000e+00 : f32
    %broadcast_in_dim3A_29 = vector.broadcast %broadcast_in_dim3A_28 : f32 to vector<16xf32>
    %swap3A_30 = arith.constant 16 : index
    %swap3A_31 = tpu.vector_load %arg6[%swap3A_30] {strides = array<i32>} : memref<640xf32, #tpu.memory_space<vmem>>, vector<16xf32>,
    %swap3A_32 = vector.shape_cast %swap3A_31 : vector<16xf32> to vector<16xf32>
    %swap3A_33 = vector.shape_cast %broadcast_in_dim3A_29 : vector<16xf32> to vector<16xf32>
    tpu.vector_store %arg6[%swap3A_30], %swap3A_33 {strides = array<i32>} : memref<640xf32, #tpu.memory_space<vmem>>, vector<16xf32>,
    %broadcast_in_dim3A_34 = arith.constant 0.000000e+00 : f32
    %broadcast_in_dim3A_35 = vector.broadcast %broadcast_in_dim3A_34 : f32 to vector<16xf32>
    %swap3A_36 = arith.constant 32 : index
    %swap3A_37 = tpu.vector_load %arg6[%swap3A_36] {strides = array<i32>} : memref<640xf32, #tpu.memory_space<vmem>>, vector<16xf32>,
    %swap3A_38 = vector.shape_cast %swap3A_37 : vector<16xf32> to vector<16xf32>
    %swap3A_39 = vector.shape_cast %broadcast_in_dim3A_35 : vector<16xf32> to vector<16xf32>
    tpu.vector_store %arg6[%swap3A_36], %swap3A_39 {strides = array<i32>} : memref<640xf32, #tpu.memory_space<vmem>>, vector<16xf32>,
    %broadcast_in_dim3A_40 = arith.constant 0.000000e+00 : f32
    %broadcast_in_dim3A_41 = vector.broadcast %broadcast_in_dim3A_40 : f32 to vector<16xf32>
    %swap3A_42 = arith.constant 48 : index
    %swap3A_43 = tpu.vector_load %arg6[%swap3A_42] {strides = array<i32>} : memref<640xf32, #tpu.memory_space<vmem>>, vector<16xf32>,
    %swap3A_44 = vector.shape_cast %swap3A_43 : vector<16xf32> to vector<16xf32>
    %swap3A_45 = vector.shape_cast %broadcast_in_dim3A_41 : vector<16xf32> to vector<16xf32>
    tpu.vector_store %arg6[%swap3A_42], %swap3A_45 {strides = array<i32>} : memref<640xf32, #tpu.memory_space<vmem>>, vector<16xf32>,
    %broadcast_in_dim3A_46 = arith.constant 0.000000e+00 : f32
    %broadcast_in_dim3A_47 = vector.broadcast %broadcast_in_dim3A_46 : f32 to vector<16xf32>
    %swap3A_48 = arith.constant 64 : index
    %swap3A_49 = tpu.vector_load %arg6[%swap3A_48] {strides = array<i32>} : memref<640xf32, #tpu.memory_space<vmem>>, vector<16xf32>,
    %swap3A_50 = vector.shape_cast %swap3A_49 : vector<16xf32> to vector<16xf32>
    %swap3A_51 = vector.shape_cast %broadcast_in_dim3A_47 : vector<16xf32> to vector<16xf32>
    tpu.vector_store %arg6[%swap3A_48], %swap3A_51 {strides = array<i32>} : memref<640xf32, #tpu.memory_space<vmem>>, vector<16xf32>,
    %broadcast_in_dim3A_52 = arith.constant 0.000000e+00 : f32
    %broadcast_in_dim3A_53 = vector.broadcast %broadcast_in_dim3A_52 : f32 to vector<16xf32>
    %swap3A_54 = arith.constant 80 : index
    %swap3A_55 = tpu.vector_load %arg6[%swap3A_54] {strides = array<i32>} : memref<640xf32, #tpu.memory_space<vmem>>, vector<16xf32>,
    %swap3A_56 = vector.shape_cast %swap3A_55 : vector<16xf32> to vector<16xf32>
    %swap3A_57 = vector.shape_cast %broadcast_in_dim3A_53 : vector<16xf32> to vector<16xf32>
    tpu.vector_store %arg6[%swap3A_54], %swap3A_57 {strides = array<i32>} : memref<640xf32, #tpu.memory_space<vmem>>, vector<16xf32>,
    %broadcast_in_dim3A_58 = arith.constant 0.000000e+00 : f32
    %broadcast_in_dim3A_59 = vector.broadcast %broadcast_in_dim3A_58 : f32 to vector<16xf32>
    %swap3A_60 = arith.constant 96 : index
    %swap3A_61 = tpu.vector_load %arg6[%swap3A_60] {strides = array<i32>} : memref<640xf32, #tpu.memory_space<vmem>>, vector<16xf32>,
    %swap3A_62 = vector.shape_cast %swap3A_61 : vector<16xf32> to vector<16xf32>
    %swap3A_63 = vector.shape_cast %broadcast_in_dim3A_59 : vector<16xf32> to vector<16xf32>
    tpu.vector_store %arg6[%swap3A_60], %swap3A_63 {strides = array<i32>} : memref<640xf32, #tpu.memory_space<vmem>>, vector<16xf32>,
    %broadcast_in_dim3A_64 = arith.constant 0.000000e+00 : f32
    %broadcast_in_dim3A_65 = vector.broadcast %broadcast_in_dim3A_64 : f32 to vector<16xf32>
    %swap3A_66 = arith.constant 112 : index
    %swap3A_67 = tpu.vector_load %arg6[%swap3A_66] {strides = array<i32>} : memref<640xf32, #tpu.memory_space<vmem>>, vector<16xf32>,
    %swap3A_68 = vector.shape_cast %swap3A_67 : vector<16xf32> to vector<16xf32>
    %swap3A_69 = vector.shape_cast %broadcast_in_dim3A_65 : vector<16xf32> to vector<16xf32>
    tpu.vector_store %arg6[%swap3A_66], %swap3A_69 {strides = array<i32>} : memref<640xf32, #tpu.memory_space<vmem>>, vector<16xf32>,
    %broadcast_in_dim3A_70 = arith.constant 0.000000e+00 : f32
    %broadcast_in_dim3A_71 = vector.broadcast %broadcast_in_dim3A_70 : f32 to vector<16xf32>
    %swap3A_72 = arith.constant 128 : index
    %swap3A_73 = tpu.vector_load %arg6[%swap3A_72] {strides = array<i32>} : memref<640xf32, #tpu.memory_space<vmem>>, vector<16xf32>,
    %swap3A_74 = vector.shape_cast %swap3A_73 : vector<16xf32> to vector<16xf32>
    %swap3A_75 = vector.shape_cast %broadcast_in_dim3A_71 : vector<16xf32> to vector<16xf32>
    tpu.vector_store %arg6[%swap3A_72], %swap3A_75 {strides = array<i32>} : memref<640xf32, #tpu.memory_space<vmem>>, vector<16xf32>,
    %broadcast_in_dim3A_76 = arith.constant 0.000000e+00 : f32
    %broadcast_in_dim3A_77 = vector.broadcast %broadcast_in_dim3A_76 : f32 to vector<16xf32>
    %swap3A_78 = arith.constant 144 : index
    %swap3A_79 = tpu.vector_load %arg6[%swap3A_78] {strides = array<i32>} : memref<640xf32, #tpu.memory_space<vmem>>, vector<16xf32>,
    %swap3A_80 = vector.shape_cast %swap3A_79 : vector<16xf32> to vector<16xf32>
    %swap3A_81 = vector.shape_cast %broadcast_in_dim3A_77 : vector<16xf32> to vector<16xf32>
    tpu.vector_store %arg6[%swap3A_78], %swap3A_81 {strides = array<i32>} : memref<640xf32, #tpu.memory_space<vmem>>, vector<16xf32>,
    %broadcast_in_dim3A_82 = arith.constant 0.000000e+00 : f32
    %broadcast_in_dim3A_83 = vector.broadcast %broadcast_in_dim3A_82 : f32 to vector<16xf32>
    %swap3A_84 = arith.constant 160 : index
    %swap3A_85 = tpu.vector_load %arg6[%swap3A_84] {strides = array<i32>} : memref<640xf32, #tpu.memory_space<vmem>>, vector<16xf32>,
    %swap3A_86 = vector.shape_cast %swap3A_85 : vector<16xf32> to vector<16xf32>
    %swap3A_87 = vector.shape_cast %broadcast_in_dim3A_83 : vector<16xf32> to vector<16xf32>
    tpu.vector_store %arg6[%swap3A_84], %swap3A_87 {strides = array<i32>} : memref<640xf32, #tpu.memory_space<vmem>>, vector<16xf32>,
    %broadcast_in_dim3A_88 = arith.constant 0.000000e+00 : f32
    %broadcast_in_dim3A_89 = vector.broadcast %broadcast_in_dim3A_88 : f32 to vector<16xf32>
    %swap3A_90 = arith.constant 176 : index
    %swap3A_91 = tpu.vector_load %arg6[%swap3A_90] {strides = array<i32>} : memref<640xf32, #tpu.memory_space<vmem>>, vector<16xf32>,
    %swap3A_92 = vector.shape_cast %swap3A_91 : vector<16xf32> to vector<16xf32>
    %swap3A_93 = vector.shape_cast %broadcast_in_dim3A_89 : vector<16xf32> to vector<16xf32>
    tpu.vector_store %arg6[%swap3A_90], %swap3A_93 {strides = array<i32>} : memref<640xf32, #tpu.memory_space<vmem>>, vector<16xf32>,
    %broadcast_in_dim3A_94 = arith.constant 0.000000e+00 : f32
    %broadcast_in_dim3A_95 = vector.broadcast %broadcast_in_dim3A_94 : f32 to vector<16xf32>
    %swap3A_96 = arith.constant 192 : index
    %swap3A_97 = tpu.vector_load %arg6[%swap3A_96] {strides = array<i32>} : memref<640xf32, #tpu.memory_space<vmem>>, vector<16xf32>,
    %swap3A_98 = vector.shape_cast %swap3A_97 : vector<16xf32> to vector<16xf32>
    %swap3A_99 = vector.shape_cast %broadcast_in_dim3A_95 : vector<16xf32> to vector<16xf32>
    tpu.vector_store %arg6[%swap3A_96], %swap3A_99 {strides = array<i32>} : memref<640xf32, #tpu.memory_space<vmem>>, vector<16xf32>,
    %broadcast_in_dim3A_100 = arith.constant 0.000000e+00 : f32
    %broadcast_in_dim3A_101 = vector.broadcast %broadcast_in_dim3A_100 : f32 to vector<16xf32>
    %swap3A_102 = arith.constant 208 : index
    %swap3A_103 = tpu.vector_load %arg6[%swap3A_102] {strides = array<i32>} : memref<640xf32, #tpu.memory_space<vmem>>, vector<16xf32>,
    %swap3A_104 = vector.shape_cast %swap3A_103 : vector<16xf32> to vector<16xf32>
    %swap3A_105 = vector.shape_cast %broadcast_in_dim3A_101 : vector<16xf32> to vector<16xf32>
    tpu.vector_store %arg6[%swap3A_102], %swap3A_105 {strides = array<i32>} : memref<640xf32, #tpu.memory_space<vmem>>, vector<16xf32>,
    %broadcast_in_dim3A_106 = arith.constant 0.000000e+00 : f32
    %broadcast_in_dim3A_107 = vector.broadcast %broadcast_in_dim3A_106 : f32 to vector<16xf32>
    %swap3A_108 = arith.constant 224 : index
    %swap3A_109 = tpu.vector_load %arg6[%swap3A_108] {strides = array<i32>} : memref<640xf32, #tpu.memory_space<vmem>>, vector<16xf32>,
    %swap3A_110 = vector.shape_cast %swap3A_109 : vector<16xf32> to vector<16xf32>
    %swap3A_111 = vector.shape_cast %broadcast_in_dim3A_107 : vector<16xf32> to vector<16xf32>
    tpu.vector_store %arg6[%swap3A_108], %swap3A_111 {strides = array<i32>} : memref<640xf32, #tpu.memory_space<vmem>>, vector<16xf32>,
    %broadcast_in_dim3A_112 = arith.constant 0.000000e+00 : f32
    %broadcast_in_dim3A_113 = vector.broadcast %broadcast_in_dim3A_112 : f32 to vector<16xf32>
    %swap3A_114 = arith.constant 240 : index
    %swap3A_115 = tpu.vector_load %arg6[%swap3A_114] {strides = array<i32>} : memref<640xf32, #tpu.memory_space<vmem>>, vector<16xf32>,
    %swap3A_116 = vector.shape_cast %swap3A_115 : vector<16xf32> to vector<16xf32>
    %swap3A_117 = vector.shape_cast %broadcast_in_dim3A_113 : vector<16xf32> to vector<16xf32>
    tpu.vector_store %arg6[%swap3A_114], %swap3A_117 {strides = array<i32>} : memref<640xf32, #tpu.memory_space<vmem>>, vector<16xf32>,
    %broadcast_in_dim3A_118 = arith.constant 0.000000e+00 : f32
    %broadcast_in_dim3A_119 = vector.broadcast %broadcast_in_dim3A_118 : f32 to vector<16xf32>
    %swap3A_120 = arith.constant 256 : index
    %swap3A_121 = tpu.vector_load %arg6[%swap3A_120] {strides = array<i32>} : memref<640xf32, #tpu.memory_space<vmem>>, vector<16xf32>,
    %swap3A_122 = vector.shape_cast %swap3A_121 : vector<16xf32> to vector<16xf32>
    %swap3A_123 = vector.shape_cast %broadcast_in_dim3A_119 : vector<16xf32> to vector<16xf32>
    tpu.vector_store %arg6[%swap3A_120], %swap3A_123 {strides = array<i32>} : memref<640xf32, #tpu.memory_space<vmem>>, vector<16xf32>,
    %broadcast_in_dim3A_124 = arith.constant 0.000000e+00 : f32
    %broadcast_in_dim3A_125 = vector.broadcast %broadcast_in_dim3A_124 : f32 to vector<16xf32>
    %swap3A_126 = arith.constant 272 : index
    %swap3A_127 = tpu.vector_load %arg6[%swap3A_126] {strides = array<i32>} : memref<640xf32, #tpu.memory_space<vmem>>, vector<16xf32>,
    %swap3A_128 = vector.shape_cast %swap3A_127 : vector<16xf32> to vector<16xf32>
    %swap3A_129 = vector.shape_cast %broadcast_in_dim3A_125 : vector<16xf32> to vector<16xf32>
    tpu.vector_store %arg6[%swap3A_126], %swap3A_129 {strides = array<i32>} : memref<640xf32, #tpu.memory_space<vmem>>, vector<16xf32>,
    %broadcast_in_dim3A_130 = arith.constant 0.000000e+00 : f32
    %broadcast_in_dim3A_131 = vector.broadcast %broadcast_in_dim3A_130 : f32 to vector<16xf32>
    %swap3A_132 = arith.constant 288 : index
    %swap3A_133 = tpu.vector_load %arg6[%swap3A_132] {strides = array<i32>} : memref<640xf32, #tpu.memory_space<vmem>>, vector<16xf32>,
    %swap3A_134 = vector.shape_cast %swap3A_133 : vector<16xf32> to vector<16xf32>
    %swap3A_135 = vector.shape_cast %broadcast_in_dim3A_131 : vector<16xf32> to vector<16xf32>
    tpu.vector_store %arg6[%swap3A_132], %swap3A_135 {strides = array<i32>} : memref<640xf32, #tpu.memory_space<vmem>>, vector<16xf32>,
    %broadcast_in_dim3A_136 = arith.constant 0.000000e+00 : f32
    %broadcast_in_dim3A_137 = vector.broadcast %broadcast_in_dim3A_136 : f32 to vector<16xf32>
    %swap3A_138 = arith.constant 304 : index
    %swap3A_139 = tpu.vector_load %arg6[%swap3A_138] {strides = array<i32>} : memref<640xf32, #tpu.memory_space<vmem>>, vector<16xf32>,
    %swap3A_140 = vector.shape_cast %swap3A_139 : vector<16xf32> to vector<16xf32>
    %swap3A_141 = vector.shape_cast %broadcast_in_dim3A_137 : vector<16xf32> to vector<16xf32>
    tpu.vector_store %arg6[%swap3A_138], %swap3A_141 {strides = array<i32>} : memref<640xf32, #tpu.memory_space<vmem>>, vector<16xf32>,
    %broadcast_in_dim3A_142 = arith.constant 0.000000e+00 : f32
    %broadcast_in_dim3A_143 = vector.broadcast %broadcast_in_dim3A_142 : f32 to vector<16xf32>
    %swap3A_144 = arith.constant 320 : index
    %swap3A_145 = tpu.vector_load %arg6[%swap3A_144] {strides = array<i32>} : memref<640xf32, #tpu.memory_space<vmem>>, vector<16xf32>,
    %swap3A_146 = vector.shape_cast %swap3A_145 : vector<16xf32> to vector<16xf32>
    %swap3A_147 = vector.shape_cast %broadcast_in_dim3A_143 : vector<16xf32> to vector<16xf32>
    tpu.vector_store %arg6[%swap3A_144], %swap3A_147 {strides = array<i32>} : memref<640xf32, #tpu.memory_space<vmem>>, vector<16xf32>,
    %broadcast_in_dim3A_148 = arith.constant 0.000000e+00 : f32
    %broadcast_in_dim3A_149 = vector.broadcast %broadcast_in_dim3A_148 : f32 to vector<16xf32>
    %swap3A_150 = arith.constant 336 : index
    %swap3A_151 = tpu.vector_load %arg6[%swap3A_150] {strides = array<i32>} : memref<640xf32, #tpu.memory_space<vmem>>, vector<16xf32>,
    %swap3A_152 = vector.shape_cast %swap3A_151 : vector<16xf32> to vector<16xf32>
    %swap3A_153 = vector.shape_cast %broadcast_in_dim3A_149 : vector<16xf32> to vector<16xf32>
    tpu.vector_store %arg6[%swap3A_150], %swap3A_153 {strides = array<i32>} : memref<640xf32, #tpu.memory_space<vmem>>, vector<16xf32>,
    %broadcast_in_dim3A_154 = arith.constant 0.000000e+00 : f32
    %broadcast_in_dim3A_155 = vector.broadcast %broadcast_in_dim3A_154 : f32 to vector<16xf32>
    %swap3A_156 = arith.constant 352 : index
    %swap3A_157 = tpu.vector_load %arg6[%swap3A_156] {strides = array<i32>} : memref<640xf32, #tpu.memory_space<vmem>>, vector<16xf32>,
    %swap3A_158 = vector.shape_cast %swap3A_157 : vector<16xf32> to vector<16xf32>
    %swap3A_159 = vector.shape_cast %broadcast_in_dim3A_155 : vector<16xf32> to vector<16xf32>
    tpu.vector_store %arg6[%swap3A_156], %swap3A_159 {strides = array<i32>} : memref<640xf32, #tpu.memory_space<vmem>>, vector<16xf32>,
    %broadcast_in_dim3A_160 = arith.constant 0.000000e+00 : f32
    %broadcast_in_dim3A_161 = vector.broadcast %broadcast_in_dim3A_160 : f32 to vector<16xf32>
    %swap3A_162 = arith.constant 368 : index
    %swap3A_163 = tpu.vector_load %arg6[%swap3A_162] {strides = array<i32>} : memref<640xf32, #tpu.memory_space<vmem>>, vector<16xf32>,
    %swap3A_164 = vector.shape_cast %swap3A_163 : vector<16xf32> to vector<16xf32>
    %swap3A_165 = vector.shape_cast %broadcast_in_dim3A_161 : vector<16xf32> to vector<16xf32>
    tpu.vector_store %arg6[%swap3A_162], %swap3A_165 {strides = array<i32>} : memref<640xf32, #tpu.memory_space<vmem>>, vector<16xf32>,
    %broadcast_in_dim3A_166 = arith.constant 0.000000e+00 : f32
    %broadcast_in_dim3A_167 = vector.broadcast %broadcast_in_dim3A_166 : f32 to vector<16xf32>
    %swap3A_168 = arith.constant 384 : index
    %swap3A_169 = tpu.vector_load %arg6[%swap3A_168] {strides = array<i32>} : memref<640xf32, #tpu.memory_space<vmem>>, vector<16xf32>,
    %swap3A_170 = vector.shape_cast %swap3A_169 : vector<16xf32> to vector<16xf32>
    %swap3A_171 = vector.shape_cast %broadcast_in_dim3A_167 : vector<16xf32> to vector<16xf32>
    tpu.vector_store %arg6[%swap3A_168], %swap3A_171 {strides = array<i32>} : memref<640xf32, #tpu.memory_space<vmem>>, vector<16xf32>,
    %broadcast_in_dim3A_172 = arith.constant 0.000000e+00 : f32
    %broadcast_in_dim3A_173 = vector.broadcast %broadcast_in_dim3A_172 : f32 to vector<16xf32>
    %swap3A_174 = arith.constant 400 : index
    %swap3A_175 = tpu.vector_load %arg6[%swap3A_174] {strides = array<i32>} : memref<640xf32, #tpu.memory_space<vmem>>, vector<16xf32>,
    %swap3A_176 = vector.shape_cast %swap3A_175 : vector<16xf32> to vector<16xf32>
    %swap3A_177 = vector.shape_cast %broadcast_in_dim3A_173 : vector<16xf32> to vector<16xf32>
    tpu.vector_store %arg6[%swap3A_174], %swap3A_177 {strides = array<i32>} : memref<640xf32, #tpu.memory_space<vmem>>, vector<16xf32>,
    %broadcast_in_dim3A_178 = arith.constant 0.000000e+00 : f32
    %broadcast_in_dim3A_179 = vector.broadcast %broadcast_in_dim3A_178 : f32 to vector<16xf32>
    %swap3A_180 = arith.constant 416 : index
    %swap3A_181 = tpu.vector_load %arg6[%swap3A_180] {strides = array<i32>} : memref<640xf32, #tpu.memory_space<vmem>>, vector<16xf32>,
    %swap3A_182 = vector.shape_cast %swap3A_181 : vector<16xf32> to vector<16xf32>
    %swap3A_183 = vector.shape_cast %broadcast_in_dim3A_179 : vector<16xf32> to vector<16xf32>
    tpu.vector_store %arg6[%swap3A_180], %swap3A_183 {strides = array<i32>} : memref<640xf32, #tpu.memory_space<vmem>>, vector<16xf32>,
    %broadcast_in_dim3A_184 = arith.constant 0.000000e+00 : f32
    %broadcast_in_dim3A_185 = vector.broadcast %broadcast_in_dim3A_184 : f32 to vector<16xf32>
    %swap3A_186 = arith.constant 432 : index
    %swap3A_187 = tpu.vector_load %arg6[%swap3A_186] {strides = array<i32>} : memref<640xf32, #tpu.memory_space<vmem>>, vector<16xf32>,
    %swap3A_188 = vector.shape_cast %swap3A_187 : vector<16xf32> to vector<16xf32>
    %swap3A_189 = vector.shape_cast %broadcast_in_dim3A_185 : vector<16xf32> to vector<16xf32>
    tpu.vector_store %arg6[%swap3A_186], %swap3A_189 {strides = array<i32>} : memref<640xf32, #tpu.memory_space<vmem>>, vector<16xf32>,
    %broadcast_in_dim3A_190 = arith.constant 0.000000e+00 : f32
    %broadcast_in_dim3A_191 = vector.broadcast %broadcast_in_dim3A_190 : f32 to vector<16xf32>
    %swap3A_192 = arith.constant 448 : index
    %swap3A_193 = tpu.vector_load %arg6[%swap3A_192] {strides = array<i32>} : memref<640xf32, #tpu.memory_space<vmem>>, vector<16xf32>,
    %swap3A_194 = vector.shape_cast %swap3A_193 : vector<16xf32> to vector<16xf32>
    %swap3A_195 = vector.shape_cast %broadcast_in_dim3A_191 : vector<16xf32> to vector<16xf32>
    tpu.vector_store %arg6[%swap3A_192], %swap3A_195 {strides = array<i32>} : memref<640xf32, #tpu.memory_space<vmem>>, vector<16xf32>,
    %broadcast_in_dim3A_196 = arith.constant 0.000000e+00 : f32
    %broadcast_in_dim3A_197 = vector.broadcast %broadcast_in_dim3A_196 : f32 to vector<16xf32>
    %swap3A_198 = arith.constant 464 : index
    %swap3A_199 = tpu.vector_load %arg6[%swap3A_198] {strides = array<i32>} : memref<640xf32, #tpu.memory_space<vmem>>, vector<16xf32>,
    %swap3A_200 = vector.shape_cast %swap3A_199 : vector<16xf32> to vector<16xf32>
    %swap3A_201 = vector.shape_cast %broadcast_in_dim3A_197 : vector<16xf32> to vector<16xf32>
    tpu.vector_store %arg6[%swap3A_198], %swap3A_201 {strides = array<i32>} : memref<640xf32, #tpu.memory_space<vmem>>, vector<16xf32>,
    %broadcast_in_dim3A_202 = arith.constant 0.000000e+00 : f32
    %broadcast_in_dim3A_203 = vector.broadcast %broadcast_in_dim3A_202 : f32 to vector<16xf32>
    %swap3A_204 = arith.constant 480 : index
    %swap3A_205 = tpu.vector_load %arg6[%swap3A_204] {strides = array<i32>} : memref<640xf32, #tpu.memory_space<vmem>>, vector<16xf32>,
    %swap3A_206 = vector.shape_cast %swap3A_205 : vector<16xf32> to vector<16xf32>
    %swap3A_207 = vector.shape_cast %broadcast_in_dim3A_203 : vector<16xf32> to vector<16xf32>
    tpu.vector_store %arg6[%swap3A_204], %swap3A_207 {strides = array<i32>} : memref<640xf32, #tpu.memory_space<vmem>>, vector<16xf32>,
    %broadcast_in_dim3A_208 = arith.constant 0.000000e+00 : f32
    %broadcast_in_dim3A_209 = vector.broadcast %broadcast_in_dim3A_208 : f32 to vector<16xf32>
    %swap3A_210 = arith.constant 496 : index
    %swap3A_211 = tpu.vector_load %arg6[%swap3A_210] {strides = array<i32>} : memref<640xf32, #tpu.memory_space<vmem>>, vector<16xf32>,
    %swap3A_212 = vector.shape_cast %swap3A_211 : vector<16xf32> to vector<16xf32>
    %swap3A_213 = vector.shape_cast %broadcast_in_dim3A_209 : vector<16xf32> to vector<16xf32>
    tpu.vector_store %arg6[%swap3A_210], %swap3A_213 {strides = array<i32>} : memref<640xf32, #tpu.memory_space<vmem>>, vector<16xf32>,
    %broadcast_in_dim3A_214 = arith.constant 0.000000e+00 : f32
    %broadcast_in_dim3A_215 = vector.broadcast %broadcast_in_dim3A_214 : f32 to vector<16xf32>
    %swap3A_216 = arith.constant 512 : index
    %swap3A_217 = tpu.vector_load %arg6[%swap3A_216] {strides = array<i32>} : memref<640xf32, #tpu.memory_space<vmem>>, vector<16xf32>,
    %swap3A_218 = vector.shape_cast %swap3A_217 : vector<16xf32> to vector<16xf32>
    %swap3A_219 = vector.shape_cast %broadcast_in_dim3A_215 : vector<16xf32> to vector<16xf32>
    tpu.vector_store %arg6[%swap3A_216], %swap3A_219 {strides = array<i32>} : memref<640xf32, #tpu.memory_space<vmem>>, vector<16xf32>,
    %broadcast_in_dim3A_220 = arith.constant 0.000000e+00 : f32
    %broadcast_in_dim3A_221 = vector.broadcast %broadcast_in_dim3A_220 : f32 to vector<16xf32>
    %swap3A_222 = arith.constant 528 : index
    %swap3A_223 = tpu.vector_load %arg6[%swap3A_222] {strides = array<i32>} : memref<640xf32, #tpu.memory_space<vmem>>, vector<16xf32>,
    %swap3A_224 = vector.shape_cast %swap3A_223 : vector<16xf32> to vector<16xf32>
    %swap3A_225 = vector.shape_cast %broadcast_in_dim3A_221 : vector<16xf32> to vector<16xf32>
    tpu.vector_store %arg6[%swap3A_222], %swap3A_225 {strides = array<i32>} : memref<640xf32, #tpu.memory_space<vmem>>, vector<16xf32>,
    %broadcast_in_dim3A_226 = arith.constant 0.000000e+00 : f32
    %broadcast_in_dim3A_227 = vector.broadcast %broadcast_in_dim3A_226 : f32 to vector<16xf32>
    %swap3A_228 = arith.constant 544 : index
    %swap3A_229 = tpu.vector_load %arg6[%swap3A_228] {strides = array<i32>} : memref<640xf32, #tpu.memory_space<vmem>>, vector<16xf32>,
    %swap3A_230 = vector.shape_cast %swap3A_229 : vector<16xf32> to vector<16xf32>
    %swap3A_231 = vector.shape_cast %broadcast_in_dim3A_227 : vector<16xf32> to vector<16xf32>
    tpu.vector_store %arg6[%swap3A_228], %swap3A_231 {strides = array<i32>} : memref<640xf32, #tpu.memory_space<vmem>>, vector<16xf32>,
    %broadcast_in_dim3A_232 = arith.constant 0.000000e+00 : f32
    %broadcast_in_dim3A_233 = vector.broadcast %broadcast_in_dim3A_232 : f32 to vector<16xf32>
    %swap3A_234 = arith.constant 560 : index
    %swap3A_235 = tpu.vector_load %arg6[%swap3A_234] {strides = array<i32>} : memref<640xf32, #tpu.memory_space<vmem>>, vector<16xf32>,
    %swap3A_236 = vector.shape_cast %swap3A_235 : vector<16xf32> to vector<16xf32>
    %swap3A_237 = vector.shape_cast %broadcast_in_dim3A_233 : vector<16xf32> to vector<16xf32>
    tpu.vector_store %arg6[%swap3A_234], %swap3A_237 {strides = array<i32>} : memref<640xf32, #tpu.memory_space<vmem>>, vector<16xf32>,
    %broadcast_in_dim3A_238 = arith.constant 0.000000e+00 : f32
    %broadcast_in_dim3A_239 = vector.broadcast %broadcast_in_dim3A_238 : f32 to vector<16xf32>
    %swap3A_240 = arith.constant 576 : index
    %swap3A_241 = tpu.vector_load %arg6[%swap3A_240] {strides = array<i32>} : memref<640xf32, #tpu.memory_space<vmem>>, vector<16xf32>,
    %swap3A_242 = vector.shape_cast %swap3A_241 : vector<16xf32> to vector<16xf32>
    %swap3A_243 = vector.shape_cast %broadcast_in_dim3A_239 : vector<16xf32> to vector<16xf32>
    tpu.vector_store %arg6[%swap3A_240], %swap3A_243 {strides = array<i32>} : memref<640xf32, #tpu.memory_space<vmem>>, vector<16xf32>,
    %broadcast_in_dim3A_244 = arith.constant 0.000000e+00 : f32
    %broadcast_in_dim3A_245 = vector.broadcast %broadcast_in_dim3A_244 : f32 to vector<16xf32>
    %swap3A_246 = arith.constant 592 : index
    %swap3A_247 = tpu.vector_load %arg6[%swap3A_246] {strides = array<i32>} : memref<640xf32, #tpu.memory_space<vmem>>, vector<16xf32>,
    %swap3A_248 = vector.shape_cast %swap3A_247 : vector<16xf32> to vector<16xf32>
    %swap3A_249 = vector.shape_cast %broadcast_in_dim3A_245 : vector<16xf32> to vector<16xf32>
    tpu.vector_store %arg6[%swap3A_246], %swap3A_249 {strides = array<i32>} : memref<640xf32, #tpu.memory_space<vmem>>, vector<16xf32>,
    %broadcast_in_dim3A_250 = arith.constant 0.000000e+00 : f32
    %broadcast_in_dim3A_251 = vector.broadcast %broadcast_in_dim3A_250 : f32 to vector<16xf32>
    %swap3A_252 = arith.constant 608 : index
    %swap3A_253 = tpu.vector_load %arg6[%swap3A_252] {strides = array<i32>} : memref<640xf32, #tpu.memory_space<vmem>>, vector<16xf32>,
    %swap3A_254 = vector.shape_cast %swap3A_253 : vector<16xf32> to vector<16xf32>
    %swap3A_255 = vector.shape_cast %broadcast_in_dim3A_251 : vector<16xf32> to vector<16xf32>
    tpu.vector_store %arg6[%swap3A_252], %swap3A_255 {strides = array<i32>} : memref<640xf32, #tpu.memory_space<vmem>>, vector<16xf32>,
    %broadcast_in_dim3A_256 = arith.constant 0.000000e+00 : f32
    %broadcast_in_dim3A_257 = vector.broadcast %broadcast_in_dim3A_256 : f32 to vector<16xf32>
    %swap3A_258 = arith.constant 624 : index
    %swap3A_259 = tpu.vector_load %arg6[%swap3A_258] {strides = array<i32>} : memref<640xf32, #tpu.memory_space<vmem>>, vector<16xf32>,
    %swap3A_260 = vector.shape_cast %swap3A_259 : vector<16xf32> to vector<16xf32>
    %swap3A_261 = vector.shape_cast %broadcast_in_dim3A_257 : vector<16xf32> to vector<16xf32>
    tpu.vector_store %arg6[%swap3A_258], %swap3A_261 {strides = array<i32>} : memref<640xf32, #tpu.memory_space<vmem>>, vector<16xf32>,
    %mul3A = arith.constant 640 : i32
    %mul3A_262 = arith.muli %arg1, %mul3A : i32
    "tpu.region"() ({
      %run_scoped3A = tpu.sem_alloc : memref<!tpu.dma_semaphore, #tpu.memory_space<semaphore_mem>>
      %dma_start3A = tpu.memref_slice %arg7[%mul3A_262] : memref<10240xf32, #tpu.memory_space<vmem_shared>> -> memref<640xf32, #tpu.memory_space<vmem_shared>>
      %dma_start3A_279 = tpu.memref_slice %arg7[%mul3A_262] : memref<10240xf32, #tpu.memory_space<vmem_shared>> -> memref<640xf32, #tpu.memory_space<vmem_shared>>
      tpu.enqueue_dma source(%arg6 : memref<640xf32, #tpu.memory_space<vmem>>) target(%dma_start3A_279 : memref<640xf32, #tpu.memory_space<vmem_shared>>) target_semaphore(%run_scoped3A : memref<!tpu.dma_semaphore, #tpu.memory_space<semaphore_mem>>)
      %dma_wait3A = tpu.memref_slice %arg7[%mul3A_262] : memref<10240xf32, #tpu.memory_space<vmem_shared>> -> memref<640xf32, #tpu.memory_space<vmem_shared>>
      %dma_wait3A_280 = tpu.memref_slice %arg7[%mul3A_262] : memref<10240xf32, #tpu.memory_space<vmem_shared>> -> memref<640xf32, #tpu.memory_space<vmem_shared>>
      tpu.wait_dma2 semaphore(%run_scoped3A : memref<!tpu.dma_semaphore, #tpu.memory_space<semaphore_mem>>) src(%arg6 : memref<640xf32, #tpu.memory_space<vmem>>) dst(%dma_wait3A_280 : memref<640xf32, #tpu.memory_space<vmem_shared>>)
      tpu.yield
    }) : () -> ()
    "tpu.region"() ({
      %run_scoped3A = tpu.sem_alloc : memref<!tpu.dma_semaphore, #tpu.memory_space<semaphore_mem>>
      %dma_start3A = arith.constant 0 : i32
      %dma_start3A_279 = arith.constant 0 : i32
      %dma_start3A_280 = tpu.memref_slice %arg2[%arg1, %dma_start3A, %dma_start3A_279] : memref<16x160x64xi32, #tpu.memory_space<hbm>> -> memref<1x160x64xi32, #tpu.memory_space<hbm>>
      %dma_start3A_281 = tpu.memref_squeeze %dma_start3A_280 : memref<1x160x64xi32, #tpu.memory_space<hbm>> -> memref<160x64xi32, #tpu.memory_space<hbm>>
      %dma_start3A_282 = arith.constant 0 : i32
      %dma_start3A_283 = arith.constant 0 : i32
      %dma_start3A_284 = tpu.memref_slice %arg2[%arg1, %dma_start3A_282, %dma_start3A_283] : memref<16x160x64xi32, #tpu.memory_space<hbm>> -> memref<1x160x64xi32, #tpu.memory_space<hbm>>
      %dma_start3A_285 = tpu.memref_squeeze %dma_start3A_284 : memref<1x160x64xi32, #tpu.memory_space<hbm>> -> memref<160x64xi32, #tpu.memory_space<hbm>>
      tpu.enqueue_dma source(%dma_start3A_285 : memref<160x64xi32, #tpu.memory_space<hbm>>) target(%arg4 : memref<160x64xi32, #tpu.memory_space<vmem>>) target_semaphore(%run_scoped3A : memref<!tpu.dma_semaphore, #tpu.memory_space<semaphore_mem>>)
      %dma_wait3A = arith.constant 0 : i32
      %dma_wait3A_286 = arith.constant 0 : i32
      %dma_wait3A_287 = tpu.memref_slice %arg2[%arg1, %dma_wait3A, %dma_wait3A_286] : memref<16x160x64xi32, #tpu.memory_space<hbm>> -> memref<1x160x64xi32, #tpu.memory_space<hbm>>
      %dma_wait3A_288 = tpu.memref_squeeze %dma_wait3A_287 : memref<1x160x64xi32, #tpu.memory_space<hbm>> -> memref<160x64xi32, #tpu.memory_space<hbm>>
      %dma_wait3A_289 = arith.constant 0 : i32
      %dma_wait3A_290 = arith.constant 0 : i32
      %dma_wait3A_291 = tpu.memref_slice %arg2[%arg1, %dma_wait3A_289, %dma_wait3A_290] : memref<16x160x64xi32, #tpu.memory_space<hbm>> -> memref<1x160x64xi32, #tpu.memory_space<hbm>>
      %dma_wait3A_292 = tpu.memref_squeeze %dma_wait3A_291 : memref<1x160x64xi32, #tpu.memory_space<hbm>> -> memref<160x64xi32, #tpu.memory_space<hbm>>
      tpu.wait_dma2 semaphore(%run_scoped3A : memref<!tpu.dma_semaphore, #tpu.memory_space<semaphore_mem>>) src(%dma_wait3A_292 : memref<160x64xi32, #tpu.memory_space<hbm>>) dst(%arg4 : memref<160x64xi32, #tpu.memory_space<vmem>>)
      tpu.yield
    }) : () -> ()
    %barrier3A = arith.constant 0 : index
    tpu.barrier barrier_id(%barrier3A)
    %scan3A = arith.constant 0 : i32
    %scan3A_263 = arith.constant 0 : i32
    %scan3A_264 = arith.constant 80 : i32
    %scan3A_265 = arith.addi %scan3A_263, %scan3A_264 : i32
    %scan3A_266 = arith.constant 1 : i32
    scf.for %scan3A_279 = %scan3A_263 to %scan3A_265 step %scan3A_266  : i32 {
      %mul3A_280 = arith.constant 2 : i32
      %mul3A_281 = arith.muli %scan3A_279, %mul3A_280 : i32
      %add3A = arith.addi %mul3A_281, %arg0 : i32
      %dma_start3A = arith.constant 0 : i32
      %dma_start3A_282 = tpu.memref_slice %arg4[%add3A, %dma_start3A] : memref<160x64xi32, #tpu.memory_space<vmem>> -> memref<1x64xi32, #tpu.memory_space<vmem>>
      %dma_start3A_283 = tpu.memref_squeeze %dma_start3A_282 : memref<1x64xi32, #tpu.memory_space<vmem>> -> memref<64xi32, #tpu.memory_space<vmem>>
      %dma_start3A_284 = arith.constant 0 : i32
      %dma_start3A_285 = tpu.memref_slice %arg7[%dma_start3A_284] : memref<10240xf32, #tpu.memory_space<vmem_shared>> -> memref<10240xf32, #tpu.memory_space<vmem_shared>>
      tpu.enqueue_indirect_dma source(%arg5 : memref<64xf32, #tpu.memory_space<vmem>>) target(%dma_start3A_285 : memref<10240xf32, #tpu.memory_space<vmem_shared>>) offsets(%dma_start3A_283 : memref<64xi32, #tpu.memory_space<vmem>>) semaphore(%arg8 : memref<!tpu.dma_semaphore, #tpu.memory_space<semaphore_mem>>) {add = true}
    }
    %scan3A_267 = arith.constant 80 : i32
    %scan3A_268 = arith.constant 0 : i32
    %scan3A_269 = arith.constant 0 : i32
    %scan3A_270 = arith.constant 80 : i32
    %scan3A_271 = arith.addi %scan3A_269, %scan3A_270 : i32
    %scan3A_272 = arith.constant 1 : i32
    scf.for %scan3A_279 = %scan3A_269 to %scan3A_271 step %scan3A_272  : i32 {
      %dma_wait3A = arith.constant 0 : i32
      %dma_wait3A_280 = arith.constant 0 : i32
      %dma_wait3A_281 = tpu.memref_slice %arg4[%dma_wait3A, %dma_wait3A_280] : memref<160x64xi32, #tpu.memory_space<vmem>> -> memref<1x64xi32, #tpu.memory_space<vmem>>
      %dma_wait3A_282 = tpu.memref_squeeze %dma_wait3A_281 : memref<1x64xi32, #tpu.memory_space<vmem>> -> memref<64xi32, #tpu.memory_space<vmem>>
      %dma_wait3A_283 = arith.constant 0 : i32
      %dma_wait3A_284 = tpu.memref_slice %arg7[%dma_wait3A_283] : memref<10240xf32, #tpu.memory_space<vmem_shared>> -> memref<10240xf32, #tpu.memory_space<vmem_shared>>
      tpu.wait_indirect_dma semaphore(%arg8 : memref<!tpu.dma_semaphore, #tpu.memory_space<semaphore_mem>>) src(%arg5 : memref<64xf32, #tpu.memory_space<vmem>>) dst(%dma_wait3A_284 : memref<10240xf32, #tpu.memory_space<vmem_shared>>)
    }
    %scan3A_273 = arith.constant 80 : i32
    %barrier3A_274 = arith.constant 0 : index
    tpu.barrier barrier_id(%barrier3A_274)
    %mul3A_275 = arith.constant 640 : i32
    %mul3A_276 = arith.muli %arg1, %mul3A_275 : i32
    %mul3A_277 = arith.constant 640 : i32
    %mul3A_278 = arith.muli %arg1, %mul3A_277 : i32
    "tpu.region"() ({
      %run_scoped3A = tpu.sem_alloc : memref<!tpu.dma_semaphore, #tpu.memory_space<semaphore_mem>>
      %dma_start3A = tpu.memref_slice %arg3[%arg0, %mul3A_278] : memref<2x10240xf32, #tpu.memory_space<hbm>> -> memref<1x640xf32, #tpu.memory_space<hbm>>
      %dma_start3A_279 = tpu.memref_squeeze %dma_start3A : memref<1x640xf32, #tpu.memory_space<hbm>> -> memref<640xf32, #tpu.memory_space<hbm>>
      %dma_start3A_280 = tpu.memref_slice %arg7[%mul3A_276] : memref<10240xf32, #tpu.memory_space<vmem_shared>> -> memref<640xf32, #tpu.memory_space<vmem_shared>>
      tpu.enqueue_dma source(%dma_start3A_280 : memref<640xf32, #tpu.memory_space<vmem_shared>>) target(%dma_start3A_279 : memref<640xf32, #tpu.memory_space<hbm>>) target_semaphore(%run_scoped3A : memref<!tpu.dma_semaphore, #tpu.memory_space<semaphore_mem>>)
      %dma_wait3A = tpu.memref_slice %arg3[%arg0, %mul3A_278] : memref<2x10240xf32, #tpu.memory_space<hbm>> -> memref<1x640xf32, #tpu.memory_space<hbm>>
      %dma_wait3A_281 = tpu.memref_squeeze %dma_wait3A : memref<1x640xf32, #tpu.memory_space<hbm>> -> memref<640xf32, #tpu.memory_space<hbm>>
      %dma_wait3A_282 = tpu.memref_slice %arg7[%mul3A_276] : memref<10240xf32, #tpu.memory_space<vmem_shared>> -> memref<640xf32, #tpu.memory_space<vmem_shared>>
      tpu.wait_dma2 semaphore(%run_scoped3A : memref<!tpu.dma_semaphore, #tpu.memory_space<semaphore_mem>>) src(%dma_wait3A_282 : memref<640xf32, #tpu.memory_space<vmem_shared>>) dst(%dma_wait3A_281 : memref<640xf32, #tpu.memory_space<hbm>>)
      tpu.yield
    }) : () -> ()
    return
  }
}

#map = affine_map<(d0, d1) -> (0, 0, 0)>
module attributes {stable_mosaic.version = 14 : i64} {
  func.func @_msg_body(%arg0: i32, %arg1: i32, %arg2: memref<16x160x64xi32, #tpu.memory_space<hbm>>, %arg3: memref<16x160x64xi32, #tpu.memory_space<hbm>>, %arg4: memref<2x10112x128xf32, #tpu.memory_space<hbm>>, %arg5: memref<2x10112x128xf32, #tpu.memory_space<hbm>>, %arg6: memref<160x64xi32, #tpu.memory_space<vmem>>, %arg7: memref<160x64xi32, #tpu.memory_space<vmem>>, %arg8: memref<3x64x128xf32, #tpu.memory_space<vmem>>, %arg9: memref<5064x128xf32, #tpu.memory_space<vmem_shared>>, %arg10: memref<3x!tpu.dma_semaphore, #tpu.memory_space<semaphore_mem>>, %arg11: memref<3x!tpu.dma_semaphore, #tpu.memory_space<semaphore_mem>>) attributes {dimension_semantics = [#tpu.dimension_semantics<core_parallel>, #tpu.dimension_semantics<subcore_parallel>], iteration_bounds = array<i64: 2, 16>, scalar_prefetch = 0 : i64, scratch_operands = 6 : i64, tpu.core_type = #tpu.core_type<sc_vector_subcore>, window_params = [{transform_indices = #map}, {transform_indices = #map}, {transform_indices = #map}, {transform_indices = #map}]} {
    "tpu.region"() ({
      %run_scoped3A = tpu.sem_alloc : memref<!tpu.dma_semaphore, #tpu.memory_space<semaphore_mem>>
      %dma_start3A_228 = arith.constant 0 : i32
      %dma_start3A_229 = arith.constant 0 : i32
      %dma_start3A_230 = tpu.memref_slice %arg2[%arg1, %dma_start3A_228, %dma_start3A_229] : memref<16x160x64xi32, #tpu.memory_space<hbm>> -> memref<1x160x64xi32, #tpu.memory_space<hbm>>
      %dma_start3A_231 = tpu.memref_squeeze %dma_start3A_230 : memref<1x160x64xi32, #tpu.memory_space<hbm>> -> memref<160x64xi32, #tpu.memory_space<hbm>>
      %dma_start3A_232 = arith.constant 0 : i32
      %dma_start3A_233 = arith.constant 0 : i32
      %dma_start3A_234 = tpu.memref_slice %arg2[%arg1, %dma_start3A_232, %dma_start3A_233] : memref<16x160x64xi32, #tpu.memory_space<hbm>> -> memref<1x160x64xi32, #tpu.memory_space<hbm>>
      %dma_start3A_235 = tpu.memref_squeeze %dma_start3A_234 : memref<1x160x64xi32, #tpu.memory_space<hbm>> -> memref<160x64xi32, #tpu.memory_space<hbm>>
      tpu.enqueue_dma source(%dma_start3A_235 : memref<160x64xi32, #tpu.memory_space<hbm>>) target(%arg6 : memref<160x64xi32, #tpu.memory_space<vmem>>) target_semaphore(%run_scoped3A : memref<!tpu.dma_semaphore, #tpu.memory_space<semaphore_mem>>)
      %dma_wait3A_236 = arith.constant 0 : i32
      %dma_wait3A_237 = arith.constant 0 : i32
      %dma_wait3A_238 = tpu.memref_slice %arg2[%arg1, %dma_wait3A_236, %dma_wait3A_237] : memref<16x160x64xi32, #tpu.memory_space<hbm>> -> memref<1x160x64xi32, #tpu.memory_space<hbm>>
      %dma_wait3A_239 = tpu.memref_squeeze %dma_wait3A_238 : memref<1x160x64xi32, #tpu.memory_space<hbm>> -> memref<160x64xi32, #tpu.memory_space<hbm>>
      %dma_wait3A_240 = arith.constant 0 : i32
      %dma_wait3A_241 = arith.constant 0 : i32
      %dma_wait3A_242 = tpu.memref_slice %arg2[%arg1, %dma_wait3A_240, %dma_wait3A_241] : memref<16x160x64xi32, #tpu.memory_space<hbm>> -> memref<1x160x64xi32, #tpu.memory_space<hbm>>
      %dma_wait3A_243 = tpu.memref_squeeze %dma_wait3A_242 : memref<1x160x64xi32, #tpu.memory_space<hbm>> -> memref<160x64xi32, #tpu.memory_space<hbm>>
      tpu.wait_dma2 semaphore(%run_scoped3A : memref<!tpu.dma_semaphore, #tpu.memory_space<semaphore_mem>>) src(%dma_wait3A_243 : memref<160x64xi32, #tpu.memory_space<hbm>>) dst(%arg6 : memref<160x64xi32, #tpu.memory_space<vmem>>)
      tpu.yield
    }) : () -> ()
    "tpu.region"() ({
      %run_scoped3A = tpu.sem_alloc : memref<!tpu.dma_semaphore, #tpu.memory_space<semaphore_mem>>
      %dma_start3A_228 = arith.constant 0 : i32
      %dma_start3A_229 = arith.constant 0 : i32
      %dma_start3A_230 = tpu.memref_slice %arg3[%arg1, %dma_start3A_228, %dma_start3A_229] : memref<16x160x64xi32, #tpu.memory_space<hbm>> -> memref<1x160x64xi32, #tpu.memory_space<hbm>>
      %dma_start3A_231 = tpu.memref_squeeze %dma_start3A_230 : memref<1x160x64xi32, #tpu.memory_space<hbm>> -> memref<160x64xi32, #tpu.memory_space<hbm>>
      %dma_start3A_232 = arith.constant 0 : i32
      %dma_start3A_233 = arith.constant 0 : i32
      %dma_start3A_234 = tpu.memref_slice %arg3[%arg1, %dma_start3A_232, %dma_start3A_233] : memref<16x160x64xi32, #tpu.memory_space<hbm>> -> memref<1x160x64xi32, #tpu.memory_space<hbm>>
      %dma_start3A_235 = tpu.memref_squeeze %dma_start3A_234 : memref<1x160x64xi32, #tpu.memory_space<hbm>> -> memref<160x64xi32, #tpu.memory_space<hbm>>
      tpu.enqueue_dma source(%dma_start3A_235 : memref<160x64xi32, #tpu.memory_space<hbm>>) target(%arg7 : memref<160x64xi32, #tpu.memory_space<vmem>>) target_semaphore(%run_scoped3A : memref<!tpu.dma_semaphore, #tpu.memory_space<semaphore_mem>>)
      %dma_wait3A_236 = arith.constant 0 : i32
      %dma_wait3A_237 = arith.constant 0 : i32
      %dma_wait3A_238 = tpu.memref_slice %arg3[%arg1, %dma_wait3A_236, %dma_wait3A_237] : memref<16x160x64xi32, #tpu.memory_space<hbm>> -> memref<1x160x64xi32, #tpu.memory_space<hbm>>
      %dma_wait3A_239 = tpu.memref_squeeze %dma_wait3A_238 : memref<1x160x64xi32, #tpu.memory_space<hbm>> -> memref<160x64xi32, #tpu.memory_space<hbm>>
      %dma_wait3A_240 = arith.constant 0 : i32
      %dma_wait3A_241 = arith.constant 0 : i32
      %dma_wait3A_242 = tpu.memref_slice %arg3[%arg1, %dma_wait3A_240, %dma_wait3A_241] : memref<16x160x64xi32, #tpu.memory_space<hbm>> -> memref<1x160x64xi32, #tpu.memory_space<hbm>>
      %dma_wait3A_243 = tpu.memref_squeeze %dma_wait3A_242 : memref<1x160x64xi32, #tpu.memory_space<hbm>> -> memref<160x64xi32, #tpu.memory_space<hbm>>
      tpu.wait_dma2 semaphore(%run_scoped3A : memref<!tpu.dma_semaphore, #tpu.memory_space<semaphore_mem>>) src(%dma_wait3A_243 : memref<160x64xi32, #tpu.memory_space<hbm>>) dst(%arg7 : memref<160x64xi32, #tpu.memory_space<vmem>>)
      tpu.yield
    }) : () -> ()
    %scan3A = arith.constant 0 : i32
    %scan3A_0 = arith.constant 0 : i32
    %scan3A_1 = arith.constant 160 : i32
    %scan3A_2 = arith.addi %scan3A_0, %scan3A_1 : i32
    %scan3A_3 = arith.constant 1 : i32
    scf.for %scan3A_228 = %scan3A_0 to %scan3A_2 step %scan3A_3  : i32 {
      %get3A = arith.index_cast %scan3A_228 : i32 to index
      %get3A_229 = arith.constant 0 : index
      %get3A_230 = tpu.vector_load %arg7[%get3A, %get3A_229] {strides = array<i32>} : memref<160x64xi32, #tpu.memory_space<vmem>>, vector<1x16xi32>,
      %get3A_231 = vector.shape_cast %get3A_230 : vector<1x16xi32> to vector<16xi32>
      %sub3A = arith.constant 0 : i32
      %sub3A_232 = vector.broadcast %sub3A : i32 to vector<16xi32>
      %sub3A_233 = arith.subi %get3A_231, %sub3A_232 : vector<16xi32>
      %ge3A = arith.constant 0 : i32
      %ge3A_234 = vector.broadcast %ge3A : i32 to vector<16xi32>
      %ge3A_235 = arith.cmpi sge, %sub3A_233, %ge3A_234 : vector<16xi32>
      %lt3A_236 = arith.constant 5056 : i32
      %lt3A_237 = vector.broadcast %lt3A_236 : i32 to vector<16xi32>
      %lt3A_238 = arith.cmpi slt, %sub3A_233, %lt3A_237 : vector<16xi32>
      %and3A = arith.andi %ge3A_235, %lt3A_238 : vector<16xi1>
      %jit3A = arith.constant 5056 : i32
      %broadcast_in_dim3A = vector.broadcast %jit3A : i32 to vector<16xi32>
      %select_n3A = arith.select %and3A, %sub3A_233, %broadcast_in_dim3A : vector<16xi1>, vector<16xi32>
      %swap3A = arith.index_cast %scan3A_228 : i32 to index
      %swap3A_239 = arith.constant 0 : index
      %swap3A_240 = tpu.vector_load %arg7[%swap3A, %swap3A_239] {strides = array<i32>} : memref<160x64xi32, #tpu.memory_space<vmem>>, vector<1x16xi32>,
      %swap3A_241 = vector.shape_cast %swap3A_240 : vector<1x16xi32> to vector<16xi32>
      %swap3A_242 = vector.shape_cast %select_n3A : vector<16xi32> to vector<1x16xi32>
      tpu.vector_store %arg7[%swap3A, %swap3A_239], %swap3A_242 {strides = array<i32>} : memref<160x64xi32, #tpu.memory_space<vmem>>, vector<1x16xi32>,
      %get3A_243 = arith.index_cast %scan3A_228 : i32 to index
      %get3A_244 = arith.constant 16 : index
      %get3A_245 = tpu.vector_load %arg7[%get3A_243, %get3A_244] {strides = array<i32>} : memref<160x64xi32, #tpu.memory_space<vmem>>, vector<1x16xi32>,
      %get3A_246 = vector.shape_cast %get3A_245 : vector<1x16xi32> to vector<16xi32>
      %sub3A_247 = arith.constant 0 : i32
      %sub3A_248 = vector.broadcast %sub3A_247 : i32 to vector<16xi32>
      %sub3A_249 = arith.subi %get3A_246, %sub3A_248 : vector<16xi32>
      %ge3A_250 = arith.constant 0 : i32
      %ge3A_251 = vector.broadcast %ge3A_250 : i32 to vector<16xi32>
      %ge3A_252 = arith.cmpi sge, %sub3A_249, %ge3A_251 : vector<16xi32>
      %lt3A_253 = arith.constant 5056 : i32
      %lt3A_254 = vector.broadcast %lt3A_253 : i32 to vector<16xi32>
      %lt3A_255 = arith.cmpi slt, %sub3A_249, %lt3A_254 : vector<16xi32>
      %and3A_256 = arith.andi %ge3A_252, %lt3A_255 : vector<16xi1>
      %jit3A_257 = arith.constant 5056 : i32
      %broadcast_in_dim3A_258 = vector.broadcast %jit3A_257 : i32 to vector<16xi32>
      %select_n3A_259 = arith.select %and3A_256, %sub3A_249, %broadcast_in_dim3A_258 : vector<16xi1>, vector<16xi32>
      %swap3A_260 = arith.index_cast %scan3A_228 : i32 to index
      %swap3A_261 = arith.constant 16 : index
      %swap3A_262 = tpu.vector_load %arg7[%swap3A_260, %swap3A_261] {strides = array<i32>} : memref<160x64xi32, #tpu.memory_space<vmem>>, vector<1x16xi32>,
      %swap3A_263 = vector.shape_cast %swap3A_262 : vector<1x16xi32> to vector<16xi32>
      %swap3A_264 = vector.shape_cast %select_n3A_259 : vector<16xi32> to vector<1x16xi32>
      tpu.vector_store %arg7[%swap3A_260, %swap3A_261], %swap3A_264 {strides = array<i32>} : memref<160x64xi32, #tpu.memory_space<vmem>>, vector<1x16xi32>,
      %get3A_265 = arith.index_cast %scan3A_228 : i32 to index
      %get3A_266 = arith.constant 32 : index
      %get3A_267 = tpu.vector_load %arg7[%get3A_265, %get3A_266] {strides = array<i32>} : memref<160x64xi32, #tpu.memory_space<vmem>>, vector<1x16xi32>,
      %get3A_268 = vector.shape_cast %get3A_267 : vector<1x16xi32> to vector<16xi32>
      %sub3A_269 = arith.constant 0 : i32
      %sub3A_270 = vector.broadcast %sub3A_269 : i32 to vector<16xi32>
      %sub3A_271 = arith.subi %get3A_268, %sub3A_270 : vector<16xi32>
      %ge3A_272 = arith.constant 0 : i32
      %ge3A_273 = vector.broadcast %ge3A_272 : i32 to vector<16xi32>
      %ge3A_274 = arith.cmpi sge, %sub3A_271, %ge3A_273 : vector<16xi32>
      %lt3A_275 = arith.constant 5056 : i32
      %lt3A_276 = vector.broadcast %lt3A_275 : i32 to vector<16xi32>
      %lt3A_277 = arith.cmpi slt, %sub3A_271, %lt3A_276 : vector<16xi32>
      %and3A_278 = arith.andi %ge3A_274, %lt3A_277 : vector<16xi1>
      %jit3A_279 = arith.constant 5056 : i32
      %broadcast_in_dim3A_280 = vector.broadcast %jit3A_279 : i32 to vector<16xi32>
      %select_n3A_281 = arith.select %and3A_278, %sub3A_271, %broadcast_in_dim3A_280 : vector<16xi1>, vector<16xi32>
      %swap3A_282 = arith.index_cast %scan3A_228 : i32 to index
      %swap3A_283 = arith.constant 32 : index
      %swap3A_284 = tpu.vector_load %arg7[%swap3A_282, %swap3A_283] {strides = array<i32>} : memref<160x64xi32, #tpu.memory_space<vmem>>, vector<1x16xi32>,
      %swap3A_285 = vector.shape_cast %swap3A_284 : vector<1x16xi32> to vector<16xi32>
      %swap3A_286 = vector.shape_cast %select_n3A_281 : vector<16xi32> to vector<1x16xi32>
      tpu.vector_store %arg7[%swap3A_282, %swap3A_283], %swap3A_286 {strides = array<i32>} : memref<160x64xi32, #tpu.memory_space<vmem>>, vector<1x16xi32>,
      %get3A_287 = arith.index_cast %scan3A_228 : i32 to index
      %get3A_288 = arith.constant 48 : index
      %get3A_289 = tpu.vector_load %arg7[%get3A_287, %get3A_288] {strides = array<i32>} : memref<160x64xi32, #tpu.memory_space<vmem>>, vector<1x16xi32>,
      %get3A_290 = vector.shape_cast %get3A_289 : vector<1x16xi32> to vector<16xi32>
      %sub3A_291 = arith.constant 0 : i32
      %sub3A_292 = vector.broadcast %sub3A_291 : i32 to vector<16xi32>
      %sub3A_293 = arith.subi %get3A_290, %sub3A_292 : vector<16xi32>
      %ge3A_294 = arith.constant 0 : i32
      %ge3A_295 = vector.broadcast %ge3A_294 : i32 to vector<16xi32>
      %ge3A_296 = arith.cmpi sge, %sub3A_293, %ge3A_295 : vector<16xi32>
      %lt3A_297 = arith.constant 5056 : i32
      %lt3A_298 = vector.broadcast %lt3A_297 : i32 to vector<16xi32>
      %lt3A_299 = arith.cmpi slt, %sub3A_293, %lt3A_298 : vector<16xi32>
      %and3A_300 = arith.andi %ge3A_296, %lt3A_299 : vector<16xi1>
      %jit3A_301 = arith.constant 5056 : i32
      %broadcast_in_dim3A_302 = vector.broadcast %jit3A_301 : i32 to vector<16xi32>
      %select_n3A_303 = arith.select %and3A_300, %sub3A_293, %broadcast_in_dim3A_302 : vector<16xi1>, vector<16xi32>
      %swap3A_304 = arith.index_cast %scan3A_228 : i32 to index
      %swap3A_305 = arith.constant 48 : index
      %swap3A_306 = tpu.vector_load %arg7[%swap3A_304, %swap3A_305] {strides = array<i32>} : memref<160x64xi32, #tpu.memory_space<vmem>>, vector<1x16xi32>,
      %swap3A_307 = vector.shape_cast %swap3A_306 : vector<1x16xi32> to vector<16xi32>
      %swap3A_308 = vector.shape_cast %select_n3A_303 : vector<16xi32> to vector<1x16xi32>
      tpu.vector_store %arg7[%swap3A_304, %swap3A_305], %swap3A_308 {strides = array<i32>} : memref<160x64xi32, #tpu.memory_space<vmem>>, vector<1x16xi32>,
    }
    %scan3A_4 = arith.constant 160 : i32
    %lt3A = arith.constant 15 : i32
    %lt3A_5 = arith.cmpi slt, %arg1, %lt3A : i32
    %convert_element_type3A = arith.extui %lt3A_5 : i1 to i32
    %cond3A = arith.constant 0 : i32
    %cond3A_6 = arith.cmpi ne, %convert_element_type3A, %cond3A : i32
    scf.if %cond3A_6 {
      %mul3A = arith.constant 320 : i32
      %mul3A_228 = arith.muli %arg1, %mul3A : i32
      %add3A = arith.constant 0 : i32
      %add3A_229 = arith.addi %add3A, %mul3A_228 : i32
      %mul3A_230 = arith.constant 320 : i32
      %mul3A_231 = arith.muli %arg1, %mul3A_230 : i32
      "tpu.region"() ({
        %run_scoped3A = tpu.sem_alloc : memref<!tpu.dma_semaphore, #tpu.memory_space<semaphore_mem>>
        %dma_start3A_232 = arith.constant 0 : i32
        %dma_start3A_233 = tpu.memref_slice %arg9[%mul3A_231, %dma_start3A_232] : memref<5064x128xf32, #tpu.memory_space<vmem_shared>> -> memref<320x128xf32, #tpu.memory_space<vmem_shared>>
        %dma_start3A_234 = arith.constant 0 : i32
        %dma_start3A_235 = tpu.memref_slice %arg4[%arg0, %add3A_229, %dma_start3A_234] : memref<2x10112x128xf32, #tpu.memory_space<hbm>> -> memref<1x320x128xf32, #tpu.memory_space<hbm>>
        %dma_start3A_236 = tpu.memref_squeeze %dma_start3A_235 : memref<1x320x128xf32, #tpu.memory_space<hbm>> -> memref<320x128xf32, #tpu.memory_space<hbm>>
        tpu.enqueue_dma source(%dma_start3A_236 : memref<320x128xf32, #tpu.memory_space<hbm>>) target(%dma_start3A_233 : memref<320x128xf32, #tpu.memory_space<vmem_shared>>) target_semaphore(%run_scoped3A : memref<!tpu.dma_semaphore, #tpu.memory_space<semaphore_mem>>)
        %dma_wait3A_237 = arith.constant 0 : i32
        %dma_wait3A_238 = tpu.memref_slice %arg9[%mul3A_231, %dma_wait3A_237] : memref<5064x128xf32, #tpu.memory_space<vmem_shared>> -> memref<320x128xf32, #tpu.memory_space<vmem_shared>>
        %dma_wait3A_239 = arith.constant 0 : i32
        %dma_wait3A_240 = tpu.memref_slice %arg4[%arg0, %add3A_229, %dma_wait3A_239] : memref<2x10112x128xf32, #tpu.memory_space<hbm>> -> memref<1x320x128xf32, #tpu.memory_space<hbm>>
        %dma_wait3A_241 = tpu.memref_squeeze %dma_wait3A_240 : memref<1x320x128xf32, #tpu.memory_space<hbm>> -> memref<320x128xf32, #tpu.memory_space<hbm>>
        tpu.wait_dma2 semaphore(%run_scoped3A : memref<!tpu.dma_semaphore, #tpu.memory_space<semaphore_mem>>) src(%dma_wait3A_241 : memref<320x128xf32, #tpu.memory_space<hbm>>) dst(%dma_wait3A_238 : memref<320x128xf32, #tpu.memory_space<vmem_shared>>)
        tpu.yield
      }) : () -> ()
    } else {
    }
    %eq3A = arith.constant 15 : i32
    %eq3A_7 = arith.cmpi eq, %arg1, %eq3A : i32
    %convert_element_type3A_8 = arith.extui %eq3A_7 : i1 to i32
    %cond3A_9 = arith.constant 0 : i32
    %cond3A_10 = arith.cmpi ne, %convert_element_type3A_8, %cond3A_9 : i32
    scf.if %cond3A_10 {
      "tpu.region"() ({
        %run_scoped3A = tpu.sem_alloc : memref<!tpu.dma_semaphore, #tpu.memory_space<semaphore_mem>>
        %dma_start3A_228 = arith.constant 4800 : i32
        %dma_start3A_229 = arith.constant 0 : i32
        %dma_start3A_230 = tpu.memref_slice %arg9[%dma_start3A_228, %dma_start3A_229] : memref<5064x128xf32, #tpu.memory_space<vmem_shared>> -> memref<256x128xf32, #tpu.memory_space<vmem_shared>>
        %dma_start3A_231 = arith.constant 4800 : i32
        %dma_start3A_232 = arith.constant 0 : i32
        %dma_start3A_233 = tpu.memref_slice %arg4[%arg0, %dma_start3A_231, %dma_start3A_232] : memref<2x10112x128xf32, #tpu.memory_space<hbm>> -> memref<1x256x128xf32, #tpu.memory_space<hbm>>
        %dma_start3A_234 = tpu.memref_squeeze %dma_start3A_233 : memref<1x256x128xf32, #tpu.memory_space<hbm>> -> memref<256x128xf32, #tpu.memory_space<hbm>>
        tpu.enqueue_dma source(%dma_start3A_234 : memref<256x128xf32, #tpu.memory_space<hbm>>) target(%dma_start3A_230 : memref<256x128xf32, #tpu.memory_space<vmem_shared>>) target_semaphore(%run_scoped3A : memref<!tpu.dma_semaphore, #tpu.memory_space<semaphore_mem>>)
        %dma_wait3A_235 = arith.constant 4800 : i32
        %dma_wait3A_236 = arith.constant 0 : i32
        %dma_wait3A_237 = tpu.memref_slice %arg9[%dma_wait3A_235, %dma_wait3A_236] : memref<5064x128xf32, #tpu.memory_space<vmem_shared>> -> memref<256x128xf32, #tpu.memory_space<vmem_shared>>
        %dma_wait3A_238 = arith.constant 4800 : i32
        %dma_wait3A_239 = arith.constant 0 : i32
        %dma_wait3A_240 = tpu.memref_slice %arg4[%arg0, %dma_wait3A_238, %dma_wait3A_239] : memref<2x10112x128xf32, #tpu.memory_space<hbm>> -> memref<1x256x128xf32, #tpu.memory_space<hbm>>
        %dma_wait3A_241 = tpu.memref_squeeze %dma_wait3A_240 : memref<1x256x128xf32, #tpu.memory_space<hbm>> -> memref<256x128xf32, #tpu.memory_space<hbm>>
        tpu.wait_dma2 semaphore(%run_scoped3A : memref<!tpu.dma_semaphore, #tpu.memory_space<semaphore_mem>>) src(%dma_wait3A_241 : memref<256x128xf32, #tpu.memory_space<hbm>>) dst(%dma_wait3A_237 : memref<256x128xf32, #tpu.memory_space<vmem_shared>>)
        tpu.yield
      }) : () -> ()
    } else {
    }
    %barrier3A = arith.constant 0 : index
    tpu.barrier barrier_id(%barrier3A)
    %dma_start3A = arith.constant 0 : i32
    %dma_start3A_11 = arith.constant 0 : i32
    %dma_start3A_12 = arith.constant 0 : i32
    %dma_start3A_13 = arith.constant 0 : i32
    %dma_start3A_14 = arith.constant 0 : i32
    %dma_start3A_15 = tpu.memref_slice %arg8[%dma_start3A_11, %dma_start3A_13, %dma_start3A_14] : memref<3x64x128xf32, #tpu.memory_space<vmem>> -> memref<1x64x128xf32, #tpu.memory_space<vmem>>
    %dma_start3A_16 = tpu.memref_squeeze %dma_start3A_15 : memref<1x64x128xf32, #tpu.memory_space<vmem>> -> memref<64x128xf32, #tpu.memory_space<vmem>>
    %dma_start3A_17 = arith.constant 0 : i32
    %dma_start3A_18 = tpu.memref_slice %arg6[%dma_start3A, %dma_start3A_17] : memref<160x64xi32, #tpu.memory_space<vmem>> -> memref<1x64xi32, #tpu.memory_space<vmem>>
    %dma_start3A_19 = tpu.memref_squeeze %dma_start3A_18 : memref<1x64xi32, #tpu.memory_space<vmem>> -> memref<64xi32, #tpu.memory_space<vmem>>
    %dma_start3A_20 = arith.constant 0 : i32
    %dma_start3A_21 = arith.constant 0 : i32
    %dma_start3A_22 = tpu.memref_slice %arg4[%arg0, %dma_start3A_20, %dma_start3A_21] : memref<2x10112x128xf32, #tpu.memory_space<hbm>> -> memref<1x10112x128xf32, #tpu.memory_space<hbm>>
    %dma_start3A_23 = tpu.memref_squeeze %dma_start3A_22 : memref<1x10112x128xf32, #tpu.memory_space<hbm>> -> memref<10112x128xf32, #tpu.memory_space<hbm>>
    %dma_start3A_24 = arith.constant 0 : i32
    %dma_start3A_25 = arith.constant 0 : i32
    %dma_start3A_26 = tpu.memref_slice %dma_start3A_23[%dma_start3A_24, %dma_start3A_25] : memref<10112x128xf32, #tpu.memory_space<hbm>> -> memref<10112x128xf32, #tpu.memory_space<hbm>>
    %dma_start3A_27 = tpu.memref_slice %arg10[%dma_start3A_12] : memref<3x!tpu.dma_semaphore, #tpu.memory_space<semaphore_mem>> -> memref<1x!tpu.dma_semaphore, #tpu.memory_space<semaphore_mem>>
    %dma_start3A_28 = tpu.memref_squeeze %dma_start3A_27 : memref<1x!tpu.dma_semaphore, #tpu.memory_space<semaphore_mem>> -> memref<!tpu.dma_semaphore, #tpu.memory_space<semaphore_mem>>
    tpu.enqueue_indirect_dma source(%dma_start3A_26 : memref<10112x128xf32, #tpu.memory_space<hbm>>) target(%dma_start3A_16 : memref<64x128xf32, #tpu.memory_space<vmem>>) offsets(%dma_start3A_19 : memref<64xi32, #tpu.memory_space<vmem>>) semaphore(%dma_start3A_28 : memref<!tpu.dma_semaphore, #tpu.memory_space<semaphore_mem>>)
    %dma_start3A_29 = arith.constant 1 : i32
    %dma_start3A_30 = arith.constant 1 : i32
    %dma_start3A_31 = arith.constant 1 : i32
    %dma_start3A_32 = arith.constant 0 : i32
    %dma_start3A_33 = arith.constant 0 : i32
    %dma_start3A_34 = tpu.memref_slice %arg8[%dma_start3A_30, %dma_start3A_32, %dma_start3A_33] : memref<3x64x128xf32, #tpu.memory_space<vmem>> -> memref<1x64x128xf32, #tpu.memory_space<vmem>>
    %dma_start3A_35 = tpu.memref_squeeze %dma_start3A_34 : memref<1x64x128xf32, #tpu.memory_space<vmem>> -> memref<64x128xf32, #tpu.memory_space<vmem>>
    %dma_start3A_36 = arith.constant 0 : i32
    %dma_start3A_37 = tpu.memref_slice %arg6[%dma_start3A_29, %dma_start3A_36] : memref<160x64xi32, #tpu.memory_space<vmem>> -> memref<1x64xi32, #tpu.memory_space<vmem>>
    %dma_start3A_38 = tpu.memref_squeeze %dma_start3A_37 : memref<1x64xi32, #tpu.memory_space<vmem>> -> memref<64xi32, #tpu.memory_space<vmem>>
    %dma_start3A_39 = arith.constant 0 : i32
    %dma_start3A_40 = arith.constant 0 : i32
    %dma_start3A_41 = tpu.memref_slice %arg4[%arg0, %dma_start3A_39, %dma_start3A_40] : memref<2x10112x128xf32, #tpu.memory_space<hbm>> -> memref<1x10112x128xf32, #tpu.memory_space<hbm>>
    %dma_start3A_42 = tpu.memref_squeeze %dma_start3A_41 : memref<1x10112x128xf32, #tpu.memory_space<hbm>> -> memref<10112x128xf32, #tpu.memory_space<hbm>>
    %dma_start3A_43 = arith.constant 0 : i32
    %dma_start3A_44 = arith.constant 0 : i32
    %dma_start3A_45 = tpu.memref_slice %dma_start3A_42[%dma_start3A_43, %dma_start3A_44] : memref<10112x128xf32, #tpu.memory_space<hbm>> -> memref<10112x128xf32, #tpu.memory_space<hbm>>
    %dma_start3A_46 = tpu.memref_slice %arg10[%dma_start3A_31] : memref<3x!tpu.dma_semaphore, #tpu.memory_space<semaphore_mem>> -> memref<1x!tpu.dma_semaphore, #tpu.memory_space<semaphore_mem>>
    %dma_start3A_47 = tpu.memref_squeeze %dma_start3A_46 : memref<1x!tpu.dma_semaphore, #tpu.memory_space<semaphore_mem>> -> memref<!tpu.dma_semaphore, #tpu.memory_space<semaphore_mem>>
    tpu.enqueue_indirect_dma source(%dma_start3A_45 : memref<10112x128xf32, #tpu.memory_space<hbm>>) target(%dma_start3A_35 : memref<64x128xf32, #tpu.memory_space<vmem>>) offsets(%dma_start3A_38 : memref<64xi32, #tpu.memory_space<vmem>>) semaphore(%dma_start3A_47 : memref<!tpu.dma_semaphore, #tpu.memory_space<semaphore_mem>>)
    %scan3A_48 = arith.constant 0 : i32
    %scan3A_49 = arith.constant 0 : i32
    %scan3A_50 = arith.constant 160 : i32
    %scan3A_51 = arith.addi %scan3A_49, %scan3A_50 : i32
    %scan3A_52 = arith.constant 1 : i32
    scf.for %scan3A_228 = %scan3A_49 to %scan3A_51 step %scan3A_52  : i32 {
      %rem3A = arith.constant 3 : i32
      %rem3A_229 = arith.remsi %scan3A_228, %rem3A : i32
      %dma_wait3A_230 = arith.constant 0 : i32
      %dma_wait3A_231 = arith.constant 0 : i32
      %dma_wait3A_232 = arith.constant 0 : i32
      %dma_wait3A_233 = arith.constant 0 : i32
      %dma_wait3A_234 = tpu.memref_slice %arg8[%dma_wait3A_231, %dma_wait3A_232, %dma_wait3A_233] : memref<3x64x128xf32, #tpu.memory_space<vmem>> -> memref<1x64x128xf32, #tpu.memory_space<vmem>>
      %dma_wait3A_235 = tpu.memref_squeeze %dma_wait3A_234 : memref<1x64x128xf32, #tpu.memory_space<vmem>> -> memref<64x128xf32, #tpu.memory_space<vmem>>
      %dma_wait3A_236 = arith.constant 0 : i32
      %dma_wait3A_237 = tpu.memref_slice %arg6[%dma_wait3A_230, %dma_wait3A_236] : memref<160x64xi32, #tpu.memory_space<vmem>> -> memref<1x64xi32, #tpu.memory_space<vmem>>
      %dma_wait3A_238 = tpu.memref_squeeze %dma_wait3A_237 : memref<1x64xi32, #tpu.memory_space<vmem>> -> memref<64xi32, #tpu.memory_space<vmem>>
      %dma_wait3A_239 = arith.constant 0 : i32
      %dma_wait3A_240 = arith.constant 0 : i32
      %dma_wait3A_241 = tpu.memref_slice %arg4[%arg0, %dma_wait3A_239, %dma_wait3A_240] : memref<2x10112x128xf32, #tpu.memory_space<hbm>> -> memref<1x10112x128xf32, #tpu.memory_space<hbm>>
      %dma_wait3A_242 = tpu.memref_squeeze %dma_wait3A_241 : memref<1x10112x128xf32, #tpu.memory_space<hbm>> -> memref<10112x128xf32, #tpu.memory_space<hbm>>
      %dma_wait3A_243 = arith.constant 0 : i32
      %dma_wait3A_244 = arith.constant 0 : i32
      %dma_wait3A_245 = tpu.memref_slice %dma_wait3A_242[%dma_wait3A_243, %dma_wait3A_244] : memref<10112x128xf32, #tpu.memory_space<hbm>> -> memref<10112x128xf32, #tpu.memory_space<hbm>>
      %dma_wait3A_246 = tpu.memref_slice %arg10[%rem3A_229] : memref<3x!tpu.dma_semaphore, #tpu.memory_space<semaphore_mem>> -> memref<1x!tpu.dma_semaphore, #tpu.memory_space<semaphore_mem>>
      %dma_wait3A_247 = tpu.memref_squeeze %dma_wait3A_246 : memref<1x!tpu.dma_semaphore, #tpu.memory_space<semaphore_mem>> -> memref<!tpu.dma_semaphore, #tpu.memory_space<semaphore_mem>>
      tpu.wait_indirect_dma semaphore(%dma_wait3A_247 : memref<!tpu.dma_semaphore, #tpu.memory_space<semaphore_mem>>) src(%dma_wait3A_245 : memref<10112x128xf32, #tpu.memory_space<hbm>>) dst(%dma_wait3A_235 : memref<64x128xf32, #tpu.memory_space<vmem>>)
      %dma_start3A_248 = arith.constant 0 : i32
      %dma_start3A_249 = arith.constant 0 : i32
      %dma_start3A_250 = tpu.memref_slice %arg8[%rem3A_229, %dma_start3A_248, %dma_start3A_249] : memref<3x64x128xf32, #tpu.memory_space<vmem>> -> memref<1x64x128xf32, #tpu.memory_space<vmem>>
      %dma_start3A_251 = tpu.memref_squeeze %dma_start3A_250 : memref<1x64x128xf32, #tpu.memory_space<vmem>> -> memref<64x128xf32, #tpu.memory_space<vmem>>
      %dma_start3A_252 = arith.constant 0 : i32
      %dma_start3A_253 = tpu.memref_slice %arg7[%scan3A_228, %dma_start3A_252] : memref<160x64xi32, #tpu.memory_space<vmem>> -> memref<1x64xi32, #tpu.memory_space<vmem>>
      %dma_start3A_254 = tpu.memref_squeeze %dma_start3A_253 : memref<1x64xi32, #tpu.memory_space<vmem>> -> memref<64xi32, #tpu.memory_space<vmem>>
      %dma_start3A_255 = arith.constant 0 : i32
      %dma_start3A_256 = arith.constant 0 : i32
      %dma_start3A_257 = tpu.memref_slice %arg9[%dma_start3A_255, %dma_start3A_256] : memref<5064x128xf32, #tpu.memory_space<vmem_shared>> -> memref<5064x128xf32, #tpu.memory_space<vmem_shared>>
      %dma_start3A_258 = tpu.memref_slice %arg11[%rem3A_229] : memref<3x!tpu.dma_semaphore, #tpu.memory_space<semaphore_mem>> -> memref<1x!tpu.dma_semaphore, #tpu.memory_space<semaphore_mem>>
      %dma_start3A_259 = tpu.memref_squeeze %dma_start3A_258 : memref<1x!tpu.dma_semaphore, #tpu.memory_space<semaphore_mem>> -> memref<!tpu.dma_semaphore, #tpu.memory_space<semaphore_mem>>
      tpu.enqueue_indirect_dma source(%dma_start3A_251 : memref<64x128xf32, #tpu.memory_space<vmem>>) target(%dma_start3A_257 : memref<5064x128xf32, #tpu.memory_space<vmem_shared>>) offsets(%dma_start3A_254 : memref<64xi32, #tpu.memory_space<vmem>>) semaphore(%dma_start3A_259 : memref<!tpu.dma_semaphore, #tpu.memory_space<semaphore_mem>>) {add = true}
      %add3A = arith.constant 2 : i32
      %add3A_260 = arith.addi %scan3A_228, %add3A : i32
      %lt3A_261 = arith.constant 160 : i32
      %lt3A_262 = arith.cmpi slt, %add3A_260, %lt3A_261 : i32
      %convert_element_type3A_263 = arith.extui %lt3A_262 : i1 to i32
      %cond3A_264 = arith.constant 0 : i32
      %cond3A_265 = arith.cmpi ne, %convert_element_type3A_263, %cond3A_264 : i32
      scf.if %cond3A_265 {
        %rem3A_266 = arith.constant 3 : i32
        %rem3A_267 = arith.remsi %add3A_260, %rem3A_266 : i32
        %ge3A = arith.constant 3 : i32
        %ge3A_268 = arith.cmpi sge, %add3A_260, %ge3A : i32
        %convert_element_type3A_269 = arith.extui %ge3A_268 : i1 to i32
        %cond3A_270 = arith.constant 0 : i32
        %cond3A_271 = arith.cmpi ne, %convert_element_type3A_269, %cond3A_270 : i32
        scf.if %cond3A_271 {
          %dma_wait3A_288 = arith.constant 0 : i32
          %dma_wait3A_289 = arith.constant 0 : i32
          %dma_wait3A_290 = arith.constant 0 : i32
          %dma_wait3A_291 = arith.constant 0 : i32
          %dma_wait3A_292 = tpu.memref_slice %arg8[%dma_wait3A_288, %dma_wait3A_290, %dma_wait3A_291] : memref<3x64x128xf32, #tpu.memory_space<vmem>> -> memref<1x64x128xf32, #tpu.memory_space<vmem>>
          %dma_wait3A_293 = tpu.memref_squeeze %dma_wait3A_292 : memref<1x64x128xf32, #tpu.memory_space<vmem>> -> memref<64x128xf32, #tpu.memory_space<vmem>>
          %dma_wait3A_294 = arith.constant 0 : i32
          %dma_wait3A_295 = tpu.memref_slice %arg7[%dma_wait3A_289, %dma_wait3A_294] : memref<160x64xi32, #tpu.memory_space<vmem>> -> memref<1x64xi32, #tpu.memory_space<vmem>>
          %dma_wait3A_296 = tpu.memref_squeeze %dma_wait3A_295 : memref<1x64xi32, #tpu.memory_space<vmem>> -> memref<64xi32, #tpu.memory_space<vmem>>
          %dma_wait3A_297 = arith.constant 0 : i32
          %dma_wait3A_298 = arith.constant 0 : i32
          %dma_wait3A_299 = tpu.memref_slice %arg9[%dma_wait3A_297, %dma_wait3A_298] : memref<5064x128xf32, #tpu.memory_space<vmem_shared>> -> memref<5064x128xf32, #tpu.memory_space<vmem_shared>>
          %dma_wait3A_300 = tpu.memref_slice %arg11[%rem3A_267] : memref<3x!tpu.dma_semaphore, #tpu.memory_space<semaphore_mem>> -> memref<1x!tpu.dma_semaphore, #tpu.memory_space<semaphore_mem>>
          %dma_wait3A_301 = tpu.memref_squeeze %dma_wait3A_300 : memref<1x!tpu.dma_semaphore, #tpu.memory_space<semaphore_mem>> -> memref<!tpu.dma_semaphore, #tpu.memory_space<semaphore_mem>>
          tpu.wait_indirect_dma semaphore(%dma_wait3A_301 : memref<!tpu.dma_semaphore, #tpu.memory_space<semaphore_mem>>) src(%dma_wait3A_293 : memref<64x128xf32, #tpu.memory_space<vmem>>) dst(%dma_wait3A_299 : memref<5064x128xf32, #tpu.memory_space<vmem_shared>>)
        } else {
        }
        %dma_start3A_272 = arith.constant 0 : i32
        %dma_start3A_273 = arith.constant 0 : i32
        %dma_start3A_274 = tpu.memref_slice %arg8[%rem3A_267, %dma_start3A_272, %dma_start3A_273] : memref<3x64x128xf32, #tpu.memory_space<vmem>> -> memref<1x64x128xf32, #tpu.memory_space<vmem>>
        %dma_start3A_275 = tpu.memref_squeeze %dma_start3A_274 : memref<1x64x128xf32, #tpu.memory_space<vmem>> -> memref<64x128xf32, #tpu.memory_space<vmem>>
        %dma_start3A_276 = arith.constant 0 : i32
        %dma_start3A_277 = tpu.memref_slice %arg6[%add3A_260, %dma_start3A_276] : memref<160x64xi32, #tpu.memory_space<vmem>> -> memref<1x64xi32, #tpu.memory_space<vmem>>
        %dma_start3A_278 = tpu.memref_squeeze %dma_start3A_277 : memref<1x64xi32, #tpu.memory_space<vmem>> -> memref<64xi32, #tpu.memory_space<vmem>>
        %dma_start3A_279 = arith.constant 0 : i32
        %dma_start3A_280 = arith.constant 0 : i32
        %dma_start3A_281 = tpu.memref_slice %arg4[%arg0, %dma_start3A_279, %dma_start3A_280] : memref<2x10112x128xf32, #tpu.memory_space<hbm>> -> memref<1x10112x128xf32, #tpu.memory_space<hbm>>
        %dma_start3A_282 = tpu.memref_squeeze %dma_start3A_281 : memref<1x10112x128xf32, #tpu.memory_space<hbm>> -> memref<10112x128xf32, #tpu.memory_space<hbm>>
        %dma_start3A_283 = arith.constant 0 : i32
        %dma_start3A_284 = arith.constant 0 : i32
        %dma_start3A_285 = tpu.memref_slice %dma_start3A_282[%dma_start3A_283, %dma_start3A_284] : memref<10112x128xf32, #tpu.memory_space<hbm>> -> memref<10112x128xf32, #tpu.memory_space<hbm>>
        %dma_start3A_286 = tpu.memref_slice %arg10[%rem3A_267] : memref<3x!tpu.dma_semaphore, #tpu.memory_space<semaphore_mem>> -> memref<1x!tpu.dma_semaphore, #tpu.memory_space<semaphore_mem>>
        %dma_start3A_287 = tpu.memref_squeeze %dma_start3A_286 : memref<1x!tpu.dma_semaphore, #tpu.memory_space<semaphore_mem>> -> memref<!tpu.dma_semaphore, #tpu.memory_space<semaphore_mem>>
        tpu.enqueue_indirect_dma source(%dma_start3A_285 : memref<10112x128xf32, #tpu.memory_space<hbm>>) target(%dma_start3A_275 : memref<64x128xf32, #tpu.memory_space<vmem>>) offsets(%dma_start3A_278 : memref<64xi32, #tpu.memory_space<vmem>>) semaphore(%dma_start3A_287 : memref<!tpu.dma_semaphore, #tpu.memory_space<semaphore_mem>>)
      } else {
      }
    }
    %scan3A_53 = arith.constant 160 : i32
    %dma_wait3A = arith.constant 0 : i32
    %dma_wait3A_54 = arith.constant 0 : i32
    %dma_wait3A_55 = arith.constant 1 : i32
    %dma_wait3A_56 = arith.constant 0 : i32
    %dma_wait3A_57 = arith.constant 0 : i32
    %dma_wait3A_58 = tpu.memref_slice %arg8[%dma_wait3A, %dma_wait3A_56, %dma_wait3A_57] : memref<3x64x128xf32, #tpu.memory_space<vmem>> -> memref<1x64x128xf32, #tpu.memory_space<vmem>>
    %dma_wait3A_59 = tpu.memref_squeeze %dma_wait3A_58 : memref<1x64x128xf32, #tpu.memory_space<vmem>> -> memref<64x128xf32, #tpu.memory_space<vmem>>
    %dma_wait3A_60 = arith.constant 0 : i32
    %dma_wait3A_61 = tpu.memref_slice %arg7[%dma_wait3A_54, %dma_wait3A_60] : memref<160x64xi32, #tpu.memory_space<vmem>> -> memref<1x64xi32, #tpu.memory_space<vmem>>
    %dma_wait3A_62 = tpu.memref_squeeze %dma_wait3A_61 : memref<1x64xi32, #tpu.memory_space<vmem>> -> memref<64xi32, #tpu.memory_space<vmem>>
    %dma_wait3A_63 = arith.constant 0 : i32
    %dma_wait3A_64 = arith.constant 0 : i32
    %dma_wait3A_65 = tpu.memref_slice %arg9[%dma_wait3A_63, %dma_wait3A_64] : memref<5064x128xf32, #tpu.memory_space<vmem_shared>> -> memref<5064x128xf32, #tpu.memory_space<vmem_shared>>
    %dma_wait3A_66 = tpu.memref_slice %arg11[%dma_wait3A_55] : memref<3x!tpu.dma_semaphore, #tpu.memory_space<semaphore_mem>> -> memref<1x!tpu.dma_semaphore, #tpu.memory_space<semaphore_mem>>
    %dma_wait3A_67 = tpu.memref_squeeze %dma_wait3A_66 : memref<1x!tpu.dma_semaphore, #tpu.memory_space<semaphore_mem>> -> memref<!tpu.dma_semaphore, #tpu.memory_space<semaphore_mem>>
    tpu.wait_indirect_dma semaphore(%dma_wait3A_67 : memref<!tpu.dma_semaphore, #tpu.memory_space<semaphore_mem>>) src(%dma_wait3A_59 : memref<64x128xf32, #tpu.memory_space<vmem>>) dst(%dma_wait3A_65 : memref<5064x128xf32, #tpu.memory_space<vmem_shared>>)
    %dma_wait3A_68 = arith.constant 0 : i32
    %dma_wait3A_69 = arith.constant 0 : i32
    %dma_wait3A_70 = arith.constant 2 : i32
    %dma_wait3A_71 = arith.constant 0 : i32
    %dma_wait3A_72 = arith.constant 0 : i32
    %dma_wait3A_73 = tpu.memref_slice %arg8[%dma_wait3A_68, %dma_wait3A_71, %dma_wait3A_72] : memref<3x64x128xf32, #tpu.memory_space<vmem>> -> memref<1x64x128xf32, #tpu.memory_space<vmem>>
    %dma_wait3A_74 = tpu.memref_squeeze %dma_wait3A_73 : memref<1x64x128xf32, #tpu.memory_space<vmem>> -> memref<64x128xf32, #tpu.memory_space<vmem>>
    %dma_wait3A_75 = arith.constant 0 : i32
    %dma_wait3A_76 = tpu.memref_slice %arg7[%dma_wait3A_69, %dma_wait3A_75] : memref<160x64xi32, #tpu.memory_space<vmem>> -> memref<1x64xi32, #tpu.memory_space<vmem>>
    %dma_wait3A_77 = tpu.memref_squeeze %dma_wait3A_76 : memref<1x64xi32, #tpu.memory_space<vmem>> -> memref<64xi32, #tpu.memory_space<vmem>>
    %dma_wait3A_78 = arith.constant 0 : i32
    %dma_wait3A_79 = arith.constant 0 : i32
    %dma_wait3A_80 = tpu.memref_slice %arg9[%dma_wait3A_78, %dma_wait3A_79] : memref<5064x128xf32, #tpu.memory_space<vmem_shared>> -> memref<5064x128xf32, #tpu.memory_space<vmem_shared>>
    %dma_wait3A_81 = tpu.memref_slice %arg11[%dma_wait3A_70] : memref<3x!tpu.dma_semaphore, #tpu.memory_space<semaphore_mem>> -> memref<1x!tpu.dma_semaphore, #tpu.memory_space<semaphore_mem>>
    %dma_wait3A_82 = tpu.memref_squeeze %dma_wait3A_81 : memref<1x!tpu.dma_semaphore, #tpu.memory_space<semaphore_mem>> -> memref<!tpu.dma_semaphore, #tpu.memory_space<semaphore_mem>>
    tpu.wait_indirect_dma semaphore(%dma_wait3A_82 : memref<!tpu.dma_semaphore, #tpu.memory_space<semaphore_mem>>) src(%dma_wait3A_74 : memref<64x128xf32, #tpu.memory_space<vmem>>) dst(%dma_wait3A_80 : memref<5064x128xf32, #tpu.memory_space<vmem_shared>>)
    %dma_wait3A_83 = arith.constant 0 : i32
    %dma_wait3A_84 = arith.constant 0 : i32
    %dma_wait3A_85 = arith.constant 0 : i32
    %dma_wait3A_86 = arith.constant 0 : i32
    %dma_wait3A_87 = arith.constant 0 : i32
    %dma_wait3A_88 = tpu.memref_slice %arg8[%dma_wait3A_83, %dma_wait3A_86, %dma_wait3A_87] : memref<3x64x128xf32, #tpu.memory_space<vmem>> -> memref<1x64x128xf32, #tpu.memory_space<vmem>>
    %dma_wait3A_89 = tpu.memref_squeeze %dma_wait3A_88 : memref<1x64x128xf32, #tpu.memory_space<vmem>> -> memref<64x128xf32, #tpu.memory_space<vmem>>
    %dma_wait3A_90 = arith.constant 0 : i32
    %dma_wait3A_91 = tpu.memref_slice %arg7[%dma_wait3A_84, %dma_wait3A_90] : memref<160x64xi32, #tpu.memory_space<vmem>> -> memref<1x64xi32, #tpu.memory_space<vmem>>
    %dma_wait3A_92 = tpu.memref_squeeze %dma_wait3A_91 : memref<1x64xi32, #tpu.memory_space<vmem>> -> memref<64xi32, #tpu.memory_space<vmem>>
    %dma_wait3A_93 = arith.constant 0 : i32
    %dma_wait3A_94 = arith.constant 0 : i32
    %dma_wait3A_95 = tpu.memref_slice %arg9[%dma_wait3A_93, %dma_wait3A_94] : memref<5064x128xf32, #tpu.memory_space<vmem_shared>> -> memref<5064x128xf32, #tpu.memory_space<vmem_shared>>
    %dma_wait3A_96 = tpu.memref_slice %arg11[%dma_wait3A_85] : memref<3x!tpu.dma_semaphore, #tpu.memory_space<semaphore_mem>> -> memref<1x!tpu.dma_semaphore, #tpu.memory_space<semaphore_mem>>
    %dma_wait3A_97 = tpu.memref_squeeze %dma_wait3A_96 : memref<1x!tpu.dma_semaphore, #tpu.memory_space<semaphore_mem>> -> memref<!tpu.dma_semaphore, #tpu.memory_space<semaphore_mem>>
    tpu.wait_indirect_dma semaphore(%dma_wait3A_97 : memref<!tpu.dma_semaphore, #tpu.memory_space<semaphore_mem>>) src(%dma_wait3A_89 : memref<64x128xf32, #tpu.memory_space<vmem>>) dst(%dma_wait3A_95 : memref<5064x128xf32, #tpu.memory_space<vmem_shared>>)
    %barrier3A_98 = arith.constant 0 : index
    tpu.barrier barrier_id(%barrier3A_98)
    %lt3A_99 = arith.constant 15 : i32
    %lt3A_100 = arith.cmpi slt, %arg1, %lt3A_99 : i32
    %convert_element_type3A_101 = arith.extui %lt3A_100 : i1 to i32
    %cond3A_102 = arith.constant 0 : i32
    %cond3A_103 = arith.cmpi ne, %convert_element_type3A_101, %cond3A_102 : i32
    scf.if %cond3A_103 {
      %mul3A = arith.constant 320 : i32
      %mul3A_228 = arith.muli %arg1, %mul3A : i32
      %mul3A_229 = arith.constant 320 : i32
      %mul3A_230 = arith.muli %arg1, %mul3A_229 : i32
      %add3A = arith.constant 0 : i32
      %add3A_231 = arith.addi %add3A, %mul3A_230 : i32
      "tpu.region"() ({
        %run_scoped3A = tpu.sem_alloc : memref<!tpu.dma_semaphore, #tpu.memory_space<semaphore_mem>>
        %dma_start3A_232 = arith.constant 0 : i32
        %dma_start3A_233 = tpu.memref_slice %arg5[%arg0, %add3A_231, %dma_start3A_232] : memref<2x10112x128xf32, #tpu.memory_space<hbm>> -> memref<1x320x128xf32, #tpu.memory_space<hbm>>
        %dma_start3A_234 = tpu.memref_squeeze %dma_start3A_233 : memref<1x320x128xf32, #tpu.memory_space<hbm>> -> memref<320x128xf32, #tpu.memory_space<hbm>>
        %dma_start3A_235 = arith.constant 0 : i32
        %dma_start3A_236 = tpu.memref_slice %arg9[%mul3A_228, %dma_start3A_235] : memref<5064x128xf32, #tpu.memory_space<vmem_shared>> -> memref<320x128xf32, #tpu.memory_space<vmem_shared>>
        tpu.enqueue_dma source(%dma_start3A_236 : memref<320x128xf32, #tpu.memory_space<vmem_shared>>) target(%dma_start3A_234 : memref<320x128xf32, #tpu.memory_space<hbm>>) target_semaphore(%run_scoped3A : memref<!tpu.dma_semaphore, #tpu.memory_space<semaphore_mem>>)
        %dma_wait3A_237 = arith.constant 0 : i32
        %dma_wait3A_238 = tpu.memref_slice %arg5[%arg0, %add3A_231, %dma_wait3A_237] : memref<2x10112x128xf32, #tpu.memory_space<hbm>> -> memref<1x320x128xf32, #tpu.memory_space<hbm>>
        %dma_wait3A_239 = tpu.memref_squeeze %dma_wait3A_238 : memref<1x320x128xf32, #tpu.memory_space<hbm>> -> memref<320x128xf32, #tpu.memory_space<hbm>>
        %dma_wait3A_240 = arith.constant 0 : i32
        %dma_wait3A_241 = tpu.memref_slice %arg9[%mul3A_228, %dma_wait3A_240] : memref<5064x128xf32, #tpu.memory_space<vmem_shared>> -> memref<320x128xf32, #tpu.memory_space<vmem_shared>>
        tpu.wait_dma2 semaphore(%run_scoped3A : memref<!tpu.dma_semaphore, #tpu.memory_space<semaphore_mem>>) src(%dma_wait3A_241 : memref<320x128xf32, #tpu.memory_space<vmem_shared>>) dst(%dma_wait3A_239 : memref<320x128xf32, #tpu.memory_space<hbm>>)
        tpu.yield
      }) : () -> ()
    } else {
    }
    %eq3A_104 = arith.constant 15 : i32
    %eq3A_105 = arith.cmpi eq, %arg1, %eq3A_104 : i32
    %convert_element_type3A_106 = arith.extui %eq3A_105 : i1 to i32
    %cond3A_107 = arith.constant 0 : i32
    %cond3A_108 = arith.cmpi ne, %convert_element_type3A_106, %cond3A_107 : i32
    scf.if %cond3A_108 {
      "tpu.region"() ({
        %run_scoped3A = tpu.sem_alloc : memref<!tpu.dma_semaphore, #tpu.memory_space<semaphore_mem>>
        %dma_start3A_228 = arith.constant 4800 : i32
        %dma_start3A_229 = arith.constant 0 : i32
        %dma_start3A_230 = tpu.memref_slice %arg5[%arg0, %dma_start3A_228, %dma_start3A_229] : memref<2x10112x128xf32, #tpu.memory_space<hbm>> -> memref<1x256x128xf32, #tpu.memory_space<hbm>>
        %dma_start3A_231 = tpu.memref_squeeze %dma_start3A_230 : memref<1x256x128xf32, #tpu.memory_space<hbm>> -> memref<256x128xf32, #tpu.memory_space<hbm>>
        %dma_start3A_232 = arith.constant 4800 : i32
        %dma_start3A_233 = arith.constant 0 : i32
        %dma_start3A_234 = tpu.memref_slice %arg9[%dma_start3A_232, %dma_start3A_233] : memref<5064x128xf32, #tpu.memory_space<vmem_shared>> -> memref<256x128xf32, #tpu.memory_space<vmem_shared>>
        tpu.enqueue_dma source(%dma_start3A_234 : memref<256x128xf32, #tpu.memory_space<vmem_shared>>) target(%dma_start3A_231 : memref<256x128xf32, #tpu.memory_space<hbm>>) target_semaphore(%run_scoped3A : memref<!tpu.dma_semaphore, #tpu.memory_space<semaphore_mem>>)
        %dma_wait3A_235 = arith.constant 4800 : i32
        %dma_wait3A_236 = arith.constant 0 : i32
        %dma_wait3A_237 = tpu.memref_slice %arg5[%arg0, %dma_wait3A_235, %dma_wait3A_236] : memref<2x10112x128xf32, #tpu.memory_space<hbm>> -> memref<1x256x128xf32, #tpu.memory_space<hbm>>
        %dma_wait3A_238 = tpu.memref_squeeze %dma_wait3A_237 : memref<1x256x128xf32, #tpu.memory_space<hbm>> -> memref<256x128xf32, #tpu.memory_space<hbm>>
        %dma_wait3A_239 = arith.constant 4800 : i32
        %dma_wait3A_240 = arith.constant 0 : i32
        %dma_wait3A_241 = tpu.memref_slice %arg9[%dma_wait3A_239, %dma_wait3A_240] : memref<5064x128xf32, #tpu.memory_space<vmem_shared>> -> memref<256x128xf32, #tpu.memory_space<vmem_shared>>
        tpu.wait_dma2 semaphore(%run_scoped3A : memref<!tpu.dma_semaphore, #tpu.memory_space<semaphore_mem>>) src(%dma_wait3A_241 : memref<256x128xf32, #tpu.memory_space<vmem_shared>>) dst(%dma_wait3A_238 : memref<256x128xf32, #tpu.memory_space<hbm>>)
        tpu.yield
      }) : () -> ()
    } else {
    }
    %barrier3A_109 = arith.constant 0 : index
    tpu.barrier barrier_id(%barrier3A_109)
    "tpu.region"() ({
      %run_scoped3A = tpu.sem_alloc : memref<!tpu.dma_semaphore, #tpu.memory_space<semaphore_mem>>
      %dma_start3A_228 = arith.constant 0 : i32
      %dma_start3A_229 = arith.constant 0 : i32
      %dma_start3A_230 = tpu.memref_slice %arg3[%arg1, %dma_start3A_228, %dma_start3A_229] : memref<16x160x64xi32, #tpu.memory_space<hbm>> -> memref<1x160x64xi32, #tpu.memory_space<hbm>>
      %dma_start3A_231 = tpu.memref_squeeze %dma_start3A_230 : memref<1x160x64xi32, #tpu.memory_space<hbm>> -> memref<160x64xi32, #tpu.memory_space<hbm>>
      %dma_start3A_232 = arith.constant 0 : i32
      %dma_start3A_233 = arith.constant 0 : i32
      %dma_start3A_234 = tpu.memref_slice %arg3[%arg1, %dma_start3A_232, %dma_start3A_233] : memref<16x160x64xi32, #tpu.memory_space<hbm>> -> memref<1x160x64xi32, #tpu.memory_space<hbm>>
      %dma_start3A_235 = tpu.memref_squeeze %dma_start3A_234 : memref<1x160x64xi32, #tpu.memory_space<hbm>> -> memref<160x64xi32, #tpu.memory_space<hbm>>
      tpu.enqueue_dma source(%dma_start3A_235 : memref<160x64xi32, #tpu.memory_space<hbm>>) target(%arg7 : memref<160x64xi32, #tpu.memory_space<vmem>>) target_semaphore(%run_scoped3A : memref<!tpu.dma_semaphore, #tpu.memory_space<semaphore_mem>>)
      %dma_wait3A_236 = arith.constant 0 : i32
      %dma_wait3A_237 = arith.constant 0 : i32
      %dma_wait3A_238 = tpu.memref_slice %arg3[%arg1, %dma_wait3A_236, %dma_wait3A_237] : memref<16x160x64xi32, #tpu.memory_space<hbm>> -> memref<1x160x64xi32, #tpu.memory_space<hbm>>
      %dma_wait3A_239 = tpu.memref_squeeze %dma_wait3A_238 : memref<1x160x64xi32, #tpu.memory_space<hbm>> -> memref<160x64xi32, #tpu.memory_space<hbm>>
      %dma_wait3A_240 = arith.constant 0 : i32
      %dma_wait3A_241 = arith.constant 0 : i32
      %dma_wait3A_242 = tpu.memref_slice %arg3[%arg1, %dma_wait3A_240, %dma_wait3A_241] : memref<16x160x64xi32, #tpu.memory_space<hbm>> -> memref<1x160x64xi32, #tpu.memory_space<hbm>>
      %dma_wait3A_243 = tpu.memref_squeeze %dma_wait3A_242 : memref<1x160x64xi32, #tpu.memory_space<hbm>> -> memref<160x64xi32, #tpu.memory_space<hbm>>
      tpu.wait_dma2 semaphore(%run_scoped3A : memref<!tpu.dma_semaphore, #tpu.memory_space<semaphore_mem>>) src(%dma_wait3A_243 : memref<160x64xi32, #tpu.memory_space<hbm>>) dst(%arg7 : memref<160x64xi32, #tpu.memory_space<vmem>>)
      tpu.yield
    }) : () -> ()
    %scan3A_110 = arith.constant 0 : i32
    %scan3A_111 = arith.constant 0 : i32
    %scan3A_112 = arith.constant 160 : i32
    %scan3A_113 = arith.addi %scan3A_111, %scan3A_112 : i32
    %scan3A_114 = arith.constant 1 : i32
    scf.for %scan3A_228 = %scan3A_111 to %scan3A_113 step %scan3A_114  : i32 {
      %get3A = arith.index_cast %scan3A_228 : i32 to index
      %get3A_229 = arith.constant 0 : index
      %get3A_230 = tpu.vector_load %arg7[%get3A, %get3A_229] {strides = array<i32>} : memref<160x64xi32, #tpu.memory_space<vmem>>, vector<1x16xi32>,
      %get3A_231 = vector.shape_cast %get3A_230 : vector<1x16xi32> to vector<16xi32>
      %sub3A = arith.constant 5056 : i32
      %sub3A_232 = vector.broadcast %sub3A : i32 to vector<16xi32>
      %sub3A_233 = arith.subi %get3A_231, %sub3A_232 : vector<16xi32>
      %ge3A = arith.constant 0 : i32
      %ge3A_234 = vector.broadcast %ge3A : i32 to vector<16xi32>
      %ge3A_235 = arith.cmpi sge, %sub3A_233, %ge3A_234 : vector<16xi32>
      %lt3A_236 = arith.constant 5056 : i32
      %lt3A_237 = vector.broadcast %lt3A_236 : i32 to vector<16xi32>
      %lt3A_238 = arith.cmpi slt, %sub3A_233, %lt3A_237 : vector<16xi32>
      %and3A = arith.andi %ge3A_235, %lt3A_238 : vector<16xi1>
      %jit3A = arith.constant 5056 : i32
      %broadcast_in_dim3A = vector.broadcast %jit3A : i32 to vector<16xi32>
      %select_n3A = arith.select %and3A, %sub3A_233, %broadcast_in_dim3A : vector<16xi1>, vector<16xi32>
      %swap3A = arith.index_cast %scan3A_228 : i32 to index
      %swap3A_239 = arith.constant 0 : index
      %swap3A_240 = tpu.vector_load %arg7[%swap3A, %swap3A_239] {strides = array<i32>} : memref<160x64xi32, #tpu.memory_space<vmem>>, vector<1x16xi32>,
      %swap3A_241 = vector.shape_cast %swap3A_240 : vector<1x16xi32> to vector<16xi32>
      %swap3A_242 = vector.shape_cast %select_n3A : vector<16xi32> to vector<1x16xi32>
      tpu.vector_store %arg7[%swap3A, %swap3A_239], %swap3A_242 {strides = array<i32>} : memref<160x64xi32, #tpu.memory_space<vmem>>, vector<1x16xi32>,
      %get3A_243 = arith.index_cast %scan3A_228 : i32 to index
      %get3A_244 = arith.constant 16 : index
      %get3A_245 = tpu.vector_load %arg7[%get3A_243, %get3A_244] {strides = array<i32>} : memref<160x64xi32, #tpu.memory_space<vmem>>, vector<1x16xi32>,
      %get3A_246 = vector.shape_cast %get3A_245 : vector<1x16xi32> to vector<16xi32>
      %sub3A_247 = arith.constant 5056 : i32
      %sub3A_248 = vector.broadcast %sub3A_247 : i32 to vector<16xi32>
      %sub3A_249 = arith.subi %get3A_246, %sub3A_248 : vector<16xi32>
      %ge3A_250 = arith.constant 0 : i32
      %ge3A_251 = vector.broadcast %ge3A_250 : i32 to vector<16xi32>
      %ge3A_252 = arith.cmpi sge, %sub3A_249, %ge3A_251 : vector<16xi32>
      %lt3A_253 = arith.constant 5056 : i32
      %lt3A_254 = vector.broadcast %lt3A_253 : i32 to vector<16xi32>
      %lt3A_255 = arith.cmpi slt, %sub3A_249, %lt3A_254 : vector<16xi32>
      %and3A_256 = arith.andi %ge3A_252, %lt3A_255 : vector<16xi1>
      %jit3A_257 = arith.constant 5056 : i32
      %broadcast_in_dim3A_258 = vector.broadcast %jit3A_257 : i32 to vector<16xi32>
      %select_n3A_259 = arith.select %and3A_256, %sub3A_249, %broadcast_in_dim3A_258 : vector<16xi1>, vector<16xi32>
      %swap3A_260 = arith.index_cast %scan3A_228 : i32 to index
      %swap3A_261 = arith.constant 16 : index
      %swap3A_262 = tpu.vector_load %arg7[%swap3A_260, %swap3A_261] {strides = array<i32>} : memref<160x64xi32, #tpu.memory_space<vmem>>, vector<1x16xi32>,
      %swap3A_263 = vector.shape_cast %swap3A_262 : vector<1x16xi32> to vector<16xi32>
      %swap3A_264 = vector.shape_cast %select_n3A_259 : vector<16xi32> to vector<1x16xi32>
      tpu.vector_store %arg7[%swap3A_260, %swap3A_261], %swap3A_264 {strides = array<i32>} : memref<160x64xi32, #tpu.memory_space<vmem>>, vector<1x16xi32>,
      %get3A_265 = arith.index_cast %scan3A_228 : i32 to index
      %get3A_266 = arith.constant 32 : index
      %get3A_267 = tpu.vector_load %arg7[%get3A_265, %get3A_266] {strides = array<i32>} : memref<160x64xi32, #tpu.memory_space<vmem>>, vector<1x16xi32>,
      %get3A_268 = vector.shape_cast %get3A_267 : vector<1x16xi32> to vector<16xi32>
      %sub3A_269 = arith.constant 5056 : i32
      %sub3A_270 = vector.broadcast %sub3A_269 : i32 to vector<16xi32>
      %sub3A_271 = arith.subi %get3A_268, %sub3A_270 : vector<16xi32>
      %ge3A_272 = arith.constant 0 : i32
      %ge3A_273 = vector.broadcast %ge3A_272 : i32 to vector<16xi32>
      %ge3A_274 = arith.cmpi sge, %sub3A_271, %ge3A_273 : vector<16xi32>
      %lt3A_275 = arith.constant 5056 : i32
      %lt3A_276 = vector.broadcast %lt3A_275 : i32 to vector<16xi32>
      %lt3A_277 = arith.cmpi slt, %sub3A_271, %lt3A_276 : vector<16xi32>
      %and3A_278 = arith.andi %ge3A_274, %lt3A_277 : vector<16xi1>
      %jit3A_279 = arith.constant 5056 : i32
      %broadcast_in_dim3A_280 = vector.broadcast %jit3A_279 : i32 to vector<16xi32>
      %select_n3A_281 = arith.select %and3A_278, %sub3A_271, %broadcast_in_dim3A_280 : vector<16xi1>, vector<16xi32>
      %swap3A_282 = arith.index_cast %scan3A_228 : i32 to index
      %swap3A_283 = arith.constant 32 : index
      %swap3A_284 = tpu.vector_load %arg7[%swap3A_282, %swap3A_283] {strides = array<i32>} : memref<160x64xi32, #tpu.memory_space<vmem>>, vector<1x16xi32>,
      %swap3A_285 = vector.shape_cast %swap3A_284 : vector<1x16xi32> to vector<16xi32>
      %swap3A_286 = vector.shape_cast %select_n3A_281 : vector<16xi32> to vector<1x16xi32>
      tpu.vector_store %arg7[%swap3A_282, %swap3A_283], %swap3A_286 {strides = array<i32>} : memref<160x64xi32, #tpu.memory_space<vmem>>, vector<1x16xi32>,
      %get3A_287 = arith.index_cast %scan3A_228 : i32 to index
      %get3A_288 = arith.constant 48 : index
      %get3A_289 = tpu.vector_load %arg7[%get3A_287, %get3A_288] {strides = array<i32>} : memref<160x64xi32, #tpu.memory_space<vmem>>, vector<1x16xi32>,
      %get3A_290 = vector.shape_cast %get3A_289 : vector<1x16xi32> to vector<16xi32>
      %sub3A_291 = arith.constant 5056 : i32
      %sub3A_292 = vector.broadcast %sub3A_291 : i32 to vector<16xi32>
      %sub3A_293 = arith.subi %get3A_290, %sub3A_292 : vector<16xi32>
      %ge3A_294 = arith.constant 0 : i32
      %ge3A_295 = vector.broadcast %ge3A_294 : i32 to vector<16xi32>
      %ge3A_296 = arith.cmpi sge, %sub3A_293, %ge3A_295 : vector<16xi32>
      %lt3A_297 = arith.constant 5056 : i32
      %lt3A_298 = vector.broadcast %lt3A_297 : i32 to vector<16xi32>
      %lt3A_299 = arith.cmpi slt, %sub3A_293, %lt3A_298 : vector<16xi32>
      %and3A_300 = arith.andi %ge3A_296, %lt3A_299 : vector<16xi1>
      %jit3A_301 = arith.constant 5056 : i32
      %broadcast_in_dim3A_302 = vector.broadcast %jit3A_301 : i32 to vector<16xi32>
      %select_n3A_303 = arith.select %and3A_300, %sub3A_293, %broadcast_in_dim3A_302 : vector<16xi1>, vector<16xi32>
      %swap3A_304 = arith.index_cast %scan3A_228 : i32 to index
      %swap3A_305 = arith.constant 48 : index
      %swap3A_306 = tpu.vector_load %arg7[%swap3A_304, %swap3A_305] {strides = array<i32>} : memref<160x64xi32, #tpu.memory_space<vmem>>, vector<1x16xi32>,
      %swap3A_307 = vector.shape_cast %swap3A_306 : vector<1x16xi32> to vector<16xi32>
      %swap3A_308 = vector.shape_cast %select_n3A_303 : vector<16xi32> to vector<1x16xi32>
      tpu.vector_store %arg7[%swap3A_304, %swap3A_305], %swap3A_308 {strides = array<i32>} : memref<160x64xi32, #tpu.memory_space<vmem>>, vector<1x16xi32>,
    }
    %scan3A_115 = arith.constant 160 : i32
    %lt3A_116 = arith.constant 15 : i32
    %lt3A_117 = arith.cmpi slt, %arg1, %lt3A_116 : i32
    %convert_element_type3A_118 = arith.extui %lt3A_117 : i1 to i32
    %cond3A_119 = arith.constant 0 : i32
    %cond3A_120 = arith.cmpi ne, %convert_element_type3A_118, %cond3A_119 : i32
    scf.if %cond3A_120 {
      %mul3A = arith.constant 320 : i32
      %mul3A_228 = arith.muli %arg1, %mul3A : i32
      %add3A = arith.constant 5056 : i32
      %add3A_229 = arith.addi %add3A, %mul3A_228 : i32
      %mul3A_230 = arith.constant 320 : i32
      %mul3A_231 = arith.muli %arg1, %mul3A_230 : i32
      "tpu.region"() ({
        %run_scoped3A = tpu.sem_alloc : memref<!tpu.dma_semaphore, #tpu.memory_space<semaphore_mem>>
        %dma_start3A_232 = arith.constant 0 : i32
        %dma_start3A_233 = tpu.memref_slice %arg9[%mul3A_231, %dma_start3A_232] : memref<5064x128xf32, #tpu.memory_space<vmem_shared>> -> memref<320x128xf32, #tpu.memory_space<vmem_shared>>
        %dma_start3A_234 = arith.constant 0 : i32
        %dma_start3A_235 = tpu.memref_slice %arg4[%arg0, %add3A_229, %dma_start3A_234] : memref<2x10112x128xf32, #tpu.memory_space<hbm>> -> memref<1x320x128xf32, #tpu.memory_space<hbm>>
        %dma_start3A_236 = tpu.memref_squeeze %dma_start3A_235 : memref<1x320x128xf32, #tpu.memory_space<hbm>> -> memref<320x128xf32, #tpu.memory_space<hbm>>
        tpu.enqueue_dma source(%dma_start3A_236 : memref<320x128xf32, #tpu.memory_space<hbm>>) target(%dma_start3A_233 : memref<320x128xf32, #tpu.memory_space<vmem_shared>>) target_semaphore(%run_scoped3A : memref<!tpu.dma_semaphore, #tpu.memory_space<semaphore_mem>>)
        %dma_wait3A_237 = arith.constant 0 : i32
        %dma_wait3A_238 = tpu.memref_slice %arg9[%mul3A_231, %dma_wait3A_237] : memref<5064x128xf32, #tpu.memory_space<vmem_shared>> -> memref<320x128xf32, #tpu.memory_space<vmem_shared>>
        %dma_wait3A_239 = arith.constant 0 : i32
        %dma_wait3A_240 = tpu.memref_slice %arg4[%arg0, %add3A_229, %dma_wait3A_239] : memref<2x10112x128xf32, #tpu.memory_space<hbm>> -> memref<1x320x128xf32, #tpu.memory_space<hbm>>
        %dma_wait3A_241 = tpu.memref_squeeze %dma_wait3A_240 : memref<1x320x128xf32, #tpu.memory_space<hbm>> -> memref<320x128xf32, #tpu.memory_space<hbm>>
        tpu.wait_dma2 semaphore(%run_scoped3A : memref<!tpu.dma_semaphore, #tpu.memory_space<semaphore_mem>>) src(%dma_wait3A_241 : memref<320x128xf32, #tpu.memory_space<hbm>>) dst(%dma_wait3A_238 : memref<320x128xf32, #tpu.memory_space<vmem_shared>>)
        tpu.yield
      }) : () -> ()
    } else {
    }
    %eq3A_121 = arith.constant 15 : i32
    %eq3A_122 = arith.cmpi eq, %arg1, %eq3A_121 : i32
    %convert_element_type3A_123 = arith.extui %eq3A_122 : i1 to i32
    %cond3A_124 = arith.constant 0 : i32
    %cond3A_125 = arith.cmpi ne, %convert_element_type3A_123, %cond3A_124 : i32
    scf.if %cond3A_125 {
      "tpu.region"() ({
        %run_scoped3A = tpu.sem_alloc : memref<!tpu.dma_semaphore, #tpu.memory_space<semaphore_mem>>
        %dma_start3A_228 = arith.constant 4800 : i32
        %dma_start3A_229 = arith.constant 0 : i32
        %dma_start3A_230 = tpu.memref_slice %arg9[%dma_start3A_228, %dma_start3A_229] : memref<5064x128xf32, #tpu.memory_space<vmem_shared>> -> memref<256x128xf32, #tpu.memory_space<vmem_shared>>
        %dma_start3A_231 = arith.constant 9856 : i32
        %dma_start3A_232 = arith.constant 0 : i32
        %dma_start3A_233 = tpu.memref_slice %arg4[%arg0, %dma_start3A_231, %dma_start3A_232] : memref<2x10112x128xf32, #tpu.memory_space<hbm>> -> memref<1x256x128xf32, #tpu.memory_space<hbm>>
        %dma_start3A_234 = tpu.memref_squeeze %dma_start3A_233 : memref<1x256x128xf32, #tpu.memory_space<hbm>> -> memref<256x128xf32, #tpu.memory_space<hbm>>
        tpu.enqueue_dma source(%dma_start3A_234 : memref<256x128xf32, #tpu.memory_space<hbm>>) target(%dma_start3A_230 : memref<256x128xf32, #tpu.memory_space<vmem_shared>>) target_semaphore(%run_scoped3A : memref<!tpu.dma_semaphore, #tpu.memory_space<semaphore_mem>>)
        %dma_wait3A_235 = arith.constant 4800 : i32
        %dma_wait3A_236 = arith.constant 0 : i32
        %dma_wait3A_237 = tpu.memref_slice %arg9[%dma_wait3A_235, %dma_wait3A_236] : memref<5064x128xf32, #tpu.memory_space<vmem_shared>> -> memref<256x128xf32, #tpu.memory_space<vmem_shared>>
        %dma_wait3A_238 = arith.constant 9856 : i32
        %dma_wait3A_239 = arith.constant 0 : i32
        %dma_wait3A_240 = tpu.memref_slice %arg4[%arg0, %dma_wait3A_238, %dma_wait3A_239] : memref<2x10112x128xf32, #tpu.memory_space<hbm>> -> memref<1x256x128xf32, #tpu.memory_space<hbm>>
        %dma_wait3A_241 = tpu.memref_squeeze %dma_wait3A_240 : memref<1x256x128xf32, #tpu.memory_space<hbm>> -> memref<256x128xf32, #tpu.memory_space<hbm>>
        tpu.wait_dma2 semaphore(%run_scoped3A : memref<!tpu.dma_semaphore, #tpu.memory_space<semaphore_mem>>) src(%dma_wait3A_241 : memref<256x128xf32, #tpu.memory_space<hbm>>) dst(%dma_wait3A_237 : memref<256x128xf32, #tpu.memory_space<vmem_shared>>)
        tpu.yield
      }) : () -> ()
    } else {
    }
    %barrier3A_126 = arith.constant 0 : index
    tpu.barrier barrier_id(%barrier3A_126)
    %dma_start3A_127 = arith.constant 0 : i32
    %dma_start3A_128 = arith.constant 0 : i32
    %dma_start3A_129 = arith.constant 0 : i32
    %dma_start3A_130 = arith.constant 0 : i32
    %dma_start3A_131 = arith.constant 0 : i32
    %dma_start3A_132 = tpu.memref_slice %arg8[%dma_start3A_128, %dma_start3A_130, %dma_start3A_131] : memref<3x64x128xf32, #tpu.memory_space<vmem>> -> memref<1x64x128xf32, #tpu.memory_space<vmem>>
    %dma_start3A_133 = tpu.memref_squeeze %dma_start3A_132 : memref<1x64x128xf32, #tpu.memory_space<vmem>> -> memref<64x128xf32, #tpu.memory_space<vmem>>
    %dma_start3A_134 = arith.constant 0 : i32
    %dma_start3A_135 = tpu.memref_slice %arg6[%dma_start3A_127, %dma_start3A_134] : memref<160x64xi32, #tpu.memory_space<vmem>> -> memref<1x64xi32, #tpu.memory_space<vmem>>
    %dma_start3A_136 = tpu.memref_squeeze %dma_start3A_135 : memref<1x64xi32, #tpu.memory_space<vmem>> -> memref<64xi32, #tpu.memory_space<vmem>>
    %dma_start3A_137 = arith.constant 0 : i32
    %dma_start3A_138 = arith.constant 0 : i32
    %dma_start3A_139 = tpu.memref_slice %arg4[%arg0, %dma_start3A_137, %dma_start3A_138] : memref<2x10112x128xf32, #tpu.memory_space<hbm>> -> memref<1x10112x128xf32, #tpu.memory_space<hbm>>
    %dma_start3A_140 = tpu.memref_squeeze %dma_start3A_139 : memref<1x10112x128xf32, #tpu.memory_space<hbm>> -> memref<10112x128xf32, #tpu.memory_space<hbm>>
    %dma_start3A_141 = arith.constant 0 : i32
    %dma_start3A_142 = arith.constant 0 : i32
    %dma_start3A_143 = tpu.memref_slice %dma_start3A_140[%dma_start3A_141, %dma_start3A_142] : memref<10112x128xf32, #tpu.memory_space<hbm>> -> memref<10112x128xf32, #tpu.memory_space<hbm>>
    %dma_start3A_144 = tpu.memref_slice %arg10[%dma_start3A_129] : memref<3x!tpu.dma_semaphore, #tpu.memory_space<semaphore_mem>> -> memref<1x!tpu.dma_semaphore, #tpu.memory_space<semaphore_mem>>
    %dma_start3A_145 = tpu.memref_squeeze %dma_start3A_144 : memref<1x!tpu.dma_semaphore, #tpu.memory_space<semaphore_mem>> -> memref<!tpu.dma_semaphore, #tpu.memory_space<semaphore_mem>>
    tpu.enqueue_indirect_dma source(%dma_start3A_143 : memref<10112x128xf32, #tpu.memory_space<hbm>>) target(%dma_start3A_133 : memref<64x128xf32, #tpu.memory_space<vmem>>) offsets(%dma_start3A_136 : memref<64xi32, #tpu.memory_space<vmem>>) semaphore(%dma_start3A_145 : memref<!tpu.dma_semaphore, #tpu.memory_space<semaphore_mem>>)
    %dma_start3A_146 = arith.constant 1 : i32
    %dma_start3A_147 = arith.constant 1 : i32
    %dma_start3A_148 = arith.constant 1 : i32
    %dma_start3A_149 = arith.constant 0 : i32
    %dma_start3A_150 = arith.constant 0 : i32
    %dma_start3A_151 = tpu.memref_slice %arg8[%dma_start3A_147, %dma_start3A_149, %dma_start3A_150] : memref<3x64x128xf32, #tpu.memory_space<vmem>> -> memref<1x64x128xf32, #tpu.memory_space<vmem>>
    %dma_start3A_152 = tpu.memref_squeeze %dma_start3A_151 : memref<1x64x128xf32, #tpu.memory_space<vmem>> -> memref<64x128xf32, #tpu.memory_space<vmem>>
    %dma_start3A_153 = arith.constant 0 : i32
    %dma_start3A_154 = tpu.memref_slice %arg6[%dma_start3A_146, %dma_start3A_153] : memref<160x64xi32, #tpu.memory_space<vmem>> -> memref<1x64xi32, #tpu.memory_space<vmem>>
    %dma_start3A_155 = tpu.memref_squeeze %dma_start3A_154 : memref<1x64xi32, #tpu.memory_space<vmem>> -> memref<64xi32, #tpu.memory_space<vmem>>
    %dma_start3A_156 = arith.constant 0 : i32
    %dma_start3A_157 = arith.constant 0 : i32
    %dma_start3A_158 = tpu.memref_slice %arg4[%arg0, %dma_start3A_156, %dma_start3A_157] : memref<2x10112x128xf32, #tpu.memory_space<hbm>> -> memref<1x10112x128xf32, #tpu.memory_space<hbm>>
    %dma_start3A_159 = tpu.memref_squeeze %dma_start3A_158 : memref<1x10112x128xf32, #tpu.memory_space<hbm>> -> memref<10112x128xf32, #tpu.memory_space<hbm>>
    %dma_start3A_160 = arith.constant 0 : i32
    %dma_start3A_161 = arith.constant 0 : i32
    %dma_start3A_162 = tpu.memref_slice %dma_start3A_159[%dma_start3A_160, %dma_start3A_161] : memref<10112x128xf32, #tpu.memory_space<hbm>> -> memref<10112x128xf32, #tpu.memory_space<hbm>>
    %dma_start3A_163 = tpu.memref_slice %arg10[%dma_start3A_148] : memref<3x!tpu.dma_semaphore, #tpu.memory_space<semaphore_mem>> -> memref<1x!tpu.dma_semaphore, #tpu.memory_space<semaphore_mem>>
    %dma_start3A_164 = tpu.memref_squeeze %dma_start3A_163 : memref<1x!tpu.dma_semaphore, #tpu.memory_space<semaphore_mem>> -> memref<!tpu.dma_semaphore, #tpu.memory_space<semaphore_mem>>
    tpu.enqueue_indirect_dma source(%dma_start3A_162 : memref<10112x128xf32, #tpu.memory_space<hbm>>) target(%dma_start3A_152 : memref<64x128xf32, #tpu.memory_space<vmem>>) offsets(%dma_start3A_155 : memref<64xi32, #tpu.memory_space<vmem>>) semaphore(%dma_start3A_164 : memref<!tpu.dma_semaphore, #tpu.memory_space<semaphore_mem>>)
    %scan3A_165 = arith.constant 0 : i32
    %scan3A_166 = arith.constant 0 : i32
    %scan3A_167 = arith.constant 160 : i32
    %scan3A_168 = arith.addi %scan3A_166, %scan3A_167 : i32
    %scan3A_169 = arith.constant 1 : i32
    scf.for %scan3A_228 = %scan3A_166 to %scan3A_168 step %scan3A_169  : i32 {
      %rem3A = arith.constant 3 : i32
      %rem3A_229 = arith.remsi %scan3A_228, %rem3A : i32
      %dma_wait3A_230 = arith.constant 0 : i32
      %dma_wait3A_231 = arith.constant 0 : i32
      %dma_wait3A_232 = arith.constant 0 : i32
      %dma_wait3A_233 = arith.constant 0 : i32
      %dma_wait3A_234 = tpu.memref_slice %arg8[%dma_wait3A_231, %dma_wait3A_232, %dma_wait3A_233] : memref<3x64x128xf32, #tpu.memory_space<vmem>> -> memref<1x64x128xf32, #tpu.memory_space<vmem>>
      %dma_wait3A_235 = tpu.memref_squeeze %dma_wait3A_234 : memref<1x64x128xf32, #tpu.memory_space<vmem>> -> memref<64x128xf32, #tpu.memory_space<vmem>>
      %dma_wait3A_236 = arith.constant 0 : i32
      %dma_wait3A_237 = tpu.memref_slice %arg6[%dma_wait3A_230, %dma_wait3A_236] : memref<160x64xi32, #tpu.memory_space<vmem>> -> memref<1x64xi32, #tpu.memory_space<vmem>>
      %dma_wait3A_238 = tpu.memref_squeeze %dma_wait3A_237 : memref<1x64xi32, #tpu.memory_space<vmem>> -> memref<64xi32, #tpu.memory_space<vmem>>
      %dma_wait3A_239 = arith.constant 0 : i32
      %dma_wait3A_240 = arith.constant 0 : i32
      %dma_wait3A_241 = tpu.memref_slice %arg4[%arg0, %dma_wait3A_239, %dma_wait3A_240] : memref<2x10112x128xf32, #tpu.memory_space<hbm>> -> memref<1x10112x128xf32, #tpu.memory_space<hbm>>
      %dma_wait3A_242 = tpu.memref_squeeze %dma_wait3A_241 : memref<1x10112x128xf32, #tpu.memory_space<hbm>> -> memref<10112x128xf32, #tpu.memory_space<hbm>>
      %dma_wait3A_243 = arith.constant 0 : i32
      %dma_wait3A_244 = arith.constant 0 : i32
      %dma_wait3A_245 = tpu.memref_slice %dma_wait3A_242[%dma_wait3A_243, %dma_wait3A_244] : memref<10112x128xf32, #tpu.memory_space<hbm>> -> memref<10112x128xf32, #tpu.memory_space<hbm>>
      %dma_wait3A_246 = tpu.memref_slice %arg10[%rem3A_229] : memref<3x!tpu.dma_semaphore, #tpu.memory_space<semaphore_mem>> -> memref<1x!tpu.dma_semaphore, #tpu.memory_space<semaphore_mem>>
      %dma_wait3A_247 = tpu.memref_squeeze %dma_wait3A_246 : memref<1x!tpu.dma_semaphore, #tpu.memory_space<semaphore_mem>> -> memref<!tpu.dma_semaphore, #tpu.memory_space<semaphore_mem>>
      tpu.wait_indirect_dma semaphore(%dma_wait3A_247 : memref<!tpu.dma_semaphore, #tpu.memory_space<semaphore_mem>>) src(%dma_wait3A_245 : memref<10112x128xf32, #tpu.memory_space<hbm>>) dst(%dma_wait3A_235 : memref<64x128xf32, #tpu.memory_space<vmem>>)
      %dma_start3A_248 = arith.constant 0 : i32
      %dma_start3A_249 = arith.constant 0 : i32
      %dma_start3A_250 = tpu.memref_slice %arg8[%rem3A_229, %dma_start3A_248, %dma_start3A_249] : memref<3x64x128xf32, #tpu.memory_space<vmem>> -> memref<1x64x128xf32, #tpu.memory_space<vmem>>
      %dma_start3A_251 = tpu.memref_squeeze %dma_start3A_250 : memref<1x64x128xf32, #tpu.memory_space<vmem>> -> memref<64x128xf32, #tpu.memory_space<vmem>>
      %dma_start3A_252 = arith.constant 0 : i32
      %dma_start3A_253 = tpu.memref_slice %arg7[%scan3A_228, %dma_start3A_252] : memref<160x64xi32, #tpu.memory_space<vmem>> -> memref<1x64xi32, #tpu.memory_space<vmem>>
      %dma_start3A_254 = tpu.memref_squeeze %dma_start3A_253 : memref<1x64xi32, #tpu.memory_space<vmem>> -> memref<64xi32, #tpu.memory_space<vmem>>
      %dma_start3A_255 = arith.constant 0 : i32
      %dma_start3A_256 = arith.constant 0 : i32
      %dma_start3A_257 = tpu.memref_slice %arg9[%dma_start3A_255, %dma_start3A_256] : memref<5064x128xf32, #tpu.memory_space<vmem_shared>> -> memref<5064x128xf32, #tpu.memory_space<vmem_shared>>
      %dma_start3A_258 = tpu.memref_slice %arg11[%rem3A_229] : memref<3x!tpu.dma_semaphore, #tpu.memory_space<semaphore_mem>> -> memref<1x!tpu.dma_semaphore, #tpu.memory_space<semaphore_mem>>
      %dma_start3A_259 = tpu.memref_squeeze %dma_start3A_258 : memref<1x!tpu.dma_semaphore, #tpu.memory_space<semaphore_mem>> -> memref<!tpu.dma_semaphore, #tpu.memory_space<semaphore_mem>>
      tpu.enqueue_indirect_dma source(%dma_start3A_251 : memref<64x128xf32, #tpu.memory_space<vmem>>) target(%dma_start3A_257 : memref<5064x128xf32, #tpu.memory_space<vmem_shared>>) offsets(%dma_start3A_254 : memref<64xi32, #tpu.memory_space<vmem>>) semaphore(%dma_start3A_259 : memref<!tpu.dma_semaphore, #tpu.memory_space<semaphore_mem>>) {add = true}
      %add3A = arith.constant 2 : i32
      %add3A_260 = arith.addi %scan3A_228, %add3A : i32
      %lt3A_261 = arith.constant 160 : i32
      %lt3A_262 = arith.cmpi slt, %add3A_260, %lt3A_261 : i32
      %convert_element_type3A_263 = arith.extui %lt3A_262 : i1 to i32
      %cond3A_264 = arith.constant 0 : i32
      %cond3A_265 = arith.cmpi ne, %convert_element_type3A_263, %cond3A_264 : i32
      scf.if %cond3A_265 {
        %rem3A_266 = arith.constant 3 : i32
        %rem3A_267 = arith.remsi %add3A_260, %rem3A_266 : i32
        %ge3A = arith.constant 3 : i32
        %ge3A_268 = arith.cmpi sge, %add3A_260, %ge3A : i32
        %convert_element_type3A_269 = arith.extui %ge3A_268 : i1 to i32
        %cond3A_270 = arith.constant 0 : i32
        %cond3A_271 = arith.cmpi ne, %convert_element_type3A_269, %cond3A_270 : i32
        scf.if %cond3A_271 {
          %dma_wait3A_288 = arith.constant 0 : i32
          %dma_wait3A_289 = arith.constant 0 : i32
          %dma_wait3A_290 = arith.constant 0 : i32
          %dma_wait3A_291 = arith.constant 0 : i32
          %dma_wait3A_292 = tpu.memref_slice %arg8[%dma_wait3A_288, %dma_wait3A_290, %dma_wait3A_291] : memref<3x64x128xf32, #tpu.memory_space<vmem>> -> memref<1x64x128xf32, #tpu.memory_space<vmem>>
          %dma_wait3A_293 = tpu.memref_squeeze %dma_wait3A_292 : memref<1x64x128xf32, #tpu.memory_space<vmem>> -> memref<64x128xf32, #tpu.memory_space<vmem>>
          %dma_wait3A_294 = arith.constant 0 : i32
          %dma_wait3A_295 = tpu.memref_slice %arg7[%dma_wait3A_289, %dma_wait3A_294] : memref<160x64xi32, #tpu.memory_space<vmem>> -> memref<1x64xi32, #tpu.memory_space<vmem>>
          %dma_wait3A_296 = tpu.memref_squeeze %dma_wait3A_295 : memref<1x64xi32, #tpu.memory_space<vmem>> -> memref<64xi32, #tpu.memory_space<vmem>>
          %dma_wait3A_297 = arith.constant 0 : i32
          %dma_wait3A_298 = arith.constant 0 : i32
          %dma_wait3A_299 = tpu.memref_slice %arg9[%dma_wait3A_297, %dma_wait3A_298] : memref<5064x128xf32, #tpu.memory_space<vmem_shared>> -> memref<5064x128xf32, #tpu.memory_space<vmem_shared>>
          %dma_wait3A_300 = tpu.memref_slice %arg11[%rem3A_267] : memref<3x!tpu.dma_semaphore, #tpu.memory_space<semaphore_mem>> -> memref<1x!tpu.dma_semaphore, #tpu.memory_space<semaphore_mem>>
          %dma_wait3A_301 = tpu.memref_squeeze %dma_wait3A_300 : memref<1x!tpu.dma_semaphore, #tpu.memory_space<semaphore_mem>> -> memref<!tpu.dma_semaphore, #tpu.memory_space<semaphore_mem>>
          tpu.wait_indirect_dma semaphore(%dma_wait3A_301 : memref<!tpu.dma_semaphore, #tpu.memory_space<semaphore_mem>>) src(%dma_wait3A_293 : memref<64x128xf32, #tpu.memory_space<vmem>>) dst(%dma_wait3A_299 : memref<5064x128xf32, #tpu.memory_space<vmem_shared>>)
        } else {
        }
        %dma_start3A_272 = arith.constant 0 : i32
        %dma_start3A_273 = arith.constant 0 : i32
        %dma_start3A_274 = tpu.memref_slice %arg8[%rem3A_267, %dma_start3A_272, %dma_start3A_273] : memref<3x64x128xf32, #tpu.memory_space<vmem>> -> memref<1x64x128xf32, #tpu.memory_space<vmem>>
        %dma_start3A_275 = tpu.memref_squeeze %dma_start3A_274 : memref<1x64x128xf32, #tpu.memory_space<vmem>> -> memref<64x128xf32, #tpu.memory_space<vmem>>
        %dma_start3A_276 = arith.constant 0 : i32
        %dma_start3A_277 = tpu.memref_slice %arg6[%add3A_260, %dma_start3A_276] : memref<160x64xi32, #tpu.memory_space<vmem>> -> memref<1x64xi32, #tpu.memory_space<vmem>>
        %dma_start3A_278 = tpu.memref_squeeze %dma_start3A_277 : memref<1x64xi32, #tpu.memory_space<vmem>> -> memref<64xi32, #tpu.memory_space<vmem>>
        %dma_start3A_279 = arith.constant 0 : i32
        %dma_start3A_280 = arith.constant 0 : i32
        %dma_start3A_281 = tpu.memref_slice %arg4[%arg0, %dma_start3A_279, %dma_start3A_280] : memref<2x10112x128xf32, #tpu.memory_space<hbm>> -> memref<1x10112x128xf32, #tpu.memory_space<hbm>>
        %dma_start3A_282 = tpu.memref_squeeze %dma_start3A_281 : memref<1x10112x128xf32, #tpu.memory_space<hbm>> -> memref<10112x128xf32, #tpu.memory_space<hbm>>
        %dma_start3A_283 = arith.constant 0 : i32
        %dma_start3A_284 = arith.constant 0 : i32
        %dma_start3A_285 = tpu.memref_slice %dma_start3A_282[%dma_start3A_283, %dma_start3A_284] : memref<10112x128xf32, #tpu.memory_space<hbm>> -> memref<10112x128xf32, #tpu.memory_space<hbm>>
        %dma_start3A_286 = tpu.memref_slice %arg10[%rem3A_267] : memref<3x!tpu.dma_semaphore, #tpu.memory_space<semaphore_mem>> -> memref<1x!tpu.dma_semaphore, #tpu.memory_space<semaphore_mem>>
        %dma_start3A_287 = tpu.memref_squeeze %dma_start3A_286 : memref<1x!tpu.dma_semaphore, #tpu.memory_space<semaphore_mem>> -> memref<!tpu.dma_semaphore, #tpu.memory_space<semaphore_mem>>
        tpu.enqueue_indirect_dma source(%dma_start3A_285 : memref<10112x128xf32, #tpu.memory_space<hbm>>) target(%dma_start3A_275 : memref<64x128xf32, #tpu.memory_space<vmem>>) offsets(%dma_start3A_278 : memref<64xi32, #tpu.memory_space<vmem>>) semaphore(%dma_start3A_287 : memref<!tpu.dma_semaphore, #tpu.memory_space<semaphore_mem>>)
      } else {
      }
    }
    %scan3A_170 = arith.constant 160 : i32
    %dma_wait3A_171 = arith.constant 0 : i32
    %dma_wait3A_172 = arith.constant 0 : i32
    %dma_wait3A_173 = arith.constant 1 : i32
    %dma_wait3A_174 = arith.constant 0 : i32
    %dma_wait3A_175 = arith.constant 0 : i32
    %dma_wait3A_176 = tpu.memref_slice %arg8[%dma_wait3A_171, %dma_wait3A_174, %dma_wait3A_175] : memref<3x64x128xf32, #tpu.memory_space<vmem>> -> memref<1x64x128xf32, #tpu.memory_space<vmem>>
    %dma_wait3A_177 = tpu.memref_squeeze %dma_wait3A_176 : memref<1x64x128xf32, #tpu.memory_space<vmem>> -> memref<64x128xf32, #tpu.memory_space<vmem>>
    %dma_wait3A_178 = arith.constant 0 : i32
    %dma_wait3A_179 = tpu.memref_slice %arg7[%dma_wait3A_172, %dma_wait3A_178] : memref<160x64xi32, #tpu.memory_space<vmem>> -> memref<1x64xi32, #tpu.memory_space<vmem>>
    %dma_wait3A_180 = tpu.memref_squeeze %dma_wait3A_179 : memref<1x64xi32, #tpu.memory_space<vmem>> -> memref<64xi32, #tpu.memory_space<vmem>>
    %dma_wait3A_181 = arith.constant 0 : i32
    %dma_wait3A_182 = arith.constant 0 : i32
    %dma_wait3A_183 = tpu.memref_slice %arg9[%dma_wait3A_181, %dma_wait3A_182] : memref<5064x128xf32, #tpu.memory_space<vmem_shared>> -> memref<5064x128xf32, #tpu.memory_space<vmem_shared>>
    %dma_wait3A_184 = tpu.memref_slice %arg11[%dma_wait3A_173] : memref<3x!tpu.dma_semaphore, #tpu.memory_space<semaphore_mem>> -> memref<1x!tpu.dma_semaphore, #tpu.memory_space<semaphore_mem>>
    %dma_wait3A_185 = tpu.memref_squeeze %dma_wait3A_184 : memref<1x!tpu.dma_semaphore, #tpu.memory_space<semaphore_mem>> -> memref<!tpu.dma_semaphore, #tpu.memory_space<semaphore_mem>>
    tpu.wait_indirect_dma semaphore(%dma_wait3A_185 : memref<!tpu.dma_semaphore, #tpu.memory_space<semaphore_mem>>) src(%dma_wait3A_177 : memref<64x128xf32, #tpu.memory_space<vmem>>) dst(%dma_wait3A_183 : memref<5064x128xf32, #tpu.memory_space<vmem_shared>>)
    %dma_wait3A_186 = arith.constant 0 : i32
    %dma_wait3A_187 = arith.constant 0 : i32
    %dma_wait3A_188 = arith.constant 2 : i32
    %dma_wait3A_189 = arith.constant 0 : i32
    %dma_wait3A_190 = arith.constant 0 : i32
    %dma_wait3A_191 = tpu.memref_slice %arg8[%dma_wait3A_186, %dma_wait3A_189, %dma_wait3A_190] : memref<3x64x128xf32, #tpu.memory_space<vmem>> -> memref<1x64x128xf32, #tpu.memory_space<vmem>>
    %dma_wait3A_192 = tpu.memref_squeeze %dma_wait3A_191 : memref<1x64x128xf32, #tpu.memory_space<vmem>> -> memref<64x128xf32, #tpu.memory_space<vmem>>
    %dma_wait3A_193 = arith.constant 0 : i32
    %dma_wait3A_194 = tpu.memref_slice %arg7[%dma_wait3A_187, %dma_wait3A_193] : memref<160x64xi32, #tpu.memory_space<vmem>> -> memref<1x64xi32, #tpu.memory_space<vmem>>
    %dma_wait3A_195 = tpu.memref_squeeze %dma_wait3A_194 : memref<1x64xi32, #tpu.memory_space<vmem>> -> memref<64xi32, #tpu.memory_space<vmem>>
    %dma_wait3A_196 = arith.constant 0 : i32
    %dma_wait3A_197 = arith.constant 0 : i32
    %dma_wait3A_198 = tpu.memref_slice %arg9[%dma_wait3A_196, %dma_wait3A_197] : memref<5064x128xf32, #tpu.memory_space<vmem_shared>> -> memref<5064x128xf32, #tpu.memory_space<vmem_shared>>
    %dma_wait3A_199 = tpu.memref_slice %arg11[%dma_wait3A_188] : memref<3x!tpu.dma_semaphore, #tpu.memory_space<semaphore_mem>> -> memref<1x!tpu.dma_semaphore, #tpu.memory_space<semaphore_mem>>
    %dma_wait3A_200 = tpu.memref_squeeze %dma_wait3A_199 : memref<1x!tpu.dma_semaphore, #tpu.memory_space<semaphore_mem>> -> memref<!tpu.dma_semaphore, #tpu.memory_space<semaphore_mem>>
    tpu.wait_indirect_dma semaphore(%dma_wait3A_200 : memref<!tpu.dma_semaphore, #tpu.memory_space<semaphore_mem>>) src(%dma_wait3A_192 : memref<64x128xf32, #tpu.memory_space<vmem>>) dst(%dma_wait3A_198 : memref<5064x128xf32, #tpu.memory_space<vmem_shared>>)
    %dma_wait3A_201 = arith.constant 0 : i32
    %dma_wait3A_202 = arith.constant 0 : i32
    %dma_wait3A_203 = arith.constant 0 : i32
    %dma_wait3A_204 = arith.constant 0 : i32
    %dma_wait3A_205 = arith.constant 0 : i32
    %dma_wait3A_206 = tpu.memref_slice %arg8[%dma_wait3A_201, %dma_wait3A_204, %dma_wait3A_205] : memref<3x64x128xf32, #tpu.memory_space<vmem>> -> memref<1x64x128xf32, #tpu.memory_space<vmem>>
    %dma_wait3A_207 = tpu.memref_squeeze %dma_wait3A_206 : memref<1x64x128xf32, #tpu.memory_space<vmem>> -> memref<64x128xf32, #tpu.memory_space<vmem>>
    %dma_wait3A_208 = arith.constant 0 : i32
    %dma_wait3A_209 = tpu.memref_slice %arg7[%dma_wait3A_202, %dma_wait3A_208] : memref<160x64xi32, #tpu.memory_space<vmem>> -> memref<1x64xi32, #tpu.memory_space<vmem>>
    %dma_wait3A_210 = tpu.memref_squeeze %dma_wait3A_209 : memref<1x64xi32, #tpu.memory_space<vmem>> -> memref<64xi32, #tpu.memory_space<vmem>>
    %dma_wait3A_211 = arith.constant 0 : i32
    %dma_wait3A_212 = arith.constant 0 : i32
    %dma_wait3A_213 = tpu.memref_slice %arg9[%dma_wait3A_211, %dma_wait3A_212] : memref<5064x128xf32, #tpu.memory_space<vmem_shared>> -> memref<5064x128xf32, #tpu.memory_space<vmem_shared>>
    %dma_wait3A_214 = tpu.memref_slice %arg11[%dma_wait3A_203] : memref<3x!tpu.dma_semaphore, #tpu.memory_space<semaphore_mem>> -> memref<1x!tpu.dma_semaphore, #tpu.memory_space<semaphore_mem>>
    %dma_wait3A_215 = tpu.memref_squeeze %dma_wait3A_214 : memref<1x!tpu.dma_semaphore, #tpu.memory_space<semaphore_mem>> -> memref<!tpu.dma_semaphore, #tpu.memory_space<semaphore_mem>>
    tpu.wait_indirect_dma semaphore(%dma_wait3A_215 : memref<!tpu.dma_semaphore, #tpu.memory_space<semaphore_mem>>) src(%dma_wait3A_207 : memref<64x128xf32, #tpu.memory_space<vmem>>) dst(%dma_wait3A_213 : memref<5064x128xf32, #tpu.memory_space<vmem_shared>>)
    %barrier3A_216 = arith.constant 0 : index
    tpu.barrier barrier_id(%barrier3A_216)
    %lt3A_217 = arith.constant 15 : i32
    %lt3A_218 = arith.cmpi slt, %arg1, %lt3A_217 : i32
    %convert_element_type3A_219 = arith.extui %lt3A_218 : i1 to i32
    %cond3A_220 = arith.constant 0 : i32
    %cond3A_221 = arith.cmpi ne, %convert_element_type3A_219, %cond3A_220 : i32
    scf.if %cond3A_221 {
      %mul3A = arith.constant 320 : i32
      %mul3A_228 = arith.muli %arg1, %mul3A : i32
      %mul3A_229 = arith.constant 320 : i32
      %mul3A_230 = arith.muli %arg1, %mul3A_229 : i32
      %add3A = arith.constant 5056 : i32
      %add3A_231 = arith.addi %add3A, %mul3A_230 : i32
      "tpu.region"() ({
        %run_scoped3A = tpu.sem_alloc : memref<!tpu.dma_semaphore, #tpu.memory_space<semaphore_mem>>
        %dma_start3A_232 = arith.constant 0 : i32
        %dma_start3A_233 = tpu.memref_slice %arg5[%arg0, %add3A_231, %dma_start3A_232] : memref<2x10112x128xf32, #tpu.memory_space<hbm>> -> memref<1x320x128xf32, #tpu.memory_space<hbm>>
        %dma_start3A_234 = tpu.memref_squeeze %dma_start3A_233 : memref<1x320x128xf32, #tpu.memory_space<hbm>> -> memref<320x128xf32, #tpu.memory_space<hbm>>
        %dma_start3A_235 = arith.constant 0 : i32
        %dma_start3A_236 = tpu.memref_slice %arg9[%mul3A_228, %dma_start3A_235] : memref<5064x128xf32, #tpu.memory_space<vmem_shared>> -> memref<320x128xf32, #tpu.memory_space<vmem_shared>>
        tpu.enqueue_dma source(%dma_start3A_236 : memref<320x128xf32, #tpu.memory_space<vmem_shared>>) target(%dma_start3A_234 : memref<320x128xf32, #tpu.memory_space<hbm>>) target_semaphore(%run_scoped3A : memref<!tpu.dma_semaphore, #tpu.memory_space<semaphore_mem>>)
        %dma_wait3A_237 = arith.constant 0 : i32
        %dma_wait3A_238 = tpu.memref_slice %arg5[%arg0, %add3A_231, %dma_wait3A_237] : memref<2x10112x128xf32, #tpu.memory_space<hbm>> -> memref<1x320x128xf32, #tpu.memory_space<hbm>>
        %dma_wait3A_239 = tpu.memref_squeeze %dma_wait3A_238 : memref<1x320x128xf32, #tpu.memory_space<hbm>> -> memref<320x128xf32, #tpu.memory_space<hbm>>
        %dma_wait3A_240 = arith.constant 0 : i32
        %dma_wait3A_241 = tpu.memref_slice %arg9[%mul3A_228, %dma_wait3A_240] : memref<5064x128xf32, #tpu.memory_space<vmem_shared>> -> memref<320x128xf32, #tpu.memory_space<vmem_shared>>
        tpu.wait_dma2 semaphore(%run_scoped3A : memref<!tpu.dma_semaphore, #tpu.memory_space<semaphore_mem>>) src(%dma_wait3A_241 : memref<320x128xf32, #tpu.memory_space<vmem_shared>>) dst(%dma_wait3A_239 : memref<320x128xf32, #tpu.memory_space<hbm>>)
        tpu.yield
      }) : () -> ()
    } else {
    }
    %eq3A_222 = arith.constant 15 : i32
    %eq3A_223 = arith.cmpi eq, %arg1, %eq3A_222 : i32
    %convert_element_type3A_224 = arith.extui %eq3A_223 : i1 to i32
    %cond3A_225 = arith.constant 0 : i32
    %cond3A_226 = arith.cmpi ne, %convert_element_type3A_224, %cond3A_225 : i32
    scf.if %cond3A_226 {
      "tpu.region"() ({
        %run_scoped3A = tpu.sem_alloc : memref<!tpu.dma_semaphore, #tpu.memory_space<semaphore_mem>>
        %dma_start3A_228 = arith.constant 9856 : i32
        %dma_start3A_229 = arith.constant 0 : i32
        %dma_start3A_230 = tpu.memref_slice %arg5[%arg0, %dma_start3A_228, %dma_start3A_229] : memref<2x10112x128xf32, #tpu.memory_space<hbm>> -> memref<1x256x128xf32, #tpu.memory_space<hbm>>
        %dma_start3A_231 = tpu.memref_squeeze %dma_start3A_230 : memref<1x256x128xf32, #tpu.memory_space<hbm>> -> memref<256x128xf32, #tpu.memory_space<hbm>>
        %dma_start3A_232 = arith.constant 4800 : i32
        %dma_start3A_233 = arith.constant 0 : i32
        %dma_start3A_234 = tpu.memref_slice %arg9[%dma_start3A_232, %dma_start3A_233] : memref<5064x128xf32, #tpu.memory_space<vmem_shared>> -> memref<256x128xf32, #tpu.memory_space<vmem_shared>>
        tpu.enqueue_dma source(%dma_start3A_234 : memref<256x128xf32, #tpu.memory_space<vmem_shared>>) target(%dma_start3A_231 : memref<256x128xf32, #tpu.memory_space<hbm>>) target_semaphore(%run_scoped3A : memref<!tpu.dma_semaphore, #tpu.memory_space<semaphore_mem>>)
        %dma_wait3A_235 = arith.constant 9856 : i32
        %dma_wait3A_236 = arith.constant 0 : i32
        %dma_wait3A_237 = tpu.memref_slice %arg5[%arg0, %dma_wait3A_235, %dma_wait3A_236] : memref<2x10112x128xf32, #tpu.memory_space<hbm>> -> memref<1x256x128xf32, #tpu.memory_space<hbm>>
        %dma_wait3A_238 = tpu.memref_squeeze %dma_wait3A_237 : memref<1x256x128xf32, #tpu.memory_space<hbm>> -> memref<256x128xf32, #tpu.memory_space<hbm>>
        %dma_wait3A_239 = arith.constant 4800 : i32
        %dma_wait3A_240 = arith.constant 0 : i32
        %dma_wait3A_241 = tpu.memref_slice %arg9[%dma_wait3A_239, %dma_wait3A_240] : memref<5064x128xf32, #tpu.memory_space<vmem_shared>> -> memref<256x128xf32, #tpu.memory_space<vmem_shared>>
        tpu.wait_dma2 semaphore(%run_scoped3A : memref<!tpu.dma_semaphore, #tpu.memory_space<semaphore_mem>>) src(%dma_wait3A_241 : memref<256x128xf32, #tpu.memory_space<vmem_shared>>) dst(%dma_wait3A_238 : memref<256x128xf32, #tpu.memory_space<hbm>>)
        tpu.yield
      }) : () -> ()
    } else {
    }
    %barrier3A_227 = arith.constant 0 : index
    tpu.barrier barrier_id(%barrier3A_227)
    return
  }
}

#map = affine_map<(d0, d1) -> (0, 0, 0)>
module attributes {stable_mosaic.version = 14 : i64} {
  func.func @_msg_body(%arg0: i32, %arg1: i32, %arg2: memref<16x160x64xi32, #tpu.memory_space<hbm>>, %arg3: memref<16x160x64xi32, #tpu.memory_space<hbm>>, %arg4: memref<2x10112x128xf32, #tpu.memory_space<hbm>>, %arg5: memref<2x10112x128xf32, #tpu.memory_space<hbm>>, %arg6: memref<160x64xi32, #tpu.memory_space<vmem>>, %arg7: memref<160x64xi32, #tpu.memory_space<vmem>>, %arg8: memref<3x64x128xf32, #tpu.memory_space<vmem>>, %arg9: memref<5064x128xf32, #tpu.memory_space<vmem_shared>>, %arg10: memref<3x!tpu.dma_semaphore, #tpu.memory_space<semaphore_mem>>, %arg11: memref<3x!tpu.dma_semaphore, #tpu.memory_space<semaphore_mem>>) attributes {dimension_semantics = [#tpu.dimension_semantics<core_parallel>, #tpu.dimension_semantics<subcore_parallel>], iteration_bounds = array<i64: 2, 16>, scalar_prefetch = 0 : i64, scratch_operands = 6 : i64, tpu.core_type = #tpu.core_type<sc_vector_subcore>, window_params = [{transform_indices = #map}, {transform_indices = #map}, {transform_indices = #map}, {transform_indices = #map}]} {
    "tpu.region"() ({
      %run_scoped3A = tpu.sem_alloc : memref<!tpu.dma_semaphore, #tpu.memory_space<semaphore_mem>>
      %dma_start3A_228 = arith.constant 0 : i32
      %dma_start3A_229 = arith.constant 0 : i32
      %dma_start3A_230 = tpu.memref_slice %arg2[%arg1, %dma_start3A_228, %dma_start3A_229] : memref<16x160x64xi32, #tpu.memory_space<hbm>> -> memref<1x160x64xi32, #tpu.memory_space<hbm>>
      %dma_start3A_231 = tpu.memref_squeeze %dma_start3A_230 : memref<1x160x64xi32, #tpu.memory_space<hbm>> -> memref<160x64xi32, #tpu.memory_space<hbm>>
      %dma_start3A_232 = arith.constant 0 : i32
      %dma_start3A_233 = arith.constant 0 : i32
      %dma_start3A_234 = tpu.memref_slice %arg2[%arg1, %dma_start3A_232, %dma_start3A_233] : memref<16x160x64xi32, #tpu.memory_space<hbm>> -> memref<1x160x64xi32, #tpu.memory_space<hbm>>
      %dma_start3A_235 = tpu.memref_squeeze %dma_start3A_234 : memref<1x160x64xi32, #tpu.memory_space<hbm>> -> memref<160x64xi32, #tpu.memory_space<hbm>>
      tpu.enqueue_dma source(%dma_start3A_235 : memref<160x64xi32, #tpu.memory_space<hbm>>) target(%arg6 : memref<160x64xi32, #tpu.memory_space<vmem>>) target_semaphore(%run_scoped3A : memref<!tpu.dma_semaphore, #tpu.memory_space<semaphore_mem>>)
      %dma_wait3A_236 = arith.constant 0 : i32
      %dma_wait3A_237 = arith.constant 0 : i32
      %dma_wait3A_238 = tpu.memref_slice %arg2[%arg1, %dma_wait3A_236, %dma_wait3A_237] : memref<16x160x64xi32, #tpu.memory_space<hbm>> -> memref<1x160x64xi32, #tpu.memory_space<hbm>>
      %dma_wait3A_239 = tpu.memref_squeeze %dma_wait3A_238 : memref<1x160x64xi32, #tpu.memory_space<hbm>> -> memref<160x64xi32, #tpu.memory_space<hbm>>
      %dma_wait3A_240 = arith.constant 0 : i32
      %dma_wait3A_241 = arith.constant 0 : i32
      %dma_wait3A_242 = tpu.memref_slice %arg2[%arg1, %dma_wait3A_240, %dma_wait3A_241] : memref<16x160x64xi32, #tpu.memory_space<hbm>> -> memref<1x160x64xi32, #tpu.memory_space<hbm>>
      %dma_wait3A_243 = tpu.memref_squeeze %dma_wait3A_242 : memref<1x160x64xi32, #tpu.memory_space<hbm>> -> memref<160x64xi32, #tpu.memory_space<hbm>>
      tpu.wait_dma2 semaphore(%run_scoped3A : memref<!tpu.dma_semaphore, #tpu.memory_space<semaphore_mem>>) src(%dma_wait3A_243 : memref<160x64xi32, #tpu.memory_space<hbm>>) dst(%arg6 : memref<160x64xi32, #tpu.memory_space<vmem>>)
      tpu.yield
    }) : () -> ()
    "tpu.region"() ({
      %run_scoped3A = tpu.sem_alloc : memref<!tpu.dma_semaphore, #tpu.memory_space<semaphore_mem>>
      %dma_start3A_228 = arith.constant 0 : i32
      %dma_start3A_229 = arith.constant 0 : i32
      %dma_start3A_230 = tpu.memref_slice %arg3[%arg1, %dma_start3A_228, %dma_start3A_229] : memref<16x160x64xi32, #tpu.memory_space<hbm>> -> memref<1x160x64xi32, #tpu.memory_space<hbm>>
      %dma_start3A_231 = tpu.memref_squeeze %dma_start3A_230 : memref<1x160x64xi32, #tpu.memory_space<hbm>> -> memref<160x64xi32, #tpu.memory_space<hbm>>
      %dma_start3A_232 = arith.constant 0 : i32
      %dma_start3A_233 = arith.constant 0 : i32
      %dma_start3A_234 = tpu.memref_slice %arg3[%arg1, %dma_start3A_232, %dma_start3A_233] : memref<16x160x64xi32, #tpu.memory_space<hbm>> -> memref<1x160x64xi32, #tpu.memory_space<hbm>>
      %dma_start3A_235 = tpu.memref_squeeze %dma_start3A_234 : memref<1x160x64xi32, #tpu.memory_space<hbm>> -> memref<160x64xi32, #tpu.memory_space<hbm>>
      tpu.enqueue_dma source(%dma_start3A_235 : memref<160x64xi32, #tpu.memory_space<hbm>>) target(%arg7 : memref<160x64xi32, #tpu.memory_space<vmem>>) target_semaphore(%run_scoped3A : memref<!tpu.dma_semaphore, #tpu.memory_space<semaphore_mem>>)
      %dma_wait3A_236 = arith.constant 0 : i32
      %dma_wait3A_237 = arith.constant 0 : i32
      %dma_wait3A_238 = tpu.memref_slice %arg3[%arg1, %dma_wait3A_236, %dma_wait3A_237] : memref<16x160x64xi32, #tpu.memory_space<hbm>> -> memref<1x160x64xi32, #tpu.memory_space<hbm>>
      %dma_wait3A_239 = tpu.memref_squeeze %dma_wait3A_238 : memref<1x160x64xi32, #tpu.memory_space<hbm>> -> memref<160x64xi32, #tpu.memory_space<hbm>>
      %dma_wait3A_240 = arith.constant 0 : i32
      %dma_wait3A_241 = arith.constant 0 : i32
      %dma_wait3A_242 = tpu.memref_slice %arg3[%arg1, %dma_wait3A_240, %dma_wait3A_241] : memref<16x160x64xi32, #tpu.memory_space<hbm>> -> memref<1x160x64xi32, #tpu.memory_space<hbm>>
      %dma_wait3A_243 = tpu.memref_squeeze %dma_wait3A_242 : memref<1x160x64xi32, #tpu.memory_space<hbm>> -> memref<160x64xi32, #tpu.memory_space<hbm>>
      tpu.wait_dma2 semaphore(%run_scoped3A : memref<!tpu.dma_semaphore, #tpu.memory_space<semaphore_mem>>) src(%dma_wait3A_243 : memref<160x64xi32, #tpu.memory_space<hbm>>) dst(%arg7 : memref<160x64xi32, #tpu.memory_space<vmem>>)
      tpu.yield
    }) : () -> ()
    %scan3A = arith.constant 0 : i32
    %scan3A_0 = arith.constant 0 : i32
    %scan3A_1 = arith.constant 160 : i32
    %scan3A_2 = arith.addi %scan3A_0, %scan3A_1 : i32
    %scan3A_3 = arith.constant 1 : i32
    scf.for %scan3A_228 = %scan3A_0 to %scan3A_2 step %scan3A_3  : i32 {
      %get3A = arith.index_cast %scan3A_228 : i32 to index
      %get3A_229 = arith.constant 0 : index
      %get3A_230 = tpu.vector_load %arg7[%get3A, %get3A_229] {strides = array<i32>} : memref<160x64xi32, #tpu.memory_space<vmem>>, vector<1x16xi32>,
      %get3A_231 = vector.shape_cast %get3A_230 : vector<1x16xi32> to vector<16xi32>
      %sub3A = arith.constant 0 : i32
      %sub3A_232 = vector.broadcast %sub3A : i32 to vector<16xi32>
      %sub3A_233 = arith.subi %get3A_231, %sub3A_232 : vector<16xi32>
      %ge3A = arith.constant 0 : i32
      %ge3A_234 = vector.broadcast %ge3A : i32 to vector<16xi32>
      %ge3A_235 = arith.cmpi sge, %sub3A_233, %ge3A_234 : vector<16xi32>
      %lt3A_236 = arith.constant 5056 : i32
      %lt3A_237 = vector.broadcast %lt3A_236 : i32 to vector<16xi32>
      %lt3A_238 = arith.cmpi slt, %sub3A_233, %lt3A_237 : vector<16xi32>
      %and3A = arith.andi %ge3A_235, %lt3A_238 : vector<16xi1>
      %jit3A = arith.constant 5056 : i32
      %broadcast_in_dim3A = vector.broadcast %jit3A : i32 to vector<16xi32>
      %select_n3A = arith.select %and3A, %sub3A_233, %broadcast_in_dim3A : vector<16xi1>, vector<16xi32>
      %swap3A = arith.index_cast %scan3A_228 : i32 to index
      %swap3A_239 = arith.constant 0 : index
      %swap3A_240 = tpu.vector_load %arg7[%swap3A, %swap3A_239] {strides = array<i32>} : memref<160x64xi32, #tpu.memory_space<vmem>>, vector<1x16xi32>,
      %swap3A_241 = vector.shape_cast %swap3A_240 : vector<1x16xi32> to vector<16xi32>
      %swap3A_242 = vector.shape_cast %select_n3A : vector<16xi32> to vector<1x16xi32>
      tpu.vector_store %arg7[%swap3A, %swap3A_239], %swap3A_242 {strides = array<i32>} : memref<160x64xi32, #tpu.memory_space<vmem>>, vector<1x16xi32>,
      %get3A_243 = arith.index_cast %scan3A_228 : i32 to index
      %get3A_244 = arith.constant 16 : index
      %get3A_245 = tpu.vector_load %arg7[%get3A_243, %get3A_244] {strides = array<i32>} : memref<160x64xi32, #tpu.memory_space<vmem>>, vector<1x16xi32>,
      %get3A_246 = vector.shape_cast %get3A_245 : vector<1x16xi32> to vector<16xi32>
      %sub3A_247 = arith.constant 0 : i32
      %sub3A_248 = vector.broadcast %sub3A_247 : i32 to vector<16xi32>
      %sub3A_249 = arith.subi %get3A_246, %sub3A_248 : vector<16xi32>
      %ge3A_250 = arith.constant 0 : i32
      %ge3A_251 = vector.broadcast %ge3A_250 : i32 to vector<16xi32>
      %ge3A_252 = arith.cmpi sge, %sub3A_249, %ge3A_251 : vector<16xi32>
      %lt3A_253 = arith.constant 5056 : i32
      %lt3A_254 = vector.broadcast %lt3A_253 : i32 to vector<16xi32>
      %lt3A_255 = arith.cmpi slt, %sub3A_249, %lt3A_254 : vector<16xi32>
      %and3A_256 = arith.andi %ge3A_252, %lt3A_255 : vector<16xi1>
      %jit3A_257 = arith.constant 5056 : i32
      %broadcast_in_dim3A_258 = vector.broadcast %jit3A_257 : i32 to vector<16xi32>
      %select_n3A_259 = arith.select %and3A_256, %sub3A_249, %broadcast_in_dim3A_258 : vector<16xi1>, vector<16xi32>
      %swap3A_260 = arith.index_cast %scan3A_228 : i32 to index
      %swap3A_261 = arith.constant 16 : index
      %swap3A_262 = tpu.vector_load %arg7[%swap3A_260, %swap3A_261] {strides = array<i32>} : memref<160x64xi32, #tpu.memory_space<vmem>>, vector<1x16xi32>,
      %swap3A_263 = vector.shape_cast %swap3A_262 : vector<1x16xi32> to vector<16xi32>
      %swap3A_264 = vector.shape_cast %select_n3A_259 : vector<16xi32> to vector<1x16xi32>
      tpu.vector_store %arg7[%swap3A_260, %swap3A_261], %swap3A_264 {strides = array<i32>} : memref<160x64xi32, #tpu.memory_space<vmem>>, vector<1x16xi32>,
      %get3A_265 = arith.index_cast %scan3A_228 : i32 to index
      %get3A_266 = arith.constant 32 : index
      %get3A_267 = tpu.vector_load %arg7[%get3A_265, %get3A_266] {strides = array<i32>} : memref<160x64xi32, #tpu.memory_space<vmem>>, vector<1x16xi32>,
      %get3A_268 = vector.shape_cast %get3A_267 : vector<1x16xi32> to vector<16xi32>
      %sub3A_269 = arith.constant 0 : i32
      %sub3A_270 = vector.broadcast %sub3A_269 : i32 to vector<16xi32>
      %sub3A_271 = arith.subi %get3A_268, %sub3A_270 : vector<16xi32>
      %ge3A_272 = arith.constant 0 : i32
      %ge3A_273 = vector.broadcast %ge3A_272 : i32 to vector<16xi32>
      %ge3A_274 = arith.cmpi sge, %sub3A_271, %ge3A_273 : vector<16xi32>
      %lt3A_275 = arith.constant 5056 : i32
      %lt3A_276 = vector.broadcast %lt3A_275 : i32 to vector<16xi32>
      %lt3A_277 = arith.cmpi slt, %sub3A_271, %lt3A_276 : vector<16xi32>
      %and3A_278 = arith.andi %ge3A_274, %lt3A_277 : vector<16xi1>
      %jit3A_279 = arith.constant 5056 : i32
      %broadcast_in_dim3A_280 = vector.broadcast %jit3A_279 : i32 to vector<16xi32>
      %select_n3A_281 = arith.select %and3A_278, %sub3A_271, %broadcast_in_dim3A_280 : vector<16xi1>, vector<16xi32>
      %swap3A_282 = arith.index_cast %scan3A_228 : i32 to index
      %swap3A_283 = arith.constant 32 : index
      %swap3A_284 = tpu.vector_load %arg7[%swap3A_282, %swap3A_283] {strides = array<i32>} : memref<160x64xi32, #tpu.memory_space<vmem>>, vector<1x16xi32>,
      %swap3A_285 = vector.shape_cast %swap3A_284 : vector<1x16xi32> to vector<16xi32>
      %swap3A_286 = vector.shape_cast %select_n3A_281 : vector<16xi32> to vector<1x16xi32>
      tpu.vector_store %arg7[%swap3A_282, %swap3A_283], %swap3A_286 {strides = array<i32>} : memref<160x64xi32, #tpu.memory_space<vmem>>, vector<1x16xi32>,
      %get3A_287 = arith.index_cast %scan3A_228 : i32 to index
      %get3A_288 = arith.constant 48 : index
      %get3A_289 = tpu.vector_load %arg7[%get3A_287, %get3A_288] {strides = array<i32>} : memref<160x64xi32, #tpu.memory_space<vmem>>, vector<1x16xi32>,
      %get3A_290 = vector.shape_cast %get3A_289 : vector<1x16xi32> to vector<16xi32>
      %sub3A_291 = arith.constant 0 : i32
      %sub3A_292 = vector.broadcast %sub3A_291 : i32 to vector<16xi32>
      %sub3A_293 = arith.subi %get3A_290, %sub3A_292 : vector<16xi32>
      %ge3A_294 = arith.constant 0 : i32
      %ge3A_295 = vector.broadcast %ge3A_294 : i32 to vector<16xi32>
      %ge3A_296 = arith.cmpi sge, %sub3A_293, %ge3A_295 : vector<16xi32>
      %lt3A_297 = arith.constant 5056 : i32
      %lt3A_298 = vector.broadcast %lt3A_297 : i32 to vector<16xi32>
      %lt3A_299 = arith.cmpi slt, %sub3A_293, %lt3A_298 : vector<16xi32>
      %and3A_300 = arith.andi %ge3A_296, %lt3A_299 : vector<16xi1>
      %jit3A_301 = arith.constant 5056 : i32
      %broadcast_in_dim3A_302 = vector.broadcast %jit3A_301 : i32 to vector<16xi32>
      %select_n3A_303 = arith.select %and3A_300, %sub3A_293, %broadcast_in_dim3A_302 : vector<16xi1>, vector<16xi32>
      %swap3A_304 = arith.index_cast %scan3A_228 : i32 to index
      %swap3A_305 = arith.constant 48 : index
      %swap3A_306 = tpu.vector_load %arg7[%swap3A_304, %swap3A_305] {strides = array<i32>} : memref<160x64xi32, #tpu.memory_space<vmem>>, vector<1x16xi32>,
      %swap3A_307 = vector.shape_cast %swap3A_306 : vector<1x16xi32> to vector<16xi32>
      %swap3A_308 = vector.shape_cast %select_n3A_303 : vector<16xi32> to vector<1x16xi32>
      tpu.vector_store %arg7[%swap3A_304, %swap3A_305], %swap3A_308 {strides = array<i32>} : memref<160x64xi32, #tpu.memory_space<vmem>>, vector<1x16xi32>,
    }
    %scan3A_4 = arith.constant 160 : i32
    %lt3A = arith.constant 15 : i32
    %lt3A_5 = arith.cmpi slt, %arg1, %lt3A : i32
    %convert_element_type3A = arith.extui %lt3A_5 : i1 to i32
    %cond3A = arith.constant 0 : i32
    %cond3A_6 = arith.cmpi ne, %convert_element_type3A, %cond3A : i32
    scf.if %cond3A_6 {
      %mul3A = arith.constant 320 : i32
      %mul3A_228 = arith.muli %arg1, %mul3A : i32
      %add3A = arith.constant 0 : i32
      %add3A_229 = arith.addi %add3A, %mul3A_228 : i32
      %mul3A_230 = arith.constant 320 : i32
      %mul3A_231 = arith.muli %arg1, %mul3A_230 : i32
      "tpu.region"() ({
        %run_scoped3A = tpu.sem_alloc : memref<!tpu.dma_semaphore, #tpu.memory_space<semaphore_mem>>
        %dma_start3A_232 = arith.constant 0 : i32
        %dma_start3A_233 = tpu.memref_slice %arg9[%mul3A_231, %dma_start3A_232] : memref<5064x128xf32, #tpu.memory_space<vmem_shared>> -> memref<320x128xf32, #tpu.memory_space<vmem_shared>>
        %dma_start3A_234 = arith.constant 0 : i32
        %dma_start3A_235 = tpu.memref_slice %arg4[%arg0, %add3A_229, %dma_start3A_234] : memref<2x10112x128xf32, #tpu.memory_space<hbm>> -> memref<1x320x128xf32, #tpu.memory_space<hbm>>
        %dma_start3A_236 = tpu.memref_squeeze %dma_start3A_235 : memref<1x320x128xf32, #tpu.memory_space<hbm>> -> memref<320x128xf32, #tpu.memory_space<hbm>>
        tpu.enqueue_dma source(%dma_start3A_236 : memref<320x128xf32, #tpu.memory_space<hbm>>) target(%dma_start3A_233 : memref<320x128xf32, #tpu.memory_space<vmem_shared>>) target_semaphore(%run_scoped3A : memref<!tpu.dma_semaphore, #tpu.memory_space<semaphore_mem>>)
        %dma_wait3A_237 = arith.constant 0 : i32
        %dma_wait3A_238 = tpu.memref_slice %arg9[%mul3A_231, %dma_wait3A_237] : memref<5064x128xf32, #tpu.memory_space<vmem_shared>> -> memref<320x128xf32, #tpu.memory_space<vmem_shared>>
        %dma_wait3A_239 = arith.constant 0 : i32
        %dma_wait3A_240 = tpu.memref_slice %arg4[%arg0, %add3A_229, %dma_wait3A_239] : memref<2x10112x128xf32, #tpu.memory_space<hbm>> -> memref<1x320x128xf32, #tpu.memory_space<hbm>>
        %dma_wait3A_241 = tpu.memref_squeeze %dma_wait3A_240 : memref<1x320x128xf32, #tpu.memory_space<hbm>> -> memref<320x128xf32, #tpu.memory_space<hbm>>
        tpu.wait_dma2 semaphore(%run_scoped3A : memref<!tpu.dma_semaphore, #tpu.memory_space<semaphore_mem>>) src(%dma_wait3A_241 : memref<320x128xf32, #tpu.memory_space<hbm>>) dst(%dma_wait3A_238 : memref<320x128xf32, #tpu.memory_space<vmem_shared>>)
        tpu.yield
      }) : () -> ()
    } else {
    }
    %eq3A = arith.constant 15 : i32
    %eq3A_7 = arith.cmpi eq, %arg1, %eq3A : i32
    %convert_element_type3A_8 = arith.extui %eq3A_7 : i1 to i32
    %cond3A_9 = arith.constant 0 : i32
    %cond3A_10 = arith.cmpi ne, %convert_element_type3A_8, %cond3A_9 : i32
    scf.if %cond3A_10 {
      "tpu.region"() ({
        %run_scoped3A = tpu.sem_alloc : memref<!tpu.dma_semaphore, #tpu.memory_space<semaphore_mem>>
        %dma_start3A_228 = arith.constant 4800 : i32
        %dma_start3A_229 = arith.constant 0 : i32
        %dma_start3A_230 = tpu.memref_slice %arg9[%dma_start3A_228, %dma_start3A_229] : memref<5064x128xf32, #tpu.memory_space<vmem_shared>> -> memref<256x128xf32, #tpu.memory_space<vmem_shared>>
        %dma_start3A_231 = arith.constant 4800 : i32
        %dma_start3A_232 = arith.constant 0 : i32
        %dma_start3A_233 = tpu.memref_slice %arg4[%arg0, %dma_start3A_231, %dma_start3A_232] : memref<2x10112x128xf32, #tpu.memory_space<hbm>> -> memref<1x256x128xf32, #tpu.memory_space<hbm>>
        %dma_start3A_234 = tpu.memref_squeeze %dma_start3A_233 : memref<1x256x128xf32, #tpu.memory_space<hbm>> -> memref<256x128xf32, #tpu.memory_space<hbm>>
        tpu.enqueue_dma source(%dma_start3A_234 : memref<256x128xf32, #tpu.memory_space<hbm>>) target(%dma_start3A_230 : memref<256x128xf32, #tpu.memory_space<vmem_shared>>) target_semaphore(%run_scoped3A : memref<!tpu.dma_semaphore, #tpu.memory_space<semaphore_mem>>)
        %dma_wait3A_235 = arith.constant 4800 : i32
        %dma_wait3A_236 = arith.constant 0 : i32
        %dma_wait3A_237 = tpu.memref_slice %arg9[%dma_wait3A_235, %dma_wait3A_236] : memref<5064x128xf32, #tpu.memory_space<vmem_shared>> -> memref<256x128xf32, #tpu.memory_space<vmem_shared>>
        %dma_wait3A_238 = arith.constant 4800 : i32
        %dma_wait3A_239 = arith.constant 0 : i32
        %dma_wait3A_240 = tpu.memref_slice %arg4[%arg0, %dma_wait3A_238, %dma_wait3A_239] : memref<2x10112x128xf32, #tpu.memory_space<hbm>> -> memref<1x256x128xf32, #tpu.memory_space<hbm>>
        %dma_wait3A_241 = tpu.memref_squeeze %dma_wait3A_240 : memref<1x256x128xf32, #tpu.memory_space<hbm>> -> memref<256x128xf32, #tpu.memory_space<hbm>>
        tpu.wait_dma2 semaphore(%run_scoped3A : memref<!tpu.dma_semaphore, #tpu.memory_space<semaphore_mem>>) src(%dma_wait3A_241 : memref<256x128xf32, #tpu.memory_space<hbm>>) dst(%dma_wait3A_237 : memref<256x128xf32, #tpu.memory_space<vmem_shared>>)
        tpu.yield
      }) : () -> ()
    } else {
    }
    %barrier3A = arith.constant 0 : index
    tpu.barrier barrier_id(%barrier3A)
    %dma_start3A = arith.constant 0 : i32
    %dma_start3A_11 = arith.constant 0 : i32
    %dma_start3A_12 = arith.constant 0 : i32
    %dma_start3A_13 = arith.constant 0 : i32
    %dma_start3A_14 = arith.constant 0 : i32
    %dma_start3A_15 = tpu.memref_slice %arg8[%dma_start3A_11, %dma_start3A_13, %dma_start3A_14] : memref<3x64x128xf32, #tpu.memory_space<vmem>> -> memref<1x64x128xf32, #tpu.memory_space<vmem>>
    %dma_start3A_16 = tpu.memref_squeeze %dma_start3A_15 : memref<1x64x128xf32, #tpu.memory_space<vmem>> -> memref<64x128xf32, #tpu.memory_space<vmem>>
    %dma_start3A_17 = arith.constant 0 : i32
    %dma_start3A_18 = tpu.memref_slice %arg6[%dma_start3A, %dma_start3A_17] : memref<160x64xi32, #tpu.memory_space<vmem>> -> memref<1x64xi32, #tpu.memory_space<vmem>>
    %dma_start3A_19 = tpu.memref_squeeze %dma_start3A_18 : memref<1x64xi32, #tpu.memory_space<vmem>> -> memref<64xi32, #tpu.memory_space<vmem>>
    %dma_start3A_20 = arith.constant 0 : i32
    %dma_start3A_21 = arith.constant 0 : i32
    %dma_start3A_22 = tpu.memref_slice %arg4[%arg0, %dma_start3A_20, %dma_start3A_21] : memref<2x10112x128xf32, #tpu.memory_space<hbm>> -> memref<1x10112x128xf32, #tpu.memory_space<hbm>>
    %dma_start3A_23 = tpu.memref_squeeze %dma_start3A_22 : memref<1x10112x128xf32, #tpu.memory_space<hbm>> -> memref<10112x128xf32, #tpu.memory_space<hbm>>
    %dma_start3A_24 = arith.constant 0 : i32
    %dma_start3A_25 = arith.constant 0 : i32
    %dma_start3A_26 = tpu.memref_slice %dma_start3A_23[%dma_start3A_24, %dma_start3A_25] : memref<10112x128xf32, #tpu.memory_space<hbm>> -> memref<10112x128xf32, #tpu.memory_space<hbm>>
    %dma_start3A_27 = tpu.memref_slice %arg10[%dma_start3A_12] : memref<3x!tpu.dma_semaphore, #tpu.memory_space<semaphore_mem>> -> memref<1x!tpu.dma_semaphore, #tpu.memory_space<semaphore_mem>>
    %dma_start3A_28 = tpu.memref_squeeze %dma_start3A_27 : memref<1x!tpu.dma_semaphore, #tpu.memory_space<semaphore_mem>> -> memref<!tpu.dma_semaphore, #tpu.memory_space<semaphore_mem>>
    tpu.enqueue_indirect_dma source(%dma_start3A_26 : memref<10112x128xf32, #tpu.memory_space<hbm>>) target(%dma_start3A_16 : memref<64x128xf32, #tpu.memory_space<vmem>>) offsets(%dma_start3A_19 : memref<64xi32, #tpu.memory_space<vmem>>) semaphore(%dma_start3A_28 : memref<!tpu.dma_semaphore, #tpu.memory_space<semaphore_mem>>)
    %dma_start3A_29 = arith.constant 1 : i32
    %dma_start3A_30 = arith.constant 1 : i32
    %dma_start3A_31 = arith.constant 1 : i32
    %dma_start3A_32 = arith.constant 0 : i32
    %dma_start3A_33 = arith.constant 0 : i32
    %dma_start3A_34 = tpu.memref_slice %arg8[%dma_start3A_30, %dma_start3A_32, %dma_start3A_33] : memref<3x64x128xf32, #tpu.memory_space<vmem>> -> memref<1x64x128xf32, #tpu.memory_space<vmem>>
    %dma_start3A_35 = tpu.memref_squeeze %dma_start3A_34 : memref<1x64x128xf32, #tpu.memory_space<vmem>> -> memref<64x128xf32, #tpu.memory_space<vmem>>
    %dma_start3A_36 = arith.constant 0 : i32
    %dma_start3A_37 = tpu.memref_slice %arg6[%dma_start3A_29, %dma_start3A_36] : memref<160x64xi32, #tpu.memory_space<vmem>> -> memref<1x64xi32, #tpu.memory_space<vmem>>
    %dma_start3A_38 = tpu.memref_squeeze %dma_start3A_37 : memref<1x64xi32, #tpu.memory_space<vmem>> -> memref<64xi32, #tpu.memory_space<vmem>>
    %dma_start3A_39 = arith.constant 0 : i32
    %dma_start3A_40 = arith.constant 0 : i32
    %dma_start3A_41 = tpu.memref_slice %arg4[%arg0, %dma_start3A_39, %dma_start3A_40] : memref<2x10112x128xf32, #tpu.memory_space<hbm>> -> memref<1x10112x128xf32, #tpu.memory_space<hbm>>
    %dma_start3A_42 = tpu.memref_squeeze %dma_start3A_41 : memref<1x10112x128xf32, #tpu.memory_space<hbm>> -> memref<10112x128xf32, #tpu.memory_space<hbm>>
    %dma_start3A_43 = arith.constant 0 : i32
    %dma_start3A_44 = arith.constant 0 : i32
    %dma_start3A_45 = tpu.memref_slice %dma_start3A_42[%dma_start3A_43, %dma_start3A_44] : memref<10112x128xf32, #tpu.memory_space<hbm>> -> memref<10112x128xf32, #tpu.memory_space<hbm>>
    %dma_start3A_46 = tpu.memref_slice %arg10[%dma_start3A_31] : memref<3x!tpu.dma_semaphore, #tpu.memory_space<semaphore_mem>> -> memref<1x!tpu.dma_semaphore, #tpu.memory_space<semaphore_mem>>
    %dma_start3A_47 = tpu.memref_squeeze %dma_start3A_46 : memref<1x!tpu.dma_semaphore, #tpu.memory_space<semaphore_mem>> -> memref<!tpu.dma_semaphore, #tpu.memory_space<semaphore_mem>>
    tpu.enqueue_indirect_dma source(%dma_start3A_45 : memref<10112x128xf32, #tpu.memory_space<hbm>>) target(%dma_start3A_35 : memref<64x128xf32, #tpu.memory_space<vmem>>) offsets(%dma_start3A_38 : memref<64xi32, #tpu.memory_space<vmem>>) semaphore(%dma_start3A_47 : memref<!tpu.dma_semaphore, #tpu.memory_space<semaphore_mem>>)
    %scan3A_48 = arith.constant 0 : i32
    %scan3A_49 = arith.constant 0 : i32
    %scan3A_50 = arith.constant 160 : i32
    %scan3A_51 = arith.addi %scan3A_49, %scan3A_50 : i32
    %scan3A_52 = arith.constant 1 : i32
    scf.for %scan3A_228 = %scan3A_49 to %scan3A_51 step %scan3A_52  : i32 {
      %rem3A = arith.constant 3 : i32
      %rem3A_229 = arith.remsi %scan3A_228, %rem3A : i32
      %dma_wait3A_230 = arith.constant 0 : i32
      %dma_wait3A_231 = arith.constant 0 : i32
      %dma_wait3A_232 = arith.constant 0 : i32
      %dma_wait3A_233 = arith.constant 0 : i32
      %dma_wait3A_234 = tpu.memref_slice %arg8[%dma_wait3A_231, %dma_wait3A_232, %dma_wait3A_233] : memref<3x64x128xf32, #tpu.memory_space<vmem>> -> memref<1x64x128xf32, #tpu.memory_space<vmem>>
      %dma_wait3A_235 = tpu.memref_squeeze %dma_wait3A_234 : memref<1x64x128xf32, #tpu.memory_space<vmem>> -> memref<64x128xf32, #tpu.memory_space<vmem>>
      %dma_wait3A_236 = arith.constant 0 : i32
      %dma_wait3A_237 = tpu.memref_slice %arg6[%dma_wait3A_230, %dma_wait3A_236] : memref<160x64xi32, #tpu.memory_space<vmem>> -> memref<1x64xi32, #tpu.memory_space<vmem>>
      %dma_wait3A_238 = tpu.memref_squeeze %dma_wait3A_237 : memref<1x64xi32, #tpu.memory_space<vmem>> -> memref<64xi32, #tpu.memory_space<vmem>>
      %dma_wait3A_239 = arith.constant 0 : i32
      %dma_wait3A_240 = arith.constant 0 : i32
      %dma_wait3A_241 = tpu.memref_slice %arg4[%arg0, %dma_wait3A_239, %dma_wait3A_240] : memref<2x10112x128xf32, #tpu.memory_space<hbm>> -> memref<1x10112x128xf32, #tpu.memory_space<hbm>>
      %dma_wait3A_242 = tpu.memref_squeeze %dma_wait3A_241 : memref<1x10112x128xf32, #tpu.memory_space<hbm>> -> memref<10112x128xf32, #tpu.memory_space<hbm>>
      %dma_wait3A_243 = arith.constant 0 : i32
      %dma_wait3A_244 = arith.constant 0 : i32
      %dma_wait3A_245 = tpu.memref_slice %dma_wait3A_242[%dma_wait3A_243, %dma_wait3A_244] : memref<10112x128xf32, #tpu.memory_space<hbm>> -> memref<10112x128xf32, #tpu.memory_space<hbm>>
      %dma_wait3A_246 = tpu.memref_slice %arg10[%rem3A_229] : memref<3x!tpu.dma_semaphore, #tpu.memory_space<semaphore_mem>> -> memref<1x!tpu.dma_semaphore, #tpu.memory_space<semaphore_mem>>
      %dma_wait3A_247 = tpu.memref_squeeze %dma_wait3A_246 : memref<1x!tpu.dma_semaphore, #tpu.memory_space<semaphore_mem>> -> memref<!tpu.dma_semaphore, #tpu.memory_space<semaphore_mem>>
      tpu.wait_indirect_dma semaphore(%dma_wait3A_247 : memref<!tpu.dma_semaphore, #tpu.memory_space<semaphore_mem>>) src(%dma_wait3A_245 : memref<10112x128xf32, #tpu.memory_space<hbm>>) dst(%dma_wait3A_235 : memref<64x128xf32, #tpu.memory_space<vmem>>)
      %dma_start3A_248 = arith.constant 0 : i32
      %dma_start3A_249 = arith.constant 0 : i32
      %dma_start3A_250 = tpu.memref_slice %arg8[%rem3A_229, %dma_start3A_248, %dma_start3A_249] : memref<3x64x128xf32, #tpu.memory_space<vmem>> -> memref<1x64x128xf32, #tpu.memory_space<vmem>>
      %dma_start3A_251 = tpu.memref_squeeze %dma_start3A_250 : memref<1x64x128xf32, #tpu.memory_space<vmem>> -> memref<64x128xf32, #tpu.memory_space<vmem>>
      %dma_start3A_252 = arith.constant 0 : i32
      %dma_start3A_253 = tpu.memref_slice %arg7[%scan3A_228, %dma_start3A_252] : memref<160x64xi32, #tpu.memory_space<vmem>> -> memref<1x64xi32, #tpu.memory_space<vmem>>
      %dma_start3A_254 = tpu.memref_squeeze %dma_start3A_253 : memref<1x64xi32, #tpu.memory_space<vmem>> -> memref<64xi32, #tpu.memory_space<vmem>>
      %dma_start3A_255 = arith.constant 0 : i32
      %dma_start3A_256 = arith.constant 0 : i32
      %dma_start3A_257 = tpu.memref_slice %arg9[%dma_start3A_255, %dma_start3A_256] : memref<5064x128xf32, #tpu.memory_space<vmem_shared>> -> memref<5064x128xf32, #tpu.memory_space<vmem_shared>>
      %dma_start3A_258 = tpu.memref_slice %arg11[%rem3A_229] : memref<3x!tpu.dma_semaphore, #tpu.memory_space<semaphore_mem>> -> memref<1x!tpu.dma_semaphore, #tpu.memory_space<semaphore_mem>>
      %dma_start3A_259 = tpu.memref_squeeze %dma_start3A_258 : memref<1x!tpu.dma_semaphore, #tpu.memory_space<semaphore_mem>> -> memref<!tpu.dma_semaphore, #tpu.memory_space<semaphore_mem>>
      tpu.enqueue_indirect_dma source(%dma_start3A_251 : memref<64x128xf32, #tpu.memory_space<vmem>>) target(%dma_start3A_257 : memref<5064x128xf32, #tpu.memory_space<vmem_shared>>) offsets(%dma_start3A_254 : memref<64xi32, #tpu.memory_space<vmem>>) semaphore(%dma_start3A_259 : memref<!tpu.dma_semaphore, #tpu.memory_space<semaphore_mem>>) {add = true}
      %add3A = arith.constant 2 : i32
      %add3A_260 = arith.addi %scan3A_228, %add3A : i32
      %lt3A_261 = arith.constant 160 : i32
      %lt3A_262 = arith.cmpi slt, %add3A_260, %lt3A_261 : i32
      %convert_element_type3A_263 = arith.extui %lt3A_262 : i1 to i32
      %cond3A_264 = arith.constant 0 : i32
      %cond3A_265 = arith.cmpi ne, %convert_element_type3A_263, %cond3A_264 : i32
      scf.if %cond3A_265 {
        %rem3A_266 = arith.constant 3 : i32
        %rem3A_267 = arith.remsi %add3A_260, %rem3A_266 : i32
        %ge3A = arith.constant 3 : i32
        %ge3A_268 = arith.cmpi sge, %add3A_260, %ge3A : i32
        %convert_element_type3A_269 = arith.extui %ge3A_268 : i1 to i32
        %cond3A_270 = arith.constant 0 : i32
        %cond3A_271 = arith.cmpi ne, %convert_element_type3A_269, %cond3A_270 : i32
        scf.if %cond3A_271 {
          %dma_wait3A_288 = arith.constant 0 : i32
          %dma_wait3A_289 = arith.constant 0 : i32
          %dma_wait3A_290 = arith.constant 0 : i32
          %dma_wait3A_291 = arith.constant 0 : i32
          %dma_wait3A_292 = tpu.memref_slice %arg8[%dma_wait3A_288, %dma_wait3A_290, %dma_wait3A_291] : memref<3x64x128xf32, #tpu.memory_space<vmem>> -> memref<1x64x128xf32, #tpu.memory_space<vmem>>
          %dma_wait3A_293 = tpu.memref_squeeze %dma_wait3A_292 : memref<1x64x128xf32, #tpu.memory_space<vmem>> -> memref<64x128xf32, #tpu.memory_space<vmem>>
          %dma_wait3A_294 = arith.constant 0 : i32
          %dma_wait3A_295 = tpu.memref_slice %arg7[%dma_wait3A_289, %dma_wait3A_294] : memref<160x64xi32, #tpu.memory_space<vmem>> -> memref<1x64xi32, #tpu.memory_space<vmem>>
          %dma_wait3A_296 = tpu.memref_squeeze %dma_wait3A_295 : memref<1x64xi32, #tpu.memory_space<vmem>> -> memref<64xi32, #tpu.memory_space<vmem>>
          %dma_wait3A_297 = arith.constant 0 : i32
          %dma_wait3A_298 = arith.constant 0 : i32
          %dma_wait3A_299 = tpu.memref_slice %arg9[%dma_wait3A_297, %dma_wait3A_298] : memref<5064x128xf32, #tpu.memory_space<vmem_shared>> -> memref<5064x128xf32, #tpu.memory_space<vmem_shared>>
          %dma_wait3A_300 = tpu.memref_slice %arg11[%rem3A_267] : memref<3x!tpu.dma_semaphore, #tpu.memory_space<semaphore_mem>> -> memref<1x!tpu.dma_semaphore, #tpu.memory_space<semaphore_mem>>
          %dma_wait3A_301 = tpu.memref_squeeze %dma_wait3A_300 : memref<1x!tpu.dma_semaphore, #tpu.memory_space<semaphore_mem>> -> memref<!tpu.dma_semaphore, #tpu.memory_space<semaphore_mem>>
          tpu.wait_indirect_dma semaphore(%dma_wait3A_301 : memref<!tpu.dma_semaphore, #tpu.memory_space<semaphore_mem>>) src(%dma_wait3A_293 : memref<64x128xf32, #tpu.memory_space<vmem>>) dst(%dma_wait3A_299 : memref<5064x128xf32, #tpu.memory_space<vmem_shared>>)
        } else {
        }
        %dma_start3A_272 = arith.constant 0 : i32
        %dma_start3A_273 = arith.constant 0 : i32
        %dma_start3A_274 = tpu.memref_slice %arg8[%rem3A_267, %dma_start3A_272, %dma_start3A_273] : memref<3x64x128xf32, #tpu.memory_space<vmem>> -> memref<1x64x128xf32, #tpu.memory_space<vmem>>
        %dma_start3A_275 = tpu.memref_squeeze %dma_start3A_274 : memref<1x64x128xf32, #tpu.memory_space<vmem>> -> memref<64x128xf32, #tpu.memory_space<vmem>>
        %dma_start3A_276 = arith.constant 0 : i32
        %dma_start3A_277 = tpu.memref_slice %arg6[%add3A_260, %dma_start3A_276] : memref<160x64xi32, #tpu.memory_space<vmem>> -> memref<1x64xi32, #tpu.memory_space<vmem>>
        %dma_start3A_278 = tpu.memref_squeeze %dma_start3A_277 : memref<1x64xi32, #tpu.memory_space<vmem>> -> memref<64xi32, #tpu.memory_space<vmem>>
        %dma_start3A_279 = arith.constant 0 : i32
        %dma_start3A_280 = arith.constant 0 : i32
        %dma_start3A_281 = tpu.memref_slice %arg4[%arg0, %dma_start3A_279, %dma_start3A_280] : memref<2x10112x128xf32, #tpu.memory_space<hbm>> -> memref<1x10112x128xf32, #tpu.memory_space<hbm>>
        %dma_start3A_282 = tpu.memref_squeeze %dma_start3A_281 : memref<1x10112x128xf32, #tpu.memory_space<hbm>> -> memref<10112x128xf32, #tpu.memory_space<hbm>>
        %dma_start3A_283 = arith.constant 0 : i32
        %dma_start3A_284 = arith.constant 0 : i32
        %dma_start3A_285 = tpu.memref_slice %dma_start3A_282[%dma_start3A_283, %dma_start3A_284] : memref<10112x128xf32, #tpu.memory_space<hbm>> -> memref<10112x128xf32, #tpu.memory_space<hbm>>
        %dma_start3A_286 = tpu.memref_slice %arg10[%rem3A_267] : memref<3x!tpu.dma_semaphore, #tpu.memory_space<semaphore_mem>> -> memref<1x!tpu.dma_semaphore, #tpu.memory_space<semaphore_mem>>
        %dma_start3A_287 = tpu.memref_squeeze %dma_start3A_286 : memref<1x!tpu.dma_semaphore, #tpu.memory_space<semaphore_mem>> -> memref<!tpu.dma_semaphore, #tpu.memory_space<semaphore_mem>>
        tpu.enqueue_indirect_dma source(%dma_start3A_285 : memref<10112x128xf32, #tpu.memory_space<hbm>>) target(%dma_start3A_275 : memref<64x128xf32, #tpu.memory_space<vmem>>) offsets(%dma_start3A_278 : memref<64xi32, #tpu.memory_space<vmem>>) semaphore(%dma_start3A_287 : memref<!tpu.dma_semaphore, #tpu.memory_space<semaphore_mem>>)
      } else {
      }
    }
    %scan3A_53 = arith.constant 160 : i32
    %dma_wait3A = arith.constant 0 : i32
    %dma_wait3A_54 = arith.constant 0 : i32
    %dma_wait3A_55 = arith.constant 1 : i32
    %dma_wait3A_56 = arith.constant 0 : i32
    %dma_wait3A_57 = arith.constant 0 : i32
    %dma_wait3A_58 = tpu.memref_slice %arg8[%dma_wait3A, %dma_wait3A_56, %dma_wait3A_57] : memref<3x64x128xf32, #tpu.memory_space<vmem>> -> memref<1x64x128xf32, #tpu.memory_space<vmem>>
    %dma_wait3A_59 = tpu.memref_squeeze %dma_wait3A_58 : memref<1x64x128xf32, #tpu.memory_space<vmem>> -> memref<64x128xf32, #tpu.memory_space<vmem>>
    %dma_wait3A_60 = arith.constant 0 : i32
    %dma_wait3A_61 = tpu.memref_slice %arg7[%dma_wait3A_54, %dma_wait3A_60] : memref<160x64xi32, #tpu.memory_space<vmem>> -> memref<1x64xi32, #tpu.memory_space<vmem>>
    %dma_wait3A_62 = tpu.memref_squeeze %dma_wait3A_61 : memref<1x64xi32, #tpu.memory_space<vmem>> -> memref<64xi32, #tpu.memory_space<vmem>>
    %dma_wait3A_63 = arith.constant 0 : i32
    %dma_wait3A_64 = arith.constant 0 : i32
    %dma_wait3A_65 = tpu.memref_slice %arg9[%dma_wait3A_63, %dma_wait3A_64] : memref<5064x128xf32, #tpu.memory_space<vmem_shared>> -> memref<5064x128xf32, #tpu.memory_space<vmem_shared>>
    %dma_wait3A_66 = tpu.memref_slice %arg11[%dma_wait3A_55] : memref<3x!tpu.dma_semaphore, #tpu.memory_space<semaphore_mem>> -> memref<1x!tpu.dma_semaphore, #tpu.memory_space<semaphore_mem>>
    %dma_wait3A_67 = tpu.memref_squeeze %dma_wait3A_66 : memref<1x!tpu.dma_semaphore, #tpu.memory_space<semaphore_mem>> -> memref<!tpu.dma_semaphore, #tpu.memory_space<semaphore_mem>>
    tpu.wait_indirect_dma semaphore(%dma_wait3A_67 : memref<!tpu.dma_semaphore, #tpu.memory_space<semaphore_mem>>) src(%dma_wait3A_59 : memref<64x128xf32, #tpu.memory_space<vmem>>) dst(%dma_wait3A_65 : memref<5064x128xf32, #tpu.memory_space<vmem_shared>>)
    %dma_wait3A_68 = arith.constant 0 : i32
    %dma_wait3A_69 = arith.constant 0 : i32
    %dma_wait3A_70 = arith.constant 2 : i32
    %dma_wait3A_71 = arith.constant 0 : i32
    %dma_wait3A_72 = arith.constant 0 : i32
    %dma_wait3A_73 = tpu.memref_slice %arg8[%dma_wait3A_68, %dma_wait3A_71, %dma_wait3A_72] : memref<3x64x128xf32, #tpu.memory_space<vmem>> -> memref<1x64x128xf32, #tpu.memory_space<vmem>>
    %dma_wait3A_74 = tpu.memref_squeeze %dma_wait3A_73 : memref<1x64x128xf32, #tpu.memory_space<vmem>> -> memref<64x128xf32, #tpu.memory_space<vmem>>
    %dma_wait3A_75 = arith.constant 0 : i32
    %dma_wait3A_76 = tpu.memref_slice %arg7[%dma_wait3A_69, %dma_wait3A_75] : memref<160x64xi32, #tpu.memory_space<vmem>> -> memref<1x64xi32, #tpu.memory_space<vmem>>
    %dma_wait3A_77 = tpu.memref_squeeze %dma_wait3A_76 : memref<1x64xi32, #tpu.memory_space<vmem>> -> memref<64xi32, #tpu.memory_space<vmem>>
    %dma_wait3A_78 = arith.constant 0 : i32
    %dma_wait3A_79 = arith.constant 0 : i32
    %dma_wait3A_80 = tpu.memref_slice %arg9[%dma_wait3A_78, %dma_wait3A_79] : memref<5064x128xf32, #tpu.memory_space<vmem_shared>> -> memref<5064x128xf32, #tpu.memory_space<vmem_shared>>
    %dma_wait3A_81 = tpu.memref_slice %arg11[%dma_wait3A_70] : memref<3x!tpu.dma_semaphore, #tpu.memory_space<semaphore_mem>> -> memref<1x!tpu.dma_semaphore, #tpu.memory_space<semaphore_mem>>
    %dma_wait3A_82 = tpu.memref_squeeze %dma_wait3A_81 : memref<1x!tpu.dma_semaphore, #tpu.memory_space<semaphore_mem>> -> memref<!tpu.dma_semaphore, #tpu.memory_space<semaphore_mem>>
    tpu.wait_indirect_dma semaphore(%dma_wait3A_82 : memref<!tpu.dma_semaphore, #tpu.memory_space<semaphore_mem>>) src(%dma_wait3A_74 : memref<64x128xf32, #tpu.memory_space<vmem>>) dst(%dma_wait3A_80 : memref<5064x128xf32, #tpu.memory_space<vmem_shared>>)
    %dma_wait3A_83 = arith.constant 0 : i32
    %dma_wait3A_84 = arith.constant 0 : i32
    %dma_wait3A_85 = arith.constant 0 : i32
    %dma_wait3A_86 = arith.constant 0 : i32
    %dma_wait3A_87 = arith.constant 0 : i32
    %dma_wait3A_88 = tpu.memref_slice %arg8[%dma_wait3A_83, %dma_wait3A_86, %dma_wait3A_87] : memref<3x64x128xf32, #tpu.memory_space<vmem>> -> memref<1x64x128xf32, #tpu.memory_space<vmem>>
    %dma_wait3A_89 = tpu.memref_squeeze %dma_wait3A_88 : memref<1x64x128xf32, #tpu.memory_space<vmem>> -> memref<64x128xf32, #tpu.memory_space<vmem>>
    %dma_wait3A_90 = arith.constant 0 : i32
    %dma_wait3A_91 = tpu.memref_slice %arg7[%dma_wait3A_84, %dma_wait3A_90] : memref<160x64xi32, #tpu.memory_space<vmem>> -> memref<1x64xi32, #tpu.memory_space<vmem>>
    %dma_wait3A_92 = tpu.memref_squeeze %dma_wait3A_91 : memref<1x64xi32, #tpu.memory_space<vmem>> -> memref<64xi32, #tpu.memory_space<vmem>>
    %dma_wait3A_93 = arith.constant 0 : i32
    %dma_wait3A_94 = arith.constant 0 : i32
    %dma_wait3A_95 = tpu.memref_slice %arg9[%dma_wait3A_93, %dma_wait3A_94] : memref<5064x128xf32, #tpu.memory_space<vmem_shared>> -> memref<5064x128xf32, #tpu.memory_space<vmem_shared>>
    %dma_wait3A_96 = tpu.memref_slice %arg11[%dma_wait3A_85] : memref<3x!tpu.dma_semaphore, #tpu.memory_space<semaphore_mem>> -> memref<1x!tpu.dma_semaphore, #tpu.memory_space<semaphore_mem>>
    %dma_wait3A_97 = tpu.memref_squeeze %dma_wait3A_96 : memref<1x!tpu.dma_semaphore, #tpu.memory_space<semaphore_mem>> -> memref<!tpu.dma_semaphore, #tpu.memory_space<semaphore_mem>>
    tpu.wait_indirect_dma semaphore(%dma_wait3A_97 : memref<!tpu.dma_semaphore, #tpu.memory_space<semaphore_mem>>) src(%dma_wait3A_89 : memref<64x128xf32, #tpu.memory_space<vmem>>) dst(%dma_wait3A_95 : memref<5064x128xf32, #tpu.memory_space<vmem_shared>>)
    %barrier3A_98 = arith.constant 0 : index
    tpu.barrier barrier_id(%barrier3A_98)
    %lt3A_99 = arith.constant 15 : i32
    %lt3A_100 = arith.cmpi slt, %arg1, %lt3A_99 : i32
    %convert_element_type3A_101 = arith.extui %lt3A_100 : i1 to i32
    %cond3A_102 = arith.constant 0 : i32
    %cond3A_103 = arith.cmpi ne, %convert_element_type3A_101, %cond3A_102 : i32
    scf.if %cond3A_103 {
      %mul3A = arith.constant 320 : i32
      %mul3A_228 = arith.muli %arg1, %mul3A : i32
      %mul3A_229 = arith.constant 320 : i32
      %mul3A_230 = arith.muli %arg1, %mul3A_229 : i32
      %add3A = arith.constant 0 : i32
      %add3A_231 = arith.addi %add3A, %mul3A_230 : i32
      "tpu.region"() ({
        %run_scoped3A = tpu.sem_alloc : memref<!tpu.dma_semaphore, #tpu.memory_space<semaphore_mem>>
        %dma_start3A_232 = arith.constant 0 : i32
        %dma_start3A_233 = tpu.memref_slice %arg5[%arg0, %add3A_231, %dma_start3A_232] : memref<2x10112x128xf32, #tpu.memory_space<hbm>> -> memref<1x320x128xf32, #tpu.memory_space<hbm>>
        %dma_start3A_234 = tpu.memref_squeeze %dma_start3A_233 : memref<1x320x128xf32, #tpu.memory_space<hbm>> -> memref<320x128xf32, #tpu.memory_space<hbm>>
        %dma_start3A_235 = arith.constant 0 : i32
        %dma_start3A_236 = tpu.memref_slice %arg9[%mul3A_228, %dma_start3A_235] : memref<5064x128xf32, #tpu.memory_space<vmem_shared>> -> memref<320x128xf32, #tpu.memory_space<vmem_shared>>
        tpu.enqueue_dma source(%dma_start3A_236 : memref<320x128xf32, #tpu.memory_space<vmem_shared>>) target(%dma_start3A_234 : memref<320x128xf32, #tpu.memory_space<hbm>>) target_semaphore(%run_scoped3A : memref<!tpu.dma_semaphore, #tpu.memory_space<semaphore_mem>>)
        %dma_wait3A_237 = arith.constant 0 : i32
        %dma_wait3A_238 = tpu.memref_slice %arg5[%arg0, %add3A_231, %dma_wait3A_237] : memref<2x10112x128xf32, #tpu.memory_space<hbm>> -> memref<1x320x128xf32, #tpu.memory_space<hbm>>
        %dma_wait3A_239 = tpu.memref_squeeze %dma_wait3A_238 : memref<1x320x128xf32, #tpu.memory_space<hbm>> -> memref<320x128xf32, #tpu.memory_space<hbm>>
        %dma_wait3A_240 = arith.constant 0 : i32
        %dma_wait3A_241 = tpu.memref_slice %arg9[%mul3A_228, %dma_wait3A_240] : memref<5064x128xf32, #tpu.memory_space<vmem_shared>> -> memref<320x128xf32, #tpu.memory_space<vmem_shared>>
        tpu.wait_dma2 semaphore(%run_scoped3A : memref<!tpu.dma_semaphore, #tpu.memory_space<semaphore_mem>>) src(%dma_wait3A_241 : memref<320x128xf32, #tpu.memory_space<vmem_shared>>) dst(%dma_wait3A_239 : memref<320x128xf32, #tpu.memory_space<hbm>>)
        tpu.yield
      }) : () -> ()
    } else {
    }
    %eq3A_104 = arith.constant 15 : i32
    %eq3A_105 = arith.cmpi eq, %arg1, %eq3A_104 : i32
    %convert_element_type3A_106 = arith.extui %eq3A_105 : i1 to i32
    %cond3A_107 = arith.constant 0 : i32
    %cond3A_108 = arith.cmpi ne, %convert_element_type3A_106, %cond3A_107 : i32
    scf.if %cond3A_108 {
      "tpu.region"() ({
        %run_scoped3A = tpu.sem_alloc : memref<!tpu.dma_semaphore, #tpu.memory_space<semaphore_mem>>
        %dma_start3A_228 = arith.constant 4800 : i32
        %dma_start3A_229 = arith.constant 0 : i32
        %dma_start3A_230 = tpu.memref_slice %arg5[%arg0, %dma_start3A_228, %dma_start3A_229] : memref<2x10112x128xf32, #tpu.memory_space<hbm>> -> memref<1x256x128xf32, #tpu.memory_space<hbm>>
        %dma_start3A_231 = tpu.memref_squeeze %dma_start3A_230 : memref<1x256x128xf32, #tpu.memory_space<hbm>> -> memref<256x128xf32, #tpu.memory_space<hbm>>
        %dma_start3A_232 = arith.constant 4800 : i32
        %dma_start3A_233 = arith.constant 0 : i32
        %dma_start3A_234 = tpu.memref_slice %arg9[%dma_start3A_232, %dma_start3A_233] : memref<5064x128xf32, #tpu.memory_space<vmem_shared>> -> memref<256x128xf32, #tpu.memory_space<vmem_shared>>
        tpu.enqueue_dma source(%dma_start3A_234 : memref<256x128xf32, #tpu.memory_space<vmem_shared>>) target(%dma_start3A_231 : memref<256x128xf32, #tpu.memory_space<hbm>>) target_semaphore(%run_scoped3A : memref<!tpu.dma_semaphore, #tpu.memory_space<semaphore_mem>>)
        %dma_wait3A_235 = arith.constant 4800 : i32
        %dma_wait3A_236 = arith.constant 0 : i32
        %dma_wait3A_237 = tpu.memref_slice %arg5[%arg0, %dma_wait3A_235, %dma_wait3A_236] : memref<2x10112x128xf32, #tpu.memory_space<hbm>> -> memref<1x256x128xf32, #tpu.memory_space<hbm>>
        %dma_wait3A_238 = tpu.memref_squeeze %dma_wait3A_237 : memref<1x256x128xf32, #tpu.memory_space<hbm>> -> memref<256x128xf32, #tpu.memory_space<hbm>>
        %dma_wait3A_239 = arith.constant 4800 : i32
        %dma_wait3A_240 = arith.constant 0 : i32
        %dma_wait3A_241 = tpu.memref_slice %arg9[%dma_wait3A_239, %dma_wait3A_240] : memref<5064x128xf32, #tpu.memory_space<vmem_shared>> -> memref<256x128xf32, #tpu.memory_space<vmem_shared>>
        tpu.wait_dma2 semaphore(%run_scoped3A : memref<!tpu.dma_semaphore, #tpu.memory_space<semaphore_mem>>) src(%dma_wait3A_241 : memref<256x128xf32, #tpu.memory_space<vmem_shared>>) dst(%dma_wait3A_238 : memref<256x128xf32, #tpu.memory_space<hbm>>)
        tpu.yield
      }) : () -> ()
    } else {
    }
    %barrier3A_109 = arith.constant 0 : index
    tpu.barrier barrier_id(%barrier3A_109)
    "tpu.region"() ({
      %run_scoped3A = tpu.sem_alloc : memref<!tpu.dma_semaphore, #tpu.memory_space<semaphore_mem>>
      %dma_start3A_228 = arith.constant 0 : i32
      %dma_start3A_229 = arith.constant 0 : i32
      %dma_start3A_230 = tpu.memref_slice %arg3[%arg1, %dma_start3A_228, %dma_start3A_229] : memref<16x160x64xi32, #tpu.memory_space<hbm>> -> memref<1x160x64xi32, #tpu.memory_space<hbm>>
      %dma_start3A_231 = tpu.memref_squeeze %dma_start3A_230 : memref<1x160x64xi32, #tpu.memory_space<hbm>> -> memref<160x64xi32, #tpu.memory_space<hbm>>
      %dma_start3A_232 = arith.constant 0 : i32
      %dma_start3A_233 = arith.constant 0 : i32
      %dma_start3A_234 = tpu.memref_slice %arg3[%arg1, %dma_start3A_232, %dma_start3A_233] : memref<16x160x64xi32, #tpu.memory_space<hbm>> -> memref<1x160x64xi32, #tpu.memory_space<hbm>>
      %dma_start3A_235 = tpu.memref_squeeze %dma_start3A_234 : memref<1x160x64xi32, #tpu.memory_space<hbm>> -> memref<160x64xi32, #tpu.memory_space<hbm>>
      tpu.enqueue_dma source(%dma_start3A_235 : memref<160x64xi32, #tpu.memory_space<hbm>>) target(%arg7 : memref<160x64xi32, #tpu.memory_space<vmem>>) target_semaphore(%run_scoped3A : memref<!tpu.dma_semaphore, #tpu.memory_space<semaphore_mem>>)
      %dma_wait3A_236 = arith.constant 0 : i32
      %dma_wait3A_237 = arith.constant 0 : i32
      %dma_wait3A_238 = tpu.memref_slice %arg3[%arg1, %dma_wait3A_236, %dma_wait3A_237] : memref<16x160x64xi32, #tpu.memory_space<hbm>> -> memref<1x160x64xi32, #tpu.memory_space<hbm>>
      %dma_wait3A_239 = tpu.memref_squeeze %dma_wait3A_238 : memref<1x160x64xi32, #tpu.memory_space<hbm>> -> memref<160x64xi32, #tpu.memory_space<hbm>>
      %dma_wait3A_240 = arith.constant 0 : i32
      %dma_wait3A_241 = arith.constant 0 : i32
      %dma_wait3A_242 = tpu.memref_slice %arg3[%arg1, %dma_wait3A_240, %dma_wait3A_241] : memref<16x160x64xi32, #tpu.memory_space<hbm>> -> memref<1x160x64xi32, #tpu.memory_space<hbm>>
      %dma_wait3A_243 = tpu.memref_squeeze %dma_wait3A_242 : memref<1x160x64xi32, #tpu.memory_space<hbm>> -> memref<160x64xi32, #tpu.memory_space<hbm>>
      tpu.wait_dma2 semaphore(%run_scoped3A : memref<!tpu.dma_semaphore, #tpu.memory_space<semaphore_mem>>) src(%dma_wait3A_243 : memref<160x64xi32, #tpu.memory_space<hbm>>) dst(%arg7 : memref<160x64xi32, #tpu.memory_space<vmem>>)
      tpu.yield
    }) : () -> ()
    %scan3A_110 = arith.constant 0 : i32
    %scan3A_111 = arith.constant 0 : i32
    %scan3A_112 = arith.constant 160 : i32
    %scan3A_113 = arith.addi %scan3A_111, %scan3A_112 : i32
    %scan3A_114 = arith.constant 1 : i32
    scf.for %scan3A_228 = %scan3A_111 to %scan3A_113 step %scan3A_114  : i32 {
      %get3A = arith.index_cast %scan3A_228 : i32 to index
      %get3A_229 = arith.constant 0 : index
      %get3A_230 = tpu.vector_load %arg7[%get3A, %get3A_229] {strides = array<i32>} : memref<160x64xi32, #tpu.memory_space<vmem>>, vector<1x16xi32>,
      %get3A_231 = vector.shape_cast %get3A_230 : vector<1x16xi32> to vector<16xi32>
      %sub3A = arith.constant 5056 : i32
      %sub3A_232 = vector.broadcast %sub3A : i32 to vector<16xi32>
      %sub3A_233 = arith.subi %get3A_231, %sub3A_232 : vector<16xi32>
      %ge3A = arith.constant 0 : i32
      %ge3A_234 = vector.broadcast %ge3A : i32 to vector<16xi32>
      %ge3A_235 = arith.cmpi sge, %sub3A_233, %ge3A_234 : vector<16xi32>
      %lt3A_236 = arith.constant 5056 : i32
      %lt3A_237 = vector.broadcast %lt3A_236 : i32 to vector<16xi32>
      %lt3A_238 = arith.cmpi slt, %sub3A_233, %lt3A_237 : vector<16xi32>
      %and3A = arith.andi %ge3A_235, %lt3A_238 : vector<16xi1>
      %jit3A = arith.constant 5056 : i32
      %broadcast_in_dim3A = vector.broadcast %jit3A : i32 to vector<16xi32>
      %select_n3A = arith.select %and3A, %sub3A_233, %broadcast_in_dim3A : vector<16xi1>, vector<16xi32>
      %swap3A = arith.index_cast %scan3A_228 : i32 to index
      %swap3A_239 = arith.constant 0 : index
      %swap3A_240 = tpu.vector_load %arg7[%swap3A, %swap3A_239] {strides = array<i32>} : memref<160x64xi32, #tpu.memory_space<vmem>>, vector<1x16xi32>,
      %swap3A_241 = vector.shape_cast %swap3A_240 : vector<1x16xi32> to vector<16xi32>
      %swap3A_242 = vector.shape_cast %select_n3A : vector<16xi32> to vector<1x16xi32>
      tpu.vector_store %arg7[%swap3A, %swap3A_239], %swap3A_242 {strides = array<i32>} : memref<160x64xi32, #tpu.memory_space<vmem>>, vector<1x16xi32>,
      %get3A_243 = arith.index_cast %scan3A_228 : i32 to index
      %get3A_244 = arith.constant 16 : index
      %get3A_245 = tpu.vector_load %arg7[%get3A_243, %get3A_244] {strides = array<i32>} : memref<160x64xi32, #tpu.memory_space<vmem>>, vector<1x16xi32>,
      %get3A_246 = vector.shape_cast %get3A_245 : vector<1x16xi32> to vector<16xi32>
      %sub3A_247 = arith.constant 5056 : i32
      %sub3A_248 = vector.broadcast %sub3A_247 : i32 to vector<16xi32>
      %sub3A_249 = arith.subi %get3A_246, %sub3A_248 : vector<16xi32>
      %ge3A_250 = arith.constant 0 : i32
      %ge3A_251 = vector.broadcast %ge3A_250 : i32 to vector<16xi32>
      %ge3A_252 = arith.cmpi sge, %sub3A_249, %ge3A_251 : vector<16xi32>
      %lt3A_253 = arith.constant 5056 : i32
      %lt3A_254 = vector.broadcast %lt3A_253 : i32 to vector<16xi32>
      %lt3A_255 = arith.cmpi slt, %sub3A_249, %lt3A_254 : vector<16xi32>
      %and3A_256 = arith.andi %ge3A_252, %lt3A_255 : vector<16xi1>
      %jit3A_257 = arith.constant 5056 : i32
      %broadcast_in_dim3A_258 = vector.broadcast %jit3A_257 : i32 to vector<16xi32>
      %select_n3A_259 = arith.select %and3A_256, %sub3A_249, %broadcast_in_dim3A_258 : vector<16xi1>, vector<16xi32>
      %swap3A_260 = arith.index_cast %scan3A_228 : i32 to index
      %swap3A_261 = arith.constant 16 : index
      %swap3A_262 = tpu.vector_load %arg7[%swap3A_260, %swap3A_261] {strides = array<i32>} : memref<160x64xi32, #tpu.memory_space<vmem>>, vector<1x16xi32>,
      %swap3A_263 = vector.shape_cast %swap3A_262 : vector<1x16xi32> to vector<16xi32>
      %swap3A_264 = vector.shape_cast %select_n3A_259 : vector<16xi32> to vector<1x16xi32>
      tpu.vector_store %arg7[%swap3A_260, %swap3A_261], %swap3A_264 {strides = array<i32>} : memref<160x64xi32, #tpu.memory_space<vmem>>, vector<1x16xi32>,
      %get3A_265 = arith.index_cast %scan3A_228 : i32 to index
      %get3A_266 = arith.constant 32 : index
      %get3A_267 = tpu.vector_load %arg7[%get3A_265, %get3A_266] {strides = array<i32>} : memref<160x64xi32, #tpu.memory_space<vmem>>, vector<1x16xi32>,
      %get3A_268 = vector.shape_cast %get3A_267 : vector<1x16xi32> to vector<16xi32>
      %sub3A_269 = arith.constant 5056 : i32
      %sub3A_270 = vector.broadcast %sub3A_269 : i32 to vector<16xi32>
      %sub3A_271 = arith.subi %get3A_268, %sub3A_270 : vector<16xi32>
      %ge3A_272 = arith.constant 0 : i32
      %ge3A_273 = vector.broadcast %ge3A_272 : i32 to vector<16xi32>
      %ge3A_274 = arith.cmpi sge, %sub3A_271, %ge3A_273 : vector<16xi32>
      %lt3A_275 = arith.constant 5056 : i32
      %lt3A_276 = vector.broadcast %lt3A_275 : i32 to vector<16xi32>
      %lt3A_277 = arith.cmpi slt, %sub3A_271, %lt3A_276 : vector<16xi32>
      %and3A_278 = arith.andi %ge3A_274, %lt3A_277 : vector<16xi1>
      %jit3A_279 = arith.constant 5056 : i32
      %broadcast_in_dim3A_280 = vector.broadcast %jit3A_279 : i32 to vector<16xi32>
      %select_n3A_281 = arith.select %and3A_278, %sub3A_271, %broadcast_in_dim3A_280 : vector<16xi1>, vector<16xi32>
      %swap3A_282 = arith.index_cast %scan3A_228 : i32 to index
      %swap3A_283 = arith.constant 32 : index
      %swap3A_284 = tpu.vector_load %arg7[%swap3A_282, %swap3A_283] {strides = array<i32>} : memref<160x64xi32, #tpu.memory_space<vmem>>, vector<1x16xi32>,
      %swap3A_285 = vector.shape_cast %swap3A_284 : vector<1x16xi32> to vector<16xi32>
      %swap3A_286 = vector.shape_cast %select_n3A_281 : vector<16xi32> to vector<1x16xi32>
      tpu.vector_store %arg7[%swap3A_282, %swap3A_283], %swap3A_286 {strides = array<i32>} : memref<160x64xi32, #tpu.memory_space<vmem>>, vector<1x16xi32>,
      %get3A_287 = arith.index_cast %scan3A_228 : i32 to index
      %get3A_288 = arith.constant 48 : index
      %get3A_289 = tpu.vector_load %arg7[%get3A_287, %get3A_288] {strides = array<i32>} : memref<160x64xi32, #tpu.memory_space<vmem>>, vector<1x16xi32>,
      %get3A_290 = vector.shape_cast %get3A_289 : vector<1x16xi32> to vector<16xi32>
      %sub3A_291 = arith.constant 5056 : i32
      %sub3A_292 = vector.broadcast %sub3A_291 : i32 to vector<16xi32>
      %sub3A_293 = arith.subi %get3A_290, %sub3A_292 : vector<16xi32>
      %ge3A_294 = arith.constant 0 : i32
      %ge3A_295 = vector.broadcast %ge3A_294 : i32 to vector<16xi32>
      %ge3A_296 = arith.cmpi sge, %sub3A_293, %ge3A_295 : vector<16xi32>
      %lt3A_297 = arith.constant 5056 : i32
      %lt3A_298 = vector.broadcast %lt3A_297 : i32 to vector<16xi32>
      %lt3A_299 = arith.cmpi slt, %sub3A_293, %lt3A_298 : vector<16xi32>
      %and3A_300 = arith.andi %ge3A_296, %lt3A_299 : vector<16xi1>
      %jit3A_301 = arith.constant 5056 : i32
      %broadcast_in_dim3A_302 = vector.broadcast %jit3A_301 : i32 to vector<16xi32>
      %select_n3A_303 = arith.select %and3A_300, %sub3A_293, %broadcast_in_dim3A_302 : vector<16xi1>, vector<16xi32>
      %swap3A_304 = arith.index_cast %scan3A_228 : i32 to index
      %swap3A_305 = arith.constant 48 : index
      %swap3A_306 = tpu.vector_load %arg7[%swap3A_304, %swap3A_305] {strides = array<i32>} : memref<160x64xi32, #tpu.memory_space<vmem>>, vector<1x16xi32>,
      %swap3A_307 = vector.shape_cast %swap3A_306 : vector<1x16xi32> to vector<16xi32>
      %swap3A_308 = vector.shape_cast %select_n3A_303 : vector<16xi32> to vector<1x16xi32>
      tpu.vector_store %arg7[%swap3A_304, %swap3A_305], %swap3A_308 {strides = array<i32>} : memref<160x64xi32, #tpu.memory_space<vmem>>, vector<1x16xi32>,
    }
    %scan3A_115 = arith.constant 160 : i32
    %lt3A_116 = arith.constant 15 : i32
    %lt3A_117 = arith.cmpi slt, %arg1, %lt3A_116 : i32
    %convert_element_type3A_118 = arith.extui %lt3A_117 : i1 to i32
    %cond3A_119 = arith.constant 0 : i32
    %cond3A_120 = arith.cmpi ne, %convert_element_type3A_118, %cond3A_119 : i32
    scf.if %cond3A_120 {
      %mul3A = arith.constant 320 : i32
      %mul3A_228 = arith.muli %arg1, %mul3A : i32
      %add3A = arith.constant 5056 : i32
      %add3A_229 = arith.addi %add3A, %mul3A_228 : i32
      %mul3A_230 = arith.constant 320 : i32
      %mul3A_231 = arith.muli %arg1, %mul3A_230 : i32
      "tpu.region"() ({
        %run_scoped3A = tpu.sem_alloc : memref<!tpu.dma_semaphore, #tpu.memory_space<semaphore_mem>>
        %dma_start3A_232 = arith.constant 0 : i32
        %dma_start3A_233 = tpu.memref_slice %arg9[%mul3A_231, %dma_start3A_232] : memref<5064x128xf32, #tpu.memory_space<vmem_shared>> -> memref<320x128xf32, #tpu.memory_space<vmem_shared>>
        %dma_start3A_234 = arith.constant 0 : i32
        %dma_start3A_235 = tpu.memref_slice %arg4[%arg0, %add3A_229, %dma_start3A_234] : memref<2x10112x128xf32, #tpu.memory_space<hbm>> -> memref<1x320x128xf32, #tpu.memory_space<hbm>>
        %dma_start3A_236 = tpu.memref_squeeze %dma_start3A_235 : memref<1x320x128xf32, #tpu.memory_space<hbm>> -> memref<320x128xf32, #tpu.memory_space<hbm>>
        tpu.enqueue_dma source(%dma_start3A_236 : memref<320x128xf32, #tpu.memory_space<hbm>>) target(%dma_start3A_233 : memref<320x128xf32, #tpu.memory_space<vmem_shared>>) target_semaphore(%run_scoped3A : memref<!tpu.dma_semaphore, #tpu.memory_space<semaphore_mem>>)
        %dma_wait3A_237 = arith.constant 0 : i32
        %dma_wait3A_238 = tpu.memref_slice %arg9[%mul3A_231, %dma_wait3A_237] : memref<5064x128xf32, #tpu.memory_space<vmem_shared>> -> memref<320x128xf32, #tpu.memory_space<vmem_shared>>
        %dma_wait3A_239 = arith.constant 0 : i32
        %dma_wait3A_240 = tpu.memref_slice %arg4[%arg0, %add3A_229, %dma_wait3A_239] : memref<2x10112x128xf32, #tpu.memory_space<hbm>> -> memref<1x320x128xf32, #tpu.memory_space<hbm>>
        %dma_wait3A_241 = tpu.memref_squeeze %dma_wait3A_240 : memref<1x320x128xf32, #tpu.memory_space<hbm>> -> memref<320x128xf32, #tpu.memory_space<hbm>>
        tpu.wait_dma2 semaphore(%run_scoped3A : memref<!tpu.dma_semaphore, #tpu.memory_space<semaphore_mem>>) src(%dma_wait3A_241 : memref<320x128xf32, #tpu.memory_space<hbm>>) dst(%dma_wait3A_238 : memref<320x128xf32, #tpu.memory_space<vmem_shared>>)
        tpu.yield
      }) : () -> ()
    } else {
    }
    %eq3A_121 = arith.constant 15 : i32
    %eq3A_122 = arith.cmpi eq, %arg1, %eq3A_121 : i32
    %convert_element_type3A_123 = arith.extui %eq3A_122 : i1 to i32
    %cond3A_124 = arith.constant 0 : i32
    %cond3A_125 = arith.cmpi ne, %convert_element_type3A_123, %cond3A_124 : i32
    scf.if %cond3A_125 {
      "tpu.region"() ({
        %run_scoped3A = tpu.sem_alloc : memref<!tpu.dma_semaphore, #tpu.memory_space<semaphore_mem>>
        %dma_start3A_228 = arith.constant 4800 : i32
        %dma_start3A_229 = arith.constant 0 : i32
        %dma_start3A_230 = tpu.memref_slice %arg9[%dma_start3A_228, %dma_start3A_229] : memref<5064x128xf32, #tpu.memory_space<vmem_shared>> -> memref<256x128xf32, #tpu.memory_space<vmem_shared>>
        %dma_start3A_231 = arith.constant 9856 : i32
        %dma_start3A_232 = arith.constant 0 : i32
        %dma_start3A_233 = tpu.memref_slice %arg4[%arg0, %dma_start3A_231, %dma_start3A_232] : memref<2x10112x128xf32, #tpu.memory_space<hbm>> -> memref<1x256x128xf32, #tpu.memory_space<hbm>>
        %dma_start3A_234 = tpu.memref_squeeze %dma_start3A_233 : memref<1x256x128xf32, #tpu.memory_space<hbm>> -> memref<256x128xf32, #tpu.memory_space<hbm>>
        tpu.enqueue_dma source(%dma_start3A_234 : memref<256x128xf32, #tpu.memory_space<hbm>>) target(%dma_start3A_230 : memref<256x128xf32, #tpu.memory_space<vmem_shared>>) target_semaphore(%run_scoped3A : memref<!tpu.dma_semaphore, #tpu.memory_space<semaphore_mem>>)
        %dma_wait3A_235 = arith.constant 4800 : i32
        %dma_wait3A_236 = arith.constant 0 : i32
        %dma_wait3A_237 = tpu.memref_slice %arg9[%dma_wait3A_235, %dma_wait3A_236] : memref<5064x128xf32, #tpu.memory_space<vmem_shared>> -> memref<256x128xf32, #tpu.memory_space<vmem_shared>>
        %dma_wait3A_238 = arith.constant 9856 : i32
        %dma_wait3A_239 = arith.constant 0 : i32
        %dma_wait3A_240 = tpu.memref_slice %arg4[%arg0, %dma_wait3A_238, %dma_wait3A_239] : memref<2x10112x128xf32, #tpu.memory_space<hbm>> -> memref<1x256x128xf32, #tpu.memory_space<hbm>>
        %dma_wait3A_241 = tpu.memref_squeeze %dma_wait3A_240 : memref<1x256x128xf32, #tpu.memory_space<hbm>> -> memref<256x128xf32, #tpu.memory_space<hbm>>
        tpu.wait_dma2 semaphore(%run_scoped3A : memref<!tpu.dma_semaphore, #tpu.memory_space<semaphore_mem>>) src(%dma_wait3A_241 : memref<256x128xf32, #tpu.memory_space<hbm>>) dst(%dma_wait3A_237 : memref<256x128xf32, #tpu.memory_space<vmem_shared>>)
        tpu.yield
      }) : () -> ()
    } else {
    }
    %barrier3A_126 = arith.constant 0 : index
    tpu.barrier barrier_id(%barrier3A_126)
    %dma_start3A_127 = arith.constant 0 : i32
    %dma_start3A_128 = arith.constant 0 : i32
    %dma_start3A_129 = arith.constant 0 : i32
    %dma_start3A_130 = arith.constant 0 : i32
    %dma_start3A_131 = arith.constant 0 : i32
    %dma_start3A_132 = tpu.memref_slice %arg8[%dma_start3A_128, %dma_start3A_130, %dma_start3A_131] : memref<3x64x128xf32, #tpu.memory_space<vmem>> -> memref<1x64x128xf32, #tpu.memory_space<vmem>>
    %dma_start3A_133 = tpu.memref_squeeze %dma_start3A_132 : memref<1x64x128xf32, #tpu.memory_space<vmem>> -> memref<64x128xf32, #tpu.memory_space<vmem>>
    %dma_start3A_134 = arith.constant 0 : i32
    %dma_start3A_135 = tpu.memref_slice %arg6[%dma_start3A_127, %dma_start3A_134] : memref<160x64xi32, #tpu.memory_space<vmem>> -> memref<1x64xi32, #tpu.memory_space<vmem>>
    %dma_start3A_136 = tpu.memref_squeeze %dma_start3A_135 : memref<1x64xi32, #tpu.memory_space<vmem>> -> memref<64xi32, #tpu.memory_space<vmem>>
    %dma_start3A_137 = arith.constant 0 : i32
    %dma_start3A_138 = arith.constant 0 : i32
    %dma_start3A_139 = tpu.memref_slice %arg4[%arg0, %dma_start3A_137, %dma_start3A_138] : memref<2x10112x128xf32, #tpu.memory_space<hbm>> -> memref<1x10112x128xf32, #tpu.memory_space<hbm>>
    %dma_start3A_140 = tpu.memref_squeeze %dma_start3A_139 : memref<1x10112x128xf32, #tpu.memory_space<hbm>> -> memref<10112x128xf32, #tpu.memory_space<hbm>>
    %dma_start3A_141 = arith.constant 0 : i32
    %dma_start3A_142 = arith.constant 0 : i32
    %dma_start3A_143 = tpu.memref_slice %dma_start3A_140[%dma_start3A_141, %dma_start3A_142] : memref<10112x128xf32, #tpu.memory_space<hbm>> -> memref<10112x128xf32, #tpu.memory_space<hbm>>
    %dma_start3A_144 = tpu.memref_slice %arg10[%dma_start3A_129] : memref<3x!tpu.dma_semaphore, #tpu.memory_space<semaphore_mem>> -> memref<1x!tpu.dma_semaphore, #tpu.memory_space<semaphore_mem>>
    %dma_start3A_145 = tpu.memref_squeeze %dma_start3A_144 : memref<1x!tpu.dma_semaphore, #tpu.memory_space<semaphore_mem>> -> memref<!tpu.dma_semaphore, #tpu.memory_space<semaphore_mem>>
    tpu.enqueue_indirect_dma source(%dma_start3A_143 : memref<10112x128xf32, #tpu.memory_space<hbm>>) target(%dma_start3A_133 : memref<64x128xf32, #tpu.memory_space<vmem>>) offsets(%dma_start3A_136 : memref<64xi32, #tpu.memory_space<vmem>>) semaphore(%dma_start3A_145 : memref<!tpu.dma_semaphore, #tpu.memory_space<semaphore_mem>>)
    %dma_start3A_146 = arith.constant 1 : i32
    %dma_start3A_147 = arith.constant 1 : i32
    %dma_start3A_148 = arith.constant 1 : i32
    %dma_start3A_149 = arith.constant 0 : i32
    %dma_start3A_150 = arith.constant 0 : i32
    %dma_start3A_151 = tpu.memref_slice %arg8[%dma_start3A_147, %dma_start3A_149, %dma_start3A_150] : memref<3x64x128xf32, #tpu.memory_space<vmem>> -> memref<1x64x128xf32, #tpu.memory_space<vmem>>
    %dma_start3A_152 = tpu.memref_squeeze %dma_start3A_151 : memref<1x64x128xf32, #tpu.memory_space<vmem>> -> memref<64x128xf32, #tpu.memory_space<vmem>>
    %dma_start3A_153 = arith.constant 0 : i32
    %dma_start3A_154 = tpu.memref_slice %arg6[%dma_start3A_146, %dma_start3A_153] : memref<160x64xi32, #tpu.memory_space<vmem>> -> memref<1x64xi32, #tpu.memory_space<vmem>>
    %dma_start3A_155 = tpu.memref_squeeze %dma_start3A_154 : memref<1x64xi32, #tpu.memory_space<vmem>> -> memref<64xi32, #tpu.memory_space<vmem>>
    %dma_start3A_156 = arith.constant 0 : i32
    %dma_start3A_157 = arith.constant 0 : i32
    %dma_start3A_158 = tpu.memref_slice %arg4[%arg0, %dma_start3A_156, %dma_start3A_157] : memref<2x10112x128xf32, #tpu.memory_space<hbm>> -> memref<1x10112x128xf32, #tpu.memory_space<hbm>>
    %dma_start3A_159 = tpu.memref_squeeze %dma_start3A_158 : memref<1x10112x128xf32, #tpu.memory_space<hbm>> -> memref<10112x128xf32, #tpu.memory_space<hbm>>
    %dma_start3A_160 = arith.constant 0 : i32
    %dma_start3A_161 = arith.constant 0 : i32
    %dma_start3A_162 = tpu.memref_slice %dma_start3A_159[%dma_start3A_160, %dma_start3A_161] : memref<10112x128xf32, #tpu.memory_space<hbm>> -> memref<10112x128xf32, #tpu.memory_space<hbm>>
    %dma_start3A_163 = tpu.memref_slice %arg10[%dma_start3A_148] : memref<3x!tpu.dma_semaphore, #tpu.memory_space<semaphore_mem>> -> memref<1x!tpu.dma_semaphore, #tpu.memory_space<semaphore_mem>>
    %dma_start3A_164 = tpu.memref_squeeze %dma_start3A_163 : memref<1x!tpu.dma_semaphore, #tpu.memory_space<semaphore_mem>> -> memref<!tpu.dma_semaphore, #tpu.memory_space<semaphore_mem>>
    tpu.enqueue_indirect_dma source(%dma_start3A_162 : memref<10112x128xf32, #tpu.memory_space<hbm>>) target(%dma_start3A_152 : memref<64x128xf32, #tpu.memory_space<vmem>>) offsets(%dma_start3A_155 : memref<64xi32, #tpu.memory_space<vmem>>) semaphore(%dma_start3A_164 : memref<!tpu.dma_semaphore, #tpu.memory_space<semaphore_mem>>)
    %scan3A_165 = arith.constant 0 : i32
    %scan3A_166 = arith.constant 0 : i32
    %scan3A_167 = arith.constant 160 : i32
    %scan3A_168 = arith.addi %scan3A_166, %scan3A_167 : i32
    %scan3A_169 = arith.constant 1 : i32
    scf.for %scan3A_228 = %scan3A_166 to %scan3A_168 step %scan3A_169  : i32 {
      %rem3A = arith.constant 3 : i32
      %rem3A_229 = arith.remsi %scan3A_228, %rem3A : i32
      %dma_wait3A_230 = arith.constant 0 : i32
      %dma_wait3A_231 = arith.constant 0 : i32
      %dma_wait3A_232 = arith.constant 0 : i32
      %dma_wait3A_233 = arith.constant 0 : i32
      %dma_wait3A_234 = tpu.memref_slice %arg8[%dma_wait3A_231, %dma_wait3A_232, %dma_wait3A_233] : memref<3x64x128xf32, #tpu.memory_space<vmem>> -> memref<1x64x128xf32, #tpu.memory_space<vmem>>
      %dma_wait3A_235 = tpu.memref_squeeze %dma_wait3A_234 : memref<1x64x128xf32, #tpu.memory_space<vmem>> -> memref<64x128xf32, #tpu.memory_space<vmem>>
      %dma_wait3A_236 = arith.constant 0 : i32
      %dma_wait3A_237 = tpu.memref_slice %arg6[%dma_wait3A_230, %dma_wait3A_236] : memref<160x64xi32, #tpu.memory_space<vmem>> -> memref<1x64xi32, #tpu.memory_space<vmem>>
      %dma_wait3A_238 = tpu.memref_squeeze %dma_wait3A_237 : memref<1x64xi32, #tpu.memory_space<vmem>> -> memref<64xi32, #tpu.memory_space<vmem>>
      %dma_wait3A_239 = arith.constant 0 : i32
      %dma_wait3A_240 = arith.constant 0 : i32
      %dma_wait3A_241 = tpu.memref_slice %arg4[%arg0, %dma_wait3A_239, %dma_wait3A_240] : memref<2x10112x128xf32, #tpu.memory_space<hbm>> -> memref<1x10112x128xf32, #tpu.memory_space<hbm>>
      %dma_wait3A_242 = tpu.memref_squeeze %dma_wait3A_241 : memref<1x10112x128xf32, #tpu.memory_space<hbm>> -> memref<10112x128xf32, #tpu.memory_space<hbm>>
      %dma_wait3A_243 = arith.constant 0 : i32
      %dma_wait3A_244 = arith.constant 0 : i32
      %dma_wait3A_245 = tpu.memref_slice %dma_wait3A_242[%dma_wait3A_243, %dma_wait3A_244] : memref<10112x128xf32, #tpu.memory_space<hbm>> -> memref<10112x128xf32, #tpu.memory_space<hbm>>
      %dma_wait3A_246 = tpu.memref_slice %arg10[%rem3A_229] : memref<3x!tpu.dma_semaphore, #tpu.memory_space<semaphore_mem>> -> memref<1x!tpu.dma_semaphore, #tpu.memory_space<semaphore_mem>>
      %dma_wait3A_247 = tpu.memref_squeeze %dma_wait3A_246 : memref<1x!tpu.dma_semaphore, #tpu.memory_space<semaphore_mem>> -> memref<!tpu.dma_semaphore, #tpu.memory_space<semaphore_mem>>
      tpu.wait_indirect_dma semaphore(%dma_wait3A_247 : memref<!tpu.dma_semaphore, #tpu.memory_space<semaphore_mem>>) src(%dma_wait3A_245 : memref<10112x128xf32, #tpu.memory_space<hbm>>) dst(%dma_wait3A_235 : memref<64x128xf32, #tpu.memory_space<vmem>>)
      %dma_start3A_248 = arith.constant 0 : i32
      %dma_start3A_249 = arith.constant 0 : i32
      %dma_start3A_250 = tpu.memref_slice %arg8[%rem3A_229, %dma_start3A_248, %dma_start3A_249] : memref<3x64x128xf32, #tpu.memory_space<vmem>> -> memref<1x64x128xf32, #tpu.memory_space<vmem>>
      %dma_start3A_251 = tpu.memref_squeeze %dma_start3A_250 : memref<1x64x128xf32, #tpu.memory_space<vmem>> -> memref<64x128xf32, #tpu.memory_space<vmem>>
      %dma_start3A_252 = arith.constant 0 : i32
      %dma_start3A_253 = tpu.memref_slice %arg7[%scan3A_228, %dma_start3A_252] : memref<160x64xi32, #tpu.memory_space<vmem>> -> memref<1x64xi32, #tpu.memory_space<vmem>>
      %dma_start3A_254 = tpu.memref_squeeze %dma_start3A_253 : memref<1x64xi32, #tpu.memory_space<vmem>> -> memref<64xi32, #tpu.memory_space<vmem>>
      %dma_start3A_255 = arith.constant 0 : i32
      %dma_start3A_256 = arith.constant 0 : i32
      %dma_start3A_257 = tpu.memref_slice %arg9[%dma_start3A_255, %dma_start3A_256] : memref<5064x128xf32, #tpu.memory_space<vmem_shared>> -> memref<5064x128xf32, #tpu.memory_space<vmem_shared>>
      %dma_start3A_258 = tpu.memref_slice %arg11[%rem3A_229] : memref<3x!tpu.dma_semaphore, #tpu.memory_space<semaphore_mem>> -> memref<1x!tpu.dma_semaphore, #tpu.memory_space<semaphore_mem>>
      %dma_start3A_259 = tpu.memref_squeeze %dma_start3A_258 : memref<1x!tpu.dma_semaphore, #tpu.memory_space<semaphore_mem>> -> memref<!tpu.dma_semaphore, #tpu.memory_space<semaphore_mem>>
      tpu.enqueue_indirect_dma source(%dma_start3A_251 : memref<64x128xf32, #tpu.memory_space<vmem>>) target(%dma_start3A_257 : memref<5064x128xf32, #tpu.memory_space<vmem_shared>>) offsets(%dma_start3A_254 : memref<64xi32, #tpu.memory_space<vmem>>) semaphore(%dma_start3A_259 : memref<!tpu.dma_semaphore, #tpu.memory_space<semaphore_mem>>) {add = true}
      %add3A = arith.constant 2 : i32
      %add3A_260 = arith.addi %scan3A_228, %add3A : i32
      %lt3A_261 = arith.constant 160 : i32
      %lt3A_262 = arith.cmpi slt, %add3A_260, %lt3A_261 : i32
      %convert_element_type3A_263 = arith.extui %lt3A_262 : i1 to i32
      %cond3A_264 = arith.constant 0 : i32
      %cond3A_265 = arith.cmpi ne, %convert_element_type3A_263, %cond3A_264 : i32
      scf.if %cond3A_265 {
        %rem3A_266 = arith.constant 3 : i32
        %rem3A_267 = arith.remsi %add3A_260, %rem3A_266 : i32
        %ge3A = arith.constant 3 : i32
        %ge3A_268 = arith.cmpi sge, %add3A_260, %ge3A : i32
        %convert_element_type3A_269 = arith.extui %ge3A_268 : i1 to i32
        %cond3A_270 = arith.constant 0 : i32
        %cond3A_271 = arith.cmpi ne, %convert_element_type3A_269, %cond3A_270 : i32
        scf.if %cond3A_271 {
          %dma_wait3A_288 = arith.constant 0 : i32
          %dma_wait3A_289 = arith.constant 0 : i32
          %dma_wait3A_290 = arith.constant 0 : i32
          %dma_wait3A_291 = arith.constant 0 : i32
          %dma_wait3A_292 = tpu.memref_slice %arg8[%dma_wait3A_288, %dma_wait3A_290, %dma_wait3A_291] : memref<3x64x128xf32, #tpu.memory_space<vmem>> -> memref<1x64x128xf32, #tpu.memory_space<vmem>>
          %dma_wait3A_293 = tpu.memref_squeeze %dma_wait3A_292 : memref<1x64x128xf32, #tpu.memory_space<vmem>> -> memref<64x128xf32, #tpu.memory_space<vmem>>
          %dma_wait3A_294 = arith.constant 0 : i32
          %dma_wait3A_295 = tpu.memref_slice %arg7[%dma_wait3A_289, %dma_wait3A_294] : memref<160x64xi32, #tpu.memory_space<vmem>> -> memref<1x64xi32, #tpu.memory_space<vmem>>
          %dma_wait3A_296 = tpu.memref_squeeze %dma_wait3A_295 : memref<1x64xi32, #tpu.memory_space<vmem>> -> memref<64xi32, #tpu.memory_space<vmem>>
          %dma_wait3A_297 = arith.constant 0 : i32
          %dma_wait3A_298 = arith.constant 0 : i32
          %dma_wait3A_299 = tpu.memref_slice %arg9[%dma_wait3A_297, %dma_wait3A_298] : memref<5064x128xf32, #tpu.memory_space<vmem_shared>> -> memref<5064x128xf32, #tpu.memory_space<vmem_shared>>
          %dma_wait3A_300 = tpu.memref_slice %arg11[%rem3A_267] : memref<3x!tpu.dma_semaphore, #tpu.memory_space<semaphore_mem>> -> memref<1x!tpu.dma_semaphore, #tpu.memory_space<semaphore_mem>>
          %dma_wait3A_301 = tpu.memref_squeeze %dma_wait3A_300 : memref<1x!tpu.dma_semaphore, #tpu.memory_space<semaphore_mem>> -> memref<!tpu.dma_semaphore, #tpu.memory_space<semaphore_mem>>
          tpu.wait_indirect_dma semaphore(%dma_wait3A_301 : memref<!tpu.dma_semaphore, #tpu.memory_space<semaphore_mem>>) src(%dma_wait3A_293 : memref<64x128xf32, #tpu.memory_space<vmem>>) dst(%dma_wait3A_299 : memref<5064x128xf32, #tpu.memory_space<vmem_shared>>)
        } else {
        }
        %dma_start3A_272 = arith.constant 0 : i32
        %dma_start3A_273 = arith.constant 0 : i32
        %dma_start3A_274 = tpu.memref_slice %arg8[%rem3A_267, %dma_start3A_272, %dma_start3A_273] : memref<3x64x128xf32, #tpu.memory_space<vmem>> -> memref<1x64x128xf32, #tpu.memory_space<vmem>>
        %dma_start3A_275 = tpu.memref_squeeze %dma_start3A_274 : memref<1x64x128xf32, #tpu.memory_space<vmem>> -> memref<64x128xf32, #tpu.memory_space<vmem>>
        %dma_start3A_276 = arith.constant 0 : i32
        %dma_start3A_277 = tpu.memref_slice %arg6[%add3A_260, %dma_start3A_276] : memref<160x64xi32, #tpu.memory_space<vmem>> -> memref<1x64xi32, #tpu.memory_space<vmem>>
        %dma_start3A_278 = tpu.memref_squeeze %dma_start3A_277 : memref<1x64xi32, #tpu.memory_space<vmem>> -> memref<64xi32, #tpu.memory_space<vmem>>
        %dma_start3A_279 = arith.constant 0 : i32
        %dma_start3A_280 = arith.constant 0 : i32
        %dma_start3A_281 = tpu.memref_slice %arg4[%arg0, %dma_start3A_279, %dma_start3A_280] : memref<2x10112x128xf32, #tpu.memory_space<hbm>> -> memref<1x10112x128xf32, #tpu.memory_space<hbm>>
        %dma_start3A_282 = tpu.memref_squeeze %dma_start3A_281 : memref<1x10112x128xf32, #tpu.memory_space<hbm>> -> memref<10112x128xf32, #tpu.memory_space<hbm>>
        %dma_start3A_283 = arith.constant 0 : i32
        %dma_start3A_284 = arith.constant 0 : i32
        %dma_start3A_285 = tpu.memref_slice %dma_start3A_282[%dma_start3A_283, %dma_start3A_284] : memref<10112x128xf32, #tpu.memory_space<hbm>> -> memref<10112x128xf32, #tpu.memory_space<hbm>>
        %dma_start3A_286 = tpu.memref_slice %arg10[%rem3A_267] : memref<3x!tpu.dma_semaphore, #tpu.memory_space<semaphore_mem>> -> memref<1x!tpu.dma_semaphore, #tpu.memory_space<semaphore_mem>>
        %dma_start3A_287 = tpu.memref_squeeze %dma_start3A_286 : memref<1x!tpu.dma_semaphore, #tpu.memory_space<semaphore_mem>> -> memref<!tpu.dma_semaphore, #tpu.memory_space<semaphore_mem>>
        tpu.enqueue_indirect_dma source(%dma_start3A_285 : memref<10112x128xf32, #tpu.memory_space<hbm>>) target(%dma_start3A_275 : memref<64x128xf32, #tpu.memory_space<vmem>>) offsets(%dma_start3A_278 : memref<64xi32, #tpu.memory_space<vmem>>) semaphore(%dma_start3A_287 : memref<!tpu.dma_semaphore, #tpu.memory_space<semaphore_mem>>)
      } else {
      }
    }
    %scan3A_170 = arith.constant 160 : i32
    %dma_wait3A_171 = arith.constant 0 : i32
    %dma_wait3A_172 = arith.constant 0 : i32
    %dma_wait3A_173 = arith.constant 1 : i32
    %dma_wait3A_174 = arith.constant 0 : i32
    %dma_wait3A_175 = arith.constant 0 : i32
    %dma_wait3A_176 = tpu.memref_slice %arg8[%dma_wait3A_171, %dma_wait3A_174, %dma_wait3A_175] : memref<3x64x128xf32, #tpu.memory_space<vmem>> -> memref<1x64x128xf32, #tpu.memory_space<vmem>>
    %dma_wait3A_177 = tpu.memref_squeeze %dma_wait3A_176 : memref<1x64x128xf32, #tpu.memory_space<vmem>> -> memref<64x128xf32, #tpu.memory_space<vmem>>
    %dma_wait3A_178 = arith.constant 0 : i32
    %dma_wait3A_179 = tpu.memref_slice %arg7[%dma_wait3A_172, %dma_wait3A_178] : memref<160x64xi32, #tpu.memory_space<vmem>> -> memref<1x64xi32, #tpu.memory_space<vmem>>
    %dma_wait3A_180 = tpu.memref_squeeze %dma_wait3A_179 : memref<1x64xi32, #tpu.memory_space<vmem>> -> memref<64xi32, #tpu.memory_space<vmem>>
    %dma_wait3A_181 = arith.constant 0 : i32
    %dma_wait3A_182 = arith.constant 0 : i32
    %dma_wait3A_183 = tpu.memref_slice %arg9[%dma_wait3A_181, %dma_wait3A_182] : memref<5064x128xf32, #tpu.memory_space<vmem_shared>> -> memref<5064x128xf32, #tpu.memory_space<vmem_shared>>
    %dma_wait3A_184 = tpu.memref_slice %arg11[%dma_wait3A_173] : memref<3x!tpu.dma_semaphore, #tpu.memory_space<semaphore_mem>> -> memref<1x!tpu.dma_semaphore, #tpu.memory_space<semaphore_mem>>
    %dma_wait3A_185 = tpu.memref_squeeze %dma_wait3A_184 : memref<1x!tpu.dma_semaphore, #tpu.memory_space<semaphore_mem>> -> memref<!tpu.dma_semaphore, #tpu.memory_space<semaphore_mem>>
    tpu.wait_indirect_dma semaphore(%dma_wait3A_185 : memref<!tpu.dma_semaphore, #tpu.memory_space<semaphore_mem>>) src(%dma_wait3A_177 : memref<64x128xf32, #tpu.memory_space<vmem>>) dst(%dma_wait3A_183 : memref<5064x128xf32, #tpu.memory_space<vmem_shared>>)
    %dma_wait3A_186 = arith.constant 0 : i32
    %dma_wait3A_187 = arith.constant 0 : i32
    %dma_wait3A_188 = arith.constant 2 : i32
    %dma_wait3A_189 = arith.constant 0 : i32
    %dma_wait3A_190 = arith.constant 0 : i32
    %dma_wait3A_191 = tpu.memref_slice %arg8[%dma_wait3A_186, %dma_wait3A_189, %dma_wait3A_190] : memref<3x64x128xf32, #tpu.memory_space<vmem>> -> memref<1x64x128xf32, #tpu.memory_space<vmem>>
    %dma_wait3A_192 = tpu.memref_squeeze %dma_wait3A_191 : memref<1x64x128xf32, #tpu.memory_space<vmem>> -> memref<64x128xf32, #tpu.memory_space<vmem>>
    %dma_wait3A_193 = arith.constant 0 : i32
    %dma_wait3A_194 = tpu.memref_slice %arg7[%dma_wait3A_187, %dma_wait3A_193] : memref<160x64xi32, #tpu.memory_space<vmem>> -> memref<1x64xi32, #tpu.memory_space<vmem>>
    %dma_wait3A_195 = tpu.memref_squeeze %dma_wait3A_194 : memref<1x64xi32, #tpu.memory_space<vmem>> -> memref<64xi32, #tpu.memory_space<vmem>>
    %dma_wait3A_196 = arith.constant 0 : i32
    %dma_wait3A_197 = arith.constant 0 : i32
    %dma_wait3A_198 = tpu.memref_slice %arg9[%dma_wait3A_196, %dma_wait3A_197] : memref<5064x128xf32, #tpu.memory_space<vmem_shared>> -> memref<5064x128xf32, #tpu.memory_space<vmem_shared>>
    %dma_wait3A_199 = tpu.memref_slice %arg11[%dma_wait3A_188] : memref<3x!tpu.dma_semaphore, #tpu.memory_space<semaphore_mem>> -> memref<1x!tpu.dma_semaphore, #tpu.memory_space<semaphore_mem>>
    %dma_wait3A_200 = tpu.memref_squeeze %dma_wait3A_199 : memref<1x!tpu.dma_semaphore, #tpu.memory_space<semaphore_mem>> -> memref<!tpu.dma_semaphore, #tpu.memory_space<semaphore_mem>>
    tpu.wait_indirect_dma semaphore(%dma_wait3A_200 : memref<!tpu.dma_semaphore, #tpu.memory_space<semaphore_mem>>) src(%dma_wait3A_192 : memref<64x128xf32, #tpu.memory_space<vmem>>) dst(%dma_wait3A_198 : memref<5064x128xf32, #tpu.memory_space<vmem_shared>>)
    %dma_wait3A_201 = arith.constant 0 : i32
    %dma_wait3A_202 = arith.constant 0 : i32
    %dma_wait3A_203 = arith.constant 0 : i32
    %dma_wait3A_204 = arith.constant 0 : i32
    %dma_wait3A_205 = arith.constant 0 : i32
    %dma_wait3A_206 = tpu.memref_slice %arg8[%dma_wait3A_201, %dma_wait3A_204, %dma_wait3A_205] : memref<3x64x128xf32, #tpu.memory_space<vmem>> -> memref<1x64x128xf32, #tpu.memory_space<vmem>>
    %dma_wait3A_207 = tpu.memref_squeeze %dma_wait3A_206 : memref<1x64x128xf32, #tpu.memory_space<vmem>> -> memref<64x128xf32, #tpu.memory_space<vmem>>
    %dma_wait3A_208 = arith.constant 0 : i32
    %dma_wait3A_209 = tpu.memref_slice %arg7[%dma_wait3A_202, %dma_wait3A_208] : memref<160x64xi32, #tpu.memory_space<vmem>> -> memref<1x64xi32, #tpu.memory_space<vmem>>
    %dma_wait3A_210 = tpu.memref_squeeze %dma_wait3A_209 : memref<1x64xi32, #tpu.memory_space<vmem>> -> memref<64xi32, #tpu.memory_space<vmem>>
    %dma_wait3A_211 = arith.constant 0 : i32
    %dma_wait3A_212 = arith.constant 0 : i32
    %dma_wait3A_213 = tpu.memref_slice %arg9[%dma_wait3A_211, %dma_wait3A_212] : memref<5064x128xf32, #tpu.memory_space<vmem_shared>> -> memref<5064x128xf32, #tpu.memory_space<vmem_shared>>
    %dma_wait3A_214 = tpu.memref_slice %arg11[%dma_wait3A_203] : memref<3x!tpu.dma_semaphore, #tpu.memory_space<semaphore_mem>> -> memref<1x!tpu.dma_semaphore, #tpu.memory_space<semaphore_mem>>
    %dma_wait3A_215 = tpu.memref_squeeze %dma_wait3A_214 : memref<1x!tpu.dma_semaphore, #tpu.memory_space<semaphore_mem>> -> memref<!tpu.dma_semaphore, #tpu.memory_space<semaphore_mem>>
    tpu.wait_indirect_dma semaphore(%dma_wait3A_215 : memref<!tpu.dma_semaphore, #tpu.memory_space<semaphore_mem>>) src(%dma_wait3A_207 : memref<64x128xf32, #tpu.memory_space<vmem>>) dst(%dma_wait3A_213 : memref<5064x128xf32, #tpu.memory_space<vmem_shared>>)
    %barrier3A_216 = arith.constant 0 : index
    tpu.barrier barrier_id(%barrier3A_216)
    %lt3A_217 = arith.constant 15 : i32
    %lt3A_218 = arith.cmpi slt, %arg1, %lt3A_217 : i32
    %convert_element_type3A_219 = arith.extui %lt3A_218 : i1 to i32
    %cond3A_220 = arith.constant 0 : i32
    %cond3A_221 = arith.cmpi ne, %convert_element_type3A_219, %cond3A_220 : i32
    scf.if %cond3A_221 {
      %mul3A = arith.constant 320 : i32
      %mul3A_228 = arith.muli %arg1, %mul3A : i32
      %mul3A_229 = arith.constant 320 : i32
      %mul3A_230 = arith.muli %arg1, %mul3A_229 : i32
      %add3A = arith.constant 5056 : i32
      %add3A_231 = arith.addi %add3A, %mul3A_230 : i32
      "tpu.region"() ({
        %run_scoped3A = tpu.sem_alloc : memref<!tpu.dma_semaphore, #tpu.memory_space<semaphore_mem>>
        %dma_start3A_232 = arith.constant 0 : i32
        %dma_start3A_233 = tpu.memref_slice %arg5[%arg0, %add3A_231, %dma_start3A_232] : memref<2x10112x128xf32, #tpu.memory_space<hbm>> -> memref<1x320x128xf32, #tpu.memory_space<hbm>>
        %dma_start3A_234 = tpu.memref_squeeze %dma_start3A_233 : memref<1x320x128xf32, #tpu.memory_space<hbm>> -> memref<320x128xf32, #tpu.memory_space<hbm>>
        %dma_start3A_235 = arith.constant 0 : i32
        %dma_start3A_236 = tpu.memref_slice %arg9[%mul3A_228, %dma_start3A_235] : memref<5064x128xf32, #tpu.memory_space<vmem_shared>> -> memref<320x128xf32, #tpu.memory_space<vmem_shared>>
        tpu.enqueue_dma source(%dma_start3A_236 : memref<320x128xf32, #tpu.memory_space<vmem_shared>>) target(%dma_start3A_234 : memref<320x128xf32, #tpu.memory_space<hbm>>) target_semaphore(%run_scoped3A : memref<!tpu.dma_semaphore, #tpu.memory_space<semaphore_mem>>)
        %dma_wait3A_237 = arith.constant 0 : i32
        %dma_wait3A_238 = tpu.memref_slice %arg5[%arg0, %add3A_231, %dma_wait3A_237] : memref<2x10112x128xf32, #tpu.memory_space<hbm>> -> memref<1x320x128xf32, #tpu.memory_space<hbm>>
        %dma_wait3A_239 = tpu.memref_squeeze %dma_wait3A_238 : memref<1x320x128xf32, #tpu.memory_space<hbm>> -> memref<320x128xf32, #tpu.memory_space<hbm>>
        %dma_wait3A_240 = arith.constant 0 : i32
        %dma_wait3A_241 = tpu.memref_slice %arg9[%mul3A_228, %dma_wait3A_240] : memref<5064x128xf32, #tpu.memory_space<vmem_shared>> -> memref<320x128xf32, #tpu.memory_space<vmem_shared>>
        tpu.wait_dma2 semaphore(%run_scoped3A : memref<!tpu.dma_semaphore, #tpu.memory_space<semaphore_mem>>) src(%dma_wait3A_241 : memref<320x128xf32, #tpu.memory_space<vmem_shared>>) dst(%dma_wait3A_239 : memref<320x128xf32, #tpu.memory_space<hbm>>)
        tpu.yield
      }) : () -> ()
    } else {
    }
    %eq3A_222 = arith.constant 15 : i32
    %eq3A_223 = arith.cmpi eq, %arg1, %eq3A_222 : i32
    %convert_element_type3A_224 = arith.extui %eq3A_223 : i1 to i32
    %cond3A_225 = arith.constant 0 : i32
    %cond3A_226 = arith.cmpi ne, %convert_element_type3A_224, %cond3A_225 : i32
    scf.if %cond3A_226 {
      "tpu.region"() ({
        %run_scoped3A = tpu.sem_alloc : memref<!tpu.dma_semaphore, #tpu.memory_space<semaphore_mem>>
        %dma_start3A_228 = arith.constant 9856 : i32
        %dma_start3A_229 = arith.constant 0 : i32
        %dma_start3A_230 = tpu.memref_slice %arg5[%arg0, %dma_start3A_228, %dma_start3A_229] : memref<2x10112x128xf32, #tpu.memory_space<hbm>> -> memref<1x256x128xf32, #tpu.memory_space<hbm>>
        %dma_start3A_231 = tpu.memref_squeeze %dma_start3A_230 : memref<1x256x128xf32, #tpu.memory_space<hbm>> -> memref<256x128xf32, #tpu.memory_space<hbm>>
        %dma_start3A_232 = arith.constant 4800 : i32
        %dma_start3A_233 = arith.constant 0 : i32
        %dma_start3A_234 = tpu.memref_slice %arg9[%dma_start3A_232, %dma_start3A_233] : memref<5064x128xf32, #tpu.memory_space<vmem_shared>> -> memref<256x128xf32, #tpu.memory_space<vmem_shared>>
        tpu.enqueue_dma source(%dma_start3A_234 : memref<256x128xf32, #tpu.memory_space<vmem_shared>>) target(%dma_start3A_231 : memref<256x128xf32, #tpu.memory_space<hbm>>) target_semaphore(%run_scoped3A : memref<!tpu.dma_semaphore, #tpu.memory_space<semaphore_mem>>)
        %dma_wait3A_235 = arith.constant 9856 : i32
        %dma_wait3A_236 = arith.constant 0 : i32
        %dma_wait3A_237 = tpu.memref_slice %arg5[%arg0, %dma_wait3A_235, %dma_wait3A_236] : memref<2x10112x128xf32, #tpu.memory_space<hbm>> -> memref<1x256x128xf32, #tpu.memory_space<hbm>>
        %dma_wait3A_238 = tpu.memref_squeeze %dma_wait3A_237 : memref<1x256x128xf32, #tpu.memory_space<hbm>> -> memref<256x128xf32, #tpu.memory_space<hbm>>
        %dma_wait3A_239 = arith.constant 4800 : i32
        %dma_wait3A_240 = arith.constant 0 : i32
        %dma_wait3A_241 = tpu.memref_slice %arg9[%dma_wait3A_239, %dma_wait3A_240] : memref<5064x128xf32, #tpu.memory_space<vmem_shared>> -> memref<256x128xf32, #tpu.memory_space<vmem_shared>>
        tpu.wait_dma2 semaphore(%run_scoped3A : memref<!tpu.dma_semaphore, #tpu.memory_space<semaphore_mem>>) src(%dma_wait3A_241 : memref<256x128xf32, #tpu.memory_space<vmem_shared>>) dst(%dma_wait3A_238 : memref<256x128xf32, #tpu.memory_space<hbm>>)
        tpu.yield
      }) : () -> ()
    } else {
    }
    %barrier3A_227 = arith.constant 0 : index
    tpu.barrier barrier_id(%barrier3A_227)
    return
  }
}

module attributes {stable_mosaic.version = 14 : i64} {
  func.func @_s1_body(%arg0: i32, %arg1: memref<1000x256xf32, #tpu.memory_space<vmem>>, %arg2: memref<1000x1xi32, #tpu.memory_space<vmem>>, %arg3: memref<1x256xf32, #tpu.memory_space<vmem>>, %arg4: memref<2x1000x1xf32, #tpu.memory_space<vmem>>, %arg5: memref<256x256xf32, #tpu.memory_space<vmem>>, %arg6: memref<2x1000x128xf32, #tpu.memory_space<vmem>>, %arg7: memref<2x1000x128xf32, #tpu.memory_space<vmem>>, %arg8: memref<1000x1xf32, #tpu.memory_space<vmem>>) attributes {dimension_semantics = [#tpu.dimension_semantics<arbitrary>], iteration_bounds = array<i64: 10>, scalar_prefetch = 0 : i64, scratch_operands = 0 : i64, tpu.core_type = #tpu.core_type<tc>, window_params = [{transform_indices = @transform_0, window_bounds = array<i64: 1000, 256>}, {transform_indices = @transform_1, window_bounds = array<i64: 1000, 1>}, {pipeline_mode = #tpu.pipeline_mode<synchronous>, transform_indices = @transform_2, window_bounds = array<i64: 1, 256>}, {transform_indices = @transform_3, window_bounds = array<i64: 2, 1000, 1>}, {pipeline_mode = #tpu.pipeline_mode<synchronous>, transform_indices = @transform_4, window_bounds = array<i64: 256, 256>}, {transform_indices = @transform_5, window_bounds = array<i64: 2, 1000, 128>}, {transform_indices = @transform_6, window_bounds = array<i64: 2, 1000, 128>}, {transform_indices = @transform_7, window_bounds = array<i64: 1000, 1>}]} {
    %get3A = arith.constant 0 : index
    %get3A_0 = arith.constant 0 : index
    %get3A_1 = vector.load %arg1[%get3A, %get3A_0] : memref<1000x256xf32, #tpu.memory_space<vmem>>, vector<1000x256xf32>
    %get3A_2 = arith.constant 0 : index
    %get3A_3 = arith.constant 0 : index
    %get3A_4 = vector.load %arg2[%get3A_2, %get3A_3] : memref<1000x1xi32, #tpu.memory_space<vmem>>, vector<1000x1xi32>
    %eq3A = arith.constant 0 : i32
    %eq3A_5 = vector.broadcast %eq3A : i32 to vector<1000x1xi32>
    %eq3A_6 = arith.cmpi eq, %get3A_4, %eq3A_5 : vector<1000x1xi32>
    %get3A_7 = arith.constant 0 : index
    %get3A_8 = arith.constant 0 : index
    %get3A_9 = vector.load %arg3[%get3A_7, %get3A_8] : memref<1x256xf32, #tpu.memory_space<vmem>>, vector<1x256xf32>
    %broadcast_in_dim3A = vector.shape_cast %eq3A_6 : vector<1000x1xi1> to vector<1000x1xi1>
    %broadcast_in_dim3A_10 = vector.broadcast %broadcast_in_dim3A : vector<1000x1xi1> to vector<1000x256xi1>
    %broadcast_in_dim3A_11 = vector.shape_cast %get3A_9 : vector<1x256xf32> to vector<1x256xf32>
    %broadcast_in_dim3A_12 = vector.broadcast %broadcast_in_dim3A_11 : vector<1x256xf32> to vector<1000x256xf32>
    %select_n3A = arith.select %broadcast_in_dim3A_10, %broadcast_in_dim3A_12, %get3A_1 : vector<1000x256xi1>, vector<1000x256xf32>
    %get3A_13 = arith.constant 0 : index
    %get3A_14 = arith.constant 0 : index
    %get3A_15 = arith.constant 0 : index
    %get3A_16 = vector.load %arg4[%get3A_13, %get3A_14, %get3A_15] : memref<2x1000x1xf32, #tpu.memory_space<vmem>>, vector<1x1000x1xf32>
    %get3A_17 = vector.shape_cast %get3A_16 : vector<1x1000x1xf32> to vector<1000x1xf32>
    %get3A_18 = arith.constant 1 : index
    %get3A_19 = arith.constant 0 : index
    %get3A_20 = arith.constant 0 : index
    %get3A_21 = vector.load %arg4[%get3A_18, %get3A_19, %get3A_20] : memref<2x1000x1xf32, #tpu.memory_space<vmem>>, vector<1x1000x1xf32>
    %get3A_22 = vector.shape_cast %get3A_21 : vector<1x1000x1xf32> to vector<1000x1xf32>
    %add3A = arith.addf %get3A_17, %get3A_22 : vector<1000x1xf32>
    %add3A_23 = arith.constant 1.000000e+00 : f32
    %add3A_24 = vector.broadcast %add3A_23 : f32 to vector<1000x1xf32>
    %add3A_25 = arith.addf %add3A, %add3A_24 : vector<1000x1xf32>
    %rsqrt3A = math.rsqrt %add3A_25 : vector<1000x1xf32>
    %get3A_26 = arith.constant 0 : index
    %get3A_27 = arith.constant 0 : index
    %get3A_28 = vector.load %arg5[%get3A_26, %get3A_27] : memref<256x256xf32, #tpu.memory_space<vmem>>, vector<256x256xf32>
    %dot_general3A = arith.constant dense<0.000000e+00> : vector<1000x256xf32>
    %dot_general3A_29 = tpu.matmul %select_n3A, %get3A_28, %dot_general3A {dimension_numbers = #tpu.dot_dimension_numbers<[1], [0], [0], [1], [0, 0, 1, 1], [], []>, precision = #tpu.contract_precision<fp32>, transpose_lhs_hint = false} : vector<1000x256xf32>, vector<256x256xf32>, vector<1000x256xf32> -> vector<1000x256xf32>
    %mul3A = vector.broadcast %rsqrt3A : vector<1000x1xf32> to vector<1000x256xf32>
    %mul3A_30 = arith.mulf %dot_general3A_29, %mul3A : vector<1000x256xf32>
    %slice3A = vector.extract_strided_slice %mul3A_30 {offsets = [0, 0], sizes = [1000, 128], strides = [1, 1]} : vector<1000x256xf32> to vector<1000x128xf32>
    %swap3A = arith.constant 0 : index
    %swap3A_31 = arith.constant 0 : index
    %swap3A_32 = arith.constant 0 : index
    %swap3A_33 = vector.load %arg6[%swap3A, %swap3A_31, %swap3A_32] : memref<2x1000x128xf32, #tpu.memory_space<vmem>>, vector<1x1000x128xf32>
    %swap3A_34 = vector.shape_cast %swap3A_33 : vector<1x1000x128xf32> to vector<1000x128xf32>
    %swap3A_35 = vector.shape_cast %slice3A : vector<1000x128xf32> to vector<1x1000x128xf32>
    tpu.vector_store %arg6[%swap3A, %swap3A_31, %swap3A_32], %swap3A_35 {strides = array<i32>} : memref<2x1000x128xf32, #tpu.memory_space<vmem>>, vector<1x1000x128xf32>,
    %slice3A_36 = vector.extract_strided_slice %select_n3A {offsets = [0, 0], sizes = [1000, 128], strides = [1, 1]} : vector<1000x256xf32> to vector<1000x128xf32>
    %swap3A_37 = arith.constant 0 : index
    %swap3A_38 = arith.constant 0 : index
    %swap3A_39 = arith.constant 0 : index
    %swap3A_40 = vector.load %arg7[%swap3A_37, %swap3A_38, %swap3A_39] : memref<2x1000x128xf32, #tpu.memory_space<vmem>>, vector<1x1000x128xf32>
    %swap3A_41 = vector.shape_cast %swap3A_40 : vector<1x1000x128xf32> to vector<1000x128xf32>
    %swap3A_42 = vector.shape_cast %slice3A_36 : vector<1000x128xf32> to vector<1x1000x128xf32>
    tpu.vector_store %arg7[%swap3A_37, %swap3A_38, %swap3A_39], %swap3A_42 {strides = array<i32>} : memref<2x1000x128xf32, #tpu.memory_space<vmem>>, vector<1x1000x128xf32>,
    %slice3A_43 = vector.extract_strided_slice %mul3A_30 {offsets = [0, 128], sizes = [1000, 128], strides = [1, 1]} : vector<1000x256xf32> to vector<1000x128xf32>
    %swap3A_44 = arith.constant 1 : index
    %swap3A_45 = arith.constant 0 : index
    %swap3A_46 = arith.constant 0 : index
    %swap3A_47 = vector.load %arg6[%swap3A_44, %swap3A_45, %swap3A_46] : memref<2x1000x128xf32, #tpu.memory_space<vmem>>, vector<1x1000x128xf32>
    %swap3A_48 = vector.shape_cast %swap3A_47 : vector<1x1000x128xf32> to vector<1000x128xf32>
    %swap3A_49 = vector.shape_cast %slice3A_43 : vector<1000x128xf32> to vector<1x1000x128xf32>
    tpu.vector_store %arg6[%swap3A_44, %swap3A_45, %swap3A_46], %swap3A_49 {strides = array<i32>} : memref<2x1000x128xf32, #tpu.memory_space<vmem>>, vector<1x1000x128xf32>,
    %slice3A_50 = vector.extract_strided_slice %select_n3A {offsets = [0, 128], sizes = [1000, 128], strides = [1, 1]} : vector<1000x256xf32> to vector<1000x128xf32>
    %swap3A_51 = arith.constant 1 : index
    %swap3A_52 = arith.constant 0 : index
    %swap3A_53 = arith.constant 0 : index
    %swap3A_54 = vector.load %arg7[%swap3A_51, %swap3A_52, %swap3A_53] : memref<2x1000x128xf32, #tpu.memory_space<vmem>>, vector<1x1000x128xf32>
    %swap3A_55 = vector.shape_cast %swap3A_54 : vector<1x1000x128xf32> to vector<1000x128xf32>
    %swap3A_56 = vector.shape_cast %slice3A_50 : vector<1000x128xf32> to vector<1x1000x128xf32>
    tpu.vector_store %arg7[%swap3A_51, %swap3A_52, %swap3A_53], %swap3A_56 {strides = array<i32>} : memref<2x1000x128xf32, #tpu.memory_space<vmem>>, vector<1x1000x128xf32>,
    %swap3A_57 = arith.constant 0 : index
    %swap3A_58 = arith.constant 0 : index
    %swap3A_59 = vector.load %arg8[%swap3A_57, %swap3A_58] : memref<1000x1xf32, #tpu.memory_space<vmem>>, vector<1000x1xf32>
    tpu.vector_store %arg8[%swap3A_57, %swap3A_58], %rsqrt3A {strides = array<i32>} : memref<1000x1xf32, #tpu.memory_space<vmem>>, vector<1000x1xf32>,
    return
  }
  func.func @transform_0(%arg0: i32) -> (i32, i32) {
    %c0_i32 = arith.constant 0 : i32
    %c0_i32_0 = arith.constant 0 : i32
    return %arg0, %c0_i32 : i32, i32
  }
  func.func @transform_1(%arg0: i32) -> (i32, i32) {
    %c0_i32 = arith.constant 0 : i32
    %c0_i32_0 = arith.constant 0 : i32
    return %arg0, %c0_i32 : i32, i32
  }
  func.func @transform_2(%arg0: i32) -> (i32, i32) {
    %c0_i32 = arith.constant 0 : i32
    %c0_i32_0 = arith.constant 0 : i32
    %c0_i32_1 = arith.constant 0 : i32
    return %c0_i32, %c0_i32_0 : i32, i32
  }
  func.func @transform_3(%arg0: i32) -> (i32, i32, i32) {
    %c0_i32 = arith.constant 0 : i32
    %c0_i32_0 = arith.constant 0 : i32
    %c0_i32_1 = arith.constant 0 : i32
    return %c0_i32, %arg0, %c0_i32_0 : i32, i32, i32
  }
  func.func @transform_4(%arg0: i32) -> (i32, i32) {
    %c0_i32 = arith.constant 0 : i32
    %c0_i32_0 = arith.constant 0 : i32
    %c0_i32_1 = arith.constant 0 : i32
    return %c0_i32, %c0_i32_0 : i32, i32
  }
  func.func @transform_5(%arg0: i32) -> (i32, i32, i32) {
    %c0_i32 = arith.constant 0 : i32
    %c0_i32_0 = arith.constant 0 : i32
    %c0_i32_1 = arith.constant 0 : i32
    return %c0_i32, %arg0, %c0_i32_0 : i32, i32, i32
  }
  func.func @transform_6(%arg0: i32) -> (i32, i32, i32) {
    %c0_i32 = arith.constant 0 : i32
    %c0_i32_0 = arith.constant 0 : i32
    %c0_i32_1 = arith.constant 0 : i32
    return %c0_i32, %arg0, %c0_i32_0 : i32, i32, i32
  }
  func.func @transform_7(%arg0: i32) -> (i32, i32) {
    %c0_i32 = arith.constant 0 : i32
    %c0_i32_0 = arith.constant 0 : i32
    return %arg0, %c0_i32 : i32, i32
  }
}

module attributes {stable_mosaic.version = 14 : i64} {
  func.func @_mid_body(%arg0: i32, %arg1: memref<2x1000x128xf32, #tpu.memory_space<vmem>>, %arg2: memref<2x1000x128xf32, #tpu.memory_space<vmem>>, %arg3: memref<1000x1xf32, #tpu.memory_space<vmem>>, %arg4: memref<2x1x128xf32, #tpu.memory_space<vmem>>, %arg5: memref<2x1x128xf32, #tpu.memory_space<vmem>>, %arg6: memref<2x1x128xf32, #tpu.memory_space<vmem>>, %arg7: memref<1xf32, #tpu.memory_space<smem>>, %arg8: memref<256x256xf32, #tpu.memory_space<vmem>>, %arg9: memref<2x1000x128xf32, #tpu.memory_space<vmem>>, %arg10: memref<2x1000x128xf32, #tpu.memory_space<vmem>>) attributes {dimension_semantics = [#tpu.dimension_semantics<arbitrary>], iteration_bounds = array<i64: 10>, scalar_prefetch = 0 : i64, scratch_operands = 0 : i64, tpu.core_type = #tpu.core_type<tc>, window_params = [{transform_indices = @transform_0, window_bounds = array<i64: 2, 1000, 128>}, {transform_indices = @transform_1, window_bounds = array<i64: 2, 1000, 128>}, {transform_indices = @transform_2, window_bounds = array<i64: 1000, 1>}, {pipeline_mode = #tpu.pipeline_mode<synchronous>, transform_indices = @transform_3, window_bounds = array<i64: 2, 1, 128>}, {pipeline_mode = #tpu.pipeline_mode<synchronous>, transform_indices = @transform_4, window_bounds = array<i64: 2, 1, 128>}, {pipeline_mode = #tpu.pipeline_mode<synchronous>, transform_indices = @transform_5, window_bounds = array<i64: 2, 1, 128>}, {transform_indices = @transform_6, window_bounds = array<i64: 1>}, {pipeline_mode = #tpu.pipeline_mode<synchronous>, transform_indices = @transform_7, window_bounds = array<i64: 256, 256>}, {transform_indices = @transform_8, window_bounds = array<i64: 2, 1000, 128>}, {transform_indices = @transform_9, window_bounds = array<i64: 2, 1000, 128>}]} {
    %get3A = arith.constant 0 : index
    %get3A_0 = arith.constant 0 : index
    %get3A_1 = vector.load %arg3[%get3A, %get3A_0] : memref<1000x1xf32, #tpu.memory_space<vmem>>, vector<1000x1xf32>
    %get3A_2 = arith.constant 0 : index
    %get3A_3 = memref.load %arg7[%get3A_2] : memref<1xf32, #tpu.memory_space<smem>>
    %get3A_4 = arith.constant 0 : index
    %get3A_5 = arith.constant 0 : index
    %get3A_6 = arith.constant 0 : index
    %get3A_7 = vector.load %arg1[%get3A_4, %get3A_5, %get3A_6] : memref<2x1000x128xf32, #tpu.memory_space<vmem>>, vector<1x1000x128xf32>
    %get3A_8 = vector.shape_cast %get3A_7 : vector<1x1000x128xf32> to vector<1000x128xf32>
    %mul3A = vector.broadcast %get3A_1 : vector<1000x1xf32> to vector<1000x128xf32>
    %mul3A_9 = arith.mulf %get3A_8, %mul3A : vector<1000x128xf32>
    %get3A_10 = arith.constant 0 : index
    %get3A_11 = arith.constant 0 : index
    %get3A_12 = arith.constant 0 : index
    %get3A_13 = vector.load %arg4[%get3A_10, %get3A_11, %get3A_12] : memref<2x1x128xf32, #tpu.memory_space<vmem>>, vector<1x1x128xf32>
    %get3A_14 = vector.shape_cast %get3A_13 : vector<1x1x128xf32> to vector<1x128xf32>
    %add3A = vector.broadcast %get3A_14 : vector<1x128xf32> to vector<1000x128xf32>
    %add3A_15 = arith.addf %mul3A_9, %add3A : vector<1000x128xf32>
    %get3A_16 = arith.constant 0 : index
    %get3A_17 = arith.constant 0 : index
    %get3A_18 = arith.constant 0 : index
    %get3A_19 = vector.load %arg5[%get3A_16, %get3A_17, %get3A_18] : memref<2x1x128xf32, #tpu.memory_space<vmem>>, vector<1x1x128xf32>
    %get3A_20 = vector.shape_cast %get3A_19 : vector<1x1x128xf32> to vector<1x128xf32>
    %mul3A_21 = arith.constant 0.999994993 : f32
    %mul3A_22 = vector.broadcast %mul3A_21 : f32 to vector<1x128xf32>
    %mul3A_23 = arith.mulf %get3A_20, %mul3A_22 : vector<1x128xf32>
    %mul3A_24 = vector.broadcast %mul3A_23 : vector<1x128xf32> to vector<1000x128xf32>
    %mul3A_25 = arith.mulf %add3A_15, %mul3A_24 : vector<1000x128xf32>
    %get3A_26 = arith.constant 0 : index
    %get3A_27 = arith.constant 0 : index
    %get3A_28 = arith.constant 0 : index
    %get3A_29 = vector.load %arg6[%get3A_26, %get3A_27, %get3A_28] : memref<2x1x128xf32, #tpu.memory_space<vmem>>, vector<1x1x128xf32>
    %get3A_30 = vector.shape_cast %get3A_29 : vector<1x1x128xf32> to vector<1x128xf32>
    %add3A_31 = vector.broadcast %get3A_30 : vector<1x128xf32> to vector<1000x128xf32>
    %add3A_32 = arith.addf %mul3A_25, %add3A_31 : vector<1000x128xf32>
    %ge3A = arith.constant 0.000000e+00 : f32
    %ge3A_33 = vector.broadcast %ge3A : f32 to vector<1000x128xf32>
    %ge3A_34 = arith.cmpf oge, %add3A_32, %ge3A_33 : vector<1000x128xf32>
    %mul3A_35 = vector.broadcast %get3A_3 : f32 to vector<1000x128xf32>
    %mul3A_36 = arith.mulf %mul3A_35, %add3A_32 : vector<1000x128xf32>
    %select_n3A = arith.select %ge3A_34, %add3A_32, %mul3A_36 : vector<1000x128xi1>, vector<1000x128xf32>
    %get3A_37 = arith.constant 0 : index
    %get3A_38 = arith.constant 0 : index
    %get3A_39 = arith.constant 0 : index
    %get3A_40 = vector.load %arg2[%get3A_37, %get3A_38, %get3A_39] : memref<2x1000x128xf32, #tpu.memory_space<vmem>>, vector<1x1000x128xf32>
    %get3A_41 = vector.shape_cast %get3A_40 : vector<1x1000x128xf32> to vector<1000x128xf32>
    %add3A_42 = arith.addf %select_n3A, %get3A_41 : vector<1000x128xf32>
    %swap3A = arith.constant 0 : index
    %swap3A_43 = arith.constant 0 : index
    %swap3A_44 = arith.constant 0 : index
    %swap3A_45 = vector.load %arg10[%swap3A, %swap3A_43, %swap3A_44] : memref<2x1000x128xf32, #tpu.memory_space<vmem>>, vector<1x1000x128xf32>
    %swap3A_46 = vector.shape_cast %swap3A_45 : vector<1x1000x128xf32> to vector<1000x128xf32>
    %swap3A_47 = vector.shape_cast %add3A_42 : vector<1000x128xf32> to vector<1x1000x128xf32>
    tpu.vector_store %arg10[%swap3A, %swap3A_43, %swap3A_44], %swap3A_47 {strides = array<i32>} : memref<2x1000x128xf32, #tpu.memory_space<vmem>>, vector<1x1000x128xf32>,
    %get3A_48 = arith.constant 1 : index
    %get3A_49 = arith.constant 0 : index
    %get3A_50 = arith.constant 0 : index
    %get3A_51 = vector.load %arg1[%get3A_48, %get3A_49, %get3A_50] : memref<2x1000x128xf32, #tpu.memory_space<vmem>>, vector<1x1000x128xf32>
    %get3A_52 = vector.shape_cast %get3A_51 : vector<1x1000x128xf32> to vector<1000x128xf32>
    %mul3A_53 = vector.broadcast %get3A_1 : vector<1000x1xf32> to vector<1000x128xf32>
    %mul3A_54 = arith.mulf %get3A_52, %mul3A_53 : vector<1000x128xf32>
    %get3A_55 = arith.constant 1 : index
    %get3A_56 = arith.constant 0 : index
    %get3A_57 = arith.constant 0 : index
    %get3A_58 = vector.load %arg4[%get3A_55, %get3A_56, %get3A_57] : memref<2x1x128xf32, #tpu.memory_space<vmem>>, vector<1x1x128xf32>
    %get3A_59 = vector.shape_cast %get3A_58 : vector<1x1x128xf32> to vector<1x128xf32>
    %add3A_60 = vector.broadcast %get3A_59 : vector<1x128xf32> to vector<1000x128xf32>
    %add3A_61 = arith.addf %mul3A_54, %add3A_60 : vector<1000x128xf32>
    %get3A_62 = arith.constant 1 : index
    %get3A_63 = arith.constant 0 : index
    %get3A_64 = arith.constant 0 : index
    %get3A_65 = vector.load %arg5[%get3A_62, %get3A_63, %get3A_64] : memref<2x1x128xf32, #tpu.memory_space<vmem>>, vector<1x1x128xf32>
    %get3A_66 = vector.shape_cast %get3A_65 : vector<1x1x128xf32> to vector<1x128xf32>
    %mul3A_67 = arith.constant 0.999994993 : f32
    %mul3A_68 = vector.broadcast %mul3A_67 : f32 to vector<1x128xf32>
    %mul3A_69 = arith.mulf %get3A_66, %mul3A_68 : vector<1x128xf32>
    %mul3A_70 = vector.broadcast %mul3A_69 : vector<1x128xf32> to vector<1000x128xf32>
    %mul3A_71 = arith.mulf %add3A_61, %mul3A_70 : vector<1000x128xf32>
    %get3A_72 = arith.constant 1 : index
    %get3A_73 = arith.constant 0 : index
    %get3A_74 = arith.constant 0 : index
    %get3A_75 = vector.load %arg6[%get3A_72, %get3A_73, %get3A_74] : memref<2x1x128xf32, #tpu.memory_space<vmem>>, vector<1x1x128xf32>
    %get3A_76 = vector.shape_cast %get3A_75 : vector<1x1x128xf32> to vector<1x128xf32>
    %add3A_77 = vector.broadcast %get3A_76 : vector<1x128xf32> to vector<1000x128xf32>
    %add3A_78 = arith.addf %mul3A_71, %add3A_77 : vector<1000x128xf32>
    %ge3A_79 = arith.constant 0.000000e+00 : f32
    %ge3A_80 = vector.broadcast %ge3A_79 : f32 to vector<1000x128xf32>
    %ge3A_81 = arith.cmpf oge, %add3A_78, %ge3A_80 : vector<1000x128xf32>
    %mul3A_82 = vector.broadcast %get3A_3 : f32 to vector<1000x128xf32>
    %mul3A_83 = arith.mulf %mul3A_82, %add3A_78 : vector<1000x128xf32>
    %select_n3A_84 = arith.select %ge3A_81, %add3A_78, %mul3A_83 : vector<1000x128xi1>, vector<1000x128xf32>
    %get3A_85 = arith.constant 1 : index
    %get3A_86 = arith.constant 0 : index
    %get3A_87 = arith.constant 0 : index
    %get3A_88 = vector.load %arg2[%get3A_85, %get3A_86, %get3A_87] : memref<2x1000x128xf32, #tpu.memory_space<vmem>>, vector<1x1000x128xf32>
    %get3A_89 = vector.shape_cast %get3A_88 : vector<1x1000x128xf32> to vector<1000x128xf32>
    %add3A_90 = arith.addf %select_n3A_84, %get3A_89 : vector<1000x128xf32>
    %swap3A_91 = arith.constant 1 : index
    %swap3A_92 = arith.constant 0 : index
    %swap3A_93 = arith.constant 0 : index
    %swap3A_94 = vector.load %arg10[%swap3A_91, %swap3A_92, %swap3A_93] : memref<2x1000x128xf32, #tpu.memory_space<vmem>>, vector<1x1000x128xf32>
    %swap3A_95 = vector.shape_cast %swap3A_94 : vector<1x1000x128xf32> to vector<1000x128xf32>
    %swap3A_96 = vector.shape_cast %add3A_90 : vector<1000x128xf32> to vector<1x1000x128xf32>
    tpu.vector_store %arg10[%swap3A_91, %swap3A_92, %swap3A_93], %swap3A_96 {strides = array<i32>} : memref<2x1000x128xf32, #tpu.memory_space<vmem>>, vector<1x1000x128xf32>,
    %concatenate3A = tpu.concatenate %add3A_42, %add3A_90 in 1 : vector<1000x128xf32>, vector<1000x128xf32> -> vector<1000x256xf32>
    %get3A_97 = arith.constant 0 : index
    %get3A_98 = arith.constant 0 : index
    %get3A_99 = vector.load %arg8[%get3A_97, %get3A_98] : memref<256x256xf32, #tpu.memory_space<vmem>>, vector<256x256xf32>
    %dot_general3A = arith.constant dense<0.000000e+00> : vector<1000x256xf32>
    %dot_general3A_100 = tpu.matmul %concatenate3A, %get3A_99, %dot_general3A {dimension_numbers = #tpu.dot_dimension_numbers<[1], [0], [0], [1], [0, 0, 1, 1], [], []>, precision = #tpu.contract_precision<fp32>, transpose_lhs_hint = false} : vector<1000x256xf32>, vector<256x256xf32>, vector<1000x256xf32> -> vector<1000x256xf32>
    %mul3A_101 = vector.broadcast %get3A_1 : vector<1000x1xf32> to vector<1000x256xf32>
    %mul3A_102 = arith.mulf %dot_general3A_100, %mul3A_101 : vector<1000x256xf32>
    %slice3A = vector.extract_strided_slice %mul3A_102 {offsets = [0, 0], sizes = [1000, 128], strides = [1, 1]} : vector<1000x256xf32> to vector<1000x128xf32>
    %swap3A_103 = arith.constant 0 : index
    %swap3A_104 = arith.constant 0 : index
    %swap3A_105 = arith.constant 0 : index
    %swap3A_106 = vector.load %arg9[%swap3A_103, %swap3A_104, %swap3A_105] : memref<2x1000x128xf32, #tpu.memory_space<vmem>>, vector<1x1000x128xf32>
    %swap3A_107 = vector.shape_cast %swap3A_106 : vector<1x1000x128xf32> to vector<1000x128xf32>
    %swap3A_108 = vector.shape_cast %slice3A : vector<1000x128xf32> to vector<1x1000x128xf32>
    tpu.vector_store %arg9[%swap3A_103, %swap3A_104, %swap3A_105], %swap3A_108 {strides = array<i32>} : memref<2x1000x128xf32, #tpu.memory_space<vmem>>, vector<1x1000x128xf32>,
    %slice3A_109 = vector.extract_strided_slice %mul3A_102 {offsets = [0, 128], sizes = [1000, 128], strides = [1, 1]} : vector<1000x256xf32> to vector<1000x128xf32>
    %swap3A_110 = arith.constant 1 : index
    %swap3A_111 = arith.constant 0 : index
    %swap3A_112 = arith.constant 0 : index
    %swap3A_113 = vector.load %arg9[%swap3A_110, %swap3A_111, %swap3A_112] : memref<2x1000x128xf32, #tpu.memory_space<vmem>>, vector<1x1000x128xf32>
    %swap3A_114 = vector.shape_cast %swap3A_113 : vector<1x1000x128xf32> to vector<1000x128xf32>
    %swap3A_115 = vector.shape_cast %slice3A_109 : vector<1000x128xf32> to vector<1x1000x128xf32>
    tpu.vector_store %arg9[%swap3A_110, %swap3A_111, %swap3A_112], %swap3A_115 {strides = array<i32>} : memref<2x1000x128xf32, #tpu.memory_space<vmem>>, vector<1x1000x128xf32>,
    return
  }
  func.func @transform_0(%arg0: i32) -> (i32, i32, i32) {
    %c0_i32 = arith.constant 0 : i32
    %c0_i32_0 = arith.constant 0 : i32
    %c0_i32_1 = arith.constant 0 : i32
    return %c0_i32, %arg0, %c0_i32_0 : i32, i32, i32
  }
  func.func @transform_1(%arg0: i32) -> (i32, i32, i32) {
    %c0_i32 = arith.constant 0 : i32
    %c0_i32_0 = arith.constant 0 : i32
    %c0_i32_1 = arith.constant 0 : i32
    return %c0_i32, %arg0, %c0_i32_0 : i32, i32, i32
  }
  func.func @transform_2(%arg0: i32) -> (i32, i32) {
    %c0_i32 = arith.constant 0 : i32
    %c0_i32_0 = arith.constant 0 : i32
    return %arg0, %c0_i32 : i32, i32
  }
  func.func @transform_3(%arg0: i32) -> (i32, i32, i32) {
    %c0_i32 = arith.constant 0 : i32
    %c0_i32_0 = arith.constant 0 : i32
    %c0_i32_1 = arith.constant 0 : i32
    %c0_i32_2 = arith.constant 0 : i32
    return %c0_i32, %c0_i32_0, %c0_i32_1 : i32, i32, i32
  }
  func.func @transform_4(%arg0: i32) -> (i32, i32, i32) {
    %c0_i32 = arith.constant 0 : i32
    %c0_i32_0 = arith.constant 0 : i32
    %c0_i32_1 = arith.constant 0 : i32
    %c0_i32_2 = arith.constant 0 : i32
    return %c0_i32, %c0_i32_0, %c0_i32_1 : i32, i32, i32
  }
  func.func @transform_5(%arg0: i32) -> (i32, i32, i32) {
    %c0_i32 = arith.constant 0 : i32
    %c0_i32_0 = arith.constant 0 : i32
    %c0_i32_1 = arith.constant 0 : i32
    %c0_i32_2 = arith.constant 0 : i32
    return %c0_i32, %c0_i32_0, %c0_i32_1 : i32, i32, i32
  }
  func.func @transform_6(%arg0: i32) -> i32 {
    %c0_i32 = arith.constant 0 : i32
    %c0_i32_0 = arith.constant 0 : i32
    return %c0_i32 : i32
  }
  func.func @transform_7(%arg0: i32) -> (i32, i32) {
    %c0_i32 = arith.constant 0 : i32
    %c0_i32_0 = arith.constant 0 : i32
    %c0_i32_1 = arith.constant 0 : i32
    return %c0_i32, %c0_i32_0 : i32, i32
  }
  func.func @transform_8(%arg0: i32) -> (i32, i32, i32) {
    %c0_i32 = arith.constant 0 : i32
    %c0_i32_0 = arith.constant 0 : i32
    %c0_i32_1 = arith.constant 0 : i32
    return %c0_i32, %arg0, %c0_i32_0 : i32, i32, i32
  }
  func.func @transform_9(%arg0: i32) -> (i32, i32, i32) {
    %c0_i32 = arith.constant 0 : i32
    %c0_i32_0 = arith.constant 0 : i32
    %c0_i32_1 = arith.constant 0 : i32
    return %c0_i32, %arg0, %c0_i32_0 : i32, i32, i32
  }
}

module attributes {stable_mosaic.version = 14 : i64} {
  func.func @_fin_body(%arg0: i32, %arg1: memref<2x1000x128xf32, #tpu.memory_space<vmem>>, %arg2: memref<2x1000x128xf32, #tpu.memory_space<vmem>>, %arg3: memref<1000x1xf32, #tpu.memory_space<vmem>>, %arg4: memref<2x1x128xf32, #tpu.memory_space<vmem>>, %arg5: memref<2x1x128xf32, #tpu.memory_space<vmem>>, %arg6: memref<2x1x128xf32, #tpu.memory_space<vmem>>, %arg7: memref<1xf32, #tpu.memory_space<smem>>, %arg8: memref<256x256xf32, #tpu.memory_space<vmem>>, %arg9: memref<1x256xf32, #tpu.memory_space<vmem>>, %arg10: memref<1000x256xf32, #tpu.memory_space<vmem>>) attributes {dimension_semantics = [#tpu.dimension_semantics<arbitrary>], iteration_bounds = array<i64: 10>, scalar_prefetch = 0 : i64, scratch_operands = 0 : i64, tpu.core_type = #tpu.core_type<tc>, window_params = [{transform_indices = @transform_0, window_bounds = array<i64: 2, 1000, 128>}, {transform_indices = @transform_1, window_bounds = array<i64: 2, 1000, 128>}, {transform_indices = @transform_2, window_bounds = array<i64: 1000, 1>}, {pipeline_mode = #tpu.pipeline_mode<synchronous>, transform_indices = @transform_3, window_bounds = array<i64: 2, 1, 128>}, {pipeline_mode = #tpu.pipeline_mode<synchronous>, transform_indices = @transform_4, window_bounds = array<i64: 2, 1, 128>}, {pipeline_mode = #tpu.pipeline_mode<synchronous>, transform_indices = @transform_5, window_bounds = array<i64: 2, 1, 128>}, {transform_indices = @transform_6, window_bounds = array<i64: 1>}, {pipeline_mode = #tpu.pipeline_mode<synchronous>, transform_indices = @transform_7, window_bounds = array<i64: 256, 256>}, {pipeline_mode = #tpu.pipeline_mode<synchronous>, transform_indices = @transform_8, window_bounds = array<i64: 1, 256>}, {transform_indices = @transform_9, window_bounds = array<i64: 1000, 256>}]} {
    %get3A = arith.constant 0 : index
    %get3A_0 = arith.constant 0 : index
    %get3A_1 = vector.load %arg3[%get3A, %get3A_0] : memref<1000x1xf32, #tpu.memory_space<vmem>>, vector<1000x1xf32>
    %get3A_2 = arith.constant 0 : index
    %get3A_3 = memref.load %arg7[%get3A_2] : memref<1xf32, #tpu.memory_space<smem>>
    %get3A_4 = arith.constant 0 : index
    %get3A_5 = arith.constant 0 : index
    %get3A_6 = arith.constant 0 : index
    %get3A_7 = vector.load %arg1[%get3A_4, %get3A_5, %get3A_6] : memref<2x1000x128xf32, #tpu.memory_space<vmem>>, vector<1x1000x128xf32>
    %get3A_8 = vector.shape_cast %get3A_7 : vector<1x1000x128xf32> to vector<1000x128xf32>
    %mul3A = vector.broadcast %get3A_1 : vector<1000x1xf32> to vector<1000x128xf32>
    %mul3A_9 = arith.mulf %get3A_8, %mul3A : vector<1000x128xf32>
    %get3A_10 = arith.constant 0 : index
    %get3A_11 = arith.constant 0 : index
    %get3A_12 = arith.constant 0 : index
    %get3A_13 = vector.load %arg4[%get3A_10, %get3A_11, %get3A_12] : memref<2x1x128xf32, #tpu.memory_space<vmem>>, vector<1x1x128xf32>
    %get3A_14 = vector.shape_cast %get3A_13 : vector<1x1x128xf32> to vector<1x128xf32>
    %add3A = vector.broadcast %get3A_14 : vector<1x128xf32> to vector<1000x128xf32>
    %add3A_15 = arith.addf %mul3A_9, %add3A : vector<1000x128xf32>
    %get3A_16 = arith.constant 0 : index
    %get3A_17 = arith.constant 0 : index
    %get3A_18 = arith.constant 0 : index
    %get3A_19 = vector.load %arg5[%get3A_16, %get3A_17, %get3A_18] : memref<2x1x128xf32, #tpu.memory_space<vmem>>, vector<1x1x128xf32>
    %get3A_20 = vector.shape_cast %get3A_19 : vector<1x1x128xf32> to vector<1x128xf32>
    %mul3A_21 = arith.constant 0.999994993 : f32
    %mul3A_22 = vector.broadcast %mul3A_21 : f32 to vector<1x128xf32>
    %mul3A_23 = arith.mulf %get3A_20, %mul3A_22 : vector<1x128xf32>
    %mul3A_24 = vector.broadcast %mul3A_23 : vector<1x128xf32> to vector<1000x128xf32>
    %mul3A_25 = arith.mulf %add3A_15, %mul3A_24 : vector<1000x128xf32>
    %get3A_26 = arith.constant 0 : index
    %get3A_27 = arith.constant 0 : index
    %get3A_28 = arith.constant 0 : index
    %get3A_29 = vector.load %arg6[%get3A_26, %get3A_27, %get3A_28] : memref<2x1x128xf32, #tpu.memory_space<vmem>>, vector<1x1x128xf32>
    %get3A_30 = vector.shape_cast %get3A_29 : vector<1x1x128xf32> to vector<1x128xf32>
    %add3A_31 = vector.broadcast %get3A_30 : vector<1x128xf32> to vector<1000x128xf32>
    %add3A_32 = arith.addf %mul3A_25, %add3A_31 : vector<1000x128xf32>
    %ge3A = arith.constant 0.000000e+00 : f32
    %ge3A_33 = vector.broadcast %ge3A : f32 to vector<1000x128xf32>
    %ge3A_34 = arith.cmpf oge, %add3A_32, %ge3A_33 : vector<1000x128xf32>
    %mul3A_35 = vector.broadcast %get3A_3 : f32 to vector<1000x128xf32>
    %mul3A_36 = arith.mulf %mul3A_35, %add3A_32 : vector<1000x128xf32>
    %select_n3A = arith.select %ge3A_34, %add3A_32, %mul3A_36 : vector<1000x128xi1>, vector<1000x128xf32>
    %get3A_37 = arith.constant 0 : index
    %get3A_38 = arith.constant 0 : index
    %get3A_39 = arith.constant 0 : index
    %get3A_40 = vector.load %arg2[%get3A_37, %get3A_38, %get3A_39] : memref<2x1000x128xf32, #tpu.memory_space<vmem>>, vector<1x1000x128xf32>
    %get3A_41 = vector.shape_cast %get3A_40 : vector<1x1000x128xf32> to vector<1000x128xf32>
    %add3A_42 = arith.addf %select_n3A, %get3A_41 : vector<1000x128xf32>
    %get3A_43 = arith.constant 1 : index
    %get3A_44 = arith.constant 0 : index
    %get3A_45 = arith.constant 0 : index
    %get3A_46 = vector.load %arg1[%get3A_43, %get3A_44, %get3A_45] : memref<2x1000x128xf32, #tpu.memory_space<vmem>>, vector<1x1000x128xf32>
    %get3A_47 = vector.shape_cast %get3A_46 : vector<1x1000x128xf32> to vector<1000x128xf32>
    %mul3A_48 = vector.broadcast %get3A_1 : vector<1000x1xf32> to vector<1000x128xf32>
    %mul3A_49 = arith.mulf %get3A_47, %mul3A_48 : vector<1000x128xf32>
    %get3A_50 = arith.constant 1 : index
    %get3A_51 = arith.constant 0 : index
    %get3A_52 = arith.constant 0 : index
    %get3A_53 = vector.load %arg4[%get3A_50, %get3A_51, %get3A_52] : memref<2x1x128xf32, #tpu.memory_space<vmem>>, vector<1x1x128xf32>
    %get3A_54 = vector.shape_cast %get3A_53 : vector<1x1x128xf32> to vector<1x128xf32>
    %add3A_55 = vector.broadcast %get3A_54 : vector<1x128xf32> to vector<1000x128xf32>
    %add3A_56 = arith.addf %mul3A_49, %add3A_55 : vector<1000x128xf32>
    %get3A_57 = arith.constant 1 : index
    %get3A_58 = arith.constant 0 : index
    %get3A_59 = arith.constant 0 : index
    %get3A_60 = vector.load %arg5[%get3A_57, %get3A_58, %get3A_59] : memref<2x1x128xf32, #tpu.memory_space<vmem>>, vector<1x1x128xf32>
    %get3A_61 = vector.shape_cast %get3A_60 : vector<1x1x128xf32> to vector<1x128xf32>
    %mul3A_62 = arith.constant 0.999994993 : f32
    %mul3A_63 = vector.broadcast %mul3A_62 : f32 to vector<1x128xf32>
    %mul3A_64 = arith.mulf %get3A_61, %mul3A_63 : vector<1x128xf32>
    %mul3A_65 = vector.broadcast %mul3A_64 : vector<1x128xf32> to vector<1000x128xf32>
    %mul3A_66 = arith.mulf %add3A_56, %mul3A_65 : vector<1000x128xf32>
    %get3A_67 = arith.constant 1 : index
    %get3A_68 = arith.constant 0 : index
    %get3A_69 = arith.constant 0 : index
    %get3A_70 = vector.load %arg6[%get3A_67, %get3A_68, %get3A_69] : memref<2x1x128xf32, #tpu.memory_space<vmem>>, vector<1x1x128xf32>
    %get3A_71 = vector.shape_cast %get3A_70 : vector<1x1x128xf32> to vector<1x128xf32>
    %add3A_72 = vector.broadcast %get3A_71 : vector<1x128xf32> to vector<1000x128xf32>
    %add3A_73 = arith.addf %mul3A_66, %add3A_72 : vector<1000x128xf32>
    %ge3A_74 = arith.constant 0.000000e+00 : f32
    %ge3A_75 = vector.broadcast %ge3A_74 : f32 to vector<1000x128xf32>
    %ge3A_76 = arith.cmpf oge, %add3A_73, %ge3A_75 : vector<1000x128xf32>
    %mul3A_77 = vector.broadcast %get3A_3 : f32 to vector<1000x128xf32>
    %mul3A_78 = arith.mulf %mul3A_77, %add3A_73 : vector<1000x128xf32>
    %select_n3A_79 = arith.select %ge3A_76, %add3A_73, %mul3A_78 : vector<1000x128xi1>, vector<1000x128xf32>
    %get3A_80 = arith.constant 1 : index
    %get3A_81 = arith.constant 0 : index
    %get3A_82 = arith.constant 0 : index
    %get3A_83 = vector.load %arg2[%get3A_80, %get3A_81, %get3A_82] : memref<2x1000x128xf32, #tpu.memory_space<vmem>>, vector<1x1000x128xf32>
    %get3A_84 = vector.shape_cast %get3A_83 : vector<1x1000x128xf32> to vector<1000x128xf32>
    %add3A_85 = arith.addf %select_n3A_79, %get3A_84 : vector<1000x128xf32>
    %concatenate3A = tpu.concatenate %add3A_42, %add3A_85 in 1 : vector<1000x128xf32>, vector<1000x128xf32> -> vector<1000x256xf32>
    %get3A_86 = arith.constant 0 : index
    %get3A_87 = arith.constant 0 : index
    %get3A_88 = vector.load %arg8[%get3A_86, %get3A_87] : memref<256x256xf32, #tpu.memory_space<vmem>>, vector<256x256xf32>
    %dot_general3A = arith.constant dense<0.000000e+00> : vector<1000x256xf32>
    %dot_general3A_89 = tpu.matmul %concatenate3A, %get3A_88, %dot_general3A {dimension_numbers = #tpu.dot_dimension_numbers<[1], [0], [0], [1], [0, 0, 1, 1], [], []>, precision = #tpu.contract_precision<fp32>, transpose_lhs_hint = false} : vector<1000x256xf32>, vector<256x256xf32>, vector<1000x256xf32> -> vector<1000x256xf32>
    %get3A_90 = arith.constant 0 : index
    %get3A_91 = arith.constant 0 : index
    %get3A_92 = vector.load %arg9[%get3A_90, %get3A_91] : memref<1x256xf32, #tpu.memory_space<vmem>>, vector<1x256xf32>
    %add3A_93 = vector.broadcast %get3A_92 : vector<1x256xf32> to vector<1000x256xf32>
    %add3A_94 = arith.addf %dot_general3A_89, %add3A_93 : vector<1000x256xf32>
    %neg3A = arith.constant 0.000000e+00 : f32
    %neg3A_95 = vector.broadcast %neg3A : f32 to vector<1000x256xf32>
    %neg3A_96 = arith.subf %neg3A_95, %add3A_94 : vector<1000x256xf32>
    %exp3A = math.exp %neg3A_96 : vector<1000x256xf32>
    %add3A_97 = arith.constant 1.000000e+00 : f32
    %add3A_98 = vector.broadcast %add3A_97 : f32 to vector<1000x256xf32>
    %add3A_99 = arith.addf %add3A_98, %exp3A : vector<1000x256xf32>
    %div3A = arith.constant 1.000000e+00 : f32
    %div3A_100 = vector.broadcast %div3A : f32 to vector<1000x256xf32>
    %div3A_101 = arith.divf %div3A_100, %add3A_99 : vector<1000x256xf32>
    %swap3A = arith.constant 0 : index
    %swap3A_102 = arith.constant 0 : index
    %swap3A_103 = vector.load %arg10[%swap3A, %swap3A_102] : memref<1000x256xf32, #tpu.memory_space<vmem>>, vector<1000x256xf32>
    tpu.vector_store %arg10[%swap3A, %swap3A_102], %div3A_101 {strides = array<i32>} : memref<1000x256xf32, #tpu.memory_space<vmem>>, vector<1000x256xf32>,
    return
  }
  func.func @transform_0(%arg0: i32) -> (i32, i32, i32) {
    %c0_i32 = arith.constant 0 : i32
    %c0_i32_0 = arith.constant 0 : i32
    %c0_i32_1 = arith.constant 0 : i32
    return %c0_i32, %arg0, %c0_i32_0 : i32, i32, i32
  }
  func.func @transform_1(%arg0: i32) -> (i32, i32, i32) {
    %c0_i32 = arith.constant 0 : i32
    %c0_i32_0 = arith.constant 0 : i32
    %c0_i32_1 = arith.constant 0 : i32
    return %c0_i32, %arg0, %c0_i32_0 : i32, i32, i32
  }
  func.func @transform_2(%arg0: i32) -> (i32, i32) {
    %c0_i32 = arith.constant 0 : i32
    %c0_i32_0 = arith.constant 0 : i32
    return %arg0, %c0_i32 : i32, i32
  }
  func.func @transform_3(%arg0: i32) -> (i32, i32, i32) {
    %c0_i32 = arith.constant 0 : i32
    %c0_i32_0 = arith.constant 0 : i32
    %c0_i32_1 = arith.constant 0 : i32
    %c0_i32_2 = arith.constant 0 : i32
    return %c0_i32, %c0_i32_0, %c0_i32_1 : i32, i32, i32
  }
  func.func @transform_4(%arg0: i32) -> (i32, i32, i32) {
    %c0_i32 = arith.constant 0 : i32
    %c0_i32_0 = arith.constant 0 : i32
    %c0_i32_1 = arith.constant 0 : i32
    %c0_i32_2 = arith.constant 0 : i32
    return %c0_i32, %c0_i32_0, %c0_i32_1 : i32, i32, i32
  }
  func.func @transform_5(%arg0: i32) -> (i32, i32, i32) {
    %c0_i32 = arith.constant 0 : i32
    %c0_i32_0 = arith.constant 0 : i32
    %c0_i32_1 = arith.constant 0 : i32
    %c0_i32_2 = arith.constant 0 : i32
    return %c0_i32, %c0_i32_0, %c0_i32_1 : i32, i32, i32
  }
  func.func @transform_6(%arg0: i32) -> i32 {
    %c0_i32 = arith.constant 0 : i32
    %c0_i32_0 = arith.constant 0 : i32
    return %c0_i32 : i32
  }
  func.func @transform_7(%arg0: i32) -> (i32, i32) {
    %c0_i32 = arith.constant 0 : i32
    %c0_i32_0 = arith.constant 0 : i32
    %c0_i32_1 = arith.constant 0 : i32
    return %c0_i32, %c0_i32_0 : i32, i32
  }
  func.func @transform_8(%arg0: i32) -> (i32, i32) {
    %c0_i32 = arith.constant 0 : i32
    %c0_i32_0 = arith.constant 0 : i32
    %c0_i32_1 = arith.constant 0 : i32
    return %c0_i32, %c0_i32_0 : i32, i32
  }
  func.func @transform_9(%arg0: i32) -> (i32, i32) {
    %c0_i32 = arith.constant 0 : i32
    %c0_i32_0 = arith.constant 0 : i32
    return %arg0, %c0_i32 : i32, i32
  }
}

</mosaic_0001>

<sc_bundles>
// kernel: kernel.11.cloned.1.call-start
scs
__scs_entry_jumppad:
0x0: {  	(pc) =	sbr.rel $0x88, $3  }
0x1: {  	(tag) =	ssettag $0x0;
	lr =	simm.s32 $0x1  }
0x2: {  	[smem:$0x3F91] =	sst lr;
	_ =	strace $0xD0000000  }
0x3: {  	_ = 	snop  }
0x4: {  	_ = 	snop  }
0x5: {  	_ = 	snop  }
0x6: {  	_ = 	snop  }
0x7: {  	_ = 	snop  }
__scs_overlays_trampoline_lowered:
0x8: {  	[smem:$0x3FA0] =	sst s0  }
0x9: {  	[smem:$0x3FA1] =	sst s1  }
0xa: {  	[smem:$0x3FA2] =	sst s2  }
0xb: {  	[smem:$0x3FA3] =	sst s3  }
0xc: {  	[smem:$0x3FA4] =	sst s4  }
0xd: {  	[smem:$0x3FA5] =	sst s5  }
0xe: {  	[smem:$0x3FA6] =	sst s6  }
0xf: {  	[smem:$0x3FA7] =	sst s7  }
0x10: {  	[smem:$0x3FA8] =	sst s8  }
0x11: {  	[smem:$0x3FA9] =	sst s9;
	s0 =	simm.s32 @!p0 $0x0  }
0x12: {  	s1 =	sld [smem:$0x3F8F];
	s0 =	simm.s32 @p0 $0x1  }
0x13: {  	[smem:$0x3FAA] =	sst s0;
	s0 =	simm.s32 @!p1 $0x0  }
0x14: {  	s2 =	sld [smem:$0x3F8E];
	s0 =	simm.s32 @p1 $0x1  }
0x15: {  	[smem:$0x3FAB] =	sst s0;
	s0 =	simm.s32 @!p2 $0x0  }
0x16: {  	s3 =	sld [smem:$0x3FDB];
	s0 =	simm.s32 @p2 $0x1  }
0x17: {  	s4 =	simm.s32 $0x1BF5;
	[smem:$0x3FAD] =	sst s0  }
0x18: {  	s0 =	sld [smem:$0x3F90];
	_ =	swait.ge [sflag:s4], $0x0  }
0x19: {  	s7 =	sld [smem:$0x3F91]  }
0x1a: {  	s8 =	sadd.s32 $0xFFFFE003, lr  }
0x1b: {  	s9 =	sadd.s32 $0xFFFFFEF7, lr;
	s5 =	simm.s32 $0xFFFFFFFF;
	p2 =	slt.u32 s8, $0xFFFFF086  }
0x1c: {  	p1 =	slt.u32 s9, $0xF7A;
	s5 =	simm.s32 @!p2 $0x0  }
0x1d: {  	s5 =	simm.s32 @p1 $0x1;
	p0 =	seq.s32 s7, s2  }
0x1e: {  	s7 =	smul.u32 @!p0 $0xF7A, s2;
	p2 =	seq.s32 @!p0 s5, $0x0  }
0x1f: {  	s9 =	smul.u32 $0xF7A, s1;
	s8 =	simm.s32 @!p0 $0x1BF5;
	p2 =	por !p2, p0  }
0x20: {  	[sflag:s8] =	ssyncset.s32 @!p0 $0xFFFFF086;
	s6 =	sadd.s32 @!p0 s3, s7;
	s7 =	simm.s32 @!p0 $0x108  }
0x21: {  	s3 =	sadd.s32 s3, s9;
	s6 =	sadd.s32 @!p0 $0x88, s6;
	s7 =	simm.s32 @p2 $0x1082  }
0x22: {  	[simem:s7], [sflag:s8] =	dma.local @!p0 [hbm:s6], $0xF7A  }
0x23: {  	s9 =	sor.u32 $0xD0000000, s2;
	s6 =	simm.s32 $0x108;
	_ =	swait.ge @!p0 [sflag:s8], $0x0  }
0x24: {  	s3 =	sadd.s32 $0x88, s3;
	s6 =	simm.s32 @!p1 $0x1082;
	[sflag:s4] =	ssyncset.s32 $0xFFFFF086  }
0x25: {  	[simem:s6], [sflag:s4] =	dma.local [hbm:s3], $0xF7A  }
0x26: {  	[smem:$0x3F91] =	sst s1;
	(tag) =	ssettag s2;
	_ =	strace s9  }
0x27: {  	s1 =	sld [smem:$0x3FA1]  }
0x28: {  	s2 =	sld [smem:$0x3FA2]  }
0x29: {  	s4 =	sld [smem:$0x3FA4]  }
0x2a: {  	p0 =	seq.s32 s5, $0x0;
	s5 =	sld [smem:$0x3FA5]  }
0x2b: {  	s6 =	sld [smem:$0x3FA6]  }
0x2c: {  	s7 =	sld [smem:$0x3FA7]  }
0x2d: {  	s3 =	simm.s32 $0x108;
	s8 =	sld [smem:$0x3FA8]  }
0x2e: {  	s3 =	simm.s32 @!p0 $0x1082;
	s9 =	sld [smem:$0x3FA9]  }
0x2f: {  	lr =	sadd.s32 s0, s3;
	s0 =	sld [smem:$0x3FA0]  }
0x30: {  	s3 =	sld [smem:$0x3FA3]  }
0x31: {  	[smem:$0x3FAC] =	sst s10  }
0x32: {  	s10 =	sld [smem:$0x3FAA];
	_ =	sdelay $0x3  }
0x33: {  	p0 =	seq.s32 s10, $0x1;
	s10 =	sld [smem:$0x3FAC];
	_ =	sdelay $0x3  }
0x34: {  	[smem:$0x3FAC] =	sst s10  }
0x35: {  	s10 =	sld [smem:$0x3FAB];
	_ =	sdelay $0x3  }
0x36: {  	p1 =	seq.s32 s10, $0x1;
	s10 =	sld [smem:$0x3FAC];
	_ =	sdelay $0x3  }
0x37: {  	[smem:$0x3FAC] =	sst s10  }
0x38: {  	s10 =	sld [smem:$0x3FAD]  }
0x39: {  	_ = 	snop;
	(pc) =	sbr.ind lr, $3  }
0x3a: {  	_ = 	snop  }
0x3b: {  	_ = 	snop  }
0x3c: {  	p2 =	seq.s32 s10, $0x1;
	s10 =	sld [smem:$0x3FAC]  }
0x3d: {  	_ =	shalt  }
0x3e: {  	_ =	shalt  }
0x3f: {  	_ =	shalt  }
0x40: {  	_ =	shalt  }
0x41: {  	_ =	shalt  }
0x42: {  	_ =	shalt  }
0x43: {  	_ =	shalt  }
0x44: {  	_ =	shalt  }
0x45: {  	_ =	shalt  }
0x46: {  	_ =	shalt  }
0x47: {  	_ =	shalt  }
0x48: {  	_ =	shalt  }
0x49: {  	_ =	shalt  }
0x4a: {  	_ =	shalt  }
0x4b: {  	_ =	shalt  }
0x4c: {  	_ =	shalt  }
0x4d: {  	_ =	shalt  }
0x4e: {  	_ =	shalt  }
0x4f: {  	_ =	shalt  }
0x50: {  	_ =	shalt  }
0x51: {  	_ =	shalt  }
0x52: {  	_ =	shalt  }
0x53: {  	_ =	shalt  }
0x54: {  	_ =	shalt  }
0x55: {  	_ =	shalt  }
0x56: {  	_ =	shalt  }
0x57: {  	_ =	shalt  }
0x58: {  	_ =	shalt  }
0x59: {  	_ =	shalt  }
0x5a: {  	_ =	shalt  }
0x5b: {  	_ =	shalt  }
0x5c: {  	_ =	shalt  }
0x5d: {  	_ =	shalt  }
0x5e: {  	_ =	shalt  }
0x5f: {  	_ =	shalt  }
0x60: {  	_ =	shalt  }
0x61: {  	_ =	shalt  }
0x62: {  	_ =	shalt  }
0x63: {  	_ =	shalt  }
0x64: {  	_ =	shalt  }
0x65: {  	_ =	shalt  }
0x66: {  	_ =	shalt  }
0x67: {  	_ =	shalt  }
0x68: {  	_ =	shalt  }
0x69: {  	_ =	shalt  }
0x6a: {  	_ =	shalt  }
0x6b: {  	_ =	shalt  }
0x6c: {  	_ =	shalt  }
0x6d: {  	_ =	shalt  }
0x6e: {  	_ =	shalt  }
0x6f: {  	_ =	shalt  }
0x70: {  	_ =	shalt  }
0x71: {  	_ =	shalt  }
0x72: {  	_ =	shalt  }
0x73: {  	_ =	shalt  }
0x74: {  	_ =	shalt  }
0x75: {  	_ =	shalt  }
0x76: {  	_ =	shalt  }
0x77: {  	_ =	shalt  }
0x78: {  	_ =	shalt  }
0x79: {  	_ =	shalt  }
0x7a: {  	_ =	shalt  }
0x7b: {  	_ =	shalt  }
0x7c: {  	_ =	shalt  }
0x7d: {  	_ =	shalt  }
0x7e: {  	_ =	shalt  }
0x7f: {  	_ =	shalt  }
0x80: {  	_ =	shalt  }
0x81: {  	_ =	shalt  }
0x82: {  	_ =	shalt  }
0x83: {  	_ =	shalt  }
0x84: {  	_ =	shalt  }
0x85: {  	_ =	shalt  }
0x86: {  	_ =	shalt  }
0x87: {  	_ =	shalt  }
.Lfunc_end0:
.L_simem_size_0:
called_computation.1_lowered:
.L_overlay_start_0:
0x88: {  	s2 =	sld [smem:$0x3FD9]  }
0x89: {  	s3 =	sld [smem:$0x3FFE];
	_ =	sdelay $0x1  }
0x8a: {  	s1 =	srdreg.scid  }
0x8b: {  	s0 =	sand.u32 $0x1, s1  }
0x8c: {  	s16 =	sshll.u32 s0, $0xA;
	s2 =	sadd.s32 s3, s2  }
0x8d: {  	s2 =	sadd.s32 s2, s16  }
0x8e: {  	[smem:$0x3FB8] =	sst s2  }
0x8f: {  	_ = 	snop  }
0x90: {  	(tm) =	ssettm $0x1  }
0x91: {  	s17 =	sld [smem:$0x3FFB];
	_ =	sdelay $0x3  }
0x92: {  	_ =	strace s17  }
0x93: {  	s2 =	sld [smem:$0x3FFC];
	_ =	sdelay $0x3  }
0x94: {  	_ =	strace s2  }
0x95: {  	s2 =	sld [smem:$0x3FFD];
	_ =	sdelay $0x3  }
0x96: {  	_ =	strace s2  }
0x97: {  	_ =	strace $0x8FFFFFFF  }
0x98: {  	s18 =	sld [smem:$0x3FDB];
	_ =	sdelay $0x1  }
0x99: {  	s19 =	simm.s32 $_scs_section_size  }
0x9a: {  	s4 =	simm.s32 $_size__tile_overlayer_lowered;
	s5 =	simm.s32 $_tile_overlayer_lowered  }
0x9b: {  	s22 =	simm.s32 $0x1BFF;
	s21 =	sshll.u32 s5, $0x1;
	s2 =	sadd.s32 s19, s18  }
0x9c: {  	s6 =	simm.s32 $0x0;
	s20 =	sshll.u32 s4, $0x1;
	s4 =	sadd.s32 s21, s2  }
0x9d: {  	[timem:s6], [sflag:s22] =	dma.local [hbm:s4], s20  }
0x9e: {  	_ =	swait.ge [sflag:s22], s20  }
0x9f: {  	s3 =	ssub.s32 $0x0, s20;
	[sflag:s22] =	ssyncset.done $0x0  }
0xa0: {  	[sflag:s22] =	ssyncadd.s32 s3;
	_ =	sdelay $0x1  }
0xa1: {  	s23 =	simm.s32 $0x1B8B  }
0xa2: {  	_ =	swait.ge [sflag:s23], $0x1  }
0xa3: {  	[sflag:s23] =	ssyncset.done $0x0  }
0xa4: {  	s25 =	simm.s32 $0x1B8E;
	s24 =	sld [smem:$0x3FFE];
	[sflag:s23] =	ssyncadd.s32 $0xFFFFFFFF  }
0xa5: {  	s26 =	simm.s32 $execute0_lowered;
	[smem:$0x3FD2] =	sst s25  }
0xa6: {  	s4 =	sshll.u32 s26, $0x1;
	_ =	strace $0x80000049;
	[dreg:$0x1] =	wrdreg $0xFFFFFFFF  }
0xa7: {  	s28 =	simm.s32 $_size_execute0_lowered;
	s2 =	sadd.s32 s2, s4;
	[dreg:$0x0] =	wrdreg $0x0  }
0xa8: {  	s4 =	sshll.u32 s28, $0x1;
	[dreg:$0x2] =	wrdreg s2  }
0xa9: {  	[dreg:$0x3] =	wrdreg s4  }
0xaa: {  	[dreg:$0x4] =	wrdreg $0xC0  }
0xab: {  	_ =	task [dreg:s6], $0x5FFFF  }
0xac: {  	[dreg:$0x1] =	wrdreg $0xFFFFFFFF  }
0xad: {  	[dreg:$0x0] =	wrdreg $0x60  }
0xae: {  	[dreg:$0x2] =	wrdreg s24  }
0xaf: {  	[dreg:$0x3] =	wrdreg $0x100000  }
0xb0: {  	[dreg:$0x4] =	wrdreg $0x9  }
0xb1: {  	_ =	task.clear_ibuf [dreg:s6], $0x5FFFF;
	_ =	strace $0x90000049  }
0xb2: {  	s29 =	simm.s32 $0x9;
	_ =	strace $0x8000004B  }
0xb3: {  	_ =	swait.ge [sflag:s29], $0x1  }
0xb4: {  	[sflag:s29] =	ssyncadd.s32 $0xFFFFFFFF  }
0xb5: {  	_ =	strace $0x9000004B  }
0xb6: {  	_ =	sfence  }
0xb7: {  	s30 =	sld [smem:$0x0];
	_ =	sdelay $0x2  }
0xb8: {  	s31 =	sshll.u32 s1, $0xD;
	s1 =	sshrl.u32 s1, $0x2  }
0xb9: {  	s3 =	sand.u32 $0x4000, s31;
	s1 =	sadd.s32 s1, s30  }
0xba: {  	s0 =	sor.u32 s3, s0;
	s1 =	sshll.u32 s1, $0x11  }
0xbb: {  	s0 =	sor.u32 s1, s0  }
0xbc: {  	s0 =	sadd.s32 $0x8F2B, s0  }
0xbd: {  	[sflag:s0] =	ssyncadd.remote.s32 $0x1  }
0xbe: {  	_ =	sfence.sel $0xFFFF  }
0xbf: {  	[dreg:$0x0] =	wrdreg $0xFFFFFFFF;
	(pc) =	sbr.abs _section_cstart, $3  }
0xc0: {  	[dreg:$0x1] =	wrdreg $0xFFFFFFFF  }
0xc1: {  	_ =	task.clear_ibuf [dreg:s6], $0x2FFFF;
	_ =	strace $0x9FFFFFFF  }
0xc2: {  	(tm) =	ssettm $0x7FFFFFFF  }
0xc3: {  	_ =	shalt  }
tec
execute0_lowered:
.L_overlay_start_1:
0x0: {  	(tag) =	ssettag $0x1  }
0x1: {  	s0 =	rddreg [dreg:$0x0]  }
0x2: {  	s2 =	rddreg [dreg:$0x1];
	s9 =	stileid.u32;
	s4 =	simm.s32 $0x0  }
0x3: {  	s3 =	srdreg.scid;
	s18 =	simm.s32 $0x7;
	s1 =	smul.u32 $0xA00, s9  }
0x4: {  	s28 =	simm.s32 $0x0;
	[smem:$0x7FF] =	sst s4;
	s7 =	smul.u32 $0xA000, s9  }
0x5: {  	s3 =	sand.u32 $0x1, s3;
	s6 =	sadd.s32 $0x66200, s0;
	s8 =	smul.u32 $0x28000, s9  }
0x6: {  	s26 =	sadd.s32 $0x96000, s2;
	p0 =	seq.s32 s9, $0xF;
	_ =	strace $0x8000004A  }
0x7: {  	s20 =	smul.u32 $0x13C000, s3;
	s3 =	ssub.s32 $0x2, s3;
	[dreg:$0x6] =	wrdreg s26  }
0x8: {  	s26 =	simm.s32 $0x4;
	s1 =	sadd.s32 s1, s0;
	s5 =	sshrl.u32 s3, $0x1  }
0x9: {  	s0 =	sadd.s32 $0x16200, s0;
	s23 =	sshrl.u32 s8, $0x2;
	s3 =	ssub.s32 s3, s5  }
0xa: {  	s21 =	sadd.s32 $0xC200, s1;
	s5 =	sadd.s32 $0x2200, s1;
	s22 =	sadd.s32 s7, s20  }
0xb: {  	s4 =	sshrl.u32 s20, $0x3;
	s7 =	sadd.s32 s23, s2;
	[dreg:$0x3] =	wrdreg s21  }
0xc: {  	s20 =	simm.s32 $0x40;
	s23 =	simm.s32 $0xC000;
	[dreg:$0x4] =	wrdreg s7  }
0xd: {  	s1 =	sshrl.u32 s22, $0x3;
	s24 =	sadd.s32 $0x12C00, s4;
	s10 =	sadd.s32 s6, s4  }
0xe: {  	s4 =	sadd.s32 $0x26800, s4;
	s17 =	smax.u32 s3, $0x1;
	s25 =	sadd.s32 s6, s1  }
0xf: {  	s21 =	simm.s32 $0xA000;
	s29 =	sadd.s32 s6, s24;
	[dreg:$0x5] =	wrdreg s25  }
0x10: {  	s22 =	simm.s32 $0x80;
	s30 =	sadd.s32 s0, s1;
	[dreg:$0x7] =	wrdreg s29  }
0x11: {  	s1 =	sadd.s32 $0x13C00, s1;
	s7 =	sadd.s32 s0, s24;
	[dreg:$0x8] =	wrdreg s30  }
0x12: {  	s16 =	sadd.s32 s0, s4;
	[dreg:$0x9] =	wrdreg s7;
	s31 =	sadd.s32 s6, s1  }
0x13: {  	s24 =	simm.s32 $0x5;
	s6 =	sadd.s32 s6, s4;
	[dreg:$0xa] =	wrdreg s31  }
0x14: {  	s15 =	sadd.s32 s0, s1;
	s25 =	simm.s32 $0x6;
	[dreg:$0xb] =	wrdreg s6  }
.LBB2_1:
0x15: {  	s0 =	simm.s32 $0x0;
	s1 =	rddreg [dreg:$0x3]  }
0x16: {  	[tilespmem:s0], [sflag:$0x7] =	stream.linear.gather [hbm4b:s1+s0], $0x5000, $0x38;
	[tilespmem:$0x19E40] =	vst v63  }
0x17: {  	_ =	swait.ge [sflag:s18], $0x5000  }
0x18: {  	[sflag:s18] =	ssyncset.done $0x0  }
0x19: {  	s31 =	simm.s32 $0x5000;
	[sflag:s18] =	ssyncadd.s32 $0xFFFFB000  }
0x1a: {  	[tilespmem:s31], [sflag:$0x7] =	stream.linear.gather [hbm4b:s5+s0], $0x5000, $0x38;
	[tilespmem:$0x19E40] =	vst v63  }
0x1b: {  	_ =	swait.ge [sflag:s18], $0x5000  }
0x1c: {  	[sflag:s18] =	ssyncset.done $0x0  }
0x1d: {  	s0 =	simm.s32 $0x0;
	[sflag:s18] =	ssyncadd.s32 $0xFFFFB000  }
0x1e: {  	v2 =	vld [tilespmem:s0+$0x5000]  }
0x1f: {  	v1 =	vld [tilespmem:s0+$0x5010]  }
0x20: {  	s1 =	simm.s32 $0x200;
	v0 =	vld [tilespmem:s0+$0x5020]  }
.LBB2_2:
0x21: {  	p1 =	sne.s32 s1, $0x13E00;
	v3 =	vld [tilespmem:s0+$0x5030];
	_ =	sdelay $0x1  }
.Ltmp0:
0x22: {  	v2 =	vmin.u32 v2, $0x13C0;
	(pc) =	sbr.rel @p1 .LBB2_2-.Ltmp0, $4  }
0x23: {  	s3 =	sshra.s32 s1, $0x2;
	[tilespmem:s0+$0x5000] =	vst v2;
	v1 =	vmin.u32 v1, $0x13C0  }
0x24: {  	v2 =	vld [tilespmem:s3+$0x5000];
	[tilespmem:s0+$0x5010] =	vst v1;
	v0 =	vmin.u32 v0, $0x13C0  }
0x25: {  	v1 =	vld [tilespmem:s3+$0x5010];
	[tilespmem:s0+$0x5020] =	vst v0;
	v3 =	vmin.u32 v3, $0x13C0  }
0x26: {  	s1 =	sadd.s32 $0x200, s1;
	v0 =	vld [tilespmem:s3+$0x5020];
	[tilespmem:s0+$0x5030] =	vst v3;
	s0 =	smov.u32 s3  }
0x27: {  	v3 =	vld [tilespmem:s0+$0x5030];
	_ =	sdelay $0x1  }
0x28: {  	v2 =	vmin.u32 v2, $0x13C0  }
0x29: {  	[tilespmem:s0+$0x5000] =	vst v2;
	v1 =	vmin.u32 v1, $0x13C0  }
0x2a: {  	[tilespmem:s0+$0x5010] =	vst v1;
	v0 =	vmin.u32 v0, $0x13C0  }
0x2b: {  	[tilespmem:s0+$0x5020] =	vst v0;
	v63 =	vmin.u32 v3, $0x13C0  }
0x2c: {  	[tilespmem:s0+$0x5030] =	vst v63;
	s0 =	rddreg [dreg:$0x6]  }
0x2d: {  	s1 =	rddreg [dreg:$0x7];
	s29 =	sshrl.u32 @p0 s0, $0x3;
	s0 =	simm.s32 @p0 $0x1FC7  }
0x2e: {  	[spmem:s29], [sflag:s0] =	dma.local @p0 [hbm:s1], $0x1000  }
0x2f: {  	s0 =	simm.s32 @p0 $0x7  }
0x30: {  	_ =	swait.ge @p0 [sflag:s0], $0x1000  }
0x31: {  	s1 =	stileid.u32;
	[sflag:s0] =	ssyncset.done @p0 $0x0  }
0x32: {  	s1 =	sshll.u32 @!p0 s1, $0x6;
	[sflag:s0] =	ssyncadd.s32 @p0 $0xFFFFF000;
	s0 =	rddreg [dreg:$0x4]  }
0x33: {  	s30 =	sor.u32 @!p0 $0x1C07, s1;
	s31 =	sshrl.u32 @!p0 s0, $0x3;
	s0 =	rddreg [dreg:$0x5]  }
0x34: {  	[spmem:s31], [sflag:s30] =	dma.local @!p0 [hbm:s0], $0x1400  }
0x35: {  	s0 =	simm.s32 @!p0 $0x7  }
0x36: {  	_ =	swait.ge @!p0 [sflag:s0], $0x1400  }
0x37: {  	[sflag:s0] =	ssyncset.done @!p0 $0x0  }
0x38: {  	s19 =	simm.s32 $0x0;
	[sflag:s0] =	ssyncadd.s32 @!p0 $0xFFFFEC00  }
0x39: {  	s0 =	smul.u32 $0xAB, s19;
	[bflag:$0x0] =	sbarrier.arrive $0xFFFF  }
0x3a: {  	[tilespmem:s21], [sflag:$0x1] =	stream.indirect.gather [hbm4b:s10+s20], $0x80, s19, s20, $0xb8;
	[tilespmem:$0x19E40] =	vst v63  }
0x3b: {  	p2 =	por $0x0, $0x0;
	s3 =	simm.s32 $0x2;
	s0 =	sshrl.u32 s0, $0x9  }
0x3c: {  	s4 =	simm.s32 $0x100;
	s3 =	smul.u32 @!p2 $0xAB, s3;
	s0 =	sand.u32 $0x7F, s0  }
0x3d: {  	s7 =	simm.s32 $0x5000;
	s6 =	simm.s32 $0x2;
	s0 =	smul.u32 $0x3, s0  }
0x3e: {  	[tilespmem:s23], [sflag:$0x2] =	stream.indirect.gather [hbm4b:s10+s20], $0x80, s22, s20, $0xb8;
	[tilespmem:$0x19E40] =	vst v63  }
0x3f: {  	p1 =	por p2, p2;
	p2 =	por @!p2 $0x1, $0x1;
	s0 =	ssub.s32 $0x0, s0  }
0x40: {  	p3 =	por p2, p1;
	s8 =	sand.u32 $0xFF, s0;
	s0 =	sshrl.u32 @!p1 s3, $0x9  }
0x41: {  	s1 =	simm.s32 $0x1;
	s9 =	sadd.s32 $0x1, s8;
	s0 =	sand.u32 @!p1 $0x7F, s0  }
0x42: {  	s3 =	simm.s32 $0x5080;
	s12 =	smul.u32 @!p1 $0x3, s0;
	_ =	swait.ge [sflag:s9], $0x2000  }
0x43: {  	s11 =	sshll.u32 s8, $0xD;
	s8 =	sor.u32 $0x4, s8;
	[sflag:s9] =	ssyncset.done $0x0  }
0x44: {  	s11 =	sadd.s32 $0xA000, s11;
	s12 =	ssub.s32 @!p1 $0x2, s12;
	[sflag:s9] =	ssyncadd.s32 $0xFFFFE000  }
0x45: {  	[spmem:s2] =	stream.indirect.scatter.add.f32 [tilespmem:s11], [sflag:s8], $0x80, s7, s20, $0xb8;
	[tilespmem:$0x19E40] =	vst v63  }
0x46: {  	s0 =	simm.s32 $0x180;
	s7 =	simm.s32 @!p1 $0x40;
	s11 =	sand.u32 @!p1 $0xFF, s12  }
0x47: {  	s12 =	smul.u32 $0xAB, s1;
	s8 =	sadd.s32 @!p3 $0x4, s11;
	s9 =	sshll.u32 @!p1 s11, $0xD  }
.LBB2_4:
0x48: {  	p4 =	sgt.u32 s1, $0x9D;
	_ =	swait.ge @!p3 [sflag:s8], $0x2000  }
0x49: {  	s11 =	sadd.s32 @!p1 $0x1, s11;
	s19 =	smov.u32 s6;
	s13 =	smov.u32 s3  }
0x4a: {  	s14 =	sadd.s32 $0x2, s1;
	s12 =	sshrl.u32 s12, $0x9;
	[sflag:s8] =	ssyncset.done @!p3 $0x0  }
0x4b: {  	s12 =	sand.u32 $0x7F, s12;
	[sflag:s8] =	ssyncadd.s32 @!p3 $0xFFFFE000;
	s8 =	sadd.s32 @!p1 $0xA000, s9  }
0x4c: {  	[tilespmem:s8], [sflag:s11] =	stream.indirect.gather @!p1 [hbm4b:s10+s7], $0x80, s4, s7, $0xb8;
	[tilespmem:$0x19E40] =	vst v63  }
0x4d: {  	s6 =	sadd.s32 $0x1, s6;
	p3 =	seq.s32 @!p4 s1, $0x0;
	s7 =	smul.u32 $0x3, s12  }
0x4e: {  	p2 =	sne.s32 s6, $0xA0;
	s8 =	smul.u32 @!p4 $0xAB, s14;
	s4 =	smov.u32 s0  }
0x4f: {  	p1 =	por p4, p4;
	s7 =	ssub.s32 s1, s7;
	s1 =	smov.u32 s19  }
0x50: {  	s3 =	sadd.s32 $0x80, s3;
	s8 =	sshrl.u32 @!p1 s8, $0x9;
	s7 =	sand.u32 $0xFF, s7  }
0x51: {  	s8 =	sand.u32 @!p1 $0x7F, s8;
	s9 =	sadd.s32 $0x1, s7;
	s11 =	sshll.u32 s7, $0xD  }
0x52: {  	s0 =	sadd.s32 $0x80, s0;
	s8 =	smul.u32 @!p1 $0x3, s8;
	s12 =	sor.u32 $0x4, s7  }
.Ltmp1:
0x53: {  	s7 =	simm.s32 @!p1 $0x40;
	_ =	swait.ge [sflag:s9], $0x2000;
	(pc) =	sbr.rel @p2 .LBB2_4-.Ltmp1, $4  }
0x54: {  	s19 =	sadd.s32 $0xA000, s11;
	s8 =	ssub.s32 @!p1 s14, s8;
	[sflag:s9] =	ssyncset.done $0x0  }
0x55: {  	p3 =	por p3, p1;
	s11 =	sand.u32 @!p1 $0xFF, s8;
	[sflag:s9] =	ssyncadd.s32 $0xFFFFE000  }
0x56: {  	[spmem:s2] =	stream.indirect.scatter.add.f32 [tilespmem:s19], [sflag:s12], $0x80, s13, s20, $0xb8;
	[tilespmem:$0x19E40] =	vst v63  }
0x57: {  	s8 =	sadd.s32 @!p3 $0x4, s11;
	s9 =	sshll.u32 @!p1 s11, $0xD;
	s12 =	smul.u32 $0xAB, s1  }
0x58: {  	_ =	swait.ge @!p3 [sflag:s8], $0x2000  }
0x59: {  	s6 =	sadd.s32 @!p1 $0x1, s11;
	s19 =	sshrl.u32 s12, $0x9;
	[sflag:s8] =	ssyncset.done @!p3 $0x0  }
0x5a: {  	s11 =	sand.u32 $0x7F, s19;
	[sflag:s8] =	ssyncadd.s32 @!p3 $0xFFFFE000;
	s8 =	sadd.s32 @!p1 $0xA000, s9  }
0x5b: {  	[tilespmem:s8], [sflag:s6] =	stream.indirect.gather @!p1 [hbm4b:s10+s7], $0x80, s4, s7, $0xb8;
	[tilespmem:$0x19E40] =	vst v63  }
0x5c: {  	p2 =	sgt.u32 s1, $0x9D;
	s4 =	sadd.s32 $0x2, s1;
	s11 =	smul.u32 $0x3, s11  }
0x5d: {  	s7 =	smul.u32 @!p2 $0xAB, s4  }
0x5e: {  	p1 =	por p2, p2  }
0x5f: {  	s6 =	ssub.s32 s1, s11;
	s7 =	sshrl.u32 @!p1 s7, $0x9  }
0x60: {  	s6 =	sand.u32 $0xFF, s6;
	s7 =	sand.u32 @!p1 $0x7F, s7  }
0x61: {  	p2 =	seq.s32 @!p2 s1, $0x0;
	s12 =	sadd.s32 $0x1, s6;
	s7 =	smul.u32 @!p1 $0x3, s7  }
0x62: {  	p2 =	por p2, p1;
	s13 =	sshll.u32 s6, $0xD;
	_ =	swait.ge [sflag:s12], $0x2000  }
0x63: {  	s6 =	sor.u32 $0x4, s6;
	[sflag:s12] =	ssyncset.done $0x0;
	s4 =	ssub.s32 @!p1 s4, s7  }
0x64: {  	s8 =	sadd.s32 $0xA000, s13;
	[sflag:s12] =	ssyncadd.s32 $0xFFFFE000;
	s1 =	sand.u32 @!p1 $0xFF, s4  }
0x65: {  	[spmem:s2] =	stream.indirect.scatter.add.f32 [tilespmem:s8], [sflag:s6], $0x80, s3, s20, $0xb8;
	[tilespmem:$0x19E40] =	vst v63  }
0x66: {  	s3 =	sadd.s32 @!p2 $0x4, s1  }
0x67: {  	_ =	swait.ge @!p2 [sflag:s3], $0x2000  }
0x68: {  	s4 =	simm.s32 @!p1 $0x40;
	s6 =	sshll.u32 @!p1 s1, $0xD;
	[sflag:s3] =	ssyncset.done @!p2 $0x0  }
0x69: {  	s1 =	sadd.s32 @!p1 $0x1, s1;
	[sflag:s3] =	ssyncadd.s32 @!p2 $0xFFFFE000;
	s3 =	sadd.s32 @!p1 $0xA000, s6  }
0x6a: {  	[tilespmem:s3], [sflag:s1] =	stream.indirect.gather @!p1 [hbm4b:s10+s4], $0x80, s0, s4, $0xb8;
	[tilespmem:$0x19E40] =	vst v63  }
0x6b: {  	_ =	swait.ge [sflag:s24], $0x2000  }
0x6c: {  	[sflag:s24] =	ssyncset.done $0x0  }
0x6d: {  	[sflag:s24] =	ssyncadd.s32 $0xFFFFE000  }
0x6e: {  	_ =	swait.ge [sflag:s25], $0x2000  }
0x6f: {  	[sflag:s25] =	ssyncset.done $0x0  }
0x70: {  	[sflag:s25] =	ssyncadd.s32 $0xFFFFE000  }
0x71: {  	_ =	swait.ge [sflag:s26], $0x2000  }
0x72: {  	[sflag:s26] =	ssyncset.done $0x0  }
0x73: {  	[sflag:s26] =	ssyncadd.s32 $0xFFFFE000  }
0x74: {  	[bflag:$0x0] =	sbarrier.arrive $0xFFFF  }
0x75: {  	s0 =	simm.s32 @p0 $0x1FC7;
	s1 =	rddreg [dreg:$0x9]  }
0x76: {  	[hbm:s1], [sflag:s0] =	dma.local @p0 [spmem:s29], $0x1000  }
0x77: {  	s0 =	simm.s32 @p0 $0x7  }
0x78: {  	_ =	swait.ge @p0 [sflag:s0], $0x1000  }
0x79: {  	[sflag:s0] =	ssyncset.done @p0 $0x0  }
0x7a: {  	[sflag:s0] =	ssyncadd.s32 @p0 $0xFFFFF000;
	s0 =	rddreg [dreg:$0x8]  }
0x7b: {  	[hbm:s0], [sflag:s30] =	dma.local @!p0 [spmem:s31], $0x1400  }
0x7c: {  	s0 =	simm.s32 @!p0 $0x7  }
0x7d: {  	_ =	swait.ge @!p0 [sflag:s0], $0x1400  }
0x7e: {  	[sflag:s0] =	ssyncset.done @!p0 $0x0  }
0x7f: {  	[sflag:s0] =	ssyncadd.s32 @!p0 $0xFFFFEC00  }
0x80: {  	s14 =	simm.s32 $0x0;
	s19 =	simm.s32 $0x5000;
	[bflag:$0x0] =	sbarrier.arrive $0xFFFF  }
0x81: {  	[tilespmem:s19], [sflag:$0x7] =	stream.linear.gather [hbm4b:s5+s14], $0x5000, $0x38;
	[tilespmem:$0x19E40] =	vst v63  }
0x82: {  	_ =	swait.ge [sflag:s18], $0x5000  }
0x83: {  	[sflag:s18] =	ssyncset.done $0x0  }
0x84: {  	s0 =	simm.s32 $0x0;
	[sflag:s18] =	ssyncadd.s32 $0xFFFFB000  }
0x85: {  	v1 =	vld [tilespmem:s0+$0x5000]  }
0x86: {  	v2 =	vld [tilespmem:s0+$0x5010]  }
0x87: {  	s1 =	simm.s32 $0x200;
	v0 =	vld [tilespmem:s0+$0x5020]  }
.LBB2_6:
0x88: {  	p1 =	sne.s32 s1, $0x13E00;
	v3 =	vld [tilespmem:s0+$0x5030];
	_ =	sdelay $0x1  }
0x89: {  	v1 =	vadd.s32 $0xFFFFEC40, v1  }
.Ltmp2:
0x8a: {  	v1 =	vmin.u32 v1, $0x13C0;
	v2 =	vadd.s32 $0xFFFFEC40, v2;
	(pc) =	sbr.rel @p1 .LBB2_6-.Ltmp2, $4  }
0x8b: {  	s3 =	sshra.s32 s1, $0x2;
	[tilespmem:s0+$0x5000] =	vst v1;
	v2 =	vmin.u32 v2, $0x13C0;
	v0 =	vadd.s32 $0xFFFFEC40, v0  }
0x8c: {  	v1 =	vld [tilespmem:s3+$0x5000];
	[tilespmem:s0+$0x5010] =	vst v2;
	v0 =	vmin.u32 v0, $0x13C0;
	v3 =	vadd.s32 $0xFFFFEC40, v3  }
0x8d: {  	v2 =	vld [tilespmem:s3+$0x5010];
	[tilespmem:s0+$0x5020] =	vst v0;
	v3 =	vmin.u32 v3, $0x13C0  }
0x8e: {  	s1 =	sadd.s32 $0x200, s1;
	v0 =	vld [tilespmem:s3+$0x5020];
	[tilespmem:s0+$0x5030] =	vst v3;
	s0 =	smov.u32 s3  }
0x8f: {  	v3 =	vld [tilespmem:s0+$0x5030];
	_ =	sdelay $0x1  }
0x90: {  	v1 =	vadd.s32 $0xFFFFEC40, v1  }
0x91: {  	v1 =	vmin.u32 v1, $0x13C0;
	v2 =	vadd.s32 $0xFFFFEC40, v2  }
0x92: {  	[tilespmem:s0+$0x5000] =	vst v1;
	v61 =	vmin.u32 v2, $0x13C0;
	v0 =	vadd.s32 $0xFFFFEC40, v0  }
0x93: {  	[tilespmem:s0+$0x5010] =	vst v61;
	v0 =	vmin.u32 v0, $0x13C0;
	v62 =	vadd.s32 $0xFFFFEC40, v3  }
0x94: {  	[tilespmem:s0+$0x5020] =	vst v0;
	v63 =	vmin.u32 v62, $0x13C0  }
0x95: {  	s1 =	rddreg [dreg:$0xb];
	[tilespmem:s0+$0x5030] =	vst v63;
	s0 =	simm.s32 @p0 $0x1FC7  }
0x96: {  	[spmem:s29], [sflag:s0] =	dma.local @p0 [hbm:s1], $0x1000  }
0x97: {  	s0 =	simm.s32 @p0 $0x7  }
0x98: {  	_ =	swait.ge @p0 [sflag:s0], $0x1000  }
0x99: {  	[sflag:s0] =	ssyncset.done @p0 $0x0  }
0x9a: {  	[sflag:s0] =	ssyncadd.s32 @p0 $0xFFFFF000;
	s0 =	rddreg [dreg:$0xa]  }
0x9b: {  	[spmem:s31], [sflag:s30] =	dma.local @!p0 [hbm:s0], $0x1400  }
0x9c: {  	s0 =	simm.s32 @!p0 $0x7  }
0x9d: {  	_ =	swait.ge @!p0 [sflag:s0], $0x1400  }
0x9e: {  	[sflag:s0] =	ssyncset.done @!p0 $0x0  }
0x9f: {  	s19 =	simm.s32 $0x0;
	[sflag:s0] =	ssyncadd.s32 @!p0 $0xFFFFEC00  }
0xa0: {  	s0 =	smul.u32 $0xAB, s19;
	[bflag:$0x0] =	sbarrier.arrive $0xFFFF  }
0xa1: {  	[tilespmem:s21], [sflag:$0x1] =	stream.indirect.gather [hbm4b:s10+s20], $0x80, s19, s20, $0xb8;
	[tilespmem:$0x19E40] =	vst v63  }
0xa2: {  	p2 =	por $0x0, $0x0;
	s3 =	simm.s32 $0x2;
	s0 =	sshrl.u32 s0, $0x9  }
0xa3: {  	s4 =	simm.s32 $0x100;
	s3 =	smul.u32 @!p2 $0xAB, s3;
	s0 =	sand.u32 $0x7F, s0  }
0xa4: {  	s7 =	simm.s32 $0x5000;
	s6 =	simm.s32 $0x2;
	s0 =	smul.u32 $0x3, s0  }
0xa5: {  	[tilespmem:s23], [sflag:$0x2] =	stream.indirect.gather [hbm4b:s10+s20], $0x80, s22, s20, $0xb8;
	[tilespmem:$0x19E40] =	vst v63  }
0xa6: {  	p1 =	por p2, p2;
	p2 =	por @!p2 $0x1, $0x1;
	s0 =	ssub.s32 $0x0, s0  }
0xa7: {  	p3 =	por p2, p1;
	s8 =	sand.u32 $0xFF, s0;
	s0 =	sshrl.u32 @!p1 s3, $0x9  }
0xa8: {  	s1 =	simm.s32 $0x1;
	s9 =	sadd.s32 $0x1, s8;
	s0 =	sand.u32 @!p1 $0x7F, s0  }
0xa9: {  	s3 =	simm.s32 $0x5080;
	s12 =	smul.u32 @!p1 $0x3, s0;
	_ =	swait.ge [sflag:s9], $0x2000  }
0xaa: {  	s11 =	sshll.u32 s8, $0xD;
	s8 =	sor.u32 $0x4, s8;
	[sflag:s9] =	ssyncset.done $0x0  }
0xab: {  	s11 =	sadd.s32 $0xA000, s11;
	s12 =	ssub.s32 @!p1 $0x2, s12;
	[sflag:s9] =	ssyncadd.s32 $0xFFFFE000  }
0xac: {  	[spmem:s2] =	stream.indirect.scatter.add.f32 [tilespmem:s11], [sflag:s8], $0x80, s7, s20, $0xb8;
	[tilespmem:$0x19E40] =	vst v63  }
0xad: {  	s0 =	simm.s32 $0x180;
	s7 =	simm.s32 @!p1 $0x40;
	s11 =	sand.u32 @!p1 $0xFF, s12  }
0xae: {  	s12 =	smul.u32 $0xAB, s1;
	s8 =	sadd.s32 @!p3 $0x4, s11;
	s9 =	sshll.u32 @!p1 s11, $0xD  }
.LBB2_8:
0xaf: {  	p4 =	sgt.u32 s1, $0x9D;
	_ =	swait.ge @!p3 [sflag:s8], $0x2000  }
0xb0: {  	s11 =	sadd.s32 @!p1 $0x1, s11;
	s13 =	smov.u32 s6;
	s14 =	smov.u32 s3  }
0xb1: {  	s19 =	sadd.s32 $0x2, s1;
	s12 =	sshrl.u32 s12, $0x9;
	[sflag:s8] =	ssyncset.done @!p3 $0x0  }
0xb2: {  	s12 =	sand.u32 $0x7F, s12;
	[sflag:s8] =	ssyncadd.s32 @!p3 $0xFFFFE000;
	s8 =	sadd.s32 @!p1 $0xA000, s9  }
0xb3: {  	[tilespmem:s8], [sflag:s11] =	stream.indirect.gather @!p1 [hbm4b:s10+s7], $0x80, s4, s7, $0xb8;
	[tilespmem:$0x19E40] =	vst v63  }
0xb4: {  	s6 =	sadd.s32 $0x1, s6;
	p3 =	seq.s32 @!p4 s1, $0x0;
	s7 =	smul.u32 $0x3, s12  }
0xb5: {  	p2 =	sne.s32 s6, $0xA0;
	s8 =	smul.u32 @!p4 $0xAB, s19;
	s4 =	smov.u32 s0  }
0xb6: {  	p1 =	por p4, p4;
	s7 =	ssub.s32 s1, s7;
	s1 =	smov.u32 s13  }
0xb7: {  	s3 =	sadd.s32 $0x80, s3;
	s8 =	sshrl.u32 @!p1 s8, $0x9;
	s7 =	sand.u32 $0xFF, s7  }
0xb8: {  	s8 =	sand.u32 @!p1 $0x7F, s8;
	s9 =	sadd.s32 $0x1, s7;
	s11 =	sshll.u32 s7, $0xD  }
0xb9: {  	s0 =	sadd.s32 $0x80, s0;
	s8 =	smul.u32 @!p1 $0x3, s8;
	s12 =	sor.u32 $0x4, s7  }
.Ltmp3:
0xba: {  	s7 =	simm.s32 @!p1 $0x40;
	_ =	swait.ge [sflag:s9], $0x2000;
	(pc) =	sbr.rel @p2 .LBB2_8-.Ltmp3, $4  }
0xbb: {  	s13 =	sadd.s32 $0xA000, s11;
	s8 =	ssub.s32 @!p1 s19, s8;
	[sflag:s9] =	ssyncset.done $0x0  }
0xbc: {  	p3 =	por p3, p1;
	s11 =	sand.u32 @!p1 $0xFF, s8;
	[sflag:s9] =	ssyncadd.s32 $0xFFFFE000  }
0xbd: {  	[spmem:s2] =	stream.indirect.scatter.add.f32 [tilespmem:s13], [sflag:s12], $0x80, s14, s20, $0xb8;
	[tilespmem:$0x19E40] =	vst v63  }
0xbe: {  	s8 =	sadd.s32 @!p3 $0x4, s11;
	s9 =	sshll.u32 @!p1 s11, $0xD;
	s12 =	smul.u32 $0xAB, s1  }
0xbf: {  	_ =	swait.ge @!p3 [sflag:s8], $0x2000  }
0xc0: {  	s6 =	sadd.s32 @!p1 $0x1, s11;
	s12 =	sshrl.u32 s12, $0x9;
	[sflag:s8] =	ssyncset.done @!p3 $0x0  }
0xc1: {  	s11 =	sand.u32 $0x7F, s12;
	[sflag:s8] =	ssyncadd.s32 @!p3 $0xFFFFE000;
	s8 =	sadd.s32 @!p1 $0xA000, s9  }
0xc2: {  	[tilespmem:s8], [sflag:s6] =	stream.indirect.gather @!p1 [hbm4b:s10+s7], $0x80, s4, s7, $0xb8;
	[tilespmem:$0x19E40] =	vst v63  }
0xc3: {  	p2 =	sgt.u32 s1, $0x9D;
	s4 =	sadd.s32 $0x2, s1;
	s13 =	smul.u32 $0x3, s11  }
0xc4: {  	s7 =	smul.u32 @!p2 $0xAB, s4  }
0xc5: {  	p1 =	por p2, p2  }
0xc6: {  	s6 =	ssub.s32 s1, s13;
	s7 =	sshrl.u32 @!p1 s7, $0x9  }
0xc7: {  	s6 =	sand.u32 $0xFF, s6;
	s7 =	sand.u32 @!p1 $0x7F, s7  }
0xc8: {  	p2 =	seq.s32 @!p2 s1, $0x0;
	s14 =	sadd.s32 $0x1, s6;
	s7 =	smul.u32 @!p1 $0x3, s7  }
0xc9: {  	p2 =	por p2, p1;
	s19 =	sshll.u32 s6, $0xD;
	_ =	swait.ge [sflag:s14], $0x2000  }
0xca: {  	s6 =	sor.u32 $0x4, s6;
	[sflag:s14] =	ssyncset.done $0x0;
	s4 =	ssub.s32 @!p1 s4, s7  }
0xcb: {  	s8 =	sadd.s32 $0xA000, s19;
	[sflag:s14] =	ssyncadd.s32 $0xFFFFE000;
	s1 =	sand.u32 @!p1 $0xFF, s4  }
0xcc: {  	[spmem:s2] =	stream.indirect.scatter.add.f32 [tilespmem:s8], [sflag:s6], $0x80, s3, s20, $0xb8;
	[tilespmem:$0x19E40] =	vst v63  }
0xcd: {  	s3 =	sadd.s32 @!p2 $0x4, s1  }
0xce: {  	_ =	swait.ge @!p2 [sflag:s3], $0x2000  }
0xcf: {  	s4 =	simm.s32 @!p1 $0x40;
	s6 =	sshll.u32 @!p1 s1, $0xD;
	[sflag:s3] =	ssyncset.done @!p2 $0x0  }
0xd0: {  	s1 =	sadd.s32 @!p1 $0x1, s1;
	[sflag:s3] =	ssyncadd.s32 @!p2 $0xFFFFE000;
	s3 =	sadd.s32 @!p1 $0xA000, s6  }
0xd1: {  	[tilespmem:s3], [sflag:s1] =	stream.indirect.gather @!p1 [hbm4b:s10+s4], $0x80, s0, s4, $0xb8;
	[tilespmem:$0x19E40] =	vst v63  }
0xd2: {  	_ =	swait.ge [sflag:s24], $0x2000  }
0xd3: {  	[sflag:s24] =	ssyncset.done $0x0  }
0xd4: {  	[sflag:s24] =	ssyncadd.s32 $0xFFFFE000  }
0xd5: {  	_ =	swait.ge [sflag:s25], $0x2000  }
0xd6: {  	[sflag:s25] =	ssyncset.done $0x0  }
0xd7: {  	[sflag:s25] =	ssyncadd.s32 $0xFFFFE000  }
0xd8: {  	_ =	swait.ge [sflag:s26], $0x2000  }
0xd9: {  	[sflag:s26] =	ssyncset.done $0x0  }
0xda: {  	[sflag:s26] =	ssyncadd.s32 $0xFFFFE000  }
0xdb: {  	s0 =	simm.s32 @p0 $0x1FC7;
	[bflag:$0x0] =	sbarrier.arrive $0xFFFF  }
0xdc: {  	[hbm:s16], [sflag:s0] =	dma.local @p0 [spmem:s29], $0x1000  }
0xdd: {  	s0 =	simm.s32 @p0 $0x7  }
0xde: {  	_ =	swait.ge @p0 [sflag:s0], $0x1000  }
0xdf: {  	s28 =	sadd.s32 $0x1, s28;
	[sflag:s0] =	ssyncset.done @p0 $0x0  }
0xe0: {  	p1 =	sne.s32 s28, s17;
	[sflag:s0] =	ssyncadd.s32 @p0 $0xFFFFF000;
	s0 =	simm.s32 @!p0 $0x7  }
0xe1: {  	[hbm:s15], [sflag:s30] =	dma.local @!p0 [spmem:s31], $0x1400  }
.Ltmp4:
0xe2: {  	_ =	swait.ge @!p0 [sflag:s0], $0x1400;
	(pc) =	sbr.rel @p1 .LBB2_1-.Ltmp4, $3  }
0xe3: {  	[sflag:s0] =	ssyncset.done @!p0 $0x0  }
0xe4: {  	[sflag:s0] =	ssyncadd.s32 @!p0 $0xFFFFEC00  }
0xe5: {  	[bflag:$0x0] =	sbarrier.arrive $0xFFFF;
	_ =	sdelay $0x1  }
0xe6: {  	_ =	sfence.sel $0x180000  }
0xe7: {  	[bflag:$0x0] =	sbarrier.arrive $0xFFFF  }
0xe8: {  	_ =	strace $0x9000004A  }
0xe9: {  	s0 =	stileid.u32;
	[bflag:$0x2] =	sbarrier.arrive $0xFFFF  }
0xea: {  	p0 =	sne.s32 s0, $0x0;
	s0 =	rddreg [dreg:$0x2]  }
0xeb: {  	s0 =	sadd.s32 @!p0 $0x100000, s0  }
0xec: {  	[sflag:s0] =	ssyncadd.tile.s32 @!p0 $0x1;
	_ =	shalt  }
.Lfunc_end2:
_tile_overlayer_lowered:
.L_overlay_start_2:
0xed: {  	(tag) =	ssettag $0x2  }
0xee: {  	s0 =	rddreg [dreg:$0x0];
	s2 =	stileid.u32  }
0xef: {  	s1 =	rddreg [dreg:$0x1];
	p0 =	sne.s32 s2, $0x0  }
0xf0: {  	s3 =	rddreg [dreg:$0x2];
	[bflag:$0x3] =	sbarrier.arrive $0xFFFF;
	s2 =	simm.s32 @!p0 $0x1C07  }
0xf1: {  	[timem:s3], [sflag:s2] =	dma.local @!p0 [hbm:s0], s1  }
0xf2: {  	s0 =	simm.s32 @!p0 $0x7  }
0xf3: {  	_ =	swait.ge @!p0 [sflag:s0], s1  }
0xf4: {  	s1 =	ssub.s32 @!p0 $0x0, s1;
	[sflag:s0] =	ssyncset.done @!p0 $0x0  }
0xf5: {  	[sflag:s0] =	ssyncadd.s32 @!p0 s1  }
0xf6: {  	[bflag:$0x3] =	sbarrier.arrive $0xFFFF  }
0xf7: {  	_ =	shalt  }

// kernel: kernel.14.cloned.1.call-start
scs
__scs_entry_jumppad:
0x0: {  	(pc) =	sbr.rel $0x88, $3  }
0x1: {  	(tag) =	ssettag $0x0;
	lr =	simm.s32 $0x1  }
0x2: {  	[smem:$0x3F91] =	sst lr;
	_ =	strace $0xD0000000  }
0x3: {  	_ = 	snop  }
0x4: {  	_ = 	snop  }
0x5: {  	_ = 	snop  }
0x6: {  	_ = 	snop  }
0x7: {  	_ = 	snop  }
__scs_overlays_trampoline_lowered:
0x8: {  	[smem:$0x3FA0] =	sst s0  }
0x9: {  	[smem:$0x3FA1] =	sst s1  }
0xa: {  	[smem:$0x3FA2] =	sst s2  }
0xb: {  	[smem:$0x3FA3] =	sst s3  }
0xc: {  	[smem:$0x3FA4] =	sst s4  }
0xd: {  	[smem:$0x3FA5] =	sst s5  }
0xe: {  	[smem:$0x3FA6] =	sst s6  }
0xf: {  	[smem:$0x3FA7] =	sst s7  }
0x10: {  	[smem:$0x3FA8] =	sst s8  }
0x11: {  	[smem:$0x3FA9] =	sst s9;
	s0 =	simm.s32 @!p0 $0x0  }
0x12: {  	s1 =	sld [smem:$0x3F8F];
	s0 =	simm.s32 @p0 $0x1  }
0x13: {  	[smem:$0x3FAA] =	sst s0;
	s0 =	simm.s32 @!p1 $0x0  }
0x14: {  	s2 =	sld [smem:$0x3F8E];
	s0 =	simm.s32 @p1 $0x1  }
0x15: {  	[smem:$0x3FAB] =	sst s0;
	s0 =	simm.s32 @!p2 $0x0  }
0x16: {  	s3 =	sld [smem:$0x3FDB];
	s0 =	simm.s32 @p2 $0x1  }
0x17: {  	s4 =	simm.s32 $0x1BF5;
	[smem:$0x3FAD] =	sst s0  }
0x18: {  	s0 =	sld [smem:$0x3F90];
	_ =	swait.ge [sflag:s4], $0x0  }
0x19: {  	s7 =	sld [smem:$0x3F91]  }
0x1a: {  	s8 =	sadd.s32 $0xFFFFE003, lr  }
0x1b: {  	s9 =	sadd.s32 $0xFFFFFEF7, lr;
	s5 =	simm.s32 $0xFFFFFFFF;
	p2 =	slt.u32 s8, $0xFFFFF086  }
0x1c: {  	p1 =	slt.u32 s9, $0xF7A;
	s5 =	simm.s32 @!p2 $0x0  }
0x1d: {  	s5 =	simm.s32 @p1 $0x1;
	p0 =	seq.s32 s7, s2  }
0x1e: {  	s7 =	smul.u32 @!p0 $0xF7A, s2;
	p2 =	seq.s32 @!p0 s5, $0x0  }
0x1f: {  	s9 =	smul.u32 $0xF7A, s1;
	s8 =	simm.s32 @!p0 $0x1BF5;
	p2 =	por !p2, p0  }
0x20: {  	[sflag:s8] =	ssyncset.s32 @!p0 $0xFFFFF086;
	s6 =	sadd.s32 @!p0 s3, s7;
	s7 =	simm.s32 @!p0 $0x108  }
0x21: {  	s3 =	sadd.s32 s3, s9;
	s6 =	sadd.s32 @!p0 $0x88, s6;
	s7 =	simm.s32 @p2 $0x1082  }
0x22: {  	[simem:s7], [sflag:s8] =	dma.local @!p0 [hbm:s6], $0xF7A  }
0x23: {  	s9 =	sor.u32 $0xD0000000, s2;
	s6 =	simm.s32 $0x108;
	_ =	swait.ge @!p0 [sflag:s8], $0x0  }
0x24: {  	s3 =	sadd.s32 $0x88, s3;
	s6 =	simm.s32 @!p1 $0x1082;
	[sflag:s4] =	ssyncset.s32 $0xFFFFF086  }
0x25: {  	[simem:s6], [sflag:s4] =	dma.local [hbm:s3], $0xF7A  }
0x26: {  	[smem:$0x3F91] =	sst s1;
	(tag) =	ssettag s2;
	_ =	strace s9  }
0x27: {  	s1 =	sld [smem:$0x3FA1]  }
0x28: {  	s2 =	sld [smem:$0x3FA2]  }
0x29: {  	s4 =	sld [smem:$0x3FA4]  }
0x2a: {  	p0 =	seq.s32 s5, $0x0;
	s5 =	sld [smem:$0x3FA5]  }
0x2b: {  	s6 =	sld [smem:$0x3FA6]  }
0x2c: {  	s7 =	sld [smem:$0x3FA7]  }
0x2d: {  	s3 =	simm.s32 $0x108;
	s8 =	sld [smem:$0x3FA8]  }
0x2e: {  	s3 =	simm.s32 @!p0 $0x1082;
	s9 =	sld [smem:$0x3FA9]  }
0x2f: {  	lr =	sadd.s32 s0, s3;
	s0 =	sld [smem:$0x3FA0]  }
0x30: {  	s3 =	sld [smem:$0x3FA3]  }
0x31: {  	[smem:$0x3FAC] =	sst s10  }
0x32: {  	s10 =	sld [smem:$0x3FAA];
	_ =	sdelay $0x3  }
0x33: {  	p0 =	seq.s32 s10, $0x1;
	s10 =	sld [smem:$0x3FAC];
	_ =	sdelay $0x3  }
0x34: {  	[smem:$0x3FAC] =	sst s10  }
0x35: {  	s10 =	sld [smem:$0x3FAB];
	_ =	sdelay $0x3  }
0x36: {  	p1 =	seq.s32 s10, $0x1;
	s10 =	sld [smem:$0x3FAC];
	_ =	sdelay $0x3  }
0x37: {  	[smem:$0x3FAC] =	sst s10  }
0x38: {  	s10 =	sld [smem:$0x3FAD]  }
0x39: {  	_ = 	snop;
	(pc) =	sbr.ind lr, $3  }
0x3a: {  	_ = 	snop  }
0x3b: {  	_ = 	snop  }
0x3c: {  	p2 =	seq.s32 s10, $0x1;
	s10 =	sld [smem:$0x3FAC]  }
0x3d: {  	_ =	shalt  }
0x3e: {  	_ =	shalt  }
0x3f: {  	_ =	shalt  }
0x40: {  	_ =	shalt  }
0x41: {  	_ =	shalt  }
0x42: {  	_ =	shalt  }
0x43: {  	_ =	shalt  }
0x44: {  	_ =	shalt  }
0x45: {  	_ =	shalt  }
0x46: {  	_ =	shalt  }
0x47: {  	_ =	shalt  }
0x48: {  	_ =	shalt  }
0x49: {  	_ =	shalt  }
0x4a: {  	_ =	shalt  }
0x4b: {  	_ =	shalt  }
0x4c: {  	_ =	shalt  }
0x4d: {  	_ =	shalt  }
0x4e: {  	_ =	shalt  }
0x4f: {  	_ =	shalt  }
0x50: {  	_ =	shalt  }
0x51: {  	_ =	shalt  }
0x52: {  	_ =	shalt  }
0x53: {  	_ =	shalt  }
0x54: {  	_ =	shalt  }
0x55: {  	_ =	shalt  }
0x56: {  	_ =	shalt  }
0x57: {  	_ =	shalt  }
0x58: {  	_ =	shalt  }
0x59: {  	_ =	shalt  }
0x5a: {  	_ =	shalt  }
0x5b: {  	_ =	shalt  }
0x5c: {  	_ =	shalt  }
0x5d: {  	_ =	shalt  }
0x5e: {  	_ =	shalt  }
0x5f: {  	_ =	shalt  }
0x60: {  	_ =	shalt  }
0x61: {  	_ =	shalt  }
0x62: {  	_ =	shalt  }
0x63: {  	_ =	shalt  }
0x64: {  	_ =	shalt  }
0x65: {  	_ =	shalt  }
0x66: {  	_ =	shalt  }
0x67: {  	_ =	shalt  }
0x68: {  	_ =	shalt  }
0x69: {  	_ =	shalt  }
0x6a: {  	_ =	shalt  }
0x6b: {  	_ =	shalt  }
0x6c: {  	_ =	shalt  }
0x6d: {  	_ =	shalt  }
0x6e: {  	_ =	shalt  }
0x6f: {  	_ =	shalt  }
0x70: {  	_ =	shalt  }
0x71: {  	_ =	shalt  }
0x72: {  	_ =	shalt  }
0x73: {  	_ =	shalt  }
0x74: {  	_ =	shalt  }
0x75: {  	_ =	shalt  }
0x76: {  	_ =	shalt  }
0x77: {  	_ =	shalt  }
0x78: {  	_ =	shalt  }
0x79: {  	_ =	shalt  }
0x7a: {  	_ =	shalt  }
0x7b: {  	_ =	shalt  }
0x7c: {  	_ =	shalt  }
0x7d: {  	_ =	shalt  }
0x7e: {  	_ =	shalt  }
0x7f: {  	_ =	shalt  }
0x80: {  	_ =	shalt  }
0x81: {  	_ =	shalt  }
0x82: {  	_ =	shalt  }
0x83: {  	_ =	shalt  }
0x84: {  	_ =	shalt  }
0x85: {  	_ =	shalt  }
0x86: {  	_ =	shalt  }
0x87: {  	_ =	shalt  }
.Lfunc_end0:
.L_simem_size_0:
called_computation.2_lowered:
.L_overlay_start_0:
0x88: {  	s2 =	sld [smem:$0x3FD9]  }
0x89: {  	s3 =	sld [smem:$0x3FFE];
	_ =	sdelay $0x1  }
0x8a: {  	s1 =	srdreg.scid  }
0x8b: {  	s0 =	sand.u32 $0x1, s1  }
0x8c: {  	s16 =	sshll.u32 s0, $0xA;
	s2 =	sadd.s32 s3, s2  }
0x8d: {  	s2 =	sadd.s32 s2, s16  }
0x8e: {  	[smem:$0x3FB8] =	sst s2  }
0x8f: {  	_ = 	snop  }
0x90: {  	(tm) =	ssettm $0x1  }
0x91: {  	s17 =	sld [smem:$0x3FFB];
	_ =	sdelay $0x3  }
0x92: {  	_ =	strace s17  }
0x93: {  	s2 =	sld [smem:$0x3FFC];
	_ =	sdelay $0x3  }
0x94: {  	_ =	strace s2  }
0x95: {  	s2 =	sld [smem:$0x3FFD];
	_ =	sdelay $0x3  }
0x96: {  	_ =	strace s2  }
0x97: {  	_ =	strace $0x8FFFFFFF  }
0x98: {  	s18 =	sld [smem:$0x3FDB];
	_ =	sdelay $0x1  }
0x99: {  	s19 =	simm.s32 $_scs_section_size  }
0x9a: {  	s4 =	simm.s32 $_size__tile_overlayer_lowered;
	s5 =	simm.s32 $_tile_overlayer_lowered  }
0x9b: {  	s22 =	simm.s32 $0x1BFF;
	s21 =	sshll.u32 s5, $0x1;
	s2 =	sadd.s32 s19, s18  }
0x9c: {  	s6 =	simm.s32 $0x0;
	s20 =	sshll.u32 s4, $0x1;
	s4 =	sadd.s32 s21, s2  }
0x9d: {  	[timem:s6], [sflag:s22] =	dma.local [hbm:s4], s20  }
0x9e: {  	_ =	swait.ge [sflag:s22], s20  }
0x9f: {  	s3 =	ssub.s32 $0x0, s20;
	[sflag:s22] =	ssyncset.done $0x0  }
0xa0: {  	[sflag:s22] =	ssyncadd.s32 s3;
	_ =	sdelay $0x1  }
0xa1: {  	s23 =	simm.s32 $0x1B8B  }
0xa2: {  	_ =	swait.ge [sflag:s23], $0x1  }
0xa3: {  	[sflag:s23] =	ssyncset.done $0x0  }
0xa4: {  	s25 =	simm.s32 $0x1B8E;
	s24 =	sld [smem:$0x3FFE];
	[sflag:s23] =	ssyncadd.s32 $0xFFFFFFFF  }
0xa5: {  	s26 =	simm.s32 $execute0_lowered;
	[smem:$0x3FD2] =	sst s25  }
0xa6: {  	s4 =	sshll.u32 s26, $0x1;
	_ =	strace $0x8000004C;
	[dreg:$0x1] =	wrdreg $0xFFFFFFFF  }
0xa7: {  	s28 =	simm.s32 $_size_execute0_lowered;
	s2 =	sadd.s32 s2, s4;
	[dreg:$0x0] =	wrdreg $0x0  }
0xa8: {  	s4 =	sshll.u32 s28, $0x1;
	[dreg:$0x2] =	wrdreg s2  }
0xa9: {  	[dreg:$0x3] =	wrdreg s4  }
0xaa: {  	[dreg:$0x4] =	wrdreg $0xC0  }
0xab: {  	_ =	task [dreg:s6], $0x5FFFF  }
0xac: {  	[dreg:$0x1] =	wrdreg $0xFFFFFFFF  }
0xad: {  	[dreg:$0x0] =	wrdreg $0x60  }
0xae: {  	[dreg:$0x2] =	wrdreg s24  }
0xaf: {  	[dreg:$0x3] =	wrdreg $0x100000  }
0xb0: {  	[dreg:$0x4] =	wrdreg $0x9  }
0xb1: {  	_ =	task.clear_ibuf [dreg:s6], $0x5FFFF;
	_ =	strace $0x9000004C  }
0xb2: {  	s29 =	simm.s32 $0x9;
	_ =	strace $0x8000004E  }
0xb3: {  	_ =	swait.ge [sflag:s29], $0x1  }
0xb4: {  	[sflag:s29] =	ssyncadd.s32 $0xFFFFFFFF  }
0xb5: {  	_ =	strace $0x9000004E  }
0xb6: {  	_ =	sfence  }
0xb7: {  	s30 =	sld [smem:$0x0];
	_ =	sdelay $0x2  }
0xb8: {  	s31 =	sshll.u32 s1, $0xD;
	s1 =	sshrl.u32 s1, $0x2  }
0xb9: {  	s3 =	sand.u32 $0x4000, s31;
	s1 =	sadd.s32 s1, s30  }
0xba: {  	s0 =	sor.u32 s3, s0;
	s1 =	sshll.u32 s1, $0x11  }
0xbb: {  	s0 =	sor.u32 s1, s0  }
0xbc: {  	s0 =	sadd.s32 $0x8F2B, s0  }
0xbd: {  	[sflag:s0] =	ssyncadd.remote.s32 $0x1  }
0xbe: {  	_ =	sfence.sel $0xFFFF  }
0xbf: {  	[dreg:$0x0] =	wrdreg $0xFFFFFFFF;
	(pc) =	sbr.abs _section_cstart, $3  }
0xc0: {  	[dreg:$0x1] =	wrdreg $0xFFFFFFFF  }
0xc1: {  	_ =	task.clear_ibuf [dreg:s6], $0x2FFFF;
	_ =	strace $0x9FFFFFFF  }
0xc2: {  	(tm) =	ssettm $0x7FFFFFFF  }
0xc3: {  	_ =	shalt  }
tec
execute0_lowered:
.L_overlay_start_1:
0x0: {  	(tag) =	ssettag $0x1  }
0x1: {  	s0 =	rddreg [dreg:$0x0]  }
0x2: {  	s2 =	rddreg [dreg:$0x1];
	s9 =	stileid.u32;
	s4 =	simm.s32 $0x0  }
0x3: {  	s3 =	srdreg.scid;
	s18 =	simm.s32 $0x7;
	s1 =	smul.u32 $0xA00, s9  }
0x4: {  	s28 =	simm.s32 $0x0;
	[smem:$0x7FF] =	sst s4;
	s7 =	smul.u32 $0xA000, s9  }
0x5: {  	s3 =	sand.u32 $0x1, s3;
	s6 =	sadd.s32 $0x65200, s0;
	s8 =	smul.u32 $0x28000, s9  }
0x6: {  	s26 =	sadd.s32 $0x96000, s2;
	p0 =	seq.s32 s9, $0xF;
	_ =	strace $0x8000004D  }
0x7: {  	s20 =	smul.u32 $0x13C000, s3;
	s3 =	ssub.s32 $0x2, s3;
	[dreg:$0x6] =	wrdreg s26  }
0x8: {  	s26 =	simm.s32 $0x4;
	s1 =	sadd.s32 s1, s0;
	s5 =	sshrl.u32 s3, $0x1  }
0x9: {  	s0 =	sadd.s32 $0x16200, s0;
	s23 =	sshrl.u32 s8, $0x2;
	s3 =	ssub.s32 s3, s5  }
0xa: {  	s21 =	sadd.s32 $0xC200, s1;
	s5 =	sadd.s32 $0x2200, s1;
	s22 =	sadd.s32 s7, s20  }
0xb: {  	s4 =	sshrl.u32 s20, $0x3;
	s7 =	sadd.s32 s23, s2;
	[dreg:$0x3] =	wrdreg s21  }
0xc: {  	s20 =	simm.s32 $0x40;
	s23 =	simm.s32 $0xC000;
	[dreg:$0x4] =	wrdreg s7  }
0xd: {  	s1 =	sshrl.u32 s22, $0x3;
	s24 =	sadd.s32 $0x12C00, s4;
	s10 =	sadd.s32 s6, s4  }
0xe: {  	s4 =	sadd.s32 $0x26800, s4;
	s17 =	smax.u32 s3, $0x1;
	s25 =	sadd.s32 s6, s1  }
0xf: {  	s21 =	simm.s32 $0xA000;
	s29 =	sadd.s32 s6, s24;
	[dreg:$0x5] =	wrdreg s25  }
0x10: {  	s22 =	simm.s32 $0x80;
	s30 =	sadd.s32 s0, s1;
	[dreg:$0x7] =	wrdreg s29  }
0x11: {  	s1 =	sadd.s32 $0x13C00, s1;
	s7 =	sadd.s32 s0, s24;
	[dreg:$0x8] =	wrdreg s30  }
0x12: {  	s16 =	sadd.s32 s0, s4;
	[dreg:$0x9] =	wrdreg s7;
	s31 =	sadd.s32 s6, s1  }
0x13: {  	s24 =	simm.s32 $0x5;
	s6 =	sadd.s32 s6, s4;
	[dreg:$0xa] =	wrdreg s31  }
0x14: {  	s15 =	sadd.s32 s0, s1;
	s25 =	simm.s32 $0x6;
	[dreg:$0xb] =	wrdreg s6  }
.LBB2_1:
0x15: {  	s0 =	simm.s32 $0x0;
	s1 =	rddreg [dreg:$0x3]  }
0x16: {  	[tilespmem:s0], [sflag:$0x7] =	stream.linear.gather [hbm4b:s1+s0], $0x5000, $0x38;
	[tilespmem:$0x19E40] =	vst v63  }
0x17: {  	_ =	swait.ge [sflag:s18], $0x5000  }
0x18: {  	[sflag:s18] =	ssyncset.done $0x0  }
0x19: {  	s31 =	simm.s32 $0x5000;
	[sflag:s18] =	ssyncadd.s32 $0xFFFFB000  }
0x1a: {  	[tilespmem:s31], [sflag:$0x7] =	stream.linear.gather [hbm4b:s5+s0], $0x5000, $0x38;
	[tilespmem:$0x19E40] =	vst v63  }
0x1b: {  	_ =	swait.ge [sflag:s18], $0x5000  }
0x1c: {  	[sflag:s18] =	ssyncset.done $0x0  }
0x1d: {  	s0 =	simm.s32 $0x0;
	[sflag:s18] =	ssyncadd.s32 $0xFFFFB000  }
0x1e: {  	v2 =	vld [tilespmem:s0+$0x5000]  }
0x1f: {  	v1 =	vld [tilespmem:s0+$0x5010]  }
0x20: {  	s1 =	simm.s32 $0x200;
	v0 =	vld [tilespmem:s0+$0x5020]  }
.LBB2_2:
0x21: {  	p1 =	sne.s32 s1, $0x13E00;
	v3 =	vld [tilespmem:s0+$0x5030];
	_ =	sdelay $0x1  }
.Ltmp0:
0x22: {  	v2 =	vmin.u32 v2, $0x13C0;
	(pc) =	sbr.rel @p1 .LBB2_2-.Ltmp0, $4  }
0x23: {  	s3 =	sshra.s32 s1, $0x2;
	[tilespmem:s0+$0x5000] =	vst v2;
	v1 =	vmin.u32 v1, $0x13C0  }
0x24: {  	v2 =	vld [tilespmem:s3+$0x5000];
	[tilespmem:s0+$0x5010] =	vst v1;
	v0 =	vmin.u32 v0, $0x13C0  }
0x25: {  	v1 =	vld [tilespmem:s3+$0x5010];
	[tilespmem:s0+$0x5020] =	vst v0;
	v3 =	vmin.u32 v3, $0x13C0  }
0x26: {  	s1 =	sadd.s32 $0x200, s1;
	v0 =	vld [tilespmem:s3+$0x5020];
	[tilespmem:s0+$0x5030] =	vst v3;
	s0 =	smov.u32 s3  }
0x27: {  	v3 =	vld [tilespmem:s0+$0x5030];
	_ =	sdelay $0x1  }
0x28: {  	v2 =	vmin.u32 v2, $0x13C0  }
0x29: {  	[tilespmem:s0+$0x5000] =	vst v2;
	v1 =	vmin.u32 v1, $0x13C0  }
0x2a: {  	[tilespmem:s0+$0x5010] =	vst v1;
	v0 =	vmin.u32 v0, $0x13C0  }
0x2b: {  	[tilespmem:s0+$0x5020] =	vst v0;
	v63 =	vmin.u32 v3, $0x13C0  }
0x2c: {  	[tilespmem:s0+$0x5030] =	vst v63;
	s0 =	rddreg [dreg:$0x6]  }
0x2d: {  	s1 =	rddreg [dreg:$0x7];
	s29 =	sshrl.u32 @p0 s0, $0x3;
	s0 =	simm.s32 @p0 $0x1FC7  }
0x2e: {  	[spmem:s29], [sflag:s0] =	dma.local @p0 [hbm:s1], $0x1000  }
0x2f: {  	s0 =	simm.s32 @p0 $0x7  }
0x30: {  	_ =	swait.ge @p0 [sflag:s0], $0x1000  }
0x31: {  	s1 =	stileid.u32;
	[sflag:s0] =	ssyncset.done @p0 $0x0  }
0x32: {  	s1 =	sshll.u32 @!p0 s1, $0x6;
	[sflag:s0] =	ssyncadd.s32 @p0 $0xFFFFF000;
	s0 =	rddreg [dreg:$0x4]  }
0x33: {  	s30 =	sor.u32 @!p0 $0x1C07, s1;
	s31 =	sshrl.u32 @!p0 s0, $0x3;
	s0 =	rddreg [dreg:$0x5]  }
0x34: {  	[spmem:s31], [sflag:s30] =	dma.local @!p0 [hbm:s0], $0x1400  }
0x35: {  	s0 =	simm.s32 @!p0 $0x7  }
0x36: {  	_ =	swait.ge @!p0 [sflag:s0], $0x1400  }
0x37: {  	[sflag:s0] =	ssyncset.done @!p0 $0x0  }
0x38: {  	s19 =	simm.s32 $0x0;
	[sflag:s0] =	ssyncadd.s32 @!p0 $0xFFFFEC00  }
0x39: {  	s0 =	smul.u32 $0xAB, s19;
	[bflag:$0x0] =	sbarrier.arrive $0xFFFF  }
0x3a: {  	[tilespmem:s21], [sflag:$0x1] =	stream.indirect.gather [hbm4b:s10+s20], $0x80, s19, s20, $0xb8;
	[tilespmem:$0x19E40] =	vst v63  }
0x3b: {  	p2 =	por $0x0, $0x0;
	s3 =	simm.s32 $0x2;
	s0 =	sshrl.u32 s0, $0x9  }
0x3c: {  	s4 =	simm.s32 $0x100;
	s3 =	smul.u32 @!p2 $0xAB, s3;
	s0 =	sand.u32 $0x7F, s0  }
0x3d: {  	s7 =	simm.s32 $0x5000;
	s6 =	simm.s32 $0x2;
	s0 =	smul.u32 $0x3, s0  }
0x3e: {  	[tilespmem:s23], [sflag:$0x2] =	stream.indirect.gather [hbm4b:s10+s20], $0x80, s22, s20, $0xb8;
	[tilespmem:$0x19E40] =	vst v63  }
0x3f: {  	p1 =	por p2, p2;
	p2 =	por @!p2 $0x1, $0x1;
	s0 =	ssub.s32 $0x0, s0  }
0x40: {  	p3 =	por p2, p1;
	s8 =	sand.u32 $0xFF, s0;
	s0 =	sshrl.u32 @!p1 s3, $0x9  }
0x41: {  	s1 =	simm.s32 $0x1;
	s9 =	sadd.s32 $0x1, s8;
	s0 =	sand.u32 @!p1 $0x7F, s0  }
0x42: {  	s3 =	simm.s32 $0x5080;
	s12 =	smul.u32 @!p1 $0x3, s0;
	_ =	swait.ge [sflag:s9], $0x2000  }
0x43: {  	s11 =	sshll.u32 s8, $0xD;
	s8 =	sor.u32 $0x4, s8;
	[sflag:s9] =	ssyncset.done $0x0  }
0x44: {  	s11 =	sadd.s32 $0xA000, s11;
	s12 =	ssub.s32 @!p1 $0x2, s12;
	[sflag:s9] =	ssyncadd.s32 $0xFFFFE000  }
0x45: {  	[spmem:s2] =	stream.indirect.scatter.add.f32 [tilespmem:s11], [sflag:s8], $0x80, s7, s20, $0xb8;
	[tilespmem:$0x19E40] =	vst v63  }
0x46: {  	s0 =	simm.s32 $0x180;
	s7 =	simm.s32 @!p1 $0x40;
	s11 =	sand.u32 @!p1 $0xFF, s12  }
0x47: {  	s12 =	smul.u32 $0xAB, s1;
	s8 =	sadd.s32 @!p3 $0x4, s11;
	s9 =	sshll.u32 @!p1 s11, $0xD  }
.LBB2_4:
0x48: {  	p4 =	sgt.u32 s1, $0x9D;
	_ =	swait.ge @!p3 [sflag:s8], $0x2000  }
0x49: {  	s11 =	sadd.s32 @!p1 $0x1, s11;
	s19 =	smov.u32 s6;
	s13 =	smov.u32 s3  }
0x4a: {  	s14 =	sadd.s32 $0x2, s1;
	s12 =	sshrl.u32 s12, $0x9;
	[sflag:s8] =	ssyncset.done @!p3 $0x0  }
0x4b: {  	s12 =	sand.u32 $0x7F, s12;
	[sflag:s8] =	ssyncadd.s32 @!p3 $0xFFFFE000;
	s8 =	sadd.s32 @!p1 $0xA000, s9  }
0x4c: {  	[tilespmem:s8], [sflag:s11] =	stream.indirect.gather @!p1 [hbm4b:s10+s7], $0x80, s4, s7, $0xb8;
	[tilespmem:$0x19E40] =	vst v63  }
0x4d: {  	s6 =	sadd.s32 $0x1, s6;
	p3 =	seq.s32 @!p4 s1, $0x0;
	s7 =	smul.u32 $0x3, s12  }
0x4e: {  	p2 =	sne.s32 s6, $0xA0;
	s8 =	smul.u32 @!p4 $0xAB, s14;
	s4 =	smov.u32 s0  }
0x4f: {  	p1 =	por p4, p4;
	s7 =	ssub.s32 s1, s7;
	s1 =	smov.u32 s19  }
0x50: {  	s3 =	sadd.s32 $0x80, s3;
	s8 =	sshrl.u32 @!p1 s8, $0x9;
	s7 =	sand.u32 $0xFF, s7  }
0x51: {  	s8 =	sand.u32 @!p1 $0x7F, s8;
	s9 =	sadd.s32 $0x1, s7;
	s11 =	sshll.u32 s7, $0xD  }
0x52: {  	s0 =	sadd.s32 $0x80, s0;
	s8 =	smul.u32 @!p1 $0x3, s8;
	s12 =	sor.u32 $0x4, s7  }
.Ltmp1:
0x53: {  	s7 =	simm.s32 @!p1 $0x40;
	_ =	swait.ge [sflag:s9], $0x2000;
	(pc) =	sbr.rel @p2 .LBB2_4-.Ltmp1, $4  }
0x54: {  	s19 =	sadd.s32 $0xA000, s11;
	s8 =	ssub.s32 @!p1 s14, s8;
	[sflag:s9] =	ssyncset.done $0x0  }
0x55: {  	p3 =	por p3, p1;
	s11 =	sand.u32 @!p1 $0xFF, s8;
	[sflag:s9] =	ssyncadd.s32 $0xFFFFE000  }
0x56: {  	[spmem:s2] =	stream.indirect.scatter.add.f32 [tilespmem:s19], [sflag:s12], $0x80, s13, s20, $0xb8;
	[tilespmem:$0x19E40] =	vst v63  }
0x57: {  	s8 =	sadd.s32 @!p3 $0x4, s11;
	s9 =	sshll.u32 @!p1 s11, $0xD;
	s12 =	smul.u32 $0xAB, s1  }
0x58: {  	_ =	swait.ge @!p3 [sflag:s8], $0x2000  }
0x59: {  	s6 =	sadd.s32 @!p1 $0x1, s11;
	s19 =	sshrl.u32 s12, $0x9;
	[sflag:s8] =	ssyncset.done @!p3 $0x0  }
0x5a: {  	s11 =	sand.u32 $0x7F, s19;
	[sflag:s8] =	ssyncadd.s32 @!p3 $0xFFFFE000;
	s8 =	sadd.s32 @!p1 $0xA000, s9  }
0x5b: {  	[tilespmem:s8], [sflag:s6] =	stream.indirect.gather @!p1 [hbm4b:s10+s7], $0x80, s4, s7, $0xb8;
	[tilespmem:$0x19E40] =	vst v63  }
0x5c: {  	p2 =	sgt.u32 s1, $0x9D;
	s4 =	sadd.s32 $0x2, s1;
	s11 =	smul.u32 $0x3, s11  }
0x5d: {  	s7 =	smul.u32 @!p2 $0xAB, s4  }
0x5e: {  	p1 =	por p2, p2  }
0x5f: {  	s6 =	ssub.s32 s1, s11;
	s7 =	sshrl.u32 @!p1 s7, $0x9  }
0x60: {  	s6 =	sand.u32 $0xFF, s6;
	s7 =	sand.u32 @!p1 $0x7F, s7  }
0x61: {  	p2 =	seq.s32 @!p2 s1, $0x0;
	s12 =	sadd.s32 $0x1, s6;
	s7 =	smul.u32 @!p1 $0x3, s7  }
0x62: {  	p2 =	por p2, p1;
	s13 =	sshll.u32 s6, $0xD;
	_ =	swait.ge [sflag:s12], $0x2000  }
0x63: {  	s6 =	sor.u32 $0x4, s6;
	[sflag:s12] =	ssyncset.done $0x0;
	s4 =	ssub.s32 @!p1 s4, s7  }
0x64: {  	s8 =	sadd.s32 $0xA000, s13;
	[sflag:s12] =	ssyncadd.s32 $0xFFFFE000;
	s1 =	sand.u32 @!p1 $0xFF, s4  }
0x65: {  	[spmem:s2] =	stream.indirect.scatter.add.f32 [tilespmem:s8], [sflag:s6], $0x80, s3, s20, $0xb8;
	[tilespmem:$0x19E40] =	vst v63  }
0x66: {  	s3 =	sadd.s32 @!p2 $0x4, s1  }
0x67: {  	_ =	swait.ge @!p2 [sflag:s3], $0x2000  }
0x68: {  	s4 =	simm.s32 @!p1 $0x40;
	s6 =	sshll.u32 @!p1 s1, $0xD;
	[sflag:s3] =	ssyncset.done @!p2 $0x0  }
0x69: {  	s1 =	sadd.s32 @!p1 $0x1, s1;
	[sflag:s3] =	ssyncadd.s32 @!p2 $0xFFFFE000;
	s3 =	sadd.s32 @!p1 $0xA000, s6  }
0x6a: {  	[tilespmem:s3], [sflag:s1] =	stream.indirect.gather @!p1 [hbm4b:s10+s4], $0x80, s0, s4, $0xb8;
	[tilespmem:$0x19E40] =	vst v63  }
0x6b: {  	_ =	swait.ge [sflag:s24], $0x2000  }
0x6c: {  	[sflag:s24] =	ssyncset.done $0x0  }
0x6d: {  	[sflag:s24] =	ssyncadd.s32 $0xFFFFE000  }
0x6e: {  	_ =	swait.ge [sflag:s25], $0x2000  }
0x6f: {  	[sflag:s25] =	ssyncset.done $0x0  }
0x70: {  	[sflag:s25] =	ssyncadd.s32 $0xFFFFE000  }
0x71: {  	_ =	swait.ge [sflag:s26], $0x2000  }
0x72: {  	[sflag:s26] =	ssyncset.done $0x0  }
0x73: {  	[sflag:s26] =	ssyncadd.s32 $0xFFFFE000  }
0x74: {  	[bflag:$0x0] =	sbarrier.arrive $0xFFFF  }
0x75: {  	s0 =	simm.s32 @p0 $0x1FC7;
	s1 =	rddreg [dreg:$0x9]  }
0x76: {  	[hbm:s1], [sflag:s0] =	dma.local @p0 [spmem:s29], $0x1000  }
0x77: {  	s0 =	simm.s32 @p0 $0x7  }
0x78: {  	_ =	swait.ge @p0 [sflag:s0], $0x1000  }
0x79: {  	[sflag:s0] =	ssyncset.done @p0 $0x0  }
0x7a: {  	[sflag:s0] =	ssyncadd.s32 @p0 $0xFFFFF000;
	s0 =	rddreg [dreg:$0x8]  }
0x7b: {  	[hbm:s0], [sflag:s30] =	dma.local @!p0 [spmem:s31], $0x1400  }
0x7c: {  	s0 =	simm.s32 @!p0 $0x7  }
0x7d: {  	_ =	swait.ge @!p0 [sflag:s0], $0x1400  }
0x7e: {  	[sflag:s0] =	ssyncset.done @!p0 $0x0  }
0x7f: {  	[sflag:s0] =	ssyncadd.s32 @!p0 $0xFFFFEC00  }
0x80: {  	s14 =	simm.s32 $0x0;
	s19 =	simm.s32 $0x5000;
	[bflag:$0x0] =	sbarrier.arrive $0xFFFF  }
0x81: {  	[tilespmem:s19], [sflag:$0x7] =	stream.linear.gather [hbm4b:s5+s14], $0x5000, $0x38;
	[tilespmem:$0x19E40] =	vst v63  }
0x82: {  	_ =	swait.ge [sflag:s18], $0x5000  }
0x83: {  	[sflag:s18] =	ssyncset.done $0x0  }
0x84: {  	s0 =	simm.s32 $0x0;
	[sflag:s18] =	ssyncadd.s32 $0xFFFFB000  }
0x85: {  	v1 =	vld [tilespmem:s0+$0x5000]  }
0x86: {  	v2 =	vld [tilespmem:s0+$0x5010]  }
0x87: {  	s1 =	simm.s32 $0x200;
	v0 =	vld [tilespmem:s0+$0x5020]  }
.LBB2_6:
0x88: {  	p1 =	sne.s32 s1, $0x13E00;
	v3 =	vld [tilespmem:s0+$0x5030];
	_ =	sdelay $0x1  }
0x89: {  	v1 =	vadd.s32 $0xFFFFEC40, v1  }
.Ltmp2:
0x8a: {  	v1 =	vmin.u32 v1, $0x13C0;
	v2 =	vadd.s32 $0xFFFFEC40, v2;
	(pc) =	sbr.rel @p1 .LBB2_6-.Ltmp2, $4  }
0x8b: {  	s3 =	sshra.s32 s1, $0x2;
	[tilespmem:s0+$0x5000] =	vst v1;
	v2 =	vmin.u32 v2, $0x13C0;
	v0 =	vadd.s32 $0xFFFFEC40, v0  }
0x8c: {  	v1 =	vld [tilespmem:s3+$0x5000];
	[tilespmem:s0+$0x5010] =	vst v2;
	v0 =	vmin.u32 v0, $0x13C0;
	v3 =	vadd.s32 $0xFFFFEC40, v3  }
0x8d: {  	v2 =	vld [tilespmem:s3+$0x5010];
	[tilespmem:s0+$0x5020] =	vst v0;
	v3 =	vmin.u32 v3, $0x13C0  }
0x8e: {  	s1 =	sadd.s32 $0x200, s1;
	v0 =	vld [tilespmem:s3+$0x5020];
	[tilespmem:s0+$0x5030] =	vst v3;
	s0 =	smov.u32 s3  }
0x8f: {  	v3 =	vld [tilespmem:s0+$0x5030];
	_ =	sdelay $0x1  }
0x90: {  	v1 =	vadd.s32 $0xFFFFEC40, v1  }
0x91: {  	v1 =	vmin.u32 v1, $0x13C0;
	v2 =	vadd.s32 $0xFFFFEC40, v2  }
0x92: {  	[tilespmem:s0+$0x5000] =	vst v1;
	v61 =	vmin.u32 v2, $0x13C0;
	v0 =	vadd.s32 $0xFFFFEC40, v0  }
0x93: {  	[tilespmem:s0+$0x5010] =	vst v61;
	v0 =	vmin.u32 v0, $0x13C0;
	v62 =	vadd.s32 $0xFFFFEC40, v3  }
0x94: {  	[tilespmem:s0+$0x5020] =	vst v0;
	v63 =	vmin.u32 v62, $0x13C0  }
0x95: {  	s1 =	rddreg [dreg:$0xb];
	[tilespmem:s0+$0x5030] =	vst v63;
	s0 =	simm.s32 @p0 $0x1FC7  }
0x96: {  	[spmem:s29], [sflag:s0] =	dma.local @p0 [hbm:s1], $0x1000  }
0x97: {  	s0 =	simm.s32 @p0 $0x7  }
0x98: {  	_ =	swait.ge @p0 [sflag:s0], $0x1000  }
0x99: {  	[sflag:s0] =	ssyncset.done @p0 $0x0  }
0x9a: {  	[sflag:s0] =	ssyncadd.s32 @p0 $0xFFFFF000;
	s0 =	rddreg [dreg:$0xa]  }
0x9b: {  	[spmem:s31], [sflag:s30] =	dma.local @!p0 [hbm:s0], $0x1400  }
0x9c: {  	s0 =	simm.s32 @!p0 $0x7  }
0x9d: {  	_ =	swait.ge @!p0 [sflag:s0], $0x1400  }
0x9e: {  	[sflag:s0] =	ssyncset.done @!p0 $0x0  }
0x9f: {  	s19 =	simm.s32 $0x0;
	[sflag:s0] =	ssyncadd.s32 @!p0 $0xFFFFEC00  }
0xa0: {  	s0 =	smul.u32 $0xAB, s19;
	[bflag:$0x0] =	sbarrier.arrive $0xFFFF  }
0xa1: {  	[tilespmem:s21], [sflag:$0x1] =	stream.indirect.gather [hbm4b:s10+s20], $0x80, s19, s20, $0xb8;
	[tilespmem:$0x19E40] =	vst v63  }
0xa2: {  	p2 =	por $0x0, $0x0;
	s3 =	simm.s32 $0x2;
	s0 =	sshrl.u32 s0, $0x9  }
0xa3: {  	s4 =	simm.s32 $0x100;
	s3 =	smul.u32 @!p2 $0xAB, s3;
	s0 =	sand.u32 $0x7F, s0  }
0xa4: {  	s7 =	simm.s32 $0x5000;
	s6 =	simm.s32 $0x2;
	s0 =	smul.u32 $0x3, s0  }
0xa5: {  	[tilespmem:s23], [sflag:$0x2] =	stream.indirect.gather [hbm4b:s10+s20], $0x80, s22, s20, $0xb8;
	[tilespmem:$0x19E40] =	vst v63  }
0xa6: {  	p1 =	por p2, p2;
	p2 =	por @!p2 $0x1, $0x1;
	s0 =	ssub.s32 $0x0, s0  }
0xa7: {  	p3 =	por p2, p1;
	s8 =	sand.u32 $0xFF, s0;
	s0 =	sshrl.u32 @!p1 s3, $0x9  }
0xa8: {  	s1 =	simm.s32 $0x1;
	s9 =	sadd.s32 $0x1, s8;
	s0 =	sand.u32 @!p1 $0x7F, s0  }
0xa9: {  	s3 =	simm.s32 $0x5080;
	s12 =	smul.u32 @!p1 $0x3, s0;
	_ =	swait.ge [sflag:s9], $0x2000  }
0xaa: {  	s11 =	sshll.u32 s8, $0xD;
	s8 =	sor.u32 $0x4, s8;
	[sflag:s9] =	ssyncset.done $0x0  }
0xab: {  	s11 =	sadd.s32 $0xA000, s11;
	s12 =	ssub.s32 @!p1 $0x2, s12;
	[sflag:s9] =	ssyncadd.s32 $0xFFFFE000  }
0xac: {  	[spmem:s2] =	stream.indirect.scatter.add.f32 [tilespmem:s11], [sflag:s8], $0x80, s7, s20, $0xb8;
	[tilespmem:$0x19E40] =	vst v63  }
0xad: {  	s0 =	simm.s32 $0x180;
	s7 =	simm.s32 @!p1 $0x40;
	s11 =	sand.u32 @!p1 $0xFF, s12  }
0xae: {  	s12 =	smul.u32 $0xAB, s1;
	s8 =	sadd.s32 @!p3 $0x4, s11;
	s9 =	sshll.u32 @!p1 s11, $0xD  }
.LBB2_8:
0xaf: {  	p4 =	sgt.u32 s1, $0x9D;
	_ =	swait.ge @!p3 [sflag:s8], $0x2000  }
0xb0: {  	s11 =	sadd.s32 @!p1 $0x1, s11;
	s13 =	smov.u32 s6;
	s14 =	smov.u32 s3  }
0xb1: {  	s19 =	sadd.s32 $0x2, s1;
	s12 =	sshrl.u32 s12, $0x9;
	[sflag:s8] =	ssyncset.done @!p3 $0x0  }
0xb2: {  	s12 =	sand.u32 $0x7F, s12;
	[sflag:s8] =	ssyncadd.s32 @!p3 $0xFFFFE000;
	s8 =	sadd.s32 @!p1 $0xA000, s9  }
0xb3: {  	[tilespmem:s8], [sflag:s11] =	stream.indirect.gather @!p1 [hbm4b:s10+s7], $0x80, s4, s7, $0xb8;
	[tilespmem:$0x19E40] =	vst v63  }
0xb4: {  	s6 =	sadd.s32 $0x1, s6;
	p3 =	seq.s32 @!p4 s1, $0x0;
	s7 =	smul.u32 $0x3, s12  }
0xb5: {  	p2 =	sne.s32 s6, $0xA0;
	s8 =	smul.u32 @!p4 $0xAB, s19;
	s4 =	smov.u32 s0  }
0xb6: {  	p1 =	por p4, p4;
	s7 =	ssub.s32 s1, s7;
	s1 =	smov.u32 s13  }
0xb7: {  	s3 =	sadd.s32 $0x80, s3;
	s8 =	sshrl.u32 @!p1 s8, $0x9;
	s7 =	sand.u32 $0xFF, s7  }
0xb8: {  	s8 =	sand.u32 @!p1 $0x7F, s8;
	s9 =	sadd.s32 $0x1, s7;
	s11 =	sshll.u32 s7, $0xD  }
0xb9: {  	s0 =	sadd.s32 $0x80, s0;
	s8 =	smul.u32 @!p1 $0x3, s8;
	s12 =	sor.u32 $0x4, s7  }
.Ltmp3:
0xba: {  	s7 =	simm.s32 @!p1 $0x40;
	_ =	swait.ge [sflag:s9], $0x2000;
	(pc) =	sbr.rel @p2 .LBB2_8-.Ltmp3, $4  }
0xbb: {  	s13 =	sadd.s32 $0xA000, s11;
	s8 =	ssub.s32 @!p1 s19, s8;
	[sflag:s9] =	ssyncset.done $0x0  }
0xbc: {  	p3 =	por p3, p1;
	s11 =	sand.u32 @!p1 $0xFF, s8;
	[sflag:s9] =	ssyncadd.s32 $0xFFFFE000  }
0xbd: {  	[spmem:s2] =	stream.indirect.scatter.add.f32 [tilespmem:s13], [sflag:s12], $0x80, s14, s20, $0xb8;
	[tilespmem:$0x19E40] =	vst v63  }
0xbe: {  	s8 =	sadd.s32 @!p3 $0x4, s11;
	s9 =	sshll.u32 @!p1 s11, $0xD;
	s12 =	smul.u32 $0xAB, s1  }
0xbf: {  	_ =	swait.ge @!p3 [sflag:s8], $0x2000  }
0xc0: {  	s6 =	sadd.s32 @!p1 $0x1, s11;
	s12 =	sshrl.u32 s12, $0x9;
	[sflag:s8] =	ssyncset.done @!p3 $0x0  }
0xc1: {  	s11 =	sand.u32 $0x7F, s12;
	[sflag:s8] =	ssyncadd.s32 @!p3 $0xFFFFE000;
	s8 =	sadd.s32 @!p1 $0xA000, s9  }
0xc2: {  	[tilespmem:s8], [sflag:s6] =	stream.indirect.gather @!p1 [hbm4b:s10+s7], $0x80, s4, s7, $0xb8;
	[tilespmem:$0x19E40] =	vst v63  }
0xc3: {  	p2 =	sgt.u32 s1, $0x9D;
	s4 =	sadd.s32 $0x2, s1;
	s13 =	smul.u32 $0x3, s11  }
0xc4: {  	s7 =	smul.u32 @!p2 $0xAB, s4  }
0xc5: {  	p1 =	por p2, p2  }
0xc6: {  	s6 =	ssub.s32 s1, s13;
	s7 =	sshrl.u32 @!p1 s7, $0x9  }
0xc7: {  	s6 =	sand.u32 $0xFF, s6;
	s7 =	sand.u32 @!p1 $0x7F, s7  }
0xc8: {  	p2 =	seq.s32 @!p2 s1, $0x0;
	s14 =	sadd.s32 $0x1, s6;
	s7 =	smul.u32 @!p1 $0x3, s7  }
0xc9: {  	p2 =	por p2, p1;
	s19 =	sshll.u32 s6, $0xD;
	_ =	swait.ge [sflag:s14], $0x2000  }
0xca: {  	s6 =	sor.u32 $0x4, s6;
	[sflag:s14] =	ssyncset.done $0x0;
	s4 =	ssub.s32 @!p1 s4, s7  }
0xcb: {  	s8 =	sadd.s32 $0xA000, s19;
	[sflag:s14] =	ssyncadd.s32 $0xFFFFE000;
	s1 =	sand.u32 @!p1 $0xFF, s4  }
0xcc: {  	[spmem:s2] =	stream.indirect.scatter.add.f32 [tilespmem:s8], [sflag:s6], $0x80, s3, s20, $0xb8;
	[tilespmem:$0x19E40] =	vst v63  }
0xcd: {  	s3 =	sadd.s32 @!p2 $0x4, s1  }
0xce: {  	_ =	swait.ge @!p2 [sflag:s3], $0x2000  }
0xcf: {  	s4 =	simm.s32 @!p1 $0x40;
	s6 =	sshll.u32 @!p1 s1, $0xD;
	[sflag:s3] =	ssyncset.done @!p2 $0x0  }
0xd0: {  	s1 =	sadd.s32 @!p1 $0x1, s1;
	[sflag:s3] =	ssyncadd.s32 @!p2 $0xFFFFE000;
	s3 =	sadd.s32 @!p1 $0xA000, s6  }
0xd1: {  	[tilespmem:s3], [sflag:s1] =	stream.indirect.gather @!p1 [hbm4b:s10+s4], $0x80, s0, s4, $0xb8;
	[tilespmem:$0x19E40] =	vst v63  }
0xd2: {  	_ =	swait.ge [sflag:s24], $0x2000  }
0xd3: {  	[sflag:s24] =	ssyncset.done $0x0  }
0xd4: {  	[sflag:s24] =	ssyncadd.s32 $0xFFFFE000  }
0xd5: {  	_ =	swait.ge [sflag:s25], $0x2000  }
0xd6: {  	[sflag:s25] =	ssyncset.done $0x0  }
0xd7: {  	[sflag:s25] =	ssyncadd.s32 $0xFFFFE000  }
0xd8: {  	_ =	swait.ge [sflag:s26], $0x2000  }
0xd9: {  	[sflag:s26] =	ssyncset.done $0x0  }
0xda: {  	[sflag:s26] =	ssyncadd.s32 $0xFFFFE000  }
0xdb: {  	s0 =	simm.s32 @p0 $0x1FC7;
	[bflag:$0x0] =	sbarrier.arrive $0xFFFF  }
0xdc: {  	[hbm:s16], [sflag:s0] =	dma.local @p0 [spmem:s29], $0x1000  }
0xdd: {  	s0 =	simm.s32 @p0 $0x7  }
0xde: {  	_ =	swait.ge @p0 [sflag:s0], $0x1000  }
0xdf: {  	s28 =	sadd.s32 $0x1, s28;
	[sflag:s0] =	ssyncset.done @p0 $0x0  }
0xe0: {  	p1 =	sne.s32 s28, s17;
	[sflag:s0] =	ssyncadd.s32 @p0 $0xFFFFF000;
	s0 =	simm.s32 @!p0 $0x7  }
0xe1: {  	[hbm:s15], [sflag:s30] =	dma.local @!p0 [spmem:s31], $0x1400  }
.Ltmp4:
0xe2: {  	_ =	swait.ge @!p0 [sflag:s0], $0x1400;
	(pc) =	sbr.rel @p1 .LBB2_1-.Ltmp4, $3  }
0xe3: {  	[sflag:s0] =	ssyncset.done @!p0 $0x0  }
0xe4: {  	[sflag:s0] =	ssyncadd.s32 @!p0 $0xFFFFEC00  }
0xe5: {  	[bflag:$0x0] =	sbarrier.arrive $0xFFFF;
	_ =	sdelay $0x1  }
0xe6: {  	_ =	sfence.sel $0x180000  }
0xe7: {  	[bflag:$0x0] =	sbarrier.arrive $0xFFFF  }
0xe8: {  	_ =	strace $0x9000004D  }
0xe9: {  	s0 =	stileid.u32;
	[bflag:$0x2] =	sbarrier.arrive $0xFFFF  }
0xea: {  	p0 =	sne.s32 s0, $0x0;
	s0 =	rddreg [dreg:$0x2]  }
0xeb: {  	s0 =	sadd.s32 @!p0 $0x100000, s0  }
0xec: {  	[sflag:s0] =	ssyncadd.tile.s32 @!p0 $0x1;
	_ =	shalt  }
.Lfunc_end2:
_tile_overlayer_lowered:
.L_overlay_start_2:
0xed: {  	(tag) =	ssettag $0x2  }
0xee: {  	s0 =	rddreg [dreg:$0x0];
	s2 =	stileid.u32  }
0xef: {  	s1 =	rddreg [dreg:$0x1];
	p0 =	sne.s32 s2, $0x0  }
0xf0: {  	s3 =	rddreg [dreg:$0x2];
	[bflag:$0x3] =	sbarrier.arrive $0xFFFF;
	s2 =	simm.s32 @!p0 $0x1C07  }
0xf1: {  	[timem:s3], [sflag:s2] =	dma.local @!p0 [hbm:s0], s1  }
0xf2: {  	s0 =	simm.s32 @!p0 $0x7  }
0xf3: {  	_ =	swait.ge @!p0 [sflag:s0], s1  }
0xf4: {  	s1 =	ssub.s32 @!p0 $0x0, s1;
	[sflag:s0] =	ssyncset.done @!p0 $0x0  }
0xf5: {  	[sflag:s0] =	ssyncadd.s32 @!p0 s1  }
0xf6: {  	[bflag:$0x3] =	sbarrier.arrive $0xFFFF  }
0xf7: {  	_ =	shalt  }

// kernel: kernel.8.cloned.1.call-start
scs
__scs_entry_jumppad:
0x0: {  	(pc) =	sbr.rel $0x88, $3  }
0x1: {  	(tag) =	ssettag $0x0;
	lr =	simm.s32 $0x1  }
0x2: {  	[smem:$0x3F91] =	sst lr;
	_ =	strace $0xD0000000  }
0x3: {  	_ = 	snop  }
0x4: {  	_ = 	snop  }
0x5: {  	_ = 	snop  }
0x6: {  	_ = 	snop  }
0x7: {  	_ = 	snop  }
__scs_overlays_trampoline_lowered:
0x8: {  	[smem:$0x3FA0] =	sst s0  }
0x9: {  	[smem:$0x3FA1] =	sst s1  }
0xa: {  	[smem:$0x3FA2] =	sst s2  }
0xb: {  	[smem:$0x3FA3] =	sst s3  }
0xc: {  	[smem:$0x3FA4] =	sst s4  }
0xd: {  	[smem:$0x3FA5] =	sst s5  }
0xe: {  	[smem:$0x3FA6] =	sst s6  }
0xf: {  	[smem:$0x3FA7] =	sst s7  }
0x10: {  	[smem:$0x3FA8] =	sst s8  }
0x11: {  	[smem:$0x3FA9] =	sst s9;
	s0 =	simm.s32 @!p0 $0x0  }
0x12: {  	s1 =	sld [smem:$0x3F8F];
	s0 =	simm.s32 @p0 $0x1  }
0x13: {  	[smem:$0x3FAA] =	sst s0;
	s0 =	simm.s32 @!p1 $0x0  }
0x14: {  	s2 =	sld [smem:$0x3F8E];
	s0 =	simm.s32 @p1 $0x1  }
0x15: {  	[smem:$0x3FAB] =	sst s0;
	s0 =	simm.s32 @!p2 $0x0  }
0x16: {  	s3 =	sld [smem:$0x3FDB];
	s0 =	simm.s32 @p2 $0x1  }
0x17: {  	s4 =	simm.s32 $0x1BF5;
	[smem:$0x3FAD] =	sst s0  }
0x18: {  	s0 =	sld [smem:$0x3F90];
	_ =	swait.ge [sflag:s4], $0x0  }
0x19: {  	s7 =	sld [smem:$0x3F91]  }
0x1a: {  	s8 =	sadd.s32 $0xFFFFE003, lr  }
0x1b: {  	s9 =	sadd.s32 $0xFFFFFEF7, lr;
	s5 =	simm.s32 $0xFFFFFFFF;
	p2 =	slt.u32 s8, $0xFFFFF086  }
0x1c: {  	p1 =	slt.u32 s9, $0xF7A;
	s5 =	simm.s32 @!p2 $0x0  }
0x1d: {  	s5 =	simm.s32 @p1 $0x1;
	p0 =	seq.s32 s7, s2  }
0x1e: {  	s7 =	smul.u32 @!p0 $0xF7A, s2;
	p2 =	seq.s32 @!p0 s5, $0x0  }
0x1f: {  	s9 =	smul.u32 $0xF7A, s1;
	s8 =	simm.s32 @!p0 $0x1BF5;
	p2 =	por !p2, p0  }
0x20: {  	[sflag:s8] =	ssyncset.s32 @!p0 $0xFFFFF086;
	s6 =	sadd.s32 @!p0 s3, s7;
	s7 =	simm.s32 @!p0 $0x108  }
0x21: {  	s3 =	sadd.s32 s3, s9;
	s6 =	sadd.s32 @!p0 $0x88, s6;
	s7 =	simm.s32 @p2 $0x1082  }
0x22: {  	[simem:s7], [sflag:s8] =	dma.local @!p0 [hbm:s6], $0xF7A  }
0x23: {  	s9 =	sor.u32 $0xD0000000, s2;
	s6 =	simm.s32 $0x108;
	_ =	swait.ge @!p0 [sflag:s8], $0x0  }
0x24: {  	s3 =	sadd.s32 $0x88, s3;
	s6 =	simm.s32 @!p1 $0x1082;
	[sflag:s4] =	ssyncset.s32 $0xFFFFF086  }
0x25: {  	[simem:s6], [sflag:s4] =	dma.local [hbm:s3], $0xF7A  }
0x26: {  	[smem:$0x3F91] =	sst s1;
	(tag) =	ssettag s2;
	_ =	strace s9  }
0x27: {  	s1 =	sld [smem:$0x3FA1]  }
0x28: {  	s2 =	sld [smem:$0x3FA2]  }
0x29: {  	s4 =	sld [smem:$0x3FA4]  }
0x2a: {  	p0 =	seq.s32 s5, $0x0;
	s5 =	sld [smem:$0x3FA5]  }
0x2b: {  	s6 =	sld [smem:$0x3FA6]  }
0x2c: {  	s7 =	sld [smem:$0x3FA7]  }
0x2d: {  	s3 =	simm.s32 $0x108;
	s8 =	sld [smem:$0x3FA8]  }
0x2e: {  	s3 =	simm.s32 @!p0 $0x1082;
	s9 =	sld [smem:$0x3FA9]  }
0x2f: {  	lr =	sadd.s32 s0, s3;
	s0 =	sld [smem:$0x3FA0]  }
0x30: {  	s3 =	sld [smem:$0x3FA3]  }
0x31: {  	[smem:$0x3FAC] =	sst s10  }
0x32: {  	s10 =	sld [smem:$0x3FAA];
	_ =	sdelay $0x3  }
0x33: {  	p0 =	seq.s32 s10, $0x1;
	s10 =	sld [smem:$0x3FAC];
	_ =	sdelay $0x3  }
0x34: {  	[smem:$0x3FAC] =	sst s10  }
0x35: {  	s10 =	sld [smem:$0x3FAB];
	_ =	sdelay $0x3  }
0x36: {  	p1 =	seq.s32 s10, $0x1;
	s10 =	sld [smem:$0x3FAC];
	_ =	sdelay $0x3  }
0x37: {  	[smem:$0x3FAC] =	sst s10  }
0x38: {  	s10 =	sld [smem:$0x3FAD]  }
0x39: {  	_ = 	snop;
	(pc) =	sbr.ind lr, $3  }
0x3a: {  	_ = 	snop  }
0x3b: {  	_ = 	snop  }
0x3c: {  	p2 =	seq.s32 s10, $0x1;
	s10 =	sld [smem:$0x3FAC]  }
0x3d: {  	_ =	shalt  }
0x3e: {  	_ =	shalt  }
0x3f: {  	_ =	shalt  }
0x40: {  	_ =	shalt  }
0x41: {  	_ =	shalt  }
0x42: {  	_ =	shalt  }
0x43: {  	_ =	shalt  }
0x44: {  	_ =	shalt  }
0x45: {  	_ =	shalt  }
0x46: {  	_ =	shalt  }
0x47: {  	_ =	shalt  }
0x48: {  	_ =	shalt  }
0x49: {  	_ =	shalt  }
0x4a: {  	_ =	shalt  }
0x4b: {  	_ =	shalt  }
0x4c: {  	_ =	shalt  }
0x4d: {  	_ =	shalt  }
0x4e: {  	_ =	shalt  }
0x4f: {  	_ =	shalt  }
0x50: {  	_ =	shalt  }
0x51: {  	_ =	shalt  }
0x52: {  	_ =	shalt  }
0x53: {  	_ =	shalt  }
0x54: {  	_ =	shalt  }
0x55: {  	_ =	shalt  }
0x56: {  	_ =	shalt  }
0x57: {  	_ =	shalt  }
0x58: {  	_ =	shalt  }
0x59: {  	_ =	shalt  }
0x5a: {  	_ =	shalt  }
0x5b: {  	_ =	shalt  }
0x5c: {  	_ =	shalt  }
0x5d: {  	_ =	shalt  }
0x5e: {  	_ =	shalt  }
0x5f: {  	_ =	shalt  }
0x60: {  	_ =	shalt  }
0x61: {  	_ =	shalt  }
0x62: {  	_ =	shalt  }
0x63: {  	_ =	shalt  }
0x64: {  	_ =	shalt  }
0x65: {  	_ =	shalt  }
0x66: {  	_ =	shalt  }
0x67: {  	_ =	shalt  }
0x68: {  	_ =	shalt  }
0x69: {  	_ =	shalt  }
0x6a: {  	_ =	shalt  }
0x6b: {  	_ =	shalt  }
0x6c: {  	_ =	shalt  }
0x6d: {  	_ =	shalt  }
0x6e: {  	_ =	shalt  }
0x6f: {  	_ =	shalt  }
0x70: {  	_ =	shalt  }
0x71: {  	_ =	shalt  }
0x72: {  	_ =	shalt  }
0x73: {  	_ =	shalt  }
0x74: {  	_ =	shalt  }
0x75: {  	_ =	shalt  }
0x76: {  	_ =	shalt  }
0x77: {  	_ =	shalt  }
0x78: {  	_ =	shalt  }
0x79: {  	_ =	shalt  }
0x7a: {  	_ =	shalt  }
0x7b: {  	_ =	shalt  }
0x7c: {  	_ =	shalt  }
0x7d: {  	_ =	shalt  }
0x7e: {  	_ =	shalt  }
0x7f: {  	_ =	shalt  }
0x80: {  	_ =	shalt  }
0x81: {  	_ =	shalt  }
0x82: {  	_ =	shalt  }
0x83: {  	_ =	shalt  }
0x84: {  	_ =	shalt  }
0x85: {  	_ =	shalt  }
0x86: {  	_ =	shalt  }
0x87: {  	_ =	shalt  }
.Lfunc_end0:
.L_simem_size_0:
called_computation_lowered:
.L_overlay_start_0:
0x88: {  	s2 =	sld [smem:$0x3FD9]  }
0x89: {  	s3 =	sld [smem:$0x3FFE];
	_ =	sdelay $0x1  }
0x8a: {  	s1 =	srdreg.scid  }
0x8b: {  	s0 =	sand.u32 $0x1, s1  }
0x8c: {  	s17 =	sshll.u32 s0, $0xA;
	s2 =	sadd.s32 s3, s2  }
0x8d: {  	s2 =	sadd.s32 s2, s17  }
0x8e: {  	[smem:$0x3FB8] =	sst s2  }
0x8f: {  	_ = 	snop  }
0x90: {  	s2 =	sld [smem:$0x3FD0];
	(tm) =	ssettm $0x1  }
0x91: {  	s18 =	sld [smem:$0x3FFB];
	_ =	sdelay $0x3  }
0x92: {  	_ =	strace s18  }
0x93: {  	s3 =	sld [smem:$0x3FFC];
	_ =	sdelay $0x3  }
0x94: {  	_ =	strace s3  }
0x95: {  	s3 =	sld [smem:$0x3FFD];
	_ =	sdelay $0x3  }
0x96: {  	_ =	strace s3  }
0x97: {  	_ =	strace $0x8FFFFFFF  }
0x98: {  	s19 =	sld [smem:$0x3FDB];
	_ =	sdelay $0x1  }
0x99: {  	s4 =	simm.s32 $_scs_section_size  }
0x9a: {  	s5 =	simm.s32 $_size__tile_overlayer_lowered;
	s6 =	simm.s32 $_tile_overlayer_lowered  }
0x9b: {  	s22 =	simm.s32 $0x1BFF;
	s21 =	sshll.u32 s6, $0x1;
	s3 =	sadd.s32 s4, s19  }
0x9c: {  	s7 =	simm.s32 $0x0;
	s20 =	sshll.u32 s5, $0x1;
	s5 =	sadd.s32 s21, s3  }
0x9d: {  	[timem:s7], [sflag:s22] =	dma.local [hbm:s5], s20  }
0x9e: {  	_ =	swait.ge [sflag:s22], s20  }
0x9f: {  	s4 =	ssub.s32 $0x0, s20;
	[sflag:s22] =	ssyncset.done $0x0  }
0xa0: {  	[sflag:s22] =	ssyncadd.s32 s4;
	_ =	sdelay $0x1  }
0xa1: {  	s23 =	simm.s32 $0x1B8B  }
0xa2: {  	_ =	swait.ge [sflag:s23], $0x1  }
0xa3: {  	[sflag:s23] =	ssyncset.done $0x0  }
0xa4: {  	s25 =	simm.s32 $0x1B8E;
	s24 =	sld [smem:$0x3FFE];
	[sflag:s23] =	ssyncadd.s32 $0xFFFFFFFF  }
0xa5: {  	s26 =	simm.s32 $execute0_lowered;
	[smem:$0x3FD2] =	sst s25  }
0xa6: {  	s5 =	sshll.u32 s26, $0x1;
	_ =	strace $0x80000046;
	[dreg:$0x1] =	wrdreg $0xFFFFFFFF  }
0xa7: {  	s28 =	simm.s32 $_size_execute0_lowered;
	s3 =	sadd.s32 s3, s5;
	[dreg:$0x0] =	wrdreg $0x0  }
0xa8: {  	s5 =	sshll.u32 s28, $0x1;
	[dreg:$0x2] =	wrdreg s3  }
0xa9: {  	[dreg:$0x3] =	wrdreg s5  }
0xaa: {  	[dreg:$0x4] =	wrdreg $0xC0  }
0xab: {  	_ =	task [dreg:s7], $0x5FFFF  }
0xac: {  	[dreg:$0x1] =	wrdreg $0xFFFFFFFF  }
0xad: {  	[dreg:$0x0] =	wrdreg $0x60  }
0xae: {  	[dreg:$0x2] =	wrdreg s24  }
0xaf: {  	[dreg:$0x3] =	wrdreg s2  }
0xb0: {  	[dreg:$0x4] =	wrdreg $0x53000  }
0xb1: {  	[dreg:$0x5] =	wrdreg $0x9  }
0xb2: {  	_ =	task.clear_ibuf [dreg:s7], $0x6FFFF;
	_ =	strace $0x90000046  }
0xb3: {  	s29 =	simm.s32 $0x9;
	_ =	strace $0x80000048  }
0xb4: {  	_ =	swait.ge [sflag:s29], $0x1  }
0xb5: {  	[sflag:s29] =	ssyncadd.s32 $0xFFFFFFFF  }
0xb6: {  	_ =	strace $0x90000048  }
0xb7: {  	_ =	sfence  }
0xb8: {  	s30 =	sld [smem:$0x0];
	_ =	sdelay $0x2  }
0xb9: {  	s31 =	sshll.u32 s1, $0xD;
	s1 =	sshrl.u32 s1, $0x2  }
0xba: {  	s3 =	sand.u32 $0x4000, s31;
	s1 =	sadd.s32 s1, s30  }
0xbb: {  	s0 =	sor.u32 s3, s0;
	s1 =	sshll.u32 s1, $0x11  }
0xbc: {  	s0 =	sor.u32 s1, s0  }
0xbd: {  	s0 =	sadd.s32 $0x8F2B, s0  }
0xbe: {  	[sflag:s0] =	ssyncadd.remote.s32 $0x1  }
0xbf: {  	_ =	sfence.sel $0xFFFF  }
0xc0: {  	[dreg:$0x0] =	wrdreg $0xFFFFFFFF;
	(pc) =	sbr.abs _section_cstart, $3  }
0xc1: {  	[dreg:$0x1] =	wrdreg $0xFFFFFFFF  }
0xc2: {  	_ =	task.clear_ibuf [dreg:s7], $0x2FFFF;
	_ =	strace $0x9FFFFFFF  }
0xc3: {  	(tm) =	ssettm $0x7FFFFFFF  }
tec
execute0_lowered:
.L_overlay_start_1:
0x0: {  	(tag) =	ssettag $0x1  }
0x1: {  	s5 =	rddreg [dreg:$0x0]  }
0x2: {  	s7 =	rddreg [dreg:$0x1]  }
0x3: {  	s2 =	rddreg [dreg:$0x2]  }
0x4: {  	s0 =	rddreg [dreg:$0x3];
	s1 =	stileid.u32  }
0x5: {  	s3 =	simm.s32 $0x0;
	s4 =	srdreg.scid;
	s11 =	simm.s32 $0x40  }
0x6: {  	s12 =	simm.s32 $0x5000;
	s13 =	simm.s32 $0x1;
	s16 =	simm.s32 $0x20  }
0x7: {  	s17 =	simm.s32 $0x10;
	s18 =	simm.s32 $0x0;
	s6 =	smul.u32 $0xA00, s1  }
0x8: {  	[smem:$0x7FF] =	sst s3;
	s4 =	sand.u32 $0x1, s4;
	s8 =	smul.u32 $0x500, s1  }
0x9: {  	s14 =	sshll.u32 s1, $0x6;
	_ =	strace $0x80000047;
	s9 =	ssub.s32 $0x2, s4  }
0xa: {  	s4 =	sshll.u32 s4, $0x7;
	s14 =	sor.u32 $0x1C02, s14;
	s10 =	sadd.s32 s6, s5  }
0xb: {  	s30 =	sshrl.u32 s9, $0x1;
	s8 =	sor.u32 s4, s8;
	s31 =	sshrl.u32 s6, $0x2  }
0xc: {  	s9 =	ssub.s32 s9, s30;
	s8 =	sshrl.u32 s8, $0x3;
	s5 =	sadd.s32 s31, s2  }
0xd: {  	s6 =	sadd.s32 $0x2200, s10;
	s10 =	simm.s32 $0x2;
	s7 =	sadd.s32 s7, s8  }
0xe: {  	v0 =	vimm.f32 $1.000000000e+00;
	v1 =	vimm.f32 $0.0e+00;
	s8 =	smax.u32 s9, $0x1;
	s9 =	simm.s32 $0x5080;
	s15 =	sshrl.u32 s5, $0x3  }
.LBB2_1:
0xf: {  	[tilespmem:$0x5000] =	vst v0  }
0x10: {  	[tilespmem:$0x5010] =	vst v0  }
0x11: {  	[tilespmem:$0x5020] =	vst v0  }
0x12: {  	[tilespmem:$0x5030] =	vst v0  }
0x13: {  	[tilespmem:$0x5080] =	vst v1  }
0x14: {  	[tilespmem:$0x5090] =	vst v1  }
0x15: {  	[tilespmem:$0x50A0] =	vst v1  }
0x16: {  	[tilespmem:$0x50B0] =	vst v1  }
0x17: {  	[tilespmem:$0x50C0] =	vst v1  }
0x18: {  	[tilespmem:$0x50D0] =	vst v1  }
0x19: {  	[tilespmem:$0x50E0] =	vst v1  }
0x1a: {  	[tilespmem:$0x50F0] =	vst v1  }
0x1b: {  	[tilespmem:$0x5100] =	vst v1  }
0x1c: {  	[tilespmem:$0x5110] =	vst v1  }
0x1d: {  	[tilespmem:$0x5120] =	vst v1  }
0x1e: {  	[tilespmem:$0x5130] =	vst v1  }
0x1f: {  	[tilespmem:$0x5140] =	vst v1  }
0x20: {  	[tilespmem:$0x5150] =	vst v1  }
0x21: {  	[tilespmem:$0x5160] =	vst v1  }
0x22: {  	[tilespmem:$0x5170] =	vst v1  }
0x23: {  	[tilespmem:$0x5180] =	vst v1  }
0x24: {  	[tilespmem:$0x5190] =	vst v1  }
0x25: {  	[tilespmem:$0x51A0] =	vst v1  }
0x26: {  	[tilespmem:$0x51B0] =	vst v1  }
0x27: {  	[tilespmem:$0x51C0] =	vst v1  }
0x28: {  	[tilespmem:$0x51D0] =	vst v1  }
0x29: {  	[tilespmem:$0x51E0] =	vst v1  }
0x2a: {  	[tilespmem:$0x51F0] =	vst v1  }
0x2b: {  	[tilespmem:$0x5200] =	vst v1  }
0x2c: {  	[tilespmem:$0x5210] =	vst v1  }
0x2d: {  	[tilespmem:$0x5220] =	vst v1  }
0x2e: {  	[tilespmem:$0x5230] =	vst v1  }
0x2f: {  	[tilespmem:$0x5240] =	vst v1  }
0x30: {  	[tilespmem:$0x5250] =	vst v1  }
0x31: {  	[tilespmem:$0x5260] =	vst v1  }
0x32: {  	[tilespmem:$0x5270] =	vst v1  }
0x33: {  	[tilespmem:$0x5280] =	vst v1  }
0x34: {  	[tilespmem:$0x5290] =	vst v1  }
0x35: {  	[tilespmem:$0x52A0] =	vst v1  }
0x36: {  	[tilespmem:$0x52B0] =	vst v1  }
0x37: {  	[tilespmem:$0x52C0] =	vst v1  }
0x38: {  	[tilespmem:$0x52D0] =	vst v1  }
0x39: {  	[tilespmem:$0x52E0] =	vst v1  }
0x3a: {  	[tilespmem:$0x52F0] =	vst v1  }
0x3b: {  	[spmem:s5] =	stream.linear.scatter [tilespmem:s9], [sflag:$0x2], $0x280, $0x38;
	[tilespmem:$0x5580] =	vst v63  }
0x3c: {  	_ =	swait.ge [sflag:s10], $0x280  }
0x3d: {  	[sflag:s10] =	ssyncset.done $0x0  }
0x3e: {  	[sflag:s10] =	ssyncadd.s32 $0xFFFFFD80  }
0x3f: {  	[tilespmem:s3], [sflag:$0x2] =	stream.linear.gather [hbm4b:s6+s3], $0x5000, $0x38;
	[tilespmem:$0x5580] =	vst v63  }
0x40: {  	_ =	swait.ge [sflag:s10], $0x5000  }
0x41: {  	[sflag:s10] =	ssyncset.done $0x0  }
0x42: {  	[sflag:s10] =	ssyncadd.s32 $0xFFFFB000  }
0x43: {  	s19 =	simm.s32 $0x0;
	[bflag:$0x0] =	sbarrier.arrive $0xFFFF  }
.LBB2_2:
0x44: {  	p0 =	sne.s32 s19, $0x13C00  }
.Ltmp0:
0x45: {  	_ = 	snop;
	(pc) =	sbr.rel @p0 .LBB2_2-.Ltmp0, $4  }
0x46: {  	_ = 	snop  }
0x47: {  	s20 =	sshra.s32 s19, $0x2  }
0x48: {  	s19 =	sadd.s32 $0x400, s19;
	s20 =	sadd.s32 s20, s4  }
0x49: {  	[spmem:s2] =	stream.indirect.scatter.add.f32 [tilespmem:s12], [sflag:$0x1], $0x1, s20, s11, $0xb8;
	[tilespmem:$0x5580] =	vst v63  }
0x4a: {  	_ =	swait.ge [sflag:s13], $0x40  }
0x4b: {  	s19 =	simm.s32 $0x4F;
	[sflag:s13] =	ssyncset.done $0x0  }
.LBB2_4:
0x4c: {  	p0 =	sne.s32 s19, $0x1;
	s19 =	sadd.s32 $0xFFFFFFFF, s19;
	[sflag:s13] =	ssyncadd.s32 $0xFFFFFFC0  }
.Ltmp1:
0x4d: {  	(pc) =	sbr.rel @p0 .LBB2_4-.Ltmp1, $3  }
0x4e: {  	_ =	sdelay $0x1  }
0x4f: {  	_ =	swait.ge [sflag:s13], $0x40  }
0x50: {  	[sflag:s13] =	ssyncset.done $0x0  }
0x51: {  	s18 =	sadd.s32 $0x1, s18  }
0x52: {  	[sflag:s13] =	ssyncadd.s32 $0xFFFFFFC0;
	p0 =	sne.s32 s18, s8  }
.Ltmp2:
0x53: {  	[bflag:$0x0] =	sbarrier.arrive $0xFFFF;
	(pc) =	sbr.rel @p0 .LBB2_1-.Ltmp2, $4  }
0x54: {  	[hbm:s7@s16], [sflag:s14] =	dma.strided [spmem:s15@s17], $0x50, s13, $0x10   }
0x55: {  	_ =	swait.ge [sflag:s10], $0x50  }
0x56: {  	[sflag:s10] =	ssyncset.done $0x0  }
0x57: {  	[sflag:s10] =	ssyncadd.s32 $0xFFFFFFB0  }
0x58: {  	_ =	sfence.sel $0x180000  }
0x59: {  	[bflag:$0x0] =	sbarrier.arrive $0xFFFF  }
0x5a: {  	p0 =	sne.s32 s1, $0x0;
	_ =	strace $0x90000047  }
0x5b: {  	s0 =	sadd.s32 @!p0 $0x100000, s0;
	[bflag:$0x2] =	sbarrier.arrive $0xFFFF  }
0x5c: {  	[sflag:s0] =	ssyncadd.tile.s32 @!p0 $0x1;
	_ =	shalt  }
.Lfunc_end2:
_tile_overlayer_lowered:
.L_overlay_start_2:
0x5d: {  	(tag) =	ssettag $0x2  }
0x5e: {  	s0 =	rddreg [dreg:$0x0];
	s2 =	stileid.u32  }
0x5f: {  	s1 =	rddreg [dreg:$0x1];
	p0 =	sne.s32 s2, $0x0  }
0x60: {  	s3 =	rddreg [dreg:$0x2];
	[bflag:$0x3] =	sbarrier.arrive $0xFFFF;
	s2 =	simm.s32 @!p0 $0x1C02  }
0x61: {  	[timem:s3], [sflag:s2] =	dma.local @!p0 [hbm:s0], s1  }
0x62: {  	s0 =	simm.s32 @!p0 $0x2  }
0x63: {  	_ =	swait.ge @!p0 [sflag:s0], s1  }
0x64: {  	s1 =	ssub.s32 @!p0 $0x0, s1;
	[sflag:s0] =	ssyncset.done @!p0 $0x0  }
0x65: {  	[sflag:s0] =	ssyncadd.s32 @!p0 s1  }
0x66: {  	[bflag:$0x3] =	sbarrier.arrive $0xFFFF  }
0x67: {  	_ =	shalt  }

</sc_bundles>
